<compile_context>
chip_gen: v7x
topology: tpu7x:2x2x1
jax: 0.10.2.dev20260603
libtpu: 0.0.44.dev20260713+nightly
codegen_flags: <defaults>
</compile_context>

<pallas_src>
import jax
import jax.numpy as jnp
from jax import lax
from jax.experimental import pallas as pl
from jax.experimental.pallas import tpu as pltpu
from jax.experimental.pallas import tpu_sc as plsc

NC = 2
NS = 16
CHUNK = 128
PANEL = 64
ZROWS = 63
NBUF = 8


def _zero_vmem(ref, rows, width):
    zeros16 = jnp.zeros((16,), jnp.float32)

    def body(i, _):
        r = i // (width // 16)
        c = (i % (width // 16)) * 16
        ref[r, pl.ds(c, 16)] = zeros16
        return 0

    lax.fori_loop(0, rows * (width // 16), body, 0)


def _make_sc_agg(n_acc, ch, npass):
    rows_per_tile = n_acc // NS
    assert rows_per_tile % ZROWS == 0 and ch % NBUF == 0
    mesh = plsc.VectorSubcoreMesh(core_axis_name="c", subcore_axis_name="s")

    def body(*refs):
        tables, src_r, dst_r, out_agg = refs[:4]
        i = 4
        src_v, dst_v = refs[i:i + 2]
        i += 2
        bufs = refs[i:i + NBUF]
        i += NBUF
        zbuf, acc_sh = refs[i:i + 2]
        i += 2
        sems = refs[i:i + NBUF]

        c = lax.axis_index("c")
        s = lax.axis_index("s")

        pltpu.sync_copy(src_r.at[s], src_v)
        pltpu.sync_copy(dst_r.at[s], dst_v)

        _zero_vmem(zbuf, ZROWS, PANEL)

        def zero_acc():
            for k in range(rows_per_tile // ZROWS):
                pltpu.sync_copy(
                    zbuf, acc_sh.at[pl.ds(s * rows_per_tile + k * ZROWS, ZROWS)])

        zero_acc()
        plsc.subcore_barrier()

        def wait_g(kk):
            pltpu.make_async_copy(
                tables.at[0].at[pl.ds(0, CHUNK)], bufs[kk], sems[kk]).wait()

        def wait_s(kk):
            pltpu.make_async_copy(
                bufs[kk], acc_sh.at[dst_v.at[0]], sems[kk]).wait()

        for p in range(npass):
            q = c * npass + p

            def issue_g(chunk_i, kk):
                pltpu.async_copy(
                    tables.at[q].at[src_v.at[chunk_i]], bufs[kk], sems[kk])

            for kk in range(NBUF):
                issue_g(kk, kk)

            def loop(j2, _):
                a = NBUF * j2
                for base in (0, NBUF // 2):
                    for k in range(NBUF // 2):
                        kk = base + k
                        wait_g(kk)
                        pltpu.async_copy(
                            bufs[kk], acc_sh.at[dst_v.at[a + kk]], sems[kk],
                            add=True)
                    for k in range(NBUF // 2):
                        kk = base + k
                        pre = a + NBUF + kk
                        wait_s(kk)

                        @pl.when(pre < ch)
                        def _():
                            issue_g(pre, kk)
                return 0

            lax.fori_loop(0, ch // NBUF, loop, 0)
            plsc.subcore_barrier()

            rows = pl.ds(s * rows_per_tile, rows_per_tile)
            pltpu.sync_copy(acc_sh.at[rows], out_agg.at[c * npass + p, rows])
            if p + 1 < npass:
                zero_acc()
                plsc.subcore_barrier()

    return body, mesh


def _sc_agg(tables, src_r, dst_r, n_acc):
    npass = tables.shape[0] // NC
    ch = src_r.shape[1]
    body, mesh = _make_sc_agg(n_acc, ch, npass)
    scratch = [
        pltpu.VMEM(src_r.shape[1:], jnp.int32),
        pltpu.VMEM(dst_r.shape[1:], jnp.int32),
    ]
    scratch += [pltpu.VMEM((CHUNK, PANEL), jnp.float32) for _ in range(NBUF)]
    scratch += [
        pltpu.VMEM((ZROWS, PANEL), jnp.float32),
        pltpu.VMEM_SHARED((n_acc, PANEL), jnp.float32),
    ]
    scratch += [pltpu.SemaphoreType.DMA for _ in range(NBUF)]
    f = pl.kernel(
        body,
        out_type=jax.ShapeDtypeStruct((NC * npass, n_acc, PANEL), jnp.float32),
        mesh=mesh,
        scratch_types=scratch,
        compiler_params=pltpu.CompilerParams(use_tc_tiling_on_sc=False),
        name="sc_sage_agg%d" % npass,
    )
    return f(tables, src_r, dst_r)


def _make_sc_cnt(n_acc, ch):
    rows_per_tile = n_acc // NS
    assert rows_per_tile % ZROWS == 0
    mesh = plsc.VectorSubcoreMesh(core_axis_name="c", subcore_axis_name="s")

    def body(dst_r, out_cnt, dst_v, ones_v, zc_v, cnt_sh, sem_c):
        c = lax.axis_index("c")
        s = lax.axis_index("s")
        w = c * NS + s

        pltpu.sync_copy(dst_r.at[w], dst_v)
        _zero_vmem(zc_v, ZROWS, 16)
        ones16 = jnp.ones((16,), jnp.float32)

        def fill_ones(k, _):
            ones_v[k, pl.ds(0, 16)] = ones16
            return 0

        lax.fori_loop(0, CHUNK, fill_ones, 0)
        for k in range(rows_per_tile // ZROWS):
            pltpu.sync_copy(
                zc_v, cnt_sh.at[pl.ds(s * rows_per_tile + k * ZROWS, ZROWS)])
        plsc.subcore_barrier()

        def loop(j, _):
            pltpu.async_copy(ones_v, cnt_sh.at[dst_v.at[j]], sem_c, add=True)
            return 0

        lax.fori_loop(0, ch, loop, 0)

        def drain(j, _):
            pltpu.make_async_copy(
                ones_v, cnt_sh.at[dst_v.at[0]], sem_c).wait()
            return 0

        lax.fori_loop(0, ch, drain, 0)
        plsc.subcore_barrier()
        rows = pl.ds(s * rows_per_tile, rows_per_tile)
        pltpu.sync_copy(cnt_sh.at[rows], out_cnt.at[c, rows])

    return body, mesh


def _sc_cnt(dst_r, n_acc):
    ch = dst_r.shape[1]
    body, mesh = _make_sc_cnt(n_acc, ch)
    f = pl.kernel(
        body,
        out_type=jax.ShapeDtypeStruct((NC, n_acc, 16), jnp.float32),
        mesh=mesh,
        scratch_types=[
            pltpu.VMEM(dst_r.shape[1:], jnp.int32),
            pltpu.VMEM((CHUNK, 16), jnp.float32),
            pltpu.VMEM((ZROWS, 16), jnp.float32),
            pltpu.VMEM_SHARED((n_acc, 16), jnp.float32),
            pltpu.SemaphoreType.DMA,
        ],
        compiler_params=pltpu.CompilerParams(use_tc_tiling_on_sc=False),
        name="sc_sage_cnt",
    )
    return f(dst_r)


def _tc1_body(agg, cnt, xb, w1l, w1r, b1, w2l, w2r, b2, p_out, r_out):
    rc = 1.0 / jnp.maximum(cnt[0, :, 0:1] + cnt[1, :, 0:1], 1.0)
    mean = jnp.concatenate([agg[q] for q in range(agg.shape[0])], axis=1) * rc
    h = jnp.dot(mean, w1l[...], preferred_element_type=jnp.float32)
    h += jnp.dot(xb[...], w1r[...], preferred_element_type=jnp.float32)
    h = jnp.maximum(h + b1[...], 0.0)
    pp = jnp.dot(h, w2l[...], preferred_element_type=jnp.float32)
    for q in range(p_out.shape[0]):
        p_out[q] = pp[:, q * PANEL:(q + 1) * PANEL]
    r_out[...] = jnp.dot(h, w2r[...], preferred_element_type=jnp.float32) + b2[...]


def _tc3_body(agg, cnt, r, out):
    rc = 1.0 / jnp.maximum(cnt[0, :, 0:1] + cnt[1, :, 0:1], 1.0)
    mean = jnp.concatenate([agg[q] for q in range(agg.shape[0])], axis=1) * rc
    out[...] = mean + r[...]


def kernel(x, edge_index, W1l, W1r, b1, W2l, W2r, b2):
    n, d = x.shape
    e = edge_index.shape[1]
    h_dim = W1l.shape[1]
    c_dim = W2l.shape[1]

    n_acc = ((n + NS * ZROWS) // (NS * ZROWS)) * (NS * ZROWS)

    emul = NS * CHUNK * NBUF
    e_pad = ((e + emul - 1) // emul) * emul
    src = edge_index[0]
    dst = edge_index[1]
    if e_pad != e:
        src = jnp.concatenate([src, jnp.zeros((e_pad - e,), jnp.int32)])
        dst = jnp.concatenate([dst, jnp.full((e_pad - e,), n, jnp.int32)])

    src_r = src.reshape(NS, e_pad // NS // CHUNK, CHUNK)
    dst_r = dst.reshape(NS, e_pad // NS // CHUNK, CHUNK)
    dst_r2 = dst.reshape(NC * NS, e_pad // (NC * NS) // CHUNK, CHUNK)

    cnt = _sc_cnt(dst_r2, n_acc)
    xq = x.reshape(n, d // PANEL, PANEL).transpose(1, 0, 2)
    agg = _sc_agg(xq, src_r, dst_r, n_acc)

    br = 512
    gb = (n + br - 1) // br
    row = lambda i: (i, 0)
    row3 = lambda i: (0, i, 0)
    full = lambda i: (0, 0)
    nq1 = d // PANEL
    p, r = pl.pallas_call(
        _tc1_body,
        grid=(gb,),
        in_specs=[
            pl.BlockSpec((nq1, br, PANEL), row3),
            pl.BlockSpec((NC, br, 16), row3),
            pl.BlockSpec((br, d), row),
            pl.BlockSpec((d, h_dim), full),
            pl.BlockSpec((d, h_dim), full),
            pl.BlockSpec((1, h_dim), full),
            pl.BlockSpec((h_dim, c_dim), full),
            pl.BlockSpec((h_dim, c_dim), full),
            pl.BlockSpec((1, c_dim), full),
        ],
        out_specs=[
            pl.BlockSpec((c_dim // PANEL, br, PANEL), row3),
            pl.BlockSpec((br, c_dim), row),
        ],
        out_shape=[
            jax.ShapeDtypeStruct((c_dim // PANEL, n, PANEL), jnp.float32),
            jax.ShapeDtypeStruct((n, c_dim), jnp.float32),
        ],
    )(agg, cnt, x, W1l, W1r, b1.reshape(1, -1), W2l, W2r, b2.reshape(1, -1))

    agg2 = _sc_agg(p, src_r, dst_r, n_acc)

    out = pl.pallas_call(
        _tc3_body,
        grid=(gb,),
        in_specs=[
            pl.BlockSpec((c_dim // PANEL, br, PANEL), row3),
            pl.BlockSpec((NC, br, 16), row3),
            pl.BlockSpec((br, c_dim), row),
        ],
        out_specs=pl.BlockSpec((br, c_dim), row),
        out_shape=jax.ShapeDtypeStruct((n, c_dim), jnp.float32),
    )(agg2, cnt, r)
    return out

# --- scband reference (transcript-rebuilt; emitter-appended) ---
"""Pipeline reference for scband-graph-sage-61795989455228 (READ-ONLY COPY).

The authoritative reference and input builder live on the scoring server;
editing this copy changes nothing except your own understanding.
"""

import jax, jax.numpy as jnp
import numpy as np

N = 10000
E = 160000
D = 256
H = 512
C = 128


def setup_inputs(seed: int = 0) -> dict:
    key = jax.random.key(seed)
    ks = jax.random.split(key, 8)
    x = jax.random.normal(ks[0], (N, D), dtype=jnp.float32)
    edge_index = jax.random.randint(ks[1], (2, E), 0, N, dtype=jnp.int32)
    # SAGEConv layer 1: lin_l (on aggregated neighbors, with bias), lin_r (on root, no bias)
    W1l = jax.random.normal(ks[2], (D, H), dtype=jnp.float32) / np.sqrt(D)
    W1r = jax.random.normal(ks[3], (D, H), dtype=jnp.float32) / np.sqrt(D)
    b1 = jnp.zeros((H,), dtype=jnp.float32)
    # SAGEConv layer 2
    W2l = jax.random.normal(ks[4], (H, C), dtype=jnp.float32) / np.sqrt(H)
    W2r = jax.random.normal(ks[5], (H, C), dtype=jnp.float32) / np.sqrt(H)
    b2 = jnp.zeros((C,), dtype=jnp.float32)
    return {"x": x, "edge_index": edge_index, "W1l": W1l, "W1r": W1r, "b1": b1,
            "W2l": W2l, "W2r": W2r, "b2": b2}


def _sage_conv(h, src, dst, Wl, Wr, b):
    # mean aggregation of neighbor messages h[src] into dst nodes
    msg = jnp.take(h, src, axis=0)
    agg = jax.ops.segment_sum(msg, dst, num_segments=N)
    cnt = jax.ops.segment_sum(jnp.ones((E, 1), dtype=h.dtype), dst, num_segments=N)
    mean = agg / jnp.clip(cnt, 1.0, None)
    return mean @ Wl + h @ Wr + b


def reference(x, edge_index, W1l, W1r, b1, W2l, W2r, b2):
    src = edge_index[0]
    dst = edge_index[1]
    h = _sage_conv(x, src, dst, W1l, W1r, b1)
    h = jax.nn.relu(h)
    out = _sage_conv(h, src, dst, W2l, W2r, b2)
    return out

if __name__ == "__main__":
    import jax
    _d = setup_inputs()
    print(jax.jit(kernel)(*tuple(_d.values())))

</pallas_src>

<mosaic_0001>
#map = affine_map<(d0, d1) -> (0, 0, 0)>
module attributes {stable_mosaic.version = 14 : i64} {
  func.func @sc_sage_agg1(%arg0: i32, %arg1: i32, %arg2: memref<2x10000x64xf32, #tpu.memory_space<hbm>>, %arg3: memref<16x80x128xi32, #tpu.memory_space<hbm>>, %arg4: memref<16x80x128xi32, #tpu.memory_space<hbm>>, %arg5: memref<2x10080x64xf32, #tpu.memory_space<hbm>>, %arg6: memref<80x128xi32, #tpu.memory_space<vmem>>, %arg7: memref<80x128xi32, #tpu.memory_space<vmem>>, %arg8: memref<128x64xf32, #tpu.memory_space<vmem>>, %arg9: memref<128x64xf32, #tpu.memory_space<vmem>>, %arg10: memref<128x64xf32, #tpu.memory_space<vmem>>, %arg11: memref<128x64xf32, #tpu.memory_space<vmem>>, %arg12: memref<128x64xf32, #tpu.memory_space<vmem>>, %arg13: memref<128x64xf32, #tpu.memory_space<vmem>>, %arg14: memref<128x64xf32, #tpu.memory_space<vmem>>, %arg15: memref<128x64xf32, #tpu.memory_space<vmem>>, %arg16: memref<63x64xf32, #tpu.memory_space<vmem>>, %arg17: memref<10080x64xf32, #tpu.memory_space<vmem_shared>>, %arg18: memref<!tpu.dma_semaphore, #tpu.memory_space<semaphore_mem>>, %arg19: memref<!tpu.dma_semaphore, #tpu.memory_space<semaphore_mem>>, %arg20: memref<!tpu.dma_semaphore, #tpu.memory_space<semaphore_mem>>, %arg21: memref<!tpu.dma_semaphore, #tpu.memory_space<semaphore_mem>>, %arg22: memref<!tpu.dma_semaphore, #tpu.memory_space<semaphore_mem>>, %arg23: memref<!tpu.dma_semaphore, #tpu.memory_space<semaphore_mem>>, %arg24: memref<!tpu.dma_semaphore, #tpu.memory_space<semaphore_mem>>, %arg25: memref<!tpu.dma_semaphore, #tpu.memory_space<semaphore_mem>>) attributes {dimension_semantics = [#tpu.dimension_semantics<core_parallel>, #tpu.dimension_semantics<subcore_parallel>], iteration_bounds = array<i64: 2, 16>, scalar_prefetch = 0 : i64, scratch_operands = 20 : i64, tpu.core_type = #tpu.core_type<sc_vector_subcore>, window_params = [{transform_indices = #map}, {transform_indices = #map}, {transform_indices = #map}, {transform_indices = #map}]} {
    "tpu.region"() ({
      %run_scoped3A = tpu.sem_alloc : memref<!tpu.dma_semaphore, #tpu.memory_space<semaphore_mem>>
      %dma_start3A_150 = arith.constant 0 : i32
      %dma_start3A_151 = arith.constant 0 : i32
      %dma_start3A_152 = tpu.memref_slice %arg3[%arg1, %dma_start3A_150, %dma_start3A_151] : memref<16x80x128xi32, #tpu.memory_space<hbm>> -> memref<1x80x128xi32, #tpu.memory_space<hbm>>
      %dma_start3A_153 = tpu.memref_squeeze %dma_start3A_152 : memref<1x80x128xi32, #tpu.memory_space<hbm>> -> memref<80x128xi32, #tpu.memory_space<hbm>>
      %dma_start3A_154 = arith.constant 0 : i32
      %dma_start3A_155 = arith.constant 0 : i32
      %dma_start3A_156 = tpu.memref_slice %arg3[%arg1, %dma_start3A_154, %dma_start3A_155] : memref<16x80x128xi32, #tpu.memory_space<hbm>> -> memref<1x80x128xi32, #tpu.memory_space<hbm>>
      %dma_start3A_157 = tpu.memref_squeeze %dma_start3A_156 : memref<1x80x128xi32, #tpu.memory_space<hbm>> -> memref<80x128xi32, #tpu.memory_space<hbm>>
      tpu.enqueue_dma source(%dma_start3A_157 : memref<80x128xi32, #tpu.memory_space<hbm>>) target(%arg6 : memref<80x128xi32, #tpu.memory_space<vmem>>) target_semaphore(%run_scoped3A : memref<!tpu.dma_semaphore, #tpu.memory_space<semaphore_mem>>)
      %dma_wait3A = arith.constant 0 : i32
      %dma_wait3A_158 = arith.constant 0 : i32
      %dma_wait3A_159 = tpu.memref_slice %arg3[%arg1, %dma_wait3A, %dma_wait3A_158] : memref<16x80x128xi32, #tpu.memory_space<hbm>> -> memref<1x80x128xi32, #tpu.memory_space<hbm>>
      %dma_wait3A_160 = tpu.memref_squeeze %dma_wait3A_159 : memref<1x80x128xi32, #tpu.memory_space<hbm>> -> memref<80x128xi32, #tpu.memory_space<hbm>>
      %dma_wait3A_161 = arith.constant 0 : i32
      %dma_wait3A_162 = arith.constant 0 : i32
      %dma_wait3A_163 = tpu.memref_slice %arg3[%arg1, %dma_wait3A_161, %dma_wait3A_162] : memref<16x80x128xi32, #tpu.memory_space<hbm>> -> memref<1x80x128xi32, #tpu.memory_space<hbm>>
      %dma_wait3A_164 = tpu.memref_squeeze %dma_wait3A_163 : memref<1x80x128xi32, #tpu.memory_space<hbm>> -> memref<80x128xi32, #tpu.memory_space<hbm>>
      tpu.wait_dma2 semaphore(%run_scoped3A : memref<!tpu.dma_semaphore, #tpu.memory_space<semaphore_mem>>) src(%dma_wait3A_164 : memref<80x128xi32, #tpu.memory_space<hbm>>) dst(%arg6 : memref<80x128xi32, #tpu.memory_space<vmem>>)
      tpu.yield
    }) : () -> ()
    "tpu.region"() ({
      %run_scoped3A = tpu.sem_alloc : memref<!tpu.dma_semaphore, #tpu.memory_space<semaphore_mem>>
      %dma_start3A_150 = arith.constant 0 : i32
      %dma_start3A_151 = arith.constant 0 : i32
      %dma_start3A_152 = tpu.memref_slice %arg4[%arg1, %dma_start3A_150, %dma_start3A_151] : memref<16x80x128xi32, #tpu.memory_space<hbm>> -> memref<1x80x128xi32, #tpu.memory_space<hbm>>
      %dma_start3A_153 = tpu.memref_squeeze %dma_start3A_152 : memref<1x80x128xi32, #tpu.memory_space<hbm>> -> memref<80x128xi32, #tpu.memory_space<hbm>>
      %dma_start3A_154 = arith.constant 0 : i32
      %dma_start3A_155 = arith.constant 0 : i32
      %dma_start3A_156 = tpu.memref_slice %arg4[%arg1, %dma_start3A_154, %dma_start3A_155] : memref<16x80x128xi32, #tpu.memory_space<hbm>> -> memref<1x80x128xi32, #tpu.memory_space<hbm>>
      %dma_start3A_157 = tpu.memref_squeeze %dma_start3A_156 : memref<1x80x128xi32, #tpu.memory_space<hbm>> -> memref<80x128xi32, #tpu.memory_space<hbm>>
      tpu.enqueue_dma source(%dma_start3A_157 : memref<80x128xi32, #tpu.memory_space<hbm>>) target(%arg7 : memref<80x128xi32, #tpu.memory_space<vmem>>) target_semaphore(%run_scoped3A : memref<!tpu.dma_semaphore, #tpu.memory_space<semaphore_mem>>)
      %dma_wait3A = arith.constant 0 : i32
      %dma_wait3A_158 = arith.constant 0 : i32
      %dma_wait3A_159 = tpu.memref_slice %arg4[%arg1, %dma_wait3A, %dma_wait3A_158] : memref<16x80x128xi32, #tpu.memory_space<hbm>> -> memref<1x80x128xi32, #tpu.memory_space<hbm>>
      %dma_wait3A_160 = tpu.memref_squeeze %dma_wait3A_159 : memref<1x80x128xi32, #tpu.memory_space<hbm>> -> memref<80x128xi32, #tpu.memory_space<hbm>>
      %dma_wait3A_161 = arith.constant 0 : i32
      %dma_wait3A_162 = arith.constant 0 : i32
      %dma_wait3A_163 = tpu.memref_slice %arg4[%arg1, %dma_wait3A_161, %dma_wait3A_162] : memref<16x80x128xi32, #tpu.memory_space<hbm>> -> memref<1x80x128xi32, #tpu.memory_space<hbm>>
      %dma_wait3A_164 = tpu.memref_squeeze %dma_wait3A_163 : memref<1x80x128xi32, #tpu.memory_space<hbm>> -> memref<80x128xi32, #tpu.memory_space<hbm>>
      tpu.wait_dma2 semaphore(%run_scoped3A : memref<!tpu.dma_semaphore, #tpu.memory_space<semaphore_mem>>) src(%dma_wait3A_164 : memref<80x128xi32, #tpu.memory_space<hbm>>) dst(%arg7 : memref<80x128xi32, #tpu.memory_space<vmem>>)
      tpu.yield
    }) : () -> ()
    %broadcast_in_dim3A = arith.constant 0.000000e+00 : f32
    %broadcast_in_dim3A_0 = vector.broadcast %broadcast_in_dim3A : f32 to vector<16xf32>
    %scan3A = arith.constant 0 : i32
    %scan3A_1 = arith.constant 0 : i32
    %scan3A_2 = arith.constant 252 : i32
    %scan3A_3 = arith.addi %scan3A_1, %scan3A_2 : i32
    %scan3A_4 = arith.constant 1 : i32
    %scan3A_5 = scf.for %scan3A_150 = %scan3A_1 to %scan3A_3 step %scan3A_4 iter_args(%scan3A_151 = %scan3A) -> (i32)  : i32 {
      %jit3A = arith.constant 4 : i32
      %div3A = arith.divsi %scan3A_150, %jit3A : i32
      %sign3A = arith.constant 0 : i32
      %sign3A_152 = arith.cmpi sgt, %scan3A_150, %sign3A : i32
      %sign3A_153 = arith.extui %sign3A_152 : i1 to i32
      %sign3A_154 = arith.constant 0 : i32
      %sign3A_155 = arith.cmpi slt, %scan3A_150, %sign3A_154 : i32
      %sign3A_156 = arith.extui %sign3A_155 : i1 to i32
      %sign3A_157 = arith.subi %sign3A_153, %sign3A_156 : i32
      %sign3A_158 = arith.constant 0 : i32
      %sign3A_159 = arith.cmpi sgt, %jit3A, %sign3A_158 : i32
      %sign3A_160 = arith.extui %sign3A_159 : i1 to i32
      %sign3A_161 = arith.constant 0 : i32
      %sign3A_162 = arith.cmpi slt, %jit3A, %sign3A_161 : i32
      %sign3A_163 = arith.extui %sign3A_162 : i1 to i32
      %sign3A_164 = arith.subi %sign3A_160, %sign3A_163 : i32
      %ne3A = arith.cmpi ne, %sign3A_157, %sign3A_164 : i32
      %rem3A = arith.remsi %scan3A_150, %jit3A : i32
      %ne3A_165 = arith.constant 0 : i32
      %ne3A_166 = arith.cmpi ne, %rem3A, %ne3A_165 : i32
      %and3A = arith.andi %ne3A, %ne3A_166 : i1
      %sub3A = arith.constant 1 : i32
      %sub3A_167 = arith.subi %div3A, %sub3A : i32
      %select_n3A = arith.select %and3A, %sub3A_167, %div3A : i32
      %jit3A_168 = arith.constant 4 : i32
      %eq3A = arith.constant 0 : i32
      %eq3A_169 = arith.cmpi eq, %jit3A_168, %eq3A : i32
      %jit3A_170 = arith.constant 1 : i32
      %select_n3A_171 = arith.select %eq3A_169, %jit3A_170, %jit3A_168 : i32
      %rem3A_172 = arith.remsi %scan3A_150, %select_n3A_171 : i32
      %ne3A_173 = arith.constant 0 : i32
      %ne3A_174 = arith.cmpi ne, %rem3A_172, %ne3A_173 : i32
      %lt3A = arith.constant 0 : i32
      %lt3A_175 = arith.cmpi slt, %rem3A_172, %lt3A : i32
      %lt3A_176 = arith.constant 0 : i32
      %lt3A_177 = arith.cmpi slt, %select_n3A_171, %lt3A_176 : i32
      %ne3A_178 = arith.xori %lt3A_175, %lt3A_177 : i1
      %and3A_179 = arith.andi %ne3A_178, %ne3A_174 : i1
      %add3A_180 = arith.addi %rem3A_172, %select_n3A_171 : i32
      %select_n3A_181 = arith.select %and3A_179, %add3A_180, %rem3A_172 : i32
      %mul3A_182 = arith.constant 16 : i32
      %mul3A_183 = arith.muli %select_n3A_181, %mul3A_182 : i32
      %swap3A = arith.index_cast %select_n3A : i32 to index
      %swap3A_184 = arith.index_cast %mul3A_183 : i32 to index
      %swap3A_185 = tpu.vector_load %arg16[%swap3A, %swap3A_184] {strides = array<i32>} : memref<63x64xf32, #tpu.memory_space<vmem>>, vector<1x16xf32>,
      %swap3A_186 = vector.shape_cast %swap3A_185 : vector<1x16xf32> to vector<16xf32>
      %swap3A_187 = vector.shape_cast %broadcast_in_dim3A_0 : vector<16xf32> to vector<1x16xf32>
      tpu.vector_store %arg16[%swap3A, %swap3A_184], %swap3A_187 {strides = array<i32>} : memref<63x64xf32, #tpu.memory_space<vmem>>, vector<1x16xf32>,
      %scan3A_188 = arith.constant 0 : i32
      scf.yield %scan3A_188 : i32
    }
    %scan3A_6 = arith.constant 252 : i32
    %mul3A = arith.constant 630 : i32
    %mul3A_7 = arith.muli %arg1, %mul3A : i32
    %add3A = arith.constant 0 : i32
    %add3A_8 = arith.addi %mul3A_7, %add3A : i32
    "tpu.region"() ({
      %run_scoped3A = tpu.sem_alloc : memref<!tpu.dma_semaphore, #tpu.memory_space<semaphore_mem>>
      %dma_start3A_150 = arith.constant 0 : i32
      %dma_start3A_151 = tpu.memref_slice %arg17[%add3A_8, %dma_start3A_150] : memref<10080x64xf32, #tpu.memory_space<vmem_shared>> -> memref<63x64xf32, #tpu.memory_space<vmem_shared>>
      %dma_start3A_152 = arith.constant 0 : i32
      %dma_start3A_153 = tpu.memref_slice %arg17[%add3A_8, %dma_start3A_152] : memref<10080x64xf32, #tpu.memory_space<vmem_shared>> -> memref<63x64xf32, #tpu.memory_space<vmem_shared>>
      tpu.enqueue_dma source(%arg16 : memref<63x64xf32, #tpu.memory_space<vmem>>) target(%dma_start3A_153 : memref<63x64xf32, #tpu.memory_space<vmem_shared>>) target_semaphore(%run_scoped3A : memref<!tpu.dma_semaphore, #tpu.memory_space<semaphore_mem>>)
      %dma_wait3A = arith.constant 0 : i32
      %dma_wait3A_154 = tpu.memref_slice %arg17[%add3A_8, %dma_wait3A] : memref<10080x64xf32, #tpu.memory_space<vmem_shared>> -> memref<63x64xf32, #tpu.memory_space<vmem_shared>>
      %dma_wait3A_155 = arith.constant 0 : i32
      %dma_wait3A_156 = tpu.memref_slice %arg17[%add3A_8, %dma_wait3A_155] : memref<10080x64xf32, #tpu.memory_space<vmem_shared>> -> memref<63x64xf32, #tpu.memory_space<vmem_shared>>
      tpu.wait_dma2 semaphore(%run_scoped3A : memref<!tpu.dma_semaphore, #tpu.memory_space<semaphore_mem>>) src(%arg16 : memref<63x64xf32, #tpu.memory_space<vmem>>) dst(%dma_wait3A_156 : memref<63x64xf32, #tpu.memory_space<vmem_shared>>)
      tpu.yield
    }) : () -> ()
    %mul3A_9 = arith.constant 630 : i32
    %mul3A_10 = arith.muli %arg1, %mul3A_9 : i32
    %add3A_11 = arith.constant 63 : i32
    %add3A_12 = arith.addi %mul3A_10, %add3A_11 : i32
    "tpu.region"() ({
      %run_scoped3A = tpu.sem_alloc : memref<!tpu.dma_semaphore, #tpu.memory_space<semaphore_mem>>
      %dma_start3A_150 = arith.constant 0 : i32
      %dma_start3A_151 = tpu.memref_slice %arg17[%add3A_12, %dma_start3A_150] : memref<10080x64xf32, #tpu.memory_space<vmem_shared>> -> memref<63x64xf32, #tpu.memory_space<vmem_shared>>
      %dma_start3A_152 = arith.constant 0 : i32
      %dma_start3A_153 = tpu.memref_slice %arg17[%add3A_12, %dma_start3A_152] : memref<10080x64xf32, #tpu.memory_space<vmem_shared>> -> memref<63x64xf32, #tpu.memory_space<vmem_shared>>
      tpu.enqueue_dma source(%arg16 : memref<63x64xf32, #tpu.memory_space<vmem>>) target(%dma_start3A_153 : memref<63x64xf32, #tpu.memory_space<vmem_shared>>) target_semaphore(%run_scoped3A : memref<!tpu.dma_semaphore, #tpu.memory_space<semaphore_mem>>)
      %dma_wait3A = arith.constant 0 : i32
      %dma_wait3A_154 = tpu.memref_slice %arg17[%add3A_12, %dma_wait3A] : memref<10080x64xf32, #tpu.memory_space<vmem_shared>> -> memref<63x64xf32, #tpu.memory_space<vmem_shared>>
      %dma_wait3A_155 = arith.constant 0 : i32
      %dma_wait3A_156 = tpu.memref_slice %arg17[%add3A_12, %dma_wait3A_155] : memref<10080x64xf32, #tpu.memory_space<vmem_shared>> -> memref<63x64xf32, #tpu.memory_space<vmem_shared>>
      tpu.wait_dma2 semaphore(%run_scoped3A : memref<!tpu.dma_semaphore, #tpu.memory_space<semaphore_mem>>) src(%arg16 : memref<63x64xf32, #tpu.memory_space<vmem>>) dst(%dma_wait3A_156 : memref<63x64xf32, #tpu.memory_space<vmem_shared>>)
      tpu.yield
    }) : () -> ()
    %mul3A_13 = arith.constant 630 : i32
    %mul3A_14 = arith.muli %arg1, %mul3A_13 : i32
    %add3A_15 = arith.constant 126 : i32
    %add3A_16 = arith.addi %mul3A_14, %add3A_15 : i32
    "tpu.region"() ({
      %run_scoped3A = tpu.sem_alloc : memref<!tpu.dma_semaphore, #tpu.memory_space<semaphore_mem>>
      %dma_start3A_150 = arith.constant 0 : i32
      %dma_start3A_151 = tpu.memref_slice %arg17[%add3A_16, %dma_start3A_150] : memref<10080x64xf32, #tpu.memory_space<vmem_shared>> -> memref<63x64xf32, #tpu.memory_space<vmem_shared>>
      %dma_start3A_152 = arith.constant 0 : i32
      %dma_start3A_153 = tpu.memref_slice %arg17[%add3A_16, %dma_start3A_152] : memref<10080x64xf32, #tpu.memory_space<vmem_shared>> -> memref<63x64xf32, #tpu.memory_space<vmem_shared>>
      tpu.enqueue_dma source(%arg16 : memref<63x64xf32, #tpu.memory_space<vmem>>) target(%dma_start3A_153 : memref<63x64xf32, #tpu.memory_space<vmem_shared>>) target_semaphore(%run_scoped3A : memref<!tpu.dma_semaphore, #tpu.memory_space<semaphore_mem>>)
      %dma_wait3A = arith.constant 0 : i32
      %dma_wait3A_154 = tpu.memref_slice %arg17[%add3A_16, %dma_wait3A] : memref<10080x64xf32, #tpu.memory_space<vmem_shared>> -> memref<63x64xf32, #tpu.memory_space<vmem_shared>>
      %dma_wait3A_155 = arith.constant 0 : i32
      %dma_wait3A_156 = tpu.memref_slice %arg17[%add3A_16, %dma_wait3A_155] : memref<10080x64xf32, #tpu.memory_space<vmem_shared>> -> memref<63x64xf32, #tpu.memory_space<vmem_shared>>
      tpu.wait_dma2 semaphore(%run_scoped3A : memref<!tpu.dma_semaphore, #tpu.memory_space<semaphore_mem>>) src(%arg16 : memref<63x64xf32, #tpu.memory_space<vmem>>) dst(%dma_wait3A_156 : memref<63x64xf32, #tpu.memory_space<vmem_shared>>)
      tpu.yield
    }) : () -> ()
    %mul3A_17 = arith.constant 630 : i32
    %mul3A_18 = arith.muli %arg1, %mul3A_17 : i32
    %add3A_19 = arith.constant 189 : i32
    %add3A_20 = arith.addi %mul3A_18, %add3A_19 : i32
    "tpu.region"() ({
      %run_scoped3A = tpu.sem_alloc : memref<!tpu.dma_semaphore, #tpu.memory_space<semaphore_mem>>
      %dma_start3A_150 = arith.constant 0 : i32
      %dma_start3A_151 = tpu.memref_slice %arg17[%add3A_20, %dma_start3A_150] : memref<10080x64xf32, #tpu.memory_space<vmem_shared>> -> memref<63x64xf32, #tpu.memory_space<vmem_shared>>
      %dma_start3A_152 = arith.constant 0 : i32
      %dma_start3A_153 = tpu.memref_slice %arg17[%add3A_20, %dma_start3A_152] : memref<10080x64xf32, #tpu.memory_space<vmem_shared>> -> memref<63x64xf32, #tpu.memory_space<vmem_shared>>
      tpu.enqueue_dma source(%arg16 : memref<63x64xf32, #tpu.memory_space<vmem>>) target(%dma_start3A_153 : memref<63x64xf32, #tpu.memory_space<vmem_shared>>) target_semaphore(%run_scoped3A : memref<!tpu.dma_semaphore, #tpu.memory_space<semaphore_mem>>)
      %dma_wait3A = arith.constant 0 : i32
      %dma_wait3A_154 = tpu.memref_slice %arg17[%add3A_20, %dma_wait3A] : memref<10080x64xf32, #tpu.memory_space<vmem_shared>> -> memref<63x64xf32, #tpu.memory_space<vmem_shared>>
      %dma_wait3A_155 = arith.constant 0 : i32
      %dma_wait3A_156 = tpu.memref_slice %arg17[%add3A_20, %dma_wait3A_155] : memref<10080x64xf32, #tpu.memory_space<vmem_shared>> -> memref<63x64xf32, #tpu.memory_space<vmem_shared>>
      tpu.wait_dma2 semaphore(%run_scoped3A : memref<!tpu.dma_semaphore, #tpu.memory_space<semaphore_mem>>) src(%arg16 : memref<63x64xf32, #tpu.memory_space<vmem>>) dst(%dma_wait3A_156 : memref<63x64xf32, #tpu.memory_space<vmem_shared>>)
      tpu.yield
    }) : () -> ()
    %mul3A_21 = arith.constant 630 : i32
    %mul3A_22 = arith.muli %arg1, %mul3A_21 : i32
    %add3A_23 = arith.constant 252 : i32
    %add3A_24 = arith.addi %mul3A_22, %add3A_23 : i32
    "tpu.region"() ({
      %run_scoped3A = tpu.sem_alloc : memref<!tpu.dma_semaphore, #tpu.memory_space<semaphore_mem>>
      %dma_start3A_150 = arith.constant 0 : i32
      %dma_start3A_151 = tpu.memref_slice %arg17[%add3A_24, %dma_start3A_150] : memref<10080x64xf32, #tpu.memory_space<vmem_shared>> -> memref<63x64xf32, #tpu.memory_space<vmem_shared>>
      %dma_start3A_152 = arith.constant 0 : i32
      %dma_start3A_153 = tpu.memref_slice %arg17[%add3A_24, %dma_start3A_152] : memref<10080x64xf32, #tpu.memory_space<vmem_shared>> -> memref<63x64xf32, #tpu.memory_space<vmem_shared>>
      tpu.enqueue_dma source(%arg16 : memref<63x64xf32, #tpu.memory_space<vmem>>) target(%dma_start3A_153 : memref<63x64xf32, #tpu.memory_space<vmem_shared>>) target_semaphore(%run_scoped3A : memref<!tpu.dma_semaphore, #tpu.memory_space<semaphore_mem>>)
      %dma_wait3A = arith.constant 0 : i32
      %dma_wait3A_154 = tpu.memref_slice %arg17[%add3A_24, %dma_wait3A] : memref<10080x64xf32, #tpu.memory_space<vmem_shared>> -> memref<63x64xf32, #tpu.memory_space<vmem_shared>>
      %dma_wait3A_155 = arith.constant 0 : i32
      %dma_wait3A_156 = tpu.memref_slice %arg17[%add3A_24, %dma_wait3A_155] : memref<10080x64xf32, #tpu.memory_space<vmem_shared>> -> memref<63x64xf32, #tpu.memory_space<vmem_shared>>
      tpu.wait_dma2 semaphore(%run_scoped3A : memref<!tpu.dma_semaphore, #tpu.memory_space<semaphore_mem>>) src(%arg16 : memref<63x64xf32, #tpu.memory_space<vmem>>) dst(%dma_wait3A_156 : memref<63x64xf32, #tpu.memory_space<vmem_shared>>)
      tpu.yield
    }) : () -> ()
    %mul3A_25 = arith.constant 630 : i32
    %mul3A_26 = arith.muli %arg1, %mul3A_25 : i32
    %add3A_27 = arith.constant 315 : i32
    %add3A_28 = arith.addi %mul3A_26, %add3A_27 : i32
    "tpu.region"() ({
      %run_scoped3A = tpu.sem_alloc : memref<!tpu.dma_semaphore, #tpu.memory_space<semaphore_mem>>
      %dma_start3A_150 = arith.constant 0 : i32
      %dma_start3A_151 = tpu.memref_slice %arg17[%add3A_28, %dma_start3A_150] : memref<10080x64xf32, #tpu.memory_space<vmem_shared>> -> memref<63x64xf32, #tpu.memory_space<vmem_shared>>
      %dma_start3A_152 = arith.constant 0 : i32
      %dma_start3A_153 = tpu.memref_slice %arg17[%add3A_28, %dma_start3A_152] : memref<10080x64xf32, #tpu.memory_space<vmem_shared>> -> memref<63x64xf32, #tpu.memory_space<vmem_shared>>
      tpu.enqueue_dma source(%arg16 : memref<63x64xf32, #tpu.memory_space<vmem>>) target(%dma_start3A_153 : memref<63x64xf32, #tpu.memory_space<vmem_shared>>) target_semaphore(%run_scoped3A : memref<!tpu.dma_semaphore, #tpu.memory_space<semaphore_mem>>)
      %dma_wait3A = arith.constant 0 : i32
      %dma_wait3A_154 = tpu.memref_slice %arg17[%add3A_28, %dma_wait3A] : memref<10080x64xf32, #tpu.memory_space<vmem_shared>> -> memref<63x64xf32, #tpu.memory_space<vmem_shared>>
      %dma_wait3A_155 = arith.constant 0 : i32
      %dma_wait3A_156 = tpu.memref_slice %arg17[%add3A_28, %dma_wait3A_155] : memref<10080x64xf32, #tpu.memory_space<vmem_shared>> -> memref<63x64xf32, #tpu.memory_space<vmem_shared>>
      tpu.wait_dma2 semaphore(%run_scoped3A : memref<!tpu.dma_semaphore, #tpu.memory_space<semaphore_mem>>) src(%arg16 : memref<63x64xf32, #tpu.memory_space<vmem>>) dst(%dma_wait3A_156 : memref<63x64xf32, #tpu.memory_space<vmem_shared>>)
      tpu.yield
    }) : () -> ()
    %mul3A_29 = arith.constant 630 : i32
    %mul3A_30 = arith.muli %arg1, %mul3A_29 : i32
    %add3A_31 = arith.constant 378 : i32
    %add3A_32 = arith.addi %mul3A_30, %add3A_31 : i32
    "tpu.region"() ({
      %run_scoped3A = tpu.sem_alloc : memref<!tpu.dma_semaphore, #tpu.memory_space<semaphore_mem>>
      %dma_start3A_150 = arith.constant 0 : i32
      %dma_start3A_151 = tpu.memref_slice %arg17[%add3A_32, %dma_start3A_150] : memref<10080x64xf32, #tpu.memory_space<vmem_shared>> -> memref<63x64xf32, #tpu.memory_space<vmem_shared>>
      %dma_start3A_152 = arith.constant 0 : i32
      %dma_start3A_153 = tpu.memref_slice %arg17[%add3A_32, %dma_start3A_152] : memref<10080x64xf32, #tpu.memory_space<vmem_shared>> -> memref<63x64xf32, #tpu.memory_space<vmem_shared>>
      tpu.enqueue_dma source(%arg16 : memref<63x64xf32, #tpu.memory_space<vmem>>) target(%dma_start3A_153 : memref<63x64xf32, #tpu.memory_space<vmem_shared>>) target_semaphore(%run_scoped3A : memref<!tpu.dma_semaphore, #tpu.memory_space<semaphore_mem>>)
      %dma_wait3A = arith.constant 0 : i32
      %dma_wait3A_154 = tpu.memref_slice %arg17[%add3A_32, %dma_wait3A] : memref<10080x64xf32, #tpu.memory_space<vmem_shared>> -> memref<63x64xf32, #tpu.memory_space<vmem_shared>>
      %dma_wait3A_155 = arith.constant 0 : i32
      %dma_wait3A_156 = tpu.memref_slice %arg17[%add3A_32, %dma_wait3A_155] : memref<10080x64xf32, #tpu.memory_space<vmem_shared>> -> memref<63x64xf32, #tpu.memory_space<vmem_shared>>
      tpu.wait_dma2 semaphore(%run_scoped3A : memref<!tpu.dma_semaphore, #tpu.memory_space<semaphore_mem>>) src(%arg16 : memref<63x64xf32, #tpu.memory_space<vmem>>) dst(%dma_wait3A_156 : memref<63x64xf32, #tpu.memory_space<vmem_shared>>)
      tpu.yield
    }) : () -> ()
    %mul3A_33 = arith.constant 630 : i32
    %mul3A_34 = arith.muli %arg1, %mul3A_33 : i32
    %add3A_35 = arith.constant 441 : i32
    %add3A_36 = arith.addi %mul3A_34, %add3A_35 : i32
    "tpu.region"() ({
      %run_scoped3A = tpu.sem_alloc : memref<!tpu.dma_semaphore, #tpu.memory_space<semaphore_mem>>
      %dma_start3A_150 = arith.constant 0 : i32
      %dma_start3A_151 = tpu.memref_slice %arg17[%add3A_36, %dma_start3A_150] : memref<10080x64xf32, #tpu.memory_space<vmem_shared>> -> memref<63x64xf32, #tpu.memory_space<vmem_shared>>
      %dma_start3A_152 = arith.constant 0 : i32
      %dma_start3A_153 = tpu.memref_slice %arg17[%add3A_36, %dma_start3A_152] : memref<10080x64xf32, #tpu.memory_space<vmem_shared>> -> memref<63x64xf32, #tpu.memory_space<vmem_shared>>
      tpu.enqueue_dma source(%arg16 : memref<63x64xf32, #tpu.memory_space<vmem>>) target(%dma_start3A_153 : memref<63x64xf32, #tpu.memory_space<vmem_shared>>) target_semaphore(%run_scoped3A : memref<!tpu.dma_semaphore, #tpu.memory_space<semaphore_mem>>)
      %dma_wait3A = arith.constant 0 : i32
      %dma_wait3A_154 = tpu.memref_slice %arg17[%add3A_36, %dma_wait3A] : memref<10080x64xf32, #tpu.memory_space<vmem_shared>> -> memref<63x64xf32, #tpu.memory_space<vmem_shared>>
      %dma_wait3A_155 = arith.constant 0 : i32
      %dma_wait3A_156 = tpu.memref_slice %arg17[%add3A_36, %dma_wait3A_155] : memref<10080x64xf32, #tpu.memory_space<vmem_shared>> -> memref<63x64xf32, #tpu.memory_space<vmem_shared>>
      tpu.wait_dma2 semaphore(%run_scoped3A : memref<!tpu.dma_semaphore, #tpu.memory_space<semaphore_mem>>) src(%arg16 : memref<63x64xf32, #tpu.memory_space<vmem>>) dst(%dma_wait3A_156 : memref<63x64xf32, #tpu.memory_space<vmem_shared>>)
      tpu.yield
    }) : () -> ()
    %mul3A_37 = arith.constant 630 : i32
    %mul3A_38 = arith.muli %arg1, %mul3A_37 : i32
    %add3A_39 = arith.constant 504 : i32
    %add3A_40 = arith.addi %mul3A_38, %add3A_39 : i32
    "tpu.region"() ({
      %run_scoped3A = tpu.sem_alloc : memref<!tpu.dma_semaphore, #tpu.memory_space<semaphore_mem>>
      %dma_start3A_150 = arith.constant 0 : i32
      %dma_start3A_151 = tpu.memref_slice %arg17[%add3A_40, %dma_start3A_150] : memref<10080x64xf32, #tpu.memory_space<vmem_shared>> -> memref<63x64xf32, #tpu.memory_space<vmem_shared>>
      %dma_start3A_152 = arith.constant 0 : i32
      %dma_start3A_153 = tpu.memref_slice %arg17[%add3A_40, %dma_start3A_152] : memref<10080x64xf32, #tpu.memory_space<vmem_shared>> -> memref<63x64xf32, #tpu.memory_space<vmem_shared>>
      tpu.enqueue_dma source(%arg16 : memref<63x64xf32, #tpu.memory_space<vmem>>) target(%dma_start3A_153 : memref<63x64xf32, #tpu.memory_space<vmem_shared>>) target_semaphore(%run_scoped3A : memref<!tpu.dma_semaphore, #tpu.memory_space<semaphore_mem>>)
      %dma_wait3A = arith.constant 0 : i32
      %dma_wait3A_154 = tpu.memref_slice %arg17[%add3A_40, %dma_wait3A] : memref<10080x64xf32, #tpu.memory_space<vmem_shared>> -> memref<63x64xf32, #tpu.memory_space<vmem_shared>>
      %dma_wait3A_155 = arith.constant 0 : i32
      %dma_wait3A_156 = tpu.memref_slice %arg17[%add3A_40, %dma_wait3A_155] : memref<10080x64xf32, #tpu.memory_space<vmem_shared>> -> memref<63x64xf32, #tpu.memory_space<vmem_shared>>
      tpu.wait_dma2 semaphore(%run_scoped3A : memref<!tpu.dma_semaphore, #tpu.memory_space<semaphore_mem>>) src(%arg16 : memref<63x64xf32, #tpu.memory_space<vmem>>) dst(%dma_wait3A_156 : memref<63x64xf32, #tpu.memory_space<vmem_shared>>)
      tpu.yield
    }) : () -> ()
    %mul3A_41 = arith.constant 630 : i32
    %mul3A_42 = arith.muli %arg1, %mul3A_41 : i32
    %add3A_43 = arith.constant 567 : i32
    %add3A_44 = arith.addi %mul3A_42, %add3A_43 : i32
    "tpu.region"() ({
      %run_scoped3A = tpu.sem_alloc : memref<!tpu.dma_semaphore, #tpu.memory_space<semaphore_mem>>
      %dma_start3A_150 = arith.constant 0 : i32
      %dma_start3A_151 = tpu.memref_slice %arg17[%add3A_44, %dma_start3A_150] : memref<10080x64xf32, #tpu.memory_space<vmem_shared>> -> memref<63x64xf32, #tpu.memory_space<vmem_shared>>
      %dma_start3A_152 = arith.constant 0 : i32
      %dma_start3A_153 = tpu.memref_slice %arg17[%add3A_44, %dma_start3A_152] : memref<10080x64xf32, #tpu.memory_space<vmem_shared>> -> memref<63x64xf32, #tpu.memory_space<vmem_shared>>
      tpu.enqueue_dma source(%arg16 : memref<63x64xf32, #tpu.memory_space<vmem>>) target(%dma_start3A_153 : memref<63x64xf32, #tpu.memory_space<vmem_shared>>) target_semaphore(%run_scoped3A : memref<!tpu.dma_semaphore, #tpu.memory_space<semaphore_mem>>)
      %dma_wait3A = arith.constant 0 : i32
      %dma_wait3A_154 = tpu.memref_slice %arg17[%add3A_44, %dma_wait3A] : memref<10080x64xf32, #tpu.memory_space<vmem_shared>> -> memref<63x64xf32, #tpu.memory_space<vmem_shared>>
      %dma_wait3A_155 = arith.constant 0 : i32
      %dma_wait3A_156 = tpu.memref_slice %arg17[%add3A_44, %dma_wait3A_155] : memref<10080x64xf32, #tpu.memory_space<vmem_shared>> -> memref<63x64xf32, #tpu.memory_space<vmem_shared>>
      tpu.wait_dma2 semaphore(%run_scoped3A : memref<!tpu.dma_semaphore, #tpu.memory_space<semaphore_mem>>) src(%arg16 : memref<63x64xf32, #tpu.memory_space<vmem>>) dst(%dma_wait3A_156 : memref<63x64xf32, #tpu.memory_space<vmem_shared>>)
      tpu.yield
    }) : () -> ()
    %barrier3A = arith.constant 0 : index
    tpu.barrier barrier_id(%barrier3A)
    %mul3A_45 = arith.constant 1 : i32
    %mul3A_46 = arith.muli %arg0, %mul3A_45 : i32
    %add3A_47 = arith.constant 0 : i32
    %add3A_48 = arith.addi %mul3A_46, %add3A_47 : i32
    %dma_start3A = arith.constant 0 : i32
    %dma_start3A_49 = arith.constant 0 : i32
    %dma_start3A_50 = tpu.memref_slice %arg6[%dma_start3A, %dma_start3A_49] : memref<80x128xi32, #tpu.memory_space<vmem>> -> memref<1x128xi32, #tpu.memory_space<vmem>>
    %dma_start3A_51 = tpu.memref_squeeze %dma_start3A_50 : memref<1x128xi32, #tpu.memory_space<vmem>> -> memref<128xi32, #tpu.memory_space<vmem>>
    %dma_start3A_52 = arith.constant 0 : i32
    %dma_start3A_53 = arith.constant 0 : i32
    %dma_start3A_54 = tpu.memref_slice %arg2[%add3A_48, %dma_start3A_52, %dma_start3A_53] : memref<2x10000x64xf32, #tpu.memory_space<hbm>> -> memref<1x10000x64xf32, #tpu.memory_space<hbm>>
    %dma_start3A_55 = tpu.memref_squeeze %dma_start3A_54 : memref<1x10000x64xf32, #tpu.memory_space<hbm>> -> memref<10000x64xf32, #tpu.memory_space<hbm>>
    %dma_start3A_56 = arith.constant 0 : i32
    %dma_start3A_57 = arith.constant 0 : i32
    %dma_start3A_58 = tpu.memref_slice %dma_start3A_55[%dma_start3A_56, %dma_start3A_57] : memref<10000x64xf32, #tpu.memory_space<hbm>> -> memref<10000x64xf32, #tpu.memory_space<hbm>>
    tpu.enqueue_indirect_dma source(%dma_start3A_58 : memref<10000x64xf32, #tpu.memory_space<hbm>>) target(%arg8 : memref<128x64xf32, #tpu.memory_space<vmem>>) offsets(%dma_start3A_51 : memref<128xi32, #tpu.memory_space<vmem>>) semaphore(%arg18 : memref<!tpu.dma_semaphore, #tpu.memory_space<semaphore_mem>>)
    %dma_start3A_59 = arith.constant 1 : i32
    %dma_start3A_60 = arith.constant 0 : i32
    %dma_start3A_61 = tpu.memref_slice %arg6[%dma_start3A_59, %dma_start3A_60] : memref<80x128xi32, #tpu.memory_space<vmem>> -> memref<1x128xi32, #tpu.memory_space<vmem>>
    %dma_start3A_62 = tpu.memref_squeeze %dma_start3A_61 : memref<1x128xi32, #tpu.memory_space<vmem>> -> memref<128xi32, #tpu.memory_space<vmem>>
    %dma_start3A_63 = arith.constant 0 : i32
    %dma_start3A_64 = arith.constant 0 : i32
    %dma_start3A_65 = tpu.memref_slice %arg2[%add3A_48, %dma_start3A_63, %dma_start3A_64] : memref<2x10000x64xf32, #tpu.memory_space<hbm>> -> memref<1x10000x64xf32, #tpu.memory_space<hbm>>
    %dma_start3A_66 = tpu.memref_squeeze %dma_start3A_65 : memref<1x10000x64xf32, #tpu.memory_space<hbm>> -> memref<10000x64xf32, #tpu.memory_space<hbm>>
    %dma_start3A_67 = arith.constant 0 : i32
    %dma_start3A_68 = arith.constant 0 : i32
    %dma_start3A_69 = tpu.memref_slice %dma_start3A_66[%dma_start3A_67, %dma_start3A_68] : memref<10000x64xf32, #tpu.memory_space<hbm>> -> memref<10000x64xf32, #tpu.memory_space<hbm>>
    tpu.enqueue_indirect_dma source(%dma_start3A_69 : memref<10000x64xf32, #tpu.memory_space<hbm>>) target(%arg9 : memref<128x64xf32, #tpu.memory_space<vmem>>) offsets(%dma_start3A_62 : memref<128xi32, #tpu.memory_space<vmem>>) semaphore(%arg19 : memref<!tpu.dma_semaphore, #tpu.memory_space<semaphore_mem>>)
    %dma_start3A_70 = arith.constant 2 : i32
    %dma_start3A_71 = arith.constant 0 : i32
    %dma_start3A_72 = tpu.memref_slice %arg6[%dma_start3A_70, %dma_start3A_71] : memref<80x128xi32, #tpu.memory_space<vmem>> -> memref<1x128xi32, #tpu.memory_space<vmem>>
    %dma_start3A_73 = tpu.memref_squeeze %dma_start3A_72 : memref<1x128xi32, #tpu.memory_space<vmem>> -> memref<128xi32, #tpu.memory_space<vmem>>
    %dma_start3A_74 = arith.constant 0 : i32
    %dma_start3A_75 = arith.constant 0 : i32
    %dma_start3A_76 = tpu.memref_slice %arg2[%add3A_48, %dma_start3A_74, %dma_start3A_75] : memref<2x10000x64xf32, #tpu.memory_space<hbm>> -> memref<1x10000x64xf32, #tpu.memory_space<hbm>>
    %dma_start3A_77 = tpu.memref_squeeze %dma_start3A_76 : memref<1x10000x64xf32, #tpu.memory_space<hbm>> -> memref<10000x64xf32, #tpu.memory_space<hbm>>
    %dma_start3A_78 = arith.constant 0 : i32
    %dma_start3A_79 = arith.constant 0 : i32
    %dma_start3A_80 = tpu.memref_slice %dma_start3A_77[%dma_start3A_78, %dma_start3A_79] : memref<10000x64xf32, #tpu.memory_space<hbm>> -> memref<10000x64xf32, #tpu.memory_space<hbm>>
    tpu.enqueue_indirect_dma source(%dma_start3A_80 : memref<10000x64xf32, #tpu.memory_space<hbm>>) target(%arg10 : memref<128x64xf32, #tpu.memory_space<vmem>>) offsets(%dma_start3A_73 : memref<128xi32, #tpu.memory_space<vmem>>) semaphore(%arg20 : memref<!tpu.dma_semaphore, #tpu.memory_space<semaphore_mem>>)
    %dma_start3A_81 = arith.constant 3 : i32
    %dma_start3A_82 = arith.constant 0 : i32
    %dma_start3A_83 = tpu.memref_slice %arg6[%dma_start3A_81, %dma_start3A_82] : memref<80x128xi32, #tpu.memory_space<vmem>> -> memref<1x128xi32, #tpu.memory_space<vmem>>
    %dma_start3A_84 = tpu.memref_squeeze %dma_start3A_83 : memref<1x128xi32, #tpu.memory_space<vmem>> -> memref<128xi32, #tpu.memory_space<vmem>>
    %dma_start3A_85 = arith.constant 0 : i32
    %dma_start3A_86 = arith.constant 0 : i32
    %dma_start3A_87 = tpu.memref_slice %arg2[%add3A_48, %dma_start3A_85, %dma_start3A_86] : memref<2x10000x64xf32, #tpu.memory_space<hbm>> -> memref<1x10000x64xf32, #tpu.memory_space<hbm>>
    %dma_start3A_88 = tpu.memref_squeeze %dma_start3A_87 : memref<1x10000x64xf32, #tpu.memory_space<hbm>> -> memref<10000x64xf32, #tpu.memory_space<hbm>>
    %dma_start3A_89 = arith.constant 0 : i32
    %dma_start3A_90 = arith.constant 0 : i32
    %dma_start3A_91 = tpu.memref_slice %dma_start3A_88[%dma_start3A_89, %dma_start3A_90] : memref<10000x64xf32, #tpu.memory_space<hbm>> -> memref<10000x64xf32, #tpu.memory_space<hbm>>
    tpu.enqueue_indirect_dma source(%dma_start3A_91 : memref<10000x64xf32, #tpu.memory_space<hbm>>) target(%arg11 : memref<128x64xf32, #tpu.memory_space<vmem>>) offsets(%dma_start3A_84 : memref<128xi32, #tpu.memory_space<vmem>>) semaphore(%arg21 : memref<!tpu.dma_semaphore, #tpu.memory_space<semaphore_mem>>)
    %dma_start3A_92 = arith.constant 4 : i32
    %dma_start3A_93 = arith.constant 0 : i32
    %dma_start3A_94 = tpu.memref_slice %arg6[%dma_start3A_92, %dma_start3A_93] : memref<80x128xi32, #tpu.memory_space<vmem>> -> memref<1x128xi32, #tpu.memory_space<vmem>>
    %dma_start3A_95 = tpu.memref_squeeze %dma_start3A_94 : memref<1x128xi32, #tpu.memory_space<vmem>> -> memref<128xi32, #tpu.memory_space<vmem>>
    %dma_start3A_96 = arith.constant 0 : i32
    %dma_start3A_97 = arith.constant 0 : i32
    %dma_start3A_98 = tpu.memref_slice %arg2[%add3A_48, %dma_start3A_96, %dma_start3A_97] : memref<2x10000x64xf32, #tpu.memory_space<hbm>> -> memref<1x10000x64xf32, #tpu.memory_space<hbm>>
    %dma_start3A_99 = tpu.memref_squeeze %dma_start3A_98 : memref<1x10000x64xf32, #tpu.memory_space<hbm>> -> memref<10000x64xf32, #tpu.memory_space<hbm>>
    %dma_start3A_100 = arith.constant 0 : i32
    %dma_start3A_101 = arith.constant 0 : i32
    %dma_start3A_102 = tpu.memref_slice %dma_start3A_99[%dma_start3A_100, %dma_start3A_101] : memref<10000x64xf32, #tpu.memory_space<hbm>> -> memref<10000x64xf32, #tpu.memory_space<hbm>>
    tpu.enqueue_indirect_dma source(%dma_start3A_102 : memref<10000x64xf32, #tpu.memory_space<hbm>>) target(%arg12 : memref<128x64xf32, #tpu.memory_space<vmem>>) offsets(%dma_start3A_95 : memref<128xi32, #tpu.memory_space<vmem>>) semaphore(%arg22 : memref<!tpu.dma_semaphore, #tpu.memory_space<semaphore_mem>>)
    %dma_start3A_103 = arith.constant 5 : i32
    %dma_start3A_104 = arith.constant 0 : i32
    %dma_start3A_105 = tpu.memref_slice %arg6[%dma_start3A_103, %dma_start3A_104] : memref<80x128xi32, #tpu.memory_space<vmem>> -> memref<1x128xi32, #tpu.memory_space<vmem>>
    %dma_start3A_106 = tpu.memref_squeeze %dma_start3A_105 : memref<1x128xi32, #tpu.memory_space<vmem>> -> memref<128xi32, #tpu.memory_space<vmem>>
    %dma_start3A_107 = arith.constant 0 : i32
    %dma_start3A_108 = arith.constant 0 : i32
    %dma_start3A_109 = tpu.memref_slice %arg2[%add3A_48, %dma_start3A_107, %dma_start3A_108] : memref<2x10000x64xf32, #tpu.memory_space<hbm>> -> memref<1x10000x64xf32, #tpu.memory_space<hbm>>
    %dma_start3A_110 = tpu.memref_squeeze %dma_start3A_109 : memref<1x10000x64xf32, #tpu.memory_space<hbm>> -> memref<10000x64xf32, #tpu.memory_space<hbm>>
    %dma_start3A_111 = arith.constant 0 : i32
    %dma_start3A_112 = arith.constant 0 : i32
    %dma_start3A_113 = tpu.memref_slice %dma_start3A_110[%dma_start3A_111, %dma_start3A_112] : memref<10000x64xf32, #tpu.memory_space<hbm>> -> memref<10000x64xf32, #tpu.memory_space<hbm>>
    tpu.enqueue_indirect_dma source(%dma_start3A_113 : memref<10000x64xf32, #tpu.memory_space<hbm>>) target(%arg13 : memref<128x64xf32, #tpu.memory_space<vmem>>) offsets(%dma_start3A_106 : memref<128xi32, #tpu.memory_space<vmem>>) semaphore(%arg23 : memref<!tpu.dma_semaphore, #tpu.memory_space<semaphore_mem>>)
    %dma_start3A_114 = arith.constant 6 : i32
    %dma_start3A_115 = arith.constant 0 : i32
    %dma_start3A_116 = tpu.memref_slice %arg6[%dma_start3A_114, %dma_start3A_115] : memref<80x128xi32, #tpu.memory_space<vmem>> -> memref<1x128xi32, #tpu.memory_space<vmem>>
    %dma_start3A_117 = tpu.memref_squeeze %dma_start3A_116 : memref<1x128xi32, #tpu.memory_space<vmem>> -> memref<128xi32, #tpu.memory_space<vmem>>
    %dma_start3A_118 = arith.constant 0 : i32
    %dma_start3A_119 = arith.constant 0 : i32
    %dma_start3A_120 = tpu.memref_slice %arg2[%add3A_48, %dma_start3A_118, %dma_start3A_119] : memref<2x10000x64xf32, #tpu.memory_space<hbm>> -> memref<1x10000x64xf32, #tpu.memory_space<hbm>>
    %dma_start3A_121 = tpu.memref_squeeze %dma_start3A_120 : memref<1x10000x64xf32, #tpu.memory_space<hbm>> -> memref<10000x64xf32, #tpu.memory_space<hbm>>
    %dma_start3A_122 = arith.constant 0 : i32
    %dma_start3A_123 = arith.constant 0 : i32
    %dma_start3A_124 = tpu.memref_slice %dma_start3A_121[%dma_start3A_122, %dma_start3A_123] : memref<10000x64xf32, #tpu.memory_space<hbm>> -> memref<10000x64xf32, #tpu.memory_space<hbm>>
    tpu.enqueue_indirect_dma source(%dma_start3A_124 : memref<10000x64xf32, #tpu.memory_space<hbm>>) target(%arg14 : memref<128x64xf32, #tpu.memory_space<vmem>>) offsets(%dma_start3A_117 : memref<128xi32, #tpu.memory_space<vmem>>) semaphore(%arg24 : memref<!tpu.dma_semaphore, #tpu.memory_space<semaphore_mem>>)
    %dma_start3A_125 = arith.constant 7 : i32
    %dma_start3A_126 = arith.constant 0 : i32
    %dma_start3A_127 = tpu.memref_slice %arg6[%dma_start3A_125, %dma_start3A_126] : memref<80x128xi32, #tpu.memory_space<vmem>> -> memref<1x128xi32, #tpu.memory_space<vmem>>
    %dma_start3A_128 = tpu.memref_squeeze %dma_start3A_127 : memref<1x128xi32, #tpu.memory_space<vmem>> -> memref<128xi32, #tpu.memory_space<vmem>>
    %dma_start3A_129 = arith.constant 0 : i32
    %dma_start3A_130 = arith.constant 0 : i32
    %dma_start3A_131 = tpu.memref_slice %arg2[%add3A_48, %dma_start3A_129, %dma_start3A_130] : memref<2x10000x64xf32, #tpu.memory_space<hbm>> -> memref<1x10000x64xf32, #tpu.memory_space<hbm>>
    %dma_start3A_132 = tpu.memref_squeeze %dma_start3A_131 : memref<1x10000x64xf32, #tpu.memory_space<hbm>> -> memref<10000x64xf32, #tpu.memory_space<hbm>>
    %dma_start3A_133 = arith.constant 0 : i32
    %dma_start3A_134 = arith.constant 0 : i32
    %dma_start3A_135 = tpu.memref_slice %dma_start3A_132[%dma_start3A_133, %dma_start3A_134] : memref<10000x64xf32, #tpu.memory_space<hbm>> -> memref<10000x64xf32, #tpu.memory_space<hbm>>
    tpu.enqueue_indirect_dma source(%dma_start3A_135 : memref<10000x64xf32, #tpu.memory_space<hbm>>) target(%arg15 : memref<128x64xf32, #tpu.memory_space<vmem>>) offsets(%dma_start3A_128 : memref<128xi32, #tpu.memory_space<vmem>>) semaphore(%arg25 : memref<!tpu.dma_semaphore, #tpu.memory_space<semaphore_mem>>)
    %scan3A_136 = arith.constant 0 : i32
    %scan3A_137 = arith.constant 0 : i32
    %scan3A_138 = arith.constant 10 : i32
    %scan3A_139 = arith.addi %scan3A_137, %scan3A_138 : i32
    %scan3A_140 = arith.constant 1 : i32
    %scan3A_141 = scf.for %scan3A_150 = %scan3A_137 to %scan3A_139 step %scan3A_140 iter_args(%scan3A_151 = %scan3A_136) -> (i32)  : i32 {
      %mul3A_152 = arith.constant 8 : i32
      %mul3A_153 = arith.muli %mul3A_152, %scan3A_150 : i32
      %dma_wait3A = arith.constant 0 : i32
      %dma_wait3A_154 = arith.constant 0 : i32
      %dma_wait3A_155 = arith.constant 0 : i32
      %dma_wait3A_156 = tpu.memref_slice %arg2[%dma_wait3A, %dma_wait3A_154, %dma_wait3A_155] : memref<2x10000x64xf32, #tpu.memory_space<hbm>> -> memref<1x10000x64xf32, #tpu.memory_space<hbm>>
      %dma_wait3A_157 = tpu.memref_squeeze %dma_wait3A_156 : memref<1x10000x64xf32, #tpu.memory_space<hbm>> -> memref<10000x64xf32, #tpu.memory_space<hbm>>
      %dma_wait3A_158 = arith.constant 0 : i32
      %dma_wait3A_159 = arith.constant 0 : i32
      %dma_wait3A_160 = tpu.memref_slice %dma_wait3A_157[%dma_wait3A_158, %dma_wait3A_159] : memref<10000x64xf32, #tpu.memory_space<hbm>> -> memref<128x64xf32, #tpu.memory_space<hbm>>
      %dma_wait3A_161 = arith.constant 0 : i32
      %dma_wait3A_162 = arith.constant 0 : i32
      %dma_wait3A_163 = tpu.memref_slice %arg2[%dma_wait3A, %dma_wait3A_161, %dma_wait3A_162] : memref<2x10000x64xf32, #tpu.memory_space<hbm>> -> memref<1x10000x64xf32, #tpu.memory_space<hbm>>
      %dma_wait3A_164 = tpu.memref_squeeze %dma_wait3A_163 : memref<1x10000x64xf32, #tpu.memory_space<hbm>> -> memref<10000x64xf32, #tpu.memory_space<hbm>>
      %dma_wait3A_165 = arith.constant 0 : i32
      %dma_wait3A_166 = arith.constant 0 : i32
      %dma_wait3A_167 = tpu.memref_slice %dma_wait3A_164[%dma_wait3A_165, %dma_wait3A_166] : memref<10000x64xf32, #tpu.memory_space<hbm>> -> memref<128x64xf32, #tpu.memory_space<hbm>>
      tpu.wait_dma2 semaphore(%arg18 : memref<!tpu.dma_semaphore, #tpu.memory_space<semaphore_mem>>) src(%dma_wait3A_167 : memref<128x64xf32, #tpu.memory_space<hbm>>) dst(%arg8 : memref<128x64xf32, #tpu.memory_space<vmem>>)
      %add3A_168 = arith.constant 0 : i32
      %add3A_169 = arith.addi %mul3A_153, %add3A_168 : i32
      %dma_start3A_170 = arith.constant 0 : i32
      %dma_start3A_171 = tpu.memref_slice %arg7[%add3A_169, %dma_start3A_170] : memref<80x128xi32, #tpu.memory_space<vmem>> -> memref<1x128xi32, #tpu.memory_space<vmem>>
      %dma_start3A_172 = tpu.memref_squeeze %dma_start3A_171 : memref<1x128xi32, #tpu.memory_space<vmem>> -> memref<128xi32, #tpu.memory_space<vmem>>
      %dma_start3A_173 = arith.constant 0 : i32
      %dma_start3A_174 = arith.constant 0 : i32
      %dma_start3A_175 = tpu.memref_slice %arg17[%dma_start3A_173, %dma_start3A_174] : memref<10080x64xf32, #tpu.memory_space<vmem_shared>> -> memref<10080x64xf32, #tpu.memory_space<vmem_shared>>
      tpu.enqueue_indirect_dma source(%arg8 : memref<128x64xf32, #tpu.memory_space<vmem>>) target(%dma_start3A_175 : memref<10080x64xf32, #tpu.memory_space<vmem_shared>>) offsets(%dma_start3A_172 : memref<128xi32, #tpu.memory_space<vmem>>) semaphore(%arg18 : memref<!tpu.dma_semaphore, #tpu.memory_space<semaphore_mem>>) {add = true}
      %dma_wait3A_176 = arith.constant 0 : i32
      %dma_wait3A_177 = arith.constant 0 : i32
      %dma_wait3A_178 = arith.constant 0 : i32
      %dma_wait3A_179 = tpu.memref_slice %arg2[%dma_wait3A_176, %dma_wait3A_177, %dma_wait3A_178] : memref<2x10000x64xf32, #tpu.memory_space<hbm>> -> memref<1x10000x64xf32, #tpu.memory_space<hbm>>
      %dma_wait3A_180 = tpu.memref_squeeze %dma_wait3A_179 : memref<1x10000x64xf32, #tpu.memory_space<hbm>> -> memref<10000x64xf32, #tpu.memory_space<hbm>>
      %dma_wait3A_181 = arith.constant 0 : i32
      %dma_wait3A_182 = arith.constant 0 : i32
      %dma_wait3A_183 = tpu.memref_slice %dma_wait3A_180[%dma_wait3A_181, %dma_wait3A_182] : memref<10000x64xf32, #tpu.memory_space<hbm>> -> memref<128x64xf32, #tpu.memory_space<hbm>>
      %dma_wait3A_184 = arith.constant 0 : i32
      %dma_wait3A_185 = arith.constant 0 : i32
      %dma_wait3A_186 = tpu.memref_slice %arg2[%dma_wait3A_176, %dma_wait3A_184, %dma_wait3A_185] : memref<2x10000x64xf32, #tpu.memory_space<hbm>> -> memref<1x10000x64xf32, #tpu.memory_space<hbm>>
      %dma_wait3A_187 = tpu.memref_squeeze %dma_wait3A_186 : memref<1x10000x64xf32, #tpu.memory_space<hbm>> -> memref<10000x64xf32, #tpu.memory_space<hbm>>
      %dma_wait3A_188 = arith.constant 0 : i32
      %dma_wait3A_189 = arith.constant 0 : i32
      %dma_wait3A_190 = tpu.memref_slice %dma_wait3A_187[%dma_wait3A_188, %dma_wait3A_189] : memref<10000x64xf32, #tpu.memory_space<hbm>> -> memref<128x64xf32, #tpu.memory_space<hbm>>
      tpu.wait_dma2 semaphore(%arg19 : memref<!tpu.dma_semaphore, #tpu.memory_space<semaphore_mem>>) src(%dma_wait3A_190 : memref<128x64xf32, #tpu.memory_space<hbm>>) dst(%arg9 : memref<128x64xf32, #tpu.memory_space<vmem>>)
      %add3A_191 = arith.constant 1 : i32
      %add3A_192 = arith.addi %mul3A_153, %add3A_191 : i32
      %dma_start3A_193 = arith.constant 0 : i32
      %dma_start3A_194 = tpu.memref_slice %arg7[%add3A_192, %dma_start3A_193] : memref<80x128xi32, #tpu.memory_space<vmem>> -> memref<1x128xi32, #tpu.memory_space<vmem>>
      %dma_start3A_195 = tpu.memref_squeeze %dma_start3A_194 : memref<1x128xi32, #tpu.memory_space<vmem>> -> memref<128xi32, #tpu.memory_space<vmem>>
      %dma_start3A_196 = arith.constant 0 : i32
      %dma_start3A_197 = arith.constant 0 : i32
      %dma_start3A_198 = tpu.memref_slice %arg17[%dma_start3A_196, %dma_start3A_197] : memref<10080x64xf32, #tpu.memory_space<vmem_shared>> -> memref<10080x64xf32, #tpu.memory_space<vmem_shared>>
      tpu.enqueue_indirect_dma source(%arg9 : memref<128x64xf32, #tpu.memory_space<vmem>>) target(%dma_start3A_198 : memref<10080x64xf32, #tpu.memory_space<vmem_shared>>) offsets(%dma_start3A_195 : memref<128xi32, #tpu.memory_space<vmem>>) semaphore(%arg19 : memref<!tpu.dma_semaphore, #tpu.memory_space<semaphore_mem>>) {add = true}
      %dma_wait3A_199 = arith.constant 0 : i32
      %dma_wait3A_200 = arith.constant 0 : i32
      %dma_wait3A_201 = arith.constant 0 : i32
      %dma_wait3A_202 = tpu.memref_slice %arg2[%dma_wait3A_199, %dma_wait3A_200, %dma_wait3A_201] : memref<2x10000x64xf32, #tpu.memory_space<hbm>> -> memref<1x10000x64xf32, #tpu.memory_space<hbm>>
      %dma_wait3A_203 = tpu.memref_squeeze %dma_wait3A_202 : memref<1x10000x64xf32, #tpu.memory_space<hbm>> -> memref<10000x64xf32, #tpu.memory_space<hbm>>
      %dma_wait3A_204 = arith.constant 0 : i32
      %dma_wait3A_205 = arith.constant 0 : i32
      %dma_wait3A_206 = tpu.memref_slice %dma_wait3A_203[%dma_wait3A_204, %dma_wait3A_205] : memref<10000x64xf32, #tpu.memory_space<hbm>> -> memref<128x64xf32, #tpu.memory_space<hbm>>
      %dma_wait3A_207 = arith.constant 0 : i32
      %dma_wait3A_208 = arith.constant 0 : i32
      %dma_wait3A_209 = tpu.memref_slice %arg2[%dma_wait3A_199, %dma_wait3A_207, %dma_wait3A_208] : memref<2x10000x64xf32, #tpu.memory_space<hbm>> -> memref<1x10000x64xf32, #tpu.memory_space<hbm>>
      %dma_wait3A_210 = tpu.memref_squeeze %dma_wait3A_209 : memref<1x10000x64xf32, #tpu.memory_space<hbm>> -> memref<10000x64xf32, #tpu.memory_space<hbm>>
      %dma_wait3A_211 = arith.constant 0 : i32
      %dma_wait3A_212 = arith.constant 0 : i32
      %dma_wait3A_213 = tpu.memref_slice %dma_wait3A_210[%dma_wait3A_211, %dma_wait3A_212] : memref<10000x64xf32, #tpu.memory_space<hbm>> -> memref<128x64xf32, #tpu.memory_space<hbm>>
      tpu.wait_dma2 semaphore(%arg20 : memref<!tpu.dma_semaphore, #tpu.memory_space<semaphore_mem>>) src(%dma_wait3A_213 : memref<128x64xf32, #tpu.memory_space<hbm>>) dst(%arg10 : memref<128x64xf32, #tpu.memory_space<vmem>>)
      %add3A_214 = arith.constant 2 : i32
      %add3A_215 = arith.addi %mul3A_153, %add3A_214 : i32
      %dma_start3A_216 = arith.constant 0 : i32
      %dma_start3A_217 = tpu.memref_slice %arg7[%add3A_215, %dma_start3A_216] : memref<80x128xi32, #tpu.memory_space<vmem>> -> memref<1x128xi32, #tpu.memory_space<vmem>>
      %dma_start3A_218 = tpu.memref_squeeze %dma_start3A_217 : memref<1x128xi32, #tpu.memory_space<vmem>> -> memref<128xi32, #tpu.memory_space<vmem>>
      %dma_start3A_219 = arith.constant 0 : i32
      %dma_start3A_220 = arith.constant 0 : i32
      %dma_start3A_221 = tpu.memref_slice %arg17[%dma_start3A_219, %dma_start3A_220] : memref<10080x64xf32, #tpu.memory_space<vmem_shared>> -> memref<10080x64xf32, #tpu.memory_space<vmem_shared>>
      tpu.enqueue_indirect_dma source(%arg10 : memref<128x64xf32, #tpu.memory_space<vmem>>) target(%dma_start3A_221 : memref<10080x64xf32, #tpu.memory_space<vmem_shared>>) offsets(%dma_start3A_218 : memref<128xi32, #tpu.memory_space<vmem>>) semaphore(%arg20 : memref<!tpu.dma_semaphore, #tpu.memory_space<semaphore_mem>>) {add = true}
      %dma_wait3A_222 = arith.constant 0 : i32
      %dma_wait3A_223 = arith.constant 0 : i32
      %dma_wait3A_224 = arith.constant 0 : i32
      %dma_wait3A_225 = tpu.memref_slice %arg2[%dma_wait3A_222, %dma_wait3A_223, %dma_wait3A_224] : memref<2x10000x64xf32, #tpu.memory_space<hbm>> -> memref<1x10000x64xf32, #tpu.memory_space<hbm>>
      %dma_wait3A_226 = tpu.memref_squeeze %dma_wait3A_225 : memref<1x10000x64xf32, #tpu.memory_space<hbm>> -> memref<10000x64xf32, #tpu.memory_space<hbm>>
      %dma_wait3A_227 = arith.constant 0 : i32
      %dma_wait3A_228 = arith.constant 0 : i32
      %dma_wait3A_229 = tpu.memref_slice %dma_wait3A_226[%dma_wait3A_227, %dma_wait3A_228] : memref<10000x64xf32, #tpu.memory_space<hbm>> -> memref<128x64xf32, #tpu.memory_space<hbm>>
      %dma_wait3A_230 = arith.constant 0 : i32
      %dma_wait3A_231 = arith.constant 0 : i32
      %dma_wait3A_232 = tpu.memref_slice %arg2[%dma_wait3A_222, %dma_wait3A_230, %dma_wait3A_231] : memref<2x10000x64xf32, #tpu.memory_space<hbm>> -> memref<1x10000x64xf32, #tpu.memory_space<hbm>>
      %dma_wait3A_233 = tpu.memref_squeeze %dma_wait3A_232 : memref<1x10000x64xf32, #tpu.memory_space<hbm>> -> memref<10000x64xf32, #tpu.memory_space<hbm>>
      %dma_wait3A_234 = arith.constant 0 : i32
      %dma_wait3A_235 = arith.constant 0 : i32
      %dma_wait3A_236 = tpu.memref_slice %dma_wait3A_233[%dma_wait3A_234, %dma_wait3A_235] : memref<10000x64xf32, #tpu.memory_space<hbm>> -> memref<128x64xf32, #tpu.memory_space<hbm>>
      tpu.wait_dma2 semaphore(%arg21 : memref<!tpu.dma_semaphore, #tpu.memory_space<semaphore_mem>>) src(%dma_wait3A_236 : memref<128x64xf32, #tpu.memory_space<hbm>>) dst(%arg11 : memref<128x64xf32, #tpu.memory_space<vmem>>)
      %add3A_237 = arith.constant 3 : i32
      %add3A_238 = arith.addi %mul3A_153, %add3A_237 : i32
      %dma_start3A_239 = arith.constant 0 : i32
      %dma_start3A_240 = tpu.memref_slice %arg7[%add3A_238, %dma_start3A_239] : memref<80x128xi32, #tpu.memory_space<vmem>> -> memref<1x128xi32, #tpu.memory_space<vmem>>
      %dma_start3A_241 = tpu.memref_squeeze %dma_start3A_240 : memref<1x128xi32, #tpu.memory_space<vmem>> -> memref<128xi32, #tpu.memory_space<vmem>>
      %dma_start3A_242 = arith.constant 0 : i32
      %dma_start3A_243 = arith.constant 0 : i32
      %dma_start3A_244 = tpu.memref_slice %arg17[%dma_start3A_242, %dma_start3A_243] : memref<10080x64xf32, #tpu.memory_space<vmem_shared>> -> memref<10080x64xf32, #tpu.memory_space<vmem_shared>>
      tpu.enqueue_indirect_dma source(%arg11 : memref<128x64xf32, #tpu.memory_space<vmem>>) target(%dma_start3A_244 : memref<10080x64xf32, #tpu.memory_space<vmem_shared>>) offsets(%dma_start3A_241 : memref<128xi32, #tpu.memory_space<vmem>>) semaphore(%arg21 : memref<!tpu.dma_semaphore, #tpu.memory_space<semaphore_mem>>) {add = true}
      %add3A_245 = arith.constant 8 : i32
      %add3A_246 = arith.addi %mul3A_153, %add3A_245 : i32
      %add3A_247 = arith.constant 0 : i32
      %add3A_248 = arith.addi %add3A_246, %add3A_247 : i32
      %dma_wait3A_249 = arith.constant 0 : i32
      %dma_wait3A_250 = arith.constant 0 : i32
      %dma_wait3A_251 = tpu.memref_slice %arg7[%dma_wait3A_249, %dma_wait3A_250] : memref<80x128xi32, #tpu.memory_space<vmem>> -> memref<1x128xi32, #tpu.memory_space<vmem>>
      %dma_wait3A_252 = tpu.memref_squeeze %dma_wait3A_251 : memref<1x128xi32, #tpu.memory_space<vmem>> -> memref<128xi32, #tpu.memory_space<vmem>>
      %dma_wait3A_253 = arith.constant 0 : i32
      %dma_wait3A_254 = arith.constant 0 : i32
      %dma_wait3A_255 = tpu.memref_slice %arg17[%dma_wait3A_253, %dma_wait3A_254] : memref<10080x64xf32, #tpu.memory_space<vmem_shared>> -> memref<10080x64xf32, #tpu.memory_space<vmem_shared>>
      tpu.wait_indirect_dma semaphore(%arg18 : memref<!tpu.dma_semaphore, #tpu.memory_space<semaphore_mem>>) src(%arg8 : memref<128x64xf32, #tpu.memory_space<vmem>>) dst(%dma_wait3A_255 : memref<10080x64xf32, #tpu.memory_space<vmem_shared>>)
      %lt3A = arith.constant 80 : i32
      %lt3A_256 = arith.cmpi slt, %add3A_248, %lt3A : i32
      %convert_element_type3A = arith.extui %lt3A_256 : i1 to i32
      %cond3A = arith.constant 0 : i32
      %cond3A_257 = arith.cmpi ne, %convert_element_type3A, %cond3A : i32
      scf.if %cond3A_257 {
        %dma_start3A_463 = arith.constant 0 : i32
        %dma_start3A_464 = tpu.memref_slice %arg6[%add3A_248, %dma_start3A_463] : memref<80x128xi32, #tpu.memory_space<vmem>> -> memref<1x128xi32, #tpu.memory_space<vmem>>
        %dma_start3A_465 = tpu.memref_squeeze %dma_start3A_464 : memref<1x128xi32, #tpu.memory_space<vmem>> -> memref<128xi32, #tpu.memory_space<vmem>>
        %dma_start3A_466 = arith.constant 0 : i32
        %dma_start3A_467 = arith.constant 0 : i32
        %dma_start3A_468 = tpu.memref_slice %arg2[%add3A_48, %dma_start3A_466, %dma_start3A_467] : memref<2x10000x64xf32, #tpu.memory_space<hbm>> -> memref<1x10000x64xf32, #tpu.memory_space<hbm>>
        %dma_start3A_469 = tpu.memref_squeeze %dma_start3A_468 : memref<1x10000x64xf32, #tpu.memory_space<hbm>> -> memref<10000x64xf32, #tpu.memory_space<hbm>>
        %dma_start3A_470 = arith.constant 0 : i32
        %dma_start3A_471 = arith.constant 0 : i32
        %dma_start3A_472 = tpu.memref_slice %dma_start3A_469[%dma_start3A_470, %dma_start3A_471] : memref<10000x64xf32, #tpu.memory_space<hbm>> -> memref<10000x64xf32, #tpu.memory_space<hbm>>
        tpu.enqueue_indirect_dma source(%dma_start3A_472 : memref<10000x64xf32, #tpu.memory_space<hbm>>) target(%arg8 : memref<128x64xf32, #tpu.memory_space<vmem>>) offsets(%dma_start3A_465 : memref<128xi32, #tpu.memory_space<vmem>>) semaphore(%arg18 : memref<!tpu.dma_semaphore, #tpu.memory_space<semaphore_mem>>)
      } else {
      }
      %add3A_258 = arith.constant 8 : i32
      %add3A_259 = arith.addi %mul3A_153, %add3A_258 : i32
      %add3A_260 = arith.constant 1 : i32
      %add3A_261 = arith.addi %add3A_259, %add3A_260 : i32
      %dma_wait3A_262 = arith.constant 0 : i32
      %dma_wait3A_263 = arith.constant 0 : i32
      %dma_wait3A_264 = tpu.memref_slice %arg7[%dma_wait3A_262, %dma_wait3A_263] : memref<80x128xi32, #tpu.memory_space<vmem>> -> memref<1x128xi32, #tpu.memory_space<vmem>>
      %dma_wait3A_265 = tpu.memref_squeeze %dma_wait3A_264 : memref<1x128xi32, #tpu.memory_space<vmem>> -> memref<128xi32, #tpu.memory_space<vmem>>
      %dma_wait3A_266 = arith.constant 0 : i32
      %dma_wait3A_267 = arith.constant 0 : i32
      %dma_wait3A_268 = tpu.memref_slice %arg17[%dma_wait3A_266, %dma_wait3A_267] : memref<10080x64xf32, #tpu.memory_space<vmem_shared>> -> memref<10080x64xf32, #tpu.memory_space<vmem_shared>>
      tpu.wait_indirect_dma semaphore(%arg19 : memref<!tpu.dma_semaphore, #tpu.memory_space<semaphore_mem>>) src(%arg9 : memref<128x64xf32, #tpu.memory_space<vmem>>) dst(%dma_wait3A_268 : memref<10080x64xf32, #tpu.memory_space<vmem_shared>>)
      %lt3A_269 = arith.constant 80 : i32
      %lt3A_270 = arith.cmpi slt, %add3A_261, %lt3A_269 : i32
      %convert_element_type3A_271 = arith.extui %lt3A_270 : i1 to i32
      %cond3A_272 = arith.constant 0 : i32
      %cond3A_273 = arith.cmpi ne, %convert_element_type3A_271, %cond3A_272 : i32
      scf.if %cond3A_273 {
        %dma_start3A_463 = arith.constant 0 : i32
        %dma_start3A_464 = tpu.memref_slice %arg6[%add3A_261, %dma_start3A_463] : memref<80x128xi32, #tpu.memory_space<vmem>> -> memref<1x128xi32, #tpu.memory_space<vmem>>
        %dma_start3A_465 = tpu.memref_squeeze %dma_start3A_464 : memref<1x128xi32, #tpu.memory_space<vmem>> -> memref<128xi32, #tpu.memory_space<vmem>>
        %dma_start3A_466 = arith.constant 0 : i32
        %dma_start3A_467 = arith.constant 0 : i32
        %dma_start3A_468 = tpu.memref_slice %arg2[%add3A_48, %dma_start3A_466, %dma_start3A_467] : memref<2x10000x64xf32, #tpu.memory_space<hbm>> -> memref<1x10000x64xf32, #tpu.memory_space<hbm>>
        %dma_start3A_469 = tpu.memref_squeeze %dma_start3A_468 : memref<1x10000x64xf32, #tpu.memory_space<hbm>> -> memref<10000x64xf32, #tpu.memory_space<hbm>>
        %dma_start3A_470 = arith.constant 0 : i32
        %dma_start3A_471 = arith.constant 0 : i32
        %dma_start3A_472 = tpu.memref_slice %dma_start3A_469[%dma_start3A_470, %dma_start3A_471] : memref<10000x64xf32, #tpu.memory_space<hbm>> -> memref<10000x64xf32, #tpu.memory_space<hbm>>
        tpu.enqueue_indirect_dma source(%dma_start3A_472 : memref<10000x64xf32, #tpu.memory_space<hbm>>) target(%arg9 : memref<128x64xf32, #tpu.memory_space<vmem>>) offsets(%dma_start3A_465 : memref<128xi32, #tpu.memory_space<vmem>>) semaphore(%arg19 : memref<!tpu.dma_semaphore, #tpu.memory_space<semaphore_mem>>)
      } else {
      }
      %add3A_274 = arith.constant 8 : i32
      %add3A_275 = arith.addi %mul3A_153, %add3A_274 : i32
      %add3A_276 = arith.constant 2 : i32
      %add3A_277 = arith.addi %add3A_275, %add3A_276 : i32
      %dma_wait3A_278 = arith.constant 0 : i32
      %dma_wait3A_279 = arith.constant 0 : i32
      %dma_wait3A_280 = tpu.memref_slice %arg7[%dma_wait3A_278, %dma_wait3A_279] : memref<80x128xi32, #tpu.memory_space<vmem>> -> memref<1x128xi32, #tpu.memory_space<vmem>>
      %dma_wait3A_281 = tpu.memref_squeeze %dma_wait3A_280 : memref<1x128xi32, #tpu.memory_space<vmem>> -> memref<128xi32, #tpu.memory_space<vmem>>
      %dma_wait3A_282 = arith.constant 0 : i32
      %dma_wait3A_283 = arith.constant 0 : i32
      %dma_wait3A_284 = tpu.memref_slice %arg17[%dma_wait3A_282, %dma_wait3A_283] : memref<10080x64xf32, #tpu.memory_space<vmem_shared>> -> memref<10080x64xf32, #tpu.memory_space<vmem_shared>>
      tpu.wait_indirect_dma semaphore(%arg20 : memref<!tpu.dma_semaphore, #tpu.memory_space<semaphore_mem>>) src(%arg10 : memref<128x64xf32, #tpu.memory_space<vmem>>) dst(%dma_wait3A_284 : memref<10080x64xf32, #tpu.memory_space<vmem_shared>>)
      %lt3A_285 = arith.constant 80 : i32
      %lt3A_286 = arith.cmpi slt, %add3A_277, %lt3A_285 : i32
      %convert_element_type3A_287 = arith.extui %lt3A_286 : i1 to i32
      %cond3A_288 = arith.constant 0 : i32
      %cond3A_289 = arith.cmpi ne, %convert_element_type3A_287, %cond3A_288 : i32
      scf.if %cond3A_289 {
        %dma_start3A_463 = arith.constant 0 : i32
        %dma_start3A_464 = tpu.memref_slice %arg6[%add3A_277, %dma_start3A_463] : memref<80x128xi32, #tpu.memory_space<vmem>> -> memref<1x128xi32, #tpu.memory_space<vmem>>
        %dma_start3A_465 = tpu.memref_squeeze %dma_start3A_464 : memref<1x128xi32, #tpu.memory_space<vmem>> -> memref<128xi32, #tpu.memory_space<vmem>>
        %dma_start3A_466 = arith.constant 0 : i32
        %dma_start3A_467 = arith.constant 0 : i32
        %dma_start3A_468 = tpu.memref_slice %arg2[%add3A_48, %dma_start3A_466, %dma_start3A_467] : memref<2x10000x64xf32, #tpu.memory_space<hbm>> -> memref<1x10000x64xf32, #tpu.memory_space<hbm>>
        %dma_start3A_469 = tpu.memref_squeeze %dma_start3A_468 : memref<1x10000x64xf32, #tpu.memory_space<hbm>> -> memref<10000x64xf32, #tpu.memory_space<hbm>>
        %dma_start3A_470 = arith.constant 0 : i32
        %dma_start3A_471 = arith.constant 0 : i32
        %dma_start3A_472 = tpu.memref_slice %dma_start3A_469[%dma_start3A_470, %dma_start3A_471] : memref<10000x64xf32, #tpu.memory_space<hbm>> -> memref<10000x64xf32, #tpu.memory_space<hbm>>
        tpu.enqueue_indirect_dma source(%dma_start3A_472 : memref<10000x64xf32, #tpu.memory_space<hbm>>) target(%arg10 : memref<128x64xf32, #tpu.memory_space<vmem>>) offsets(%dma_start3A_465 : memref<128xi32, #tpu.memory_space<vmem>>) semaphore(%arg20 : memref<!tpu.dma_semaphore, #tpu.memory_space<semaphore_mem>>)
      } else {
      }
      %add3A_290 = arith.constant 8 : i32
      %add3A_291 = arith.addi %mul3A_153, %add3A_290 : i32
      %add3A_292 = arith.constant 3 : i32
      %add3A_293 = arith.addi %add3A_291, %add3A_292 : i32
      %dma_wait3A_294 = arith.constant 0 : i32
      %dma_wait3A_295 = arith.constant 0 : i32
      %dma_wait3A_296 = tpu.memref_slice %arg7[%dma_wait3A_294, %dma_wait3A_295] : memref<80x128xi32, #tpu.memory_space<vmem>> -> memref<1x128xi32, #tpu.memory_space<vmem>>
      %dma_wait3A_297 = tpu.memref_squeeze %dma_wait3A_296 : memref<1x128xi32, #tpu.memory_space<vmem>> -> memref<128xi32, #tpu.memory_space<vmem>>
      %dma_wait3A_298 = arith.constant 0 : i32
      %dma_wait3A_299 = arith.constant 0 : i32
      %dma_wait3A_300 = tpu.memref_slice %arg17[%dma_wait3A_298, %dma_wait3A_299] : memref<10080x64xf32, #tpu.memory_space<vmem_shared>> -> memref<10080x64xf32, #tpu.memory_space<vmem_shared>>
      tpu.wait_indirect_dma semaphore(%arg21 : memref<!tpu.dma_semaphore, #tpu.memory_space<semaphore_mem>>) src(%arg11 : memref<128x64xf32, #tpu.memory_space<vmem>>) dst(%dma_wait3A_300 : memref<10080x64xf32, #tpu.memory_space<vmem_shared>>)
      %lt3A_301 = arith.constant 80 : i32
      %lt3A_302 = arith.cmpi slt, %add3A_293, %lt3A_301 : i32
      %convert_element_type3A_303 = arith.extui %lt3A_302 : i1 to i32
      %cond3A_304 = arith.constant 0 : i32
      %cond3A_305 = arith.cmpi ne, %convert_element_type3A_303, %cond3A_304 : i32
      scf.if %cond3A_305 {
        %dma_start3A_463 = arith.constant 0 : i32
        %dma_start3A_464 = tpu.memref_slice %arg6[%add3A_293, %dma_start3A_463] : memref<80x128xi32, #tpu.memory_space<vmem>> -> memref<1x128xi32, #tpu.memory_space<vmem>>
        %dma_start3A_465 = tpu.memref_squeeze %dma_start3A_464 : memref<1x128xi32, #tpu.memory_space<vmem>> -> memref<128xi32, #tpu.memory_space<vmem>>
        %dma_start3A_466 = arith.constant 0 : i32
        %dma_start3A_467 = arith.constant 0 : i32
        %dma_start3A_468 = tpu.memref_slice %arg2[%add3A_48, %dma_start3A_466, %dma_start3A_467] : memref<2x10000x64xf32, #tpu.memory_space<hbm>> -> memref<1x10000x64xf32, #tpu.memory_space<hbm>>
        %dma_start3A_469 = tpu.memref_squeeze %dma_start3A_468 : memref<1x10000x64xf32, #tpu.memory_space<hbm>> -> memref<10000x64xf32, #tpu.memory_space<hbm>>
        %dma_start3A_470 = arith.constant 0 : i32
        %dma_start3A_471 = arith.constant 0 : i32
        %dma_start3A_472 = tpu.memref_slice %dma_start3A_469[%dma_start3A_470, %dma_start3A_471] : memref<10000x64xf32, #tpu.memory_space<hbm>> -> memref<10000x64xf32, #tpu.memory_space<hbm>>
        tpu.enqueue_indirect_dma source(%dma_start3A_472 : memref<10000x64xf32, #tpu.memory_space<hbm>>) target(%arg11 : memref<128x64xf32, #tpu.memory_space<vmem>>) offsets(%dma_start3A_465 : memref<128xi32, #tpu.memory_space<vmem>>) semaphore(%arg21 : memref<!tpu.dma_semaphore, #tpu.memory_space<semaphore_mem>>)
      } else {
      }
      %dma_wait3A_306 = arith.constant 0 : i32
      %dma_wait3A_307 = arith.constant 0 : i32
      %dma_wait3A_308 = arith.constant 0 : i32
      %dma_wait3A_309 = tpu.memref_slice %arg2[%dma_wait3A_306, %dma_wait3A_307, %dma_wait3A_308] : memref<2x10000x64xf32, #tpu.memory_space<hbm>> -> memref<1x10000x64xf32, #tpu.memory_space<hbm>>
      %dma_wait3A_310 = tpu.memref_squeeze %dma_wait3A_309 : memref<1x10000x64xf32, #tpu.memory_space<hbm>> -> memref<10000x64xf32, #tpu.memory_space<hbm>>
      %dma_wait3A_311 = arith.constant 0 : i32
      %dma_wait3A_312 = arith.constant 0 : i32
      %dma_wait3A_313 = tpu.memref_slice %dma_wait3A_310[%dma_wait3A_311, %dma_wait3A_312] : memref<10000x64xf32, #tpu.memory_space<hbm>> -> memref<128x64xf32, #tpu.memory_space<hbm>>
      %dma_wait3A_314 = arith.constant 0 : i32
      %dma_wait3A_315 = arith.constant 0 : i32
      %dma_wait3A_316 = tpu.memref_slice %arg2[%dma_wait3A_306, %dma_wait3A_314, %dma_wait3A_315] : memref<2x10000x64xf32, #tpu.memory_space<hbm>> -> memref<1x10000x64xf32, #tpu.memory_space<hbm>>
      %dma_wait3A_317 = tpu.memref_squeeze %dma_wait3A_316 : memref<1x10000x64xf32, #tpu.memory_space<hbm>> -> memref<10000x64xf32, #tpu.memory_space<hbm>>
      %dma_wait3A_318 = arith.constant 0 : i32
      %dma_wait3A_319 = arith.constant 0 : i32
      %dma_wait3A_320 = tpu.memref_slice %dma_wait3A_317[%dma_wait3A_318, %dma_wait3A_319] : memref<10000x64xf32, #tpu.memory_space<hbm>> -> memref<128x64xf32, #tpu.memory_space<hbm>>
      tpu.wait_dma2 semaphore(%arg22 : memref<!tpu.dma_semaphore, #tpu.memory_space<semaphore_mem>>) src(%dma_wait3A_320 : memref<128x64xf32, #tpu.memory_space<hbm>>) dst(%arg12 : memref<128x64xf32, #tpu.memory_space<vmem>>)
      %add3A_321 = arith.constant 4 : i32
      %add3A_322 = arith.addi %mul3A_153, %add3A_321 : i32
      %dma_start3A_323 = arith.constant 0 : i32
      %dma_start3A_324 = tpu.memref_slice %arg7[%add3A_322, %dma_start3A_323] : memref<80x128xi32, #tpu.memory_space<vmem>> -> memref<1x128xi32, #tpu.memory_space<vmem>>
      %dma_start3A_325 = tpu.memref_squeeze %dma_start3A_324 : memref<1x128xi32, #tpu.memory_space<vmem>> -> memref<128xi32, #tpu.memory_space<vmem>>
      %dma_start3A_326 = arith.constant 0 : i32
      %dma_start3A_327 = arith.constant 0 : i32
      %dma_start3A_328 = tpu.memref_slice %arg17[%dma_start3A_326, %dma_start3A_327] : memref<10080x64xf32, #tpu.memory_space<vmem_shared>> -> memref<10080x64xf32, #tpu.memory_space<vmem_shared>>
      tpu.enqueue_indirect_dma source(%arg12 : memref<128x64xf32, #tpu.memory_space<vmem>>) target(%dma_start3A_328 : memref<10080x64xf32, #tpu.memory_space<vmem_shared>>) offsets(%dma_start3A_325 : memref<128xi32, #tpu.memory_space<vmem>>) semaphore(%arg22 : memref<!tpu.dma_semaphore, #tpu.memory_space<semaphore_mem>>) {add = true}
      %dma_wait3A_329 = arith.constant 0 : i32
      %dma_wait3A_330 = arith.constant 0 : i32
      %dma_wait3A_331 = arith.constant 0 : i32
      %dma_wait3A_332 = tpu.memref_slice %arg2[%dma_wait3A_329, %dma_wait3A_330, %dma_wait3A_331] : memref<2x10000x64xf32, #tpu.memory_space<hbm>> -> memref<1x10000x64xf32, #tpu.memory_space<hbm>>
      %dma_wait3A_333 = tpu.memref_squeeze %dma_wait3A_332 : memref<1x10000x64xf32, #tpu.memory_space<hbm>> -> memref<10000x64xf32, #tpu.memory_space<hbm>>
      %dma_wait3A_334 = arith.constant 0 : i32
      %dma_wait3A_335 = arith.constant 0 : i32
      %dma_wait3A_336 = tpu.memref_slice %dma_wait3A_333[%dma_wait3A_334, %dma_wait3A_335] : memref<10000x64xf32, #tpu.memory_space<hbm>> -> memref<128x64xf32, #tpu.memory_space<hbm>>
      %dma_wait3A_337 = arith.constant 0 : i32
      %dma_wait3A_338 = arith.constant 0 : i32
      %dma_wait3A_339 = tpu.memref_slice %arg2[%dma_wait3A_329, %dma_wait3A_337, %dma_wait3A_338] : memref<2x10000x64xf32, #tpu.memory_space<hbm>> -> memref<1x10000x64xf32, #tpu.memory_space<hbm>>
      %dma_wait3A_340 = tpu.memref_squeeze %dma_wait3A_339 : memref<1x10000x64xf32, #tpu.memory_space<hbm>> -> memref<10000x64xf32, #tpu.memory_space<hbm>>
      %dma_wait3A_341 = arith.constant 0 : i32
      %dma_wait3A_342 = arith.constant 0 : i32
      %dma_wait3A_343 = tpu.memref_slice %dma_wait3A_340[%dma_wait3A_341, %dma_wait3A_342] : memref<10000x64xf32, #tpu.memory_space<hbm>> -> memref<128x64xf32, #tpu.memory_space<hbm>>
      tpu.wait_dma2 semaphore(%arg23 : memref<!tpu.dma_semaphore, #tpu.memory_space<semaphore_mem>>) src(%dma_wait3A_343 : memref<128x64xf32, #tpu.memory_space<hbm>>) dst(%arg13 : memref<128x64xf32, #tpu.memory_space<vmem>>)
      %add3A_344 = arith.constant 5 : i32
      %add3A_345 = arith.addi %mul3A_153, %add3A_344 : i32
      %dma_start3A_346 = arith.constant 0 : i32
      %dma_start3A_347 = tpu.memref_slice %arg7[%add3A_345, %dma_start3A_346] : memref<80x128xi32, #tpu.memory_space<vmem>> -> memref<1x128xi32, #tpu.memory_space<vmem>>
      %dma_start3A_348 = tpu.memref_squeeze %dma_start3A_347 : memref<1x128xi32, #tpu.memory_space<vmem>> -> memref<128xi32, #tpu.memory_space<vmem>>
      %dma_start3A_349 = arith.constant 0 : i32
      %dma_start3A_350 = arith.constant 0 : i32
      %dma_start3A_351 = tpu.memref_slice %arg17[%dma_start3A_349, %dma_start3A_350] : memref<10080x64xf32, #tpu.memory_space<vmem_shared>> -> memref<10080x64xf32, #tpu.memory_space<vmem_shared>>
      tpu.enqueue_indirect_dma source(%arg13 : memref<128x64xf32, #tpu.memory_space<vmem>>) target(%dma_start3A_351 : memref<10080x64xf32, #tpu.memory_space<vmem_shared>>) offsets(%dma_start3A_348 : memref<128xi32, #tpu.memory_space<vmem>>) semaphore(%arg23 : memref<!tpu.dma_semaphore, #tpu.memory_space<semaphore_mem>>) {add = true}
      %dma_wait3A_352 = arith.constant 0 : i32
      %dma_wait3A_353 = arith.constant 0 : i32
      %dma_wait3A_354 = arith.constant 0 : i32
      %dma_wait3A_355 = tpu.memref_slice %arg2[%dma_wait3A_352, %dma_wait3A_353, %dma_wait3A_354] : memref<2x10000x64xf32, #tpu.memory_space<hbm>> -> memref<1x10000x64xf32, #tpu.memory_space<hbm>>
      %dma_wait3A_356 = tpu.memref_squeeze %dma_wait3A_355 : memref<1x10000x64xf32, #tpu.memory_space<hbm>> -> memref<10000x64xf32, #tpu.memory_space<hbm>>
      %dma_wait3A_357 = arith.constant 0 : i32
      %dma_wait3A_358 = arith.constant 0 : i32
      %dma_wait3A_359 = tpu.memref_slice %dma_wait3A_356[%dma_wait3A_357, %dma_wait3A_358] : memref<10000x64xf32, #tpu.memory_space<hbm>> -> memref<128x64xf32, #tpu.memory_space<hbm>>
      %dma_wait3A_360 = arith.constant 0 : i32
      %dma_wait3A_361 = arith.constant 0 : i32
      %dma_wait3A_362 = tpu.memref_slice %arg2[%dma_wait3A_352, %dma_wait3A_360, %dma_wait3A_361] : memref<2x10000x64xf32, #tpu.memory_space<hbm>> -> memref<1x10000x64xf32, #tpu.memory_space<hbm>>
      %dma_wait3A_363 = tpu.memref_squeeze %dma_wait3A_362 : memref<1x10000x64xf32, #tpu.memory_space<hbm>> -> memref<10000x64xf32, #tpu.memory_space<hbm>>
      %dma_wait3A_364 = arith.constant 0 : i32
      %dma_wait3A_365 = arith.constant 0 : i32
      %dma_wait3A_366 = tpu.memref_slice %dma_wait3A_363[%dma_wait3A_364, %dma_wait3A_365] : memref<10000x64xf32, #tpu.memory_space<hbm>> -> memref<128x64xf32, #tpu.memory_space<hbm>>
      tpu.wait_dma2 semaphore(%arg24 : memref<!tpu.dma_semaphore, #tpu.memory_space<semaphore_mem>>) src(%dma_wait3A_366 : memref<128x64xf32, #tpu.memory_space<hbm>>) dst(%arg14 : memref<128x64xf32, #tpu.memory_space<vmem>>)
      %add3A_367 = arith.constant 6 : i32
      %add3A_368 = arith.addi %mul3A_153, %add3A_367 : i32
      %dma_start3A_369 = arith.constant 0 : i32
      %dma_start3A_370 = tpu.memref_slice %arg7[%add3A_368, %dma_start3A_369] : memref<80x128xi32, #tpu.memory_space<vmem>> -> memref<1x128xi32, #tpu.memory_space<vmem>>
      %dma_start3A_371 = tpu.memref_squeeze %dma_start3A_370 : memref<1x128xi32, #tpu.memory_space<vmem>> -> memref<128xi32, #tpu.memory_space<vmem>>
      %dma_start3A_372 = arith.constant 0 : i32
      %dma_start3A_373 = arith.constant 0 : i32
      %dma_start3A_374 = tpu.memref_slice %arg17[%dma_start3A_372, %dma_start3A_373] : memref<10080x64xf32, #tpu.memory_space<vmem_shared>> -> memref<10080x64xf32, #tpu.memory_space<vmem_shared>>
      tpu.enqueue_indirect_dma source(%arg14 : memref<128x64xf32, #tpu.memory_space<vmem>>) target(%dma_start3A_374 : memref<10080x64xf32, #tpu.memory_space<vmem_shared>>) offsets(%dma_start3A_371 : memref<128xi32, #tpu.memory_space<vmem>>) semaphore(%arg24 : memref<!tpu.dma_semaphore, #tpu.memory_space<semaphore_mem>>) {add = true}
      %dma_wait3A_375 = arith.constant 0 : i32
      %dma_wait3A_376 = arith.constant 0 : i32
      %dma_wait3A_377 = arith.constant 0 : i32
      %dma_wait3A_378 = tpu.memref_slice %arg2[%dma_wait3A_375, %dma_wait3A_376, %dma_wait3A_377] : memref<2x10000x64xf32, #tpu.memory_space<hbm>> -> memref<1x10000x64xf32, #tpu.memory_space<hbm>>
      %dma_wait3A_379 = tpu.memref_squeeze %dma_wait3A_378 : memref<1x10000x64xf32, #tpu.memory_space<hbm>> -> memref<10000x64xf32, #tpu.memory_space<hbm>>
      %dma_wait3A_380 = arith.constant 0 : i32
      %dma_wait3A_381 = arith.constant 0 : i32
      %dma_wait3A_382 = tpu.memref_slice %dma_wait3A_379[%dma_wait3A_380, %dma_wait3A_381] : memref<10000x64xf32, #tpu.memory_space<hbm>> -> memref<128x64xf32, #tpu.memory_space<hbm>>
      %dma_wait3A_383 = arith.constant 0 : i32
      %dma_wait3A_384 = arith.constant 0 : i32
      %dma_wait3A_385 = tpu.memref_slice %arg2[%dma_wait3A_375, %dma_wait3A_383, %dma_wait3A_384] : memref<2x10000x64xf32, #tpu.memory_space<hbm>> -> memref<1x10000x64xf32, #tpu.memory_space<hbm>>
      %dma_wait3A_386 = tpu.memref_squeeze %dma_wait3A_385 : memref<1x10000x64xf32, #tpu.memory_space<hbm>> -> memref<10000x64xf32, #tpu.memory_space<hbm>>
      %dma_wait3A_387 = arith.constant 0 : i32
      %dma_wait3A_388 = arith.constant 0 : i32
      %dma_wait3A_389 = tpu.memref_slice %dma_wait3A_386[%dma_wait3A_387, %dma_wait3A_388] : memref<10000x64xf32, #tpu.memory_space<hbm>> -> memref<128x64xf32, #tpu.memory_space<hbm>>
      tpu.wait_dma2 semaphore(%arg25 : memref<!tpu.dma_semaphore, #tpu.memory_space<semaphore_mem>>) src(%dma_wait3A_389 : memref<128x64xf32, #tpu.memory_space<hbm>>) dst(%arg15 : memref<128x64xf32, #tpu.memory_space<vmem>>)
      %add3A_390 = arith.constant 7 : i32
      %add3A_391 = arith.addi %mul3A_153, %add3A_390 : i32
      %dma_start3A_392 = arith.constant 0 : i32
      %dma_start3A_393 = tpu.memref_slice %arg7[%add3A_391, %dma_start3A_392] : memref<80x128xi32, #tpu.memory_space<vmem>> -> memref<1x128xi32, #tpu.memory_space<vmem>>
      %dma_start3A_394 = tpu.memref_squeeze %dma_start3A_393 : memref<1x128xi32, #tpu.memory_space<vmem>> -> memref<128xi32, #tpu.memory_space<vmem>>
      %dma_start3A_395 = arith.constant 0 : i32
      %dma_start3A_396 = arith.constant 0 : i32
      %dma_start3A_397 = tpu.memref_slice %arg17[%dma_start3A_395, %dma_start3A_396] : memref<10080x64xf32, #tpu.memory_space<vmem_shared>> -> memref<10080x64xf32, #tpu.memory_space<vmem_shared>>
      tpu.enqueue_indirect_dma source(%arg15 : memref<128x64xf32, #tpu.memory_space<vmem>>) target(%dma_start3A_397 : memref<10080x64xf32, #tpu.memory_space<vmem_shared>>) offsets(%dma_start3A_394 : memref<128xi32, #tpu.memory_space<vmem>>) semaphore(%arg25 : memref<!tpu.dma_semaphore, #tpu.memory_space<semaphore_mem>>) {add = true}
      %add3A_398 = arith.constant 8 : i32
      %add3A_399 = arith.addi %mul3A_153, %add3A_398 : i32
      %add3A_400 = arith.constant 4 : i32
      %add3A_401 = arith.addi %add3A_399, %add3A_400 : i32
      %dma_wait3A_402 = arith.constant 0 : i32
      %dma_wait3A_403 = arith.constant 0 : i32
      %dma_wait3A_404 = tpu.memref_slice %arg7[%dma_wait3A_402, %dma_wait3A_403] : memref<80x128xi32, #tpu.memory_space<vmem>> -> memref<1x128xi32, #tpu.memory_space<vmem>>
      %dma_wait3A_405 = tpu.memref_squeeze %dma_wait3A_404 : memref<1x128xi32, #tpu.memory_space<vmem>> -> memref<128xi32, #tpu.memory_space<vmem>>
      %dma_wait3A_406 = arith.constant 0 : i32
      %dma_wait3A_407 = arith.constant 0 : i32
      %dma_wait3A_408 = tpu.memref_slice %arg17[%dma_wait3A_406, %dma_wait3A_407] : memref<10080x64xf32, #tpu.memory_space<vmem_shared>> -> memref<10080x64xf32, #tpu.memory_space<vmem_shared>>
      tpu.wait_indirect_dma semaphore(%arg22 : memref<!tpu.dma_semaphore, #tpu.memory_space<semaphore_mem>>) src(%arg12 : memref<128x64xf32, #tpu.memory_space<vmem>>) dst(%dma_wait3A_408 : memref<10080x64xf32, #tpu.memory_space<vmem_shared>>)
      %lt3A_409 = arith.constant 80 : i32
      %lt3A_410 = arith.cmpi slt, %add3A_401, %lt3A_409 : i32
      %convert_element_type3A_411 = arith.extui %lt3A_410 : i1 to i32
      %cond3A_412 = arith.constant 0 : i32
      %cond3A_413 = arith.cmpi ne, %convert_element_type3A_411, %cond3A_412 : i32
      scf.if %cond3A_413 {
        %dma_start3A_463 = arith.constant 0 : i32
        %dma_start3A_464 = tpu.memref_slice %arg6[%add3A_401, %dma_start3A_463] : memref<80x128xi32, #tpu.memory_space<vmem>> -> memref<1x128xi32, #tpu.memory_space<vmem>>
        %dma_start3A_465 = tpu.memref_squeeze %dma_start3A_464 : memref<1x128xi32, #tpu.memory_space<vmem>> -> memref<128xi32, #tpu.memory_space<vmem>>
        %dma_start3A_466 = arith.constant 0 : i32
        %dma_start3A_467 = arith.constant 0 : i32
        %dma_start3A_468 = tpu.memref_slice %arg2[%add3A_48, %dma_start3A_466, %dma_start3A_467] : memref<2x10000x64xf32, #tpu.memory_space<hbm>> -> memref<1x10000x64xf32, #tpu.memory_space<hbm>>
        %dma_start3A_469 = tpu.memref_squeeze %dma_start3A_468 : memref<1x10000x64xf32, #tpu.memory_space<hbm>> -> memref<10000x64xf32, #tpu.memory_space<hbm>>
        %dma_start3A_470 = arith.constant 0 : i32
        %dma_start3A_471 = arith.constant 0 : i32
        %dma_start3A_472 = tpu.memref_slice %dma_start3A_469[%dma_start3A_470, %dma_start3A_471] : memref<10000x64xf32, #tpu.memory_space<hbm>> -> memref<10000x64xf32, #tpu.memory_space<hbm>>
        tpu.enqueue_indirect_dma source(%dma_start3A_472 : memref<10000x64xf32, #tpu.memory_space<hbm>>) target(%arg12 : memref<128x64xf32, #tpu.memory_space<vmem>>) offsets(%dma_start3A_465 : memref<128xi32, #tpu.memory_space<vmem>>) semaphore(%arg22 : memref<!tpu.dma_semaphore, #tpu.memory_space<semaphore_mem>>)
      } else {
      }
      %add3A_414 = arith.constant 8 : i32
      %add3A_415 = arith.addi %mul3A_153, %add3A_414 : i32
      %add3A_416 = arith.constant 5 : i32
      %add3A_417 = arith.addi %add3A_415, %add3A_416 : i32
      %dma_wait3A_418 = arith.constant 0 : i32
      %dma_wait3A_419 = arith.constant 0 : i32
      %dma_wait3A_420 = tpu.memref_slice %arg7[%dma_wait3A_418, %dma_wait3A_419] : memref<80x128xi32, #tpu.memory_space<vmem>> -> memref<1x128xi32, #tpu.memory_space<vmem>>
      %dma_wait3A_421 = tpu.memref_squeeze %dma_wait3A_420 : memref<1x128xi32, #tpu.memory_space<vmem>> -> memref<128xi32, #tpu.memory_space<vmem>>
      %dma_wait3A_422 = arith.constant 0 : i32
      %dma_wait3A_423 = arith.constant 0 : i32
      %dma_wait3A_424 = tpu.memref_slice %arg17[%dma_wait3A_422, %dma_wait3A_423] : memref<10080x64xf32, #tpu.memory_space<vmem_shared>> -> memref<10080x64xf32, #tpu.memory_space<vmem_shared>>
      tpu.wait_indirect_dma semaphore(%arg23 : memref<!tpu.dma_semaphore, #tpu.memory_space<semaphore_mem>>) src(%arg13 : memref<128x64xf32, #tpu.memory_space<vmem>>) dst(%dma_wait3A_424 : memref<10080x64xf32, #tpu.memory_space<vmem_shared>>)
      %lt3A_425 = arith.constant 80 : i32
      %lt3A_426 = arith.cmpi slt, %add3A_417, %lt3A_425 : i32
      %convert_element_type3A_427 = arith.extui %lt3A_426 : i1 to i32
      %cond3A_428 = arith.constant 0 : i32
      %cond3A_429 = arith.cmpi ne, %convert_element_type3A_427, %cond3A_428 : i32
      scf.if %cond3A_429 {
        %dma_start3A_463 = arith.constant 0 : i32
        %dma_start3A_464 = tpu.memref_slice %arg6[%add3A_417, %dma_start3A_463] : memref<80x128xi32, #tpu.memory_space<vmem>> -> memref<1x128xi32, #tpu.memory_space<vmem>>
        %dma_start3A_465 = tpu.memref_squeeze %dma_start3A_464 : memref<1x128xi32, #tpu.memory_space<vmem>> -> memref<128xi32, #tpu.memory_space<vmem>>
        %dma_start3A_466 = arith.constant 0 : i32
        %dma_start3A_467 = arith.constant 0 : i32
        %dma_start3A_468 = tpu.memref_slice %arg2[%add3A_48, %dma_start3A_466, %dma_start3A_467] : memref<2x10000x64xf32, #tpu.memory_space<hbm>> -> memref<1x10000x64xf32, #tpu.memory_space<hbm>>
        %dma_start3A_469 = tpu.memref_squeeze %dma_start3A_468 : memref<1x10000x64xf32, #tpu.memory_space<hbm>> -> memref<10000x64xf32, #tpu.memory_space<hbm>>
        %dma_start3A_470 = arith.constant 0 : i32
        %dma_start3A_471 = arith.constant 0 : i32
        %dma_start3A_472 = tpu.memref_slice %dma_start3A_469[%dma_start3A_470, %dma_start3A_471] : memref<10000x64xf32, #tpu.memory_space<hbm>> -> memref<10000x64xf32, #tpu.memory_space<hbm>>
        tpu.enqueue_indirect_dma source(%dma_start3A_472 : memref<10000x64xf32, #tpu.memory_space<hbm>>) target(%arg13 : memref<128x64xf32, #tpu.memory_space<vmem>>) offsets(%dma_start3A_465 : memref<128xi32, #tpu.memory_space<vmem>>) semaphore(%arg23 : memref<!tpu.dma_semaphore, #tpu.memory_space<semaphore_mem>>)
      } else {
      }
      %add3A_430 = arith.constant 8 : i32
      %add3A_431 = arith.addi %mul3A_153, %add3A_430 : i32
      %add3A_432 = arith.constant 6 : i32
      %add3A_433 = arith.addi %add3A_431, %add3A_432 : i32
      %dma_wait3A_434 = arith.constant 0 : i32
      %dma_wait3A_435 = arith.constant 0 : i32
      %dma_wait3A_436 = tpu.memref_slice %arg7[%dma_wait3A_434, %dma_wait3A_435] : memref<80x128xi32, #tpu.memory_space<vmem>> -> memref<1x128xi32, #tpu.memory_space<vmem>>
      %dma_wait3A_437 = tpu.memref_squeeze %dma_wait3A_436 : memref<1x128xi32, #tpu.memory_space<vmem>> -> memref<128xi32, #tpu.memory_space<vmem>>
      %dma_wait3A_438 = arith.constant 0 : i32
      %dma_wait3A_439 = arith.constant 0 : i32
      %dma_wait3A_440 = tpu.memref_slice %arg17[%dma_wait3A_438, %dma_wait3A_439] : memref<10080x64xf32, #tpu.memory_space<vmem_shared>> -> memref<10080x64xf32, #tpu.memory_space<vmem_shared>>
      tpu.wait_indirect_dma semaphore(%arg24 : memref<!tpu.dma_semaphore, #tpu.memory_space<semaphore_mem>>) src(%arg14 : memref<128x64xf32, #tpu.memory_space<vmem>>) dst(%dma_wait3A_440 : memref<10080x64xf32, #tpu.memory_space<vmem_shared>>)
      %lt3A_441 = arith.constant 80 : i32
      %lt3A_442 = arith.cmpi slt, %add3A_433, %lt3A_441 : i32
      %convert_element_type3A_443 = arith.extui %lt3A_442 : i1 to i32
      %cond3A_444 = arith.constant 0 : i32
      %cond3A_445 = arith.cmpi ne, %convert_element_type3A_443, %cond3A_444 : i32
      scf.if %cond3A_445 {
        %dma_start3A_463 = arith.constant 0 : i32
        %dma_start3A_464 = tpu.memref_slice %arg6[%add3A_433, %dma_start3A_463] : memref<80x128xi32, #tpu.memory_space<vmem>> -> memref<1x128xi32, #tpu.memory_space<vmem>>
        %dma_start3A_465 = tpu.memref_squeeze %dma_start3A_464 : memref<1x128xi32, #tpu.memory_space<vmem>> -> memref<128xi32, #tpu.memory_space<vmem>>
        %dma_start3A_466 = arith.constant 0 : i32
        %dma_start3A_467 = arith.constant 0 : i32
        %dma_start3A_468 = tpu.memref_slice %arg2[%add3A_48, %dma_start3A_466, %dma_start3A_467] : memref<2x10000x64xf32, #tpu.memory_space<hbm>> -> memref<1x10000x64xf32, #tpu.memory_space<hbm>>
        %dma_start3A_469 = tpu.memref_squeeze %dma_start3A_468 : memref<1x10000x64xf32, #tpu.memory_space<hbm>> -> memref<10000x64xf32, #tpu.memory_space<hbm>>
        %dma_start3A_470 = arith.constant 0 : i32
        %dma_start3A_471 = arith.constant 0 : i32
        %dma_start3A_472 = tpu.memref_slice %dma_start3A_469[%dma_start3A_470, %dma_start3A_471] : memref<10000x64xf32, #tpu.memory_space<hbm>> -> memref<10000x64xf32, #tpu.memory_space<hbm>>
        tpu.enqueue_indirect_dma source(%dma_start3A_472 : memref<10000x64xf32, #tpu.memory_space<hbm>>) target(%arg14 : memref<128x64xf32, #tpu.memory_space<vmem>>) offsets(%dma_start3A_465 : memref<128xi32, #tpu.memory_space<vmem>>) semaphore(%arg24 : memref<!tpu.dma_semaphore, #tpu.memory_space<semaphore_mem>>)
      } else {
      }
      %add3A_446 = arith.constant 8 : i32
      %add3A_447 = arith.addi %mul3A_153, %add3A_446 : i32
      %add3A_448 = arith.constant 7 : i32
      %add3A_449 = arith.addi %add3A_447, %add3A_448 : i32
      %dma_wait3A_450 = arith.constant 0 : i32
      %dma_wait3A_451 = arith.constant 0 : i32
      %dma_wait3A_452 = tpu.memref_slice %arg7[%dma_wait3A_450, %dma_wait3A_451] : memref<80x128xi32, #tpu.memory_space<vmem>> -> memref<1x128xi32, #tpu.memory_space<vmem>>
      %dma_wait3A_453 = tpu.memref_squeeze %dma_wait3A_452 : memref<1x128xi32, #tpu.memory_space<vmem>> -> memref<128xi32, #tpu.memory_space<vmem>>
      %dma_wait3A_454 = arith.constant 0 : i32
      %dma_wait3A_455 = arith.constant 0 : i32
      %dma_wait3A_456 = tpu.memref_slice %arg17[%dma_wait3A_454, %dma_wait3A_455] : memref<10080x64xf32, #tpu.memory_space<vmem_shared>> -> memref<10080x64xf32, #tpu.memory_space<vmem_shared>>
      tpu.wait_indirect_dma semaphore(%arg25 : memref<!tpu.dma_semaphore, #tpu.memory_space<semaphore_mem>>) src(%arg15 : memref<128x64xf32, #tpu.memory_space<vmem>>) dst(%dma_wait3A_456 : memref<10080x64xf32, #tpu.memory_space<vmem_shared>>)
      %lt3A_457 = arith.constant 80 : i32
      %lt3A_458 = arith.cmpi slt, %add3A_449, %lt3A_457 : i32
      %convert_element_type3A_459 = arith.extui %lt3A_458 : i1 to i32
      %cond3A_460 = arith.constant 0 : i32
      %cond3A_461 = arith.cmpi ne, %convert_element_type3A_459, %cond3A_460 : i32
      scf.if %cond3A_461 {
        %dma_start3A_463 = arith.constant 0 : i32
        %dma_start3A_464 = tpu.memref_slice %arg6[%add3A_449, %dma_start3A_463] : memref<80x128xi32, #tpu.memory_space<vmem>> -> memref<1x128xi32, #tpu.memory_space<vmem>>
        %dma_start3A_465 = tpu.memref_squeeze %dma_start3A_464 : memref<1x128xi32, #tpu.memory_space<vmem>> -> memref<128xi32, #tpu.memory_space<vmem>>
        %dma_start3A_466 = arith.constant 0 : i32
        %dma_start3A_467 = arith.constant 0 : i32
        %dma_start3A_468 = tpu.memref_slice %arg2[%add3A_48, %dma_start3A_466, %dma_start3A_467] : memref<2x10000x64xf32, #tpu.memory_space<hbm>> -> memref<1x10000x64xf32, #tpu.memory_space<hbm>>
        %dma_start3A_469 = tpu.memref_squeeze %dma_start3A_468 : memref<1x10000x64xf32, #tpu.memory_space<hbm>> -> memref<10000x64xf32, #tpu.memory_space<hbm>>
        %dma_start3A_470 = arith.constant 0 : i32
        %dma_start3A_471 = arith.constant 0 : i32
        %dma_start3A_472 = tpu.memref_slice %dma_start3A_469[%dma_start3A_470, %dma_start3A_471] : memref<10000x64xf32, #tpu.memory_space<hbm>> -> memref<10000x64xf32, #tpu.memory_space<hbm>>
        tpu.enqueue_indirect_dma source(%dma_start3A_472 : memref<10000x64xf32, #tpu.memory_space<hbm>>) target(%arg15 : memref<128x64xf32, #tpu.memory_space<vmem>>) offsets(%dma_start3A_465 : memref<128xi32, #tpu.memory_space<vmem>>) semaphore(%arg25 : memref<!tpu.dma_semaphore, #tpu.memory_space<semaphore_mem>>)
      } else {
      }
      %scan3A_462 = arith.constant 0 : i32
      scf.yield %scan3A_462 : i32
    }
    %scan3A_142 = arith.constant 10 : i32
    %barrier3A_143 = arith.constant 0 : index
    tpu.barrier barrier_id(%barrier3A_143)
    %mul3A_144 = arith.constant 630 : i32
    %mul3A_145 = arith.muli %arg1, %mul3A_144 : i32
    %mul3A_146 = arith.constant 1 : i32
    %mul3A_147 = arith.muli %arg0, %mul3A_146 : i32
    %add3A_148 = arith.constant 0 : i32
    %add3A_149 = arith.addi %mul3A_147, %add3A_148 : i32
    "tpu.region"() ({
      %run_scoped3A = tpu.sem_alloc : memref<!tpu.dma_semaphore, #tpu.memory_space<semaphore_mem>>
      %dma_start3A_150 = arith.constant 0 : i32
      %dma_start3A_151 = tpu.memref_slice %arg5[%add3A_149, %mul3A_145, %dma_start3A_150] : memref<2x10080x64xf32, #tpu.memory_space<hbm>> -> memref<1x630x64xf32, #tpu.memory_space<hbm>>
      %dma_start3A_152 = tpu.memref_squeeze %dma_start3A_151 : memref<1x630x64xf32, #tpu.memory_space<hbm>> -> memref<630x64xf32, #tpu.memory_space<hbm>>
      %dma_start3A_153 = arith.constant 0 : i32
      %dma_start3A_154 = tpu.memref_slice %arg17[%mul3A_145, %dma_start3A_153] : memref<10080x64xf32, #tpu.memory_space<vmem_shared>> -> memref<630x64xf32, #tpu.memory_space<vmem_shared>>
      tpu.enqueue_dma source(%dma_start3A_154 : memref<630x64xf32, #tpu.memory_space<vmem_shared>>) target(%dma_start3A_152 : memref<630x64xf32, #tpu.memory_space<hbm>>) target_semaphore(%run_scoped3A : memref<!tpu.dma_semaphore, #tpu.memory_space<semaphore_mem>>)
      %dma_wait3A = arith.constant 0 : i32
      %dma_wait3A_155 = tpu.memref_slice %arg5[%add3A_149, %mul3A_145, %dma_wait3A] : memref<2x10080x64xf32, #tpu.memory_space<hbm>> -> memref<1x630x64xf32, #tpu.memory_space<hbm>>
      %dma_wait3A_156 = tpu.memref_squeeze %dma_wait3A_155 : memref<1x630x64xf32, #tpu.memory_space<hbm>> -> memref<630x64xf32, #tpu.memory_space<hbm>>
      %dma_wait3A_157 = arith.constant 0 : i32
      %dma_wait3A_158 = tpu.memref_slice %arg17[%mul3A_145, %dma_wait3A_157] : memref<10080x64xf32, #tpu.memory_space<vmem_shared>> -> memref<630x64xf32, #tpu.memory_space<vmem_shared>>
      tpu.wait_dma2 semaphore(%run_scoped3A : memref<!tpu.dma_semaphore, #tpu.memory_space<semaphore_mem>>) src(%dma_wait3A_158 : memref<630x64xf32, #tpu.memory_space<vmem_shared>>) dst(%dma_wait3A_156 : memref<630x64xf32, #tpu.memory_space<hbm>>)
      tpu.yield
    }) : () -> ()
    return
  }
}

#map = affine_map<(d0, d1) -> (0, 0, 0)>
module attributes {stable_mosaic.version = 14 : i64} {
  func.func @sc_sage_cnt(%arg0: i32, %arg1: i32, %arg2: memref<32x40x128xi32, #tpu.memory_space<hbm>>, %arg3: memref<2x10080x16xf32, #tpu.memory_space<hbm>>, %arg4: memref<40x128xi32, #tpu.memory_space<vmem>>, %arg5: memref<128x16xf32, #tpu.memory_space<vmem>>, %arg6: memref<63x16xf32, #tpu.memory_space<vmem>>, %arg7: memref<10080x16xf32, #tpu.memory_space<vmem_shared>>, %arg8: memref<!tpu.dma_semaphore, #tpu.memory_space<semaphore_mem>>) attributes {dimension_semantics = [#tpu.dimension_semantics<core_parallel>, #tpu.dimension_semantics<subcore_parallel>], iteration_bounds = array<i64: 2, 16>, scalar_prefetch = 0 : i64, scratch_operands = 5 : i64, tpu.core_type = #tpu.core_type<sc_vector_subcore>, window_params = [{transform_indices = #map}, {transform_indices = #map}]} {
    %mul3A = arith.constant 16 : i32
    %mul3A_0 = arith.muli %arg0, %mul3A : i32
    %add3A = arith.addi %mul3A_0, %arg1 : i32
    "tpu.region"() ({
      %run_scoped3A = tpu.sem_alloc : memref<!tpu.dma_semaphore, #tpu.memory_space<semaphore_mem>>
      %dma_start3A = arith.constant 0 : i32
      %dma_start3A_74 = arith.constant 0 : i32
      %dma_start3A_75 = tpu.memref_slice %arg2[%add3A, %dma_start3A, %dma_start3A_74] : memref<32x40x128xi32, #tpu.memory_space<hbm>> -> memref<1x40x128xi32, #tpu.memory_space<hbm>>
      %dma_start3A_76 = tpu.memref_squeeze %dma_start3A_75 : memref<1x40x128xi32, #tpu.memory_space<hbm>> -> memref<40x128xi32, #tpu.memory_space<hbm>>
      %dma_start3A_77 = arith.constant 0 : i32
      %dma_start3A_78 = arith.constant 0 : i32
      %dma_start3A_79 = tpu.memref_slice %arg2[%add3A, %dma_start3A_77, %dma_start3A_78] : memref<32x40x128xi32, #tpu.memory_space<hbm>> -> memref<1x40x128xi32, #tpu.memory_space<hbm>>
      %dma_start3A_80 = tpu.memref_squeeze %dma_start3A_79 : memref<1x40x128xi32, #tpu.memory_space<hbm>> -> memref<40x128xi32, #tpu.memory_space<hbm>>
      tpu.enqueue_dma source(%dma_start3A_80 : memref<40x128xi32, #tpu.memory_space<hbm>>) target(%arg4 : memref<40x128xi32, #tpu.memory_space<vmem>>) target_semaphore(%run_scoped3A : memref<!tpu.dma_semaphore, #tpu.memory_space<semaphore_mem>>)
      %dma_wait3A = arith.constant 0 : i32
      %dma_wait3A_81 = arith.constant 0 : i32
      %dma_wait3A_82 = tpu.memref_slice %arg2[%add3A, %dma_wait3A, %dma_wait3A_81] : memref<32x40x128xi32, #tpu.memory_space<hbm>> -> memref<1x40x128xi32, #tpu.memory_space<hbm>>
      %dma_wait3A_83 = tpu.memref_squeeze %dma_wait3A_82 : memref<1x40x128xi32, #tpu.memory_space<hbm>> -> memref<40x128xi32, #tpu.memory_space<hbm>>
      %dma_wait3A_84 = arith.constant 0 : i32
      %dma_wait3A_85 = arith.constant 0 : i32
      %dma_wait3A_86 = tpu.memref_slice %arg2[%add3A, %dma_wait3A_84, %dma_wait3A_85] : memref<32x40x128xi32, #tpu.memory_space<hbm>> -> memref<1x40x128xi32, #tpu.memory_space<hbm>>
      %dma_wait3A_87 = tpu.memref_squeeze %dma_wait3A_86 : memref<1x40x128xi32, #tpu.memory_space<hbm>> -> memref<40x128xi32, #tpu.memory_space<hbm>>
      tpu.wait_dma2 semaphore(%run_scoped3A : memref<!tpu.dma_semaphore, #tpu.memory_space<semaphore_mem>>) src(%dma_wait3A_87 : memref<40x128xi32, #tpu.memory_space<hbm>>) dst(%arg4 : memref<40x128xi32, #tpu.memory_space<vmem>>)
      tpu.yield
    }) : () -> ()
    %broadcast_in_dim3A = arith.constant 0.000000e+00 : f32
    %broadcast_in_dim3A_1 = vector.broadcast %broadcast_in_dim3A : f32 to vector<16xf32>
    %scan3A = arith.constant 0 : i32
    %scan3A_2 = arith.constant 0 : i32
    %scan3A_3 = arith.constant 63 : i32
    %scan3A_4 = arith.addi %scan3A_2, %scan3A_3 : i32
    %scan3A_5 = arith.constant 1 : i32
    %scan3A_6 = scf.for %scan3A_74 = %scan3A_2 to %scan3A_4 step %scan3A_5 iter_args(%scan3A_75 = %scan3A) -> (i32)  : i32 {
      %jit3A = arith.constant 1 : i32
      %div3A = arith.divsi %scan3A_74, %jit3A : i32
      %sign3A = arith.constant 0 : i32
      %sign3A_76 = arith.cmpi sgt, %scan3A_74, %sign3A : i32
      %sign3A_77 = arith.extui %sign3A_76 : i1 to i32
      %sign3A_78 = arith.constant 0 : i32
      %sign3A_79 = arith.cmpi slt, %scan3A_74, %sign3A_78 : i32
      %sign3A_80 = arith.extui %sign3A_79 : i1 to i32
      %sign3A_81 = arith.subi %sign3A_77, %sign3A_80 : i32
      %sign3A_82 = arith.constant 0 : i32
      %sign3A_83 = arith.cmpi sgt, %jit3A, %sign3A_82 : i32
      %sign3A_84 = arith.extui %sign3A_83 : i1 to i32
      %sign3A_85 = arith.constant 0 : i32
      %sign3A_86 = arith.cmpi slt, %jit3A, %sign3A_85 : i32
      %sign3A_87 = arith.extui %sign3A_86 : i1 to i32
      %sign3A_88 = arith.subi %sign3A_84, %sign3A_87 : i32
      %ne3A = arith.cmpi ne, %sign3A_81, %sign3A_88 : i32
      %rem3A = arith.remsi %scan3A_74, %jit3A : i32
      %ne3A_89 = arith.constant 0 : i32
      %ne3A_90 = arith.cmpi ne, %rem3A, %ne3A_89 : i32
      %and3A = arith.andi %ne3A, %ne3A_90 : i1
      %sub3A = arith.constant 1 : i32
      %sub3A_91 = arith.subi %div3A, %sub3A : i32
      %select_n3A = arith.select %and3A, %sub3A_91, %div3A : i32
      %jit3A_92 = arith.constant 1 : i32
      %eq3A = arith.constant 0 : i32
      %eq3A_93 = arith.cmpi eq, %jit3A_92, %eq3A : i32
      %jit3A_94 = arith.constant 1 : i32
      %select_n3A_95 = arith.select %eq3A_93, %jit3A_94, %jit3A_92 : i32
      %rem3A_96 = arith.remsi %scan3A_74, %select_n3A_95 : i32
      %ne3A_97 = arith.constant 0 : i32
      %ne3A_98 = arith.cmpi ne, %rem3A_96, %ne3A_97 : i32
      %lt3A = arith.constant 0 : i32
      %lt3A_99 = arith.cmpi slt, %rem3A_96, %lt3A : i32
      %lt3A_100 = arith.constant 0 : i32
      %lt3A_101 = arith.cmpi slt, %select_n3A_95, %lt3A_100 : i32
      %ne3A_102 = arith.xori %lt3A_99, %lt3A_101 : i1
      %and3A_103 = arith.andi %ne3A_102, %ne3A_98 : i1
      %add3A_104 = arith.addi %rem3A_96, %select_n3A_95 : i32
      %select_n3A_105 = arith.select %and3A_103, %add3A_104, %rem3A_96 : i32
      %mul3A_106 = arith.constant 16 : i32
      %mul3A_107 = arith.muli %select_n3A_105, %mul3A_106 : i32
      %swap3A = arith.index_cast %select_n3A : i32 to index
      %swap3A_108 = arith.index_cast %mul3A_107 : i32 to index
      %swap3A_109 = tpu.vector_load %arg6[%swap3A, %swap3A_108] {strides = array<i32>} : memref<63x16xf32, #tpu.memory_space<vmem>>, vector<1x16xf32>,
      %swap3A_110 = vector.shape_cast %swap3A_109 : vector<1x16xf32> to vector<16xf32>
      %swap3A_111 = vector.shape_cast %broadcast_in_dim3A_1 : vector<16xf32> to vector<1x16xf32>
      tpu.vector_store %arg6[%swap3A, %swap3A_108], %swap3A_111 {strides = array<i32>} : memref<63x16xf32, #tpu.memory_space<vmem>>, vector<1x16xf32>,
      %scan3A_112 = arith.constant 0 : i32
      scf.yield %scan3A_112 : i32
    }
    %scan3A_7 = arith.constant 63 : i32
    %broadcast_in_dim3A_8 = arith.constant 1.000000e+00 : f32
    %broadcast_in_dim3A_9 = vector.broadcast %broadcast_in_dim3A_8 : f32 to vector<16xf32>
    %scan3A_10 = arith.constant 0 : i32
    %scan3A_11 = arith.constant 0 : i32
    %scan3A_12 = arith.constant 128 : i32
    %scan3A_13 = arith.addi %scan3A_11, %scan3A_12 : i32
    %scan3A_14 = arith.constant 1 : i32
    %scan3A_15 = scf.for %scan3A_74 = %scan3A_11 to %scan3A_13 step %scan3A_14 iter_args(%scan3A_75 = %scan3A_10) -> (i32)  : i32 {
      %swap3A = arith.index_cast %scan3A_74 : i32 to index
      %swap3A_76 = arith.constant 0 : index
      %swap3A_77 = tpu.vector_load %arg5[%swap3A, %swap3A_76] {strides = array<i32>} : memref<128x16xf32, #tpu.memory_space<vmem>>, vector<1x16xf32>,
      %swap3A_78 = vector.shape_cast %swap3A_77 : vector<1x16xf32> to vector<16xf32>
      %swap3A_79 = vector.shape_cast %broadcast_in_dim3A_9 : vector<16xf32> to vector<1x16xf32>
      tpu.vector_store %arg5[%swap3A, %swap3A_76], %swap3A_79 {strides = array<i32>} : memref<128x16xf32, #tpu.memory_space<vmem>>, vector<1x16xf32>,
      %scan3A_80 = arith.constant 0 : i32
      scf.yield %scan3A_80 : i32
    }
    %scan3A_16 = arith.constant 128 : i32
    %mul3A_17 = arith.constant 630 : i32
    %mul3A_18 = arith.muli %arg1, %mul3A_17 : i32
    %add3A_19 = arith.constant 0 : i32
    %add3A_20 = arith.addi %mul3A_18, %add3A_19 : i32
    "tpu.region"() ({
      %run_scoped3A = tpu.sem_alloc : memref<!tpu.dma_semaphore, #tpu.memory_space<semaphore_mem>>
      %dma_start3A = arith.constant 0 : i32
      %dma_start3A_74 = tpu.memref_slice %arg7[%add3A_20, %dma_start3A] : memref<10080x16xf32, #tpu.memory_space<vmem_shared>> -> memref<63x16xf32, #tpu.memory_space<vmem_shared>>
      %dma_start3A_75 = arith.constant 0 : i32
      %dma_start3A_76 = tpu.memref_slice %arg7[%add3A_20, %dma_start3A_75] : memref<10080x16xf32, #tpu.memory_space<vmem_shared>> -> memref<63x16xf32, #tpu.memory_space<vmem_shared>>
      tpu.enqueue_dma source(%arg6 : memref<63x16xf32, #tpu.memory_space<vmem>>) target(%dma_start3A_76 : memref<63x16xf32, #tpu.memory_space<vmem_shared>>) target_semaphore(%run_scoped3A : memref<!tpu.dma_semaphore, #tpu.memory_space<semaphore_mem>>)
      %dma_wait3A = arith.constant 0 : i32
      %dma_wait3A_77 = tpu.memref_slice %arg7[%add3A_20, %dma_wait3A] : memref<10080x16xf32, #tpu.memory_space<vmem_shared>> -> memref<63x16xf32, #tpu.memory_space<vmem_shared>>
      %dma_wait3A_78 = arith.constant 0 : i32
      %dma_wait3A_79 = tpu.memref_slice %arg7[%add3A_20, %dma_wait3A_78] : memref<10080x16xf32, #tpu.memory_space<vmem_shared>> -> memref<63x16xf32, #tpu.memory_space<vmem_shared>>
      tpu.wait_dma2 semaphore(%run_scoped3A : memref<!tpu.dma_semaphore, #tpu.memory_space<semaphore_mem>>) src(%arg6 : memref<63x16xf32, #tpu.memory_space<vmem>>) dst(%dma_wait3A_79 : memref<63x16xf32, #tpu.memory_space<vmem_shared>>)
      tpu.yield
    }) : () -> ()
    %mul3A_21 = arith.constant 630 : i32
    %mul3A_22 = arith.muli %arg1, %mul3A_21 : i32
    %add3A_23 = arith.constant 63 : i32
    %add3A_24 = arith.addi %mul3A_22, %add3A_23 : i32
    "tpu.region"() ({
      %run_scoped3A = tpu.sem_alloc : memref<!tpu.dma_semaphore, #tpu.memory_space<semaphore_mem>>
      %dma_start3A = arith.constant 0 : i32
      %dma_start3A_74 = tpu.memref_slice %arg7[%add3A_24, %dma_start3A] : memref<10080x16xf32, #tpu.memory_space<vmem_shared>> -> memref<63x16xf32, #tpu.memory_space<vmem_shared>>
      %dma_start3A_75 = arith.constant 0 : i32
      %dma_start3A_76 = tpu.memref_slice %arg7[%add3A_24, %dma_start3A_75] : memref<10080x16xf32, #tpu.memory_space<vmem_shared>> -> memref<63x16xf32, #tpu.memory_space<vmem_shared>>
      tpu.enqueue_dma source(%arg6 : memref<63x16xf32, #tpu.memory_space<vmem>>) target(%dma_start3A_76 : memref<63x16xf32, #tpu.memory_space<vmem_shared>>) target_semaphore(%run_scoped3A : memref<!tpu.dma_semaphore, #tpu.memory_space<semaphore_mem>>)
      %dma_wait3A = arith.constant 0 : i32
      %dma_wait3A_77 = tpu.memref_slice %arg7[%add3A_24, %dma_wait3A] : memref<10080x16xf32, #tpu.memory_space<vmem_shared>> -> memref<63x16xf32, #tpu.memory_space<vmem_shared>>
      %dma_wait3A_78 = arith.constant 0 : i32
      %dma_wait3A_79 = tpu.memref_slice %arg7[%add3A_24, %dma_wait3A_78] : memref<10080x16xf32, #tpu.memory_space<vmem_shared>> -> memref<63x16xf32, #tpu.memory_space<vmem_shared>>
      tpu.wait_dma2 semaphore(%run_scoped3A : memref<!tpu.dma_semaphore, #tpu.memory_space<semaphore_mem>>) src(%arg6 : memref<63x16xf32, #tpu.memory_space<vmem>>) dst(%dma_wait3A_79 : memref<63x16xf32, #tpu.memory_space<vmem_shared>>)
      tpu.yield
    }) : () -> ()
    %mul3A_25 = arith.constant 630 : i32
    %mul3A_26 = arith.muli %arg1, %mul3A_25 : i32
    %add3A_27 = arith.constant 126 : i32
    %add3A_28 = arith.addi %mul3A_26, %add3A_27 : i32
    "tpu.region"() ({
      %run_scoped3A = tpu.sem_alloc : memref<!tpu.dma_semaphore, #tpu.memory_space<semaphore_mem>>
      %dma_start3A = arith.constant 0 : i32
      %dma_start3A_74 = tpu.memref_slice %arg7[%add3A_28, %dma_start3A] : memref<10080x16xf32, #tpu.memory_space<vmem_shared>> -> memref<63x16xf32, #tpu.memory_space<vmem_shared>>
      %dma_start3A_75 = arith.constant 0 : i32
      %dma_start3A_76 = tpu.memref_slice %arg7[%add3A_28, %dma_start3A_75] : memref<10080x16xf32, #tpu.memory_space<vmem_shared>> -> memref<63x16xf32, #tpu.memory_space<vmem_shared>>
      tpu.enqueue_dma source(%arg6 : memref<63x16xf32, #tpu.memory_space<vmem>>) target(%dma_start3A_76 : memref<63x16xf32, #tpu.memory_space<vmem_shared>>) target_semaphore(%run_scoped3A : memref<!tpu.dma_semaphore, #tpu.memory_space<semaphore_mem>>)
      %dma_wait3A = arith.constant 0 : i32
      %dma_wait3A_77 = tpu.memref_slice %arg7[%add3A_28, %dma_wait3A] : memref<10080x16xf32, #tpu.memory_space<vmem_shared>> -> memref<63x16xf32, #tpu.memory_space<vmem_shared>>
      %dma_wait3A_78 = arith.constant 0 : i32
      %dma_wait3A_79 = tpu.memref_slice %arg7[%add3A_28, %dma_wait3A_78] : memref<10080x16xf32, #tpu.memory_space<vmem_shared>> -> memref<63x16xf32, #tpu.memory_space<vmem_shared>>
      tpu.wait_dma2 semaphore(%run_scoped3A : memref<!tpu.dma_semaphore, #tpu.memory_space<semaphore_mem>>) src(%arg6 : memref<63x16xf32, #tpu.memory_space<vmem>>) dst(%dma_wait3A_79 : memref<63x16xf32, #tpu.memory_space<vmem_shared>>)
      tpu.yield
    }) : () -> ()
    %mul3A_29 = arith.constant 630 : i32
    %mul3A_30 = arith.muli %arg1, %mul3A_29 : i32
    %add3A_31 = arith.constant 189 : i32
    %add3A_32 = arith.addi %mul3A_30, %add3A_31 : i32
    "tpu.region"() ({
      %run_scoped3A = tpu.sem_alloc : memref<!tpu.dma_semaphore, #tpu.memory_space<semaphore_mem>>
      %dma_start3A = arith.constant 0 : i32
      %dma_start3A_74 = tpu.memref_slice %arg7[%add3A_32, %dma_start3A] : memref<10080x16xf32, #tpu.memory_space<vmem_shared>> -> memref<63x16xf32, #tpu.memory_space<vmem_shared>>
      %dma_start3A_75 = arith.constant 0 : i32
      %dma_start3A_76 = tpu.memref_slice %arg7[%add3A_32, %dma_start3A_75] : memref<10080x16xf32, #tpu.memory_space<vmem_shared>> -> memref<63x16xf32, #tpu.memory_space<vmem_shared>>
      tpu.enqueue_dma source(%arg6 : memref<63x16xf32, #tpu.memory_space<vmem>>) target(%dma_start3A_76 : memref<63x16xf32, #tpu.memory_space<vmem_shared>>) target_semaphore(%run_scoped3A : memref<!tpu.dma_semaphore, #tpu.memory_space<semaphore_mem>>)
      %dma_wait3A = arith.constant 0 : i32
      %dma_wait3A_77 = tpu.memref_slice %arg7[%add3A_32, %dma_wait3A] : memref<10080x16xf32, #tpu.memory_space<vmem_shared>> -> memref<63x16xf32, #tpu.memory_space<vmem_shared>>
      %dma_wait3A_78 = arith.constant 0 : i32
      %dma_wait3A_79 = tpu.memref_slice %arg7[%add3A_32, %dma_wait3A_78] : memref<10080x16xf32, #tpu.memory_space<vmem_shared>> -> memref<63x16xf32, #tpu.memory_space<vmem_shared>>
      tpu.wait_dma2 semaphore(%run_scoped3A : memref<!tpu.dma_semaphore, #tpu.memory_space<semaphore_mem>>) src(%arg6 : memref<63x16xf32, #tpu.memory_space<vmem>>) dst(%dma_wait3A_79 : memref<63x16xf32, #tpu.memory_space<vmem_shared>>)
      tpu.yield
    }) : () -> ()
    %mul3A_33 = arith.constant 630 : i32
    %mul3A_34 = arith.muli %arg1, %mul3A_33 : i32
    %add3A_35 = arith.constant 252 : i32
    %add3A_36 = arith.addi %mul3A_34, %add3A_35 : i32
    "tpu.region"() ({
      %run_scoped3A = tpu.sem_alloc : memref<!tpu.dma_semaphore, #tpu.memory_space<semaphore_mem>>
      %dma_start3A = arith.constant 0 : i32
      %dma_start3A_74 = tpu.memref_slice %arg7[%add3A_36, %dma_start3A] : memref<10080x16xf32, #tpu.memory_space<vmem_shared>> -> memref<63x16xf32, #tpu.memory_space<vmem_shared>>
      %dma_start3A_75 = arith.constant 0 : i32
      %dma_start3A_76 = tpu.memref_slice %arg7[%add3A_36, %dma_start3A_75] : memref<10080x16xf32, #tpu.memory_space<vmem_shared>> -> memref<63x16xf32, #tpu.memory_space<vmem_shared>>
      tpu.enqueue_dma source(%arg6 : memref<63x16xf32, #tpu.memory_space<vmem>>) target(%dma_start3A_76 : memref<63x16xf32, #tpu.memory_space<vmem_shared>>) target_semaphore(%run_scoped3A : memref<!tpu.dma_semaphore, #tpu.memory_space<semaphore_mem>>)
      %dma_wait3A = arith.constant 0 : i32
      %dma_wait3A_77 = tpu.memref_slice %arg7[%add3A_36, %dma_wait3A] : memref<10080x16xf32, #tpu.memory_space<vmem_shared>> -> memref<63x16xf32, #tpu.memory_space<vmem_shared>>
      %dma_wait3A_78 = arith.constant 0 : i32
      %dma_wait3A_79 = tpu.memref_slice %arg7[%add3A_36, %dma_wait3A_78] : memref<10080x16xf32, #tpu.memory_space<vmem_shared>> -> memref<63x16xf32, #tpu.memory_space<vmem_shared>>
      tpu.wait_dma2 semaphore(%run_scoped3A : memref<!tpu.dma_semaphore, #tpu.memory_space<semaphore_mem>>) src(%arg6 : memref<63x16xf32, #tpu.memory_space<vmem>>) dst(%dma_wait3A_79 : memref<63x16xf32, #tpu.memory_space<vmem_shared>>)
      tpu.yield
    }) : () -> ()
    %mul3A_37 = arith.constant 630 : i32
    %mul3A_38 = arith.muli %arg1, %mul3A_37 : i32
    %add3A_39 = arith.constant 315 : i32
    %add3A_40 = arith.addi %mul3A_38, %add3A_39 : i32
    "tpu.region"() ({
      %run_scoped3A = tpu.sem_alloc : memref<!tpu.dma_semaphore, #tpu.memory_space<semaphore_mem>>
      %dma_start3A = arith.constant 0 : i32
      %dma_start3A_74 = tpu.memref_slice %arg7[%add3A_40, %dma_start3A] : memref<10080x16xf32, #tpu.memory_space<vmem_shared>> -> memref<63x16xf32, #tpu.memory_space<vmem_shared>>
      %dma_start3A_75 = arith.constant 0 : i32
      %dma_start3A_76 = tpu.memref_slice %arg7[%add3A_40, %dma_start3A_75] : memref<10080x16xf32, #tpu.memory_space<vmem_shared>> -> memref<63x16xf32, #tpu.memory_space<vmem_shared>>
      tpu.enqueue_dma source(%arg6 : memref<63x16xf32, #tpu.memory_space<vmem>>) target(%dma_start3A_76 : memref<63x16xf32, #tpu.memory_space<vmem_shared>>) target_semaphore(%run_scoped3A : memref<!tpu.dma_semaphore, #tpu.memory_space<semaphore_mem>>)
      %dma_wait3A = arith.constant 0 : i32
      %dma_wait3A_77 = tpu.memref_slice %arg7[%add3A_40, %dma_wait3A] : memref<10080x16xf32, #tpu.memory_space<vmem_shared>> -> memref<63x16xf32, #tpu.memory_space<vmem_shared>>
      %dma_wait3A_78 = arith.constant 0 : i32
      %dma_wait3A_79 = tpu.memref_slice %arg7[%add3A_40, %dma_wait3A_78] : memref<10080x16xf32, #tpu.memory_space<vmem_shared>> -> memref<63x16xf32, #tpu.memory_space<vmem_shared>>
      tpu.wait_dma2 semaphore(%run_scoped3A : memref<!tpu.dma_semaphore, #tpu.memory_space<semaphore_mem>>) src(%arg6 : memref<63x16xf32, #tpu.memory_space<vmem>>) dst(%dma_wait3A_79 : memref<63x16xf32, #tpu.memory_space<vmem_shared>>)
      tpu.yield
    }) : () -> ()
    %mul3A_41 = arith.constant 630 : i32
    %mul3A_42 = arith.muli %arg1, %mul3A_41 : i32
    %add3A_43 = arith.constant 378 : i32
    %add3A_44 = arith.addi %mul3A_42, %add3A_43 : i32
    "tpu.region"() ({
      %run_scoped3A = tpu.sem_alloc : memref<!tpu.dma_semaphore, #tpu.memory_space<semaphore_mem>>
      %dma_start3A = arith.constant 0 : i32
      %dma_start3A_74 = tpu.memref_slice %arg7[%add3A_44, %dma_start3A] : memref<10080x16xf32, #tpu.memory_space<vmem_shared>> -> memref<63x16xf32, #tpu.memory_space<vmem_shared>>
      %dma_start3A_75 = arith.constant 0 : i32
      %dma_start3A_76 = tpu.memref_slice %arg7[%add3A_44, %dma_start3A_75] : memref<10080x16xf32, #tpu.memory_space<vmem_shared>> -> memref<63x16xf32, #tpu.memory_space<vmem_shared>>
      tpu.enqueue_dma source(%arg6 : memref<63x16xf32, #tpu.memory_space<vmem>>) target(%dma_start3A_76 : memref<63x16xf32, #tpu.memory_space<vmem_shared>>) target_semaphore(%run_scoped3A : memref<!tpu.dma_semaphore, #tpu.memory_space<semaphore_mem>>)
      %dma_wait3A = arith.constant 0 : i32
      %dma_wait3A_77 = tpu.memref_slice %arg7[%add3A_44, %dma_wait3A] : memref<10080x16xf32, #tpu.memory_space<vmem_shared>> -> memref<63x16xf32, #tpu.memory_space<vmem_shared>>
      %dma_wait3A_78 = arith.constant 0 : i32
      %dma_wait3A_79 = tpu.memref_slice %arg7[%add3A_44, %dma_wait3A_78] : memref<10080x16xf32, #tpu.memory_space<vmem_shared>> -> memref<63x16xf32, #tpu.memory_space<vmem_shared>>
      tpu.wait_dma2 semaphore(%run_scoped3A : memref<!tpu.dma_semaphore, #tpu.memory_space<semaphore_mem>>) src(%arg6 : memref<63x16xf32, #tpu.memory_space<vmem>>) dst(%dma_wait3A_79 : memref<63x16xf32, #tpu.memory_space<vmem_shared>>)
      tpu.yield
    }) : () -> ()
    %mul3A_45 = arith.constant 630 : i32
    %mul3A_46 = arith.muli %arg1, %mul3A_45 : i32
    %add3A_47 = arith.constant 441 : i32
    %add3A_48 = arith.addi %mul3A_46, %add3A_47 : i32
    "tpu.region"() ({
      %run_scoped3A = tpu.sem_alloc : memref<!tpu.dma_semaphore, #tpu.memory_space<semaphore_mem>>
      %dma_start3A = arith.constant 0 : i32
      %dma_start3A_74 = tpu.memref_slice %arg7[%add3A_48, %dma_start3A] : memref<10080x16xf32, #tpu.memory_space<vmem_shared>> -> memref<63x16xf32, #tpu.memory_space<vmem_shared>>
      %dma_start3A_75 = arith.constant 0 : i32
      %dma_start3A_76 = tpu.memref_slice %arg7[%add3A_48, %dma_start3A_75] : memref<10080x16xf32, #tpu.memory_space<vmem_shared>> -> memref<63x16xf32, #tpu.memory_space<vmem_shared>>
      tpu.enqueue_dma source(%arg6 : memref<63x16xf32, #tpu.memory_space<vmem>>) target(%dma_start3A_76 : memref<63x16xf32, #tpu.memory_space<vmem_shared>>) target_semaphore(%run_scoped3A : memref<!tpu.dma_semaphore, #tpu.memory_space<semaphore_mem>>)
      %dma_wait3A = arith.constant 0 : i32
      %dma_wait3A_77 = tpu.memref_slice %arg7[%add3A_48, %dma_wait3A] : memref<10080x16xf32, #tpu.memory_space<vmem_shared>> -> memref<63x16xf32, #tpu.memory_space<vmem_shared>>
      %dma_wait3A_78 = arith.constant 0 : i32
      %dma_wait3A_79 = tpu.memref_slice %arg7[%add3A_48, %dma_wait3A_78] : memref<10080x16xf32, #tpu.memory_space<vmem_shared>> -> memref<63x16xf32, #tpu.memory_space<vmem_shared>>
      tpu.wait_dma2 semaphore(%run_scoped3A : memref<!tpu.dma_semaphore, #tpu.memory_space<semaphore_mem>>) src(%arg6 : memref<63x16xf32, #tpu.memory_space<vmem>>) dst(%dma_wait3A_79 : memref<63x16xf32, #tpu.memory_space<vmem_shared>>)
      tpu.yield
    }) : () -> ()
    %mul3A_49 = arith.constant 630 : i32
    %mul3A_50 = arith.muli %arg1, %mul3A_49 : i32
    %add3A_51 = arith.constant 504 : i32
    %add3A_52 = arith.addi %mul3A_50, %add3A_51 : i32
    "tpu.region"() ({
      %run_scoped3A = tpu.sem_alloc : memref<!tpu.dma_semaphore, #tpu.memory_space<semaphore_mem>>
      %dma_start3A = arith.constant 0 : i32
      %dma_start3A_74 = tpu.memref_slice %arg7[%add3A_52, %dma_start3A] : memref<10080x16xf32, #tpu.memory_space<vmem_shared>> -> memref<63x16xf32, #tpu.memory_space<vmem_shared>>
      %dma_start3A_75 = arith.constant 0 : i32
      %dma_start3A_76 = tpu.memref_slice %arg7[%add3A_52, %dma_start3A_75] : memref<10080x16xf32, #tpu.memory_space<vmem_shared>> -> memref<63x16xf32, #tpu.memory_space<vmem_shared>>
      tpu.enqueue_dma source(%arg6 : memref<63x16xf32, #tpu.memory_space<vmem>>) target(%dma_start3A_76 : memref<63x16xf32, #tpu.memory_space<vmem_shared>>) target_semaphore(%run_scoped3A : memref<!tpu.dma_semaphore, #tpu.memory_space<semaphore_mem>>)
      %dma_wait3A = arith.constant 0 : i32
      %dma_wait3A_77 = tpu.memref_slice %arg7[%add3A_52, %dma_wait3A] : memref<10080x16xf32, #tpu.memory_space<vmem_shared>> -> memref<63x16xf32, #tpu.memory_space<vmem_shared>>
      %dma_wait3A_78 = arith.constant 0 : i32
      %dma_wait3A_79 = tpu.memref_slice %arg7[%add3A_52, %dma_wait3A_78] : memref<10080x16xf32, #tpu.memory_space<vmem_shared>> -> memref<63x16xf32, #tpu.memory_space<vmem_shared>>
      tpu.wait_dma2 semaphore(%run_scoped3A : memref<!tpu.dma_semaphore, #tpu.memory_space<semaphore_mem>>) src(%arg6 : memref<63x16xf32, #tpu.memory_space<vmem>>) dst(%dma_wait3A_79 : memref<63x16xf32, #tpu.memory_space<vmem_shared>>)
      tpu.yield
    }) : () -> ()
    %mul3A_53 = arith.constant 630 : i32
    %mul3A_54 = arith.muli %arg1, %mul3A_53 : i32
    %add3A_55 = arith.constant 567 : i32
    %add3A_56 = arith.addi %mul3A_54, %add3A_55 : i32
    "tpu.region"() ({
      %run_scoped3A = tpu.sem_alloc : memref<!tpu.dma_semaphore, #tpu.memory_space<semaphore_mem>>
      %dma_start3A = arith.constant 0 : i32
      %dma_start3A_74 = tpu.memref_slice %arg7[%add3A_56, %dma_start3A] : memref<10080x16xf32, #tpu.memory_space<vmem_shared>> -> memref<63x16xf32, #tpu.memory_space<vmem_shared>>
      %dma_start3A_75 = arith.constant 0 : i32
      %dma_start3A_76 = tpu.memref_slice %arg7[%add3A_56, %dma_start3A_75] : memref<10080x16xf32, #tpu.memory_space<vmem_shared>> -> memref<63x16xf32, #tpu.memory_space<vmem_shared>>
      tpu.enqueue_dma source(%arg6 : memref<63x16xf32, #tpu.memory_space<vmem>>) target(%dma_start3A_76 : memref<63x16xf32, #tpu.memory_space<vmem_shared>>) target_semaphore(%run_scoped3A : memref<!tpu.dma_semaphore, #tpu.memory_space<semaphore_mem>>)
      %dma_wait3A = arith.constant 0 : i32
      %dma_wait3A_77 = tpu.memref_slice %arg7[%add3A_56, %dma_wait3A] : memref<10080x16xf32, #tpu.memory_space<vmem_shared>> -> memref<63x16xf32, #tpu.memory_space<vmem_shared>>
      %dma_wait3A_78 = arith.constant 0 : i32
      %dma_wait3A_79 = tpu.memref_slice %arg7[%add3A_56, %dma_wait3A_78] : memref<10080x16xf32, #tpu.memory_space<vmem_shared>> -> memref<63x16xf32, #tpu.memory_space<vmem_shared>>
      tpu.wait_dma2 semaphore(%run_scoped3A : memref<!tpu.dma_semaphore, #tpu.memory_space<semaphore_mem>>) src(%arg6 : memref<63x16xf32, #tpu.memory_space<vmem>>) dst(%dma_wait3A_79 : memref<63x16xf32, #tpu.memory_space<vmem_shared>>)
      tpu.yield
    }) : () -> ()
    %barrier3A = arith.constant 0 : index
    tpu.barrier barrier_id(%barrier3A)
    %scan3A_57 = arith.constant 0 : i32
    %scan3A_58 = arith.constant 0 : i32
    %scan3A_59 = arith.constant 40 : i32
    %scan3A_60 = arith.addi %scan3A_58, %scan3A_59 : i32
    %scan3A_61 = arith.constant 1 : i32
    %scan3A_62 = scf.for %scan3A_74 = %scan3A_58 to %scan3A_60 step %scan3A_61 iter_args(%scan3A_75 = %scan3A_57) -> (i32)  : i32 {
      %dma_start3A = arith.constant 0 : i32
      %dma_start3A_76 = tpu.memref_slice %arg4[%scan3A_74, %dma_start3A] : memref<40x128xi32, #tpu.memory_space<vmem>> -> memref<1x128xi32, #tpu.memory_space<vmem>>
      %dma_start3A_77 = tpu.memref_squeeze %dma_start3A_76 : memref<1x128xi32, #tpu.memory_space<vmem>> -> memref<128xi32, #tpu.memory_space<vmem>>
      %dma_start3A_78 = arith.constant 0 : i32
      %dma_start3A_79 = arith.constant 0 : i32
      %dma_start3A_80 = tpu.memref_slice %arg7[%dma_start3A_78, %dma_start3A_79] : memref<10080x16xf32, #tpu.memory_space<vmem_shared>> -> memref<10080x16xf32, #tpu.memory_space<vmem_shared>>
      tpu.enqueue_indirect_dma source(%arg5 : memref<128x16xf32, #tpu.memory_space<vmem>>) target(%dma_start3A_80 : memref<10080x16xf32, #tpu.memory_space<vmem_shared>>) offsets(%dma_start3A_77 : memref<128xi32, #tpu.memory_space<vmem>>) semaphore(%arg8 : memref<!tpu.dma_semaphore, #tpu.memory_space<semaphore_mem>>) {add = true}
      %scan3A_81 = arith.constant 0 : i32
      scf.yield %scan3A_81 : i32
    }
    %scan3A_63 = arith.constant 40 : i32
    %scan3A_64 = arith.constant 0 : i32
    %scan3A_65 = arith.constant 0 : i32
    %scan3A_66 = arith.constant 40 : i32
    %scan3A_67 = arith.addi %scan3A_65, %scan3A_66 : i32
    %scan3A_68 = arith.constant 1 : i32
    %scan3A_69 = scf.for %scan3A_74 = %scan3A_65 to %scan3A_67 step %scan3A_68 iter_args(%scan3A_75 = %scan3A_64) -> (i32)  : i32 {
      %dma_wait3A = arith.constant 0 : i32
      %dma_wait3A_76 = arith.constant 0 : i32
      %dma_wait3A_77 = tpu.memref_slice %arg4[%dma_wait3A, %dma_wait3A_76] : memref<40x128xi32, #tpu.memory_space<vmem>> -> memref<1x128xi32, #tpu.memory_space<vmem>>
      %dma_wait3A_78 = tpu.memref_squeeze %dma_wait3A_77 : memref<1x128xi32, #tpu.memory_space<vmem>> -> memref<128xi32, #tpu.memory_space<vmem>>
      %dma_wait3A_79 = arith.constant 0 : i32
      %dma_wait3A_80 = arith.constant 0 : i32
      %dma_wait3A_81 = tpu.memref_slice %arg7[%dma_wait3A_79, %dma_wait3A_80] : memref<10080x16xf32, #tpu.memory_space<vmem_shared>> -> memref<10080x16xf32, #tpu.memory_space<vmem_shared>>
      tpu.wait_indirect_dma semaphore(%arg8 : memref<!tpu.dma_semaphore, #tpu.memory_space<semaphore_mem>>) src(%arg5 : memref<128x16xf32, #tpu.memory_space<vmem>>) dst(%dma_wait3A_81 : memref<10080x16xf32, #tpu.memory_space<vmem_shared>>)
      %scan3A_82 = arith.constant 0 : i32
      scf.yield %scan3A_82 : i32
    }
    %scan3A_70 = arith.constant 40 : i32
    %barrier3A_71 = arith.constant 0 : index
    tpu.barrier barrier_id(%barrier3A_71)
    %mul3A_72 = arith.constant 630 : i32
    %mul3A_73 = arith.muli %arg1, %mul3A_72 : i32
    "tpu.region"() ({
      %run_scoped3A = tpu.sem_alloc : memref<!tpu.dma_semaphore, #tpu.memory_space<semaphore_mem>>
      %dma_start3A = arith.constant 0 : i32
      %dma_start3A_74 = tpu.memref_slice %arg3[%arg0, %mul3A_73, %dma_start3A] : memref<2x10080x16xf32, #tpu.memory_space<hbm>> -> memref<1x630x16xf32, #tpu.memory_space<hbm>>
      %dma_start3A_75 = tpu.memref_squeeze %dma_start3A_74 : memref<1x630x16xf32, #tpu.memory_space<hbm>> -> memref<630x16xf32, #tpu.memory_space<hbm>>
      %dma_start3A_76 = arith.constant 0 : i32
      %dma_start3A_77 = tpu.memref_slice %arg7[%mul3A_73, %dma_start3A_76] : memref<10080x16xf32, #tpu.memory_space<vmem_shared>> -> memref<630x16xf32, #tpu.memory_space<vmem_shared>>
      tpu.enqueue_dma source(%dma_start3A_77 : memref<630x16xf32, #tpu.memory_space<vmem_shared>>) target(%dma_start3A_75 : memref<630x16xf32, #tpu.memory_space<hbm>>) target_semaphore(%run_scoped3A : memref<!tpu.dma_semaphore, #tpu.memory_space<semaphore_mem>>)
      %dma_wait3A = arith.constant 0 : i32
      %dma_wait3A_78 = tpu.memref_slice %arg3[%arg0, %mul3A_73, %dma_wait3A] : memref<2x10080x16xf32, #tpu.memory_space<hbm>> -> memref<1x630x16xf32, #tpu.memory_space<hbm>>
      %dma_wait3A_79 = tpu.memref_squeeze %dma_wait3A_78 : memref<1x630x16xf32, #tpu.memory_space<hbm>> -> memref<630x16xf32, #tpu.memory_space<hbm>>
      %dma_wait3A_80 = arith.constant 0 : i32
      %dma_wait3A_81 = tpu.memref_slice %arg7[%mul3A_73, %dma_wait3A_80] : memref<10080x16xf32, #tpu.memory_space<vmem_shared>> -> memref<630x16xf32, #tpu.memory_space<vmem_shared>>
      tpu.wait_dma2 semaphore(%run_scoped3A : memref<!tpu.dma_semaphore, #tpu.memory_space<semaphore_mem>>) src(%dma_wait3A_81 : memref<630x16xf32, #tpu.memory_space<vmem_shared>>) dst(%dma_wait3A_79 : memref<630x16xf32, #tpu.memory_space<hbm>>)
      tpu.yield
    }) : () -> ()
    return
  }
}

#map = affine_map<(d0, d1) -> (0, 0, 0)>
module attributes {stable_mosaic.version = 14 : i64} {
  func.func @sc_sage_agg2(%arg0: i32, %arg1: i32, %arg2: memref<4x10000x64xf32, #tpu.memory_space<hbm>>, %arg3: memref<16x80x128xi32, #tpu.memory_space<hbm>>, %arg4: memref<16x80x128xi32, #tpu.memory_space<hbm>>, %arg5: memref<4x10080x64xf32, #tpu.memory_space<hbm>>, %arg6: memref<80x128xi32, #tpu.memory_space<vmem>>, %arg7: memref<80x128xi32, #tpu.memory_space<vmem>>, %arg8: memref<128x64xf32, #tpu.memory_space<vmem>>, %arg9: memref<128x64xf32, #tpu.memory_space<vmem>>, %arg10: memref<128x64xf32, #tpu.memory_space<vmem>>, %arg11: memref<128x64xf32, #tpu.memory_space<vmem>>, %arg12: memref<128x64xf32, #tpu.memory_space<vmem>>, %arg13: memref<128x64xf32, #tpu.memory_space<vmem>>, %arg14: memref<128x64xf32, #tpu.memory_space<vmem>>, %arg15: memref<128x64xf32, #tpu.memory_space<vmem>>, %arg16: memref<63x64xf32, #tpu.memory_space<vmem>>, %arg17: memref<10080x64xf32, #tpu.memory_space<vmem_shared>>, %arg18: memref<!tpu.dma_semaphore, #tpu.memory_space<semaphore_mem>>, %arg19: memref<!tpu.dma_semaphore, #tpu.memory_space<semaphore_mem>>, %arg20: memref<!tpu.dma_semaphore, #tpu.memory_space<semaphore_mem>>, %arg21: memref<!tpu.dma_semaphore, #tpu.memory_space<semaphore_mem>>, %arg22: memref<!tpu.dma_semaphore, #tpu.memory_space<semaphore_mem>>, %arg23: memref<!tpu.dma_semaphore, #tpu.memory_space<semaphore_mem>>, %arg24: memref<!tpu.dma_semaphore, #tpu.memory_space<semaphore_mem>>, %arg25: memref<!tpu.dma_semaphore, #tpu.memory_space<semaphore_mem>>) attributes {dimension_semantics = [#tpu.dimension_semantics<core_parallel>, #tpu.dimension_semantics<subcore_parallel>], iteration_bounds = array<i64: 2, 16>, scalar_prefetch = 0 : i64, scratch_operands = 20 : i64, tpu.core_type = #tpu.core_type<sc_vector_subcore>, window_params = [{transform_indices = #map}, {transform_indices = #map}, {transform_indices = #map}, {transform_indices = #map}]} {
    "tpu.region"() ({
      %run_scoped3A = tpu.sem_alloc : memref<!tpu.dma_semaphore, #tpu.memory_space<semaphore_mem>>
      %dma_start3A_297 = arith.constant 0 : i32
      %dma_start3A_298 = arith.constant 0 : i32
      %dma_start3A_299 = tpu.memref_slice %arg3[%arg1, %dma_start3A_297, %dma_start3A_298] : memref<16x80x128xi32, #tpu.memory_space<hbm>> -> memref<1x80x128xi32, #tpu.memory_space<hbm>>
      %dma_start3A_300 = tpu.memref_squeeze %dma_start3A_299 : memref<1x80x128xi32, #tpu.memory_space<hbm>> -> memref<80x128xi32, #tpu.memory_space<hbm>>
      %dma_start3A_301 = arith.constant 0 : i32
      %dma_start3A_302 = arith.constant 0 : i32
      %dma_start3A_303 = tpu.memref_slice %arg3[%arg1, %dma_start3A_301, %dma_start3A_302] : memref<16x80x128xi32, #tpu.memory_space<hbm>> -> memref<1x80x128xi32, #tpu.memory_space<hbm>>
      %dma_start3A_304 = tpu.memref_squeeze %dma_start3A_303 : memref<1x80x128xi32, #tpu.memory_space<hbm>> -> memref<80x128xi32, #tpu.memory_space<hbm>>
      tpu.enqueue_dma source(%dma_start3A_304 : memref<80x128xi32, #tpu.memory_space<hbm>>) target(%arg6 : memref<80x128xi32, #tpu.memory_space<vmem>>) target_semaphore(%run_scoped3A : memref<!tpu.dma_semaphore, #tpu.memory_space<semaphore_mem>>)
      %dma_wait3A = arith.constant 0 : i32
      %dma_wait3A_305 = arith.constant 0 : i32
      %dma_wait3A_306 = tpu.memref_slice %arg3[%arg1, %dma_wait3A, %dma_wait3A_305] : memref<16x80x128xi32, #tpu.memory_space<hbm>> -> memref<1x80x128xi32, #tpu.memory_space<hbm>>
      %dma_wait3A_307 = tpu.memref_squeeze %dma_wait3A_306 : memref<1x80x128xi32, #tpu.memory_space<hbm>> -> memref<80x128xi32, #tpu.memory_space<hbm>>
      %dma_wait3A_308 = arith.constant 0 : i32
      %dma_wait3A_309 = arith.constant 0 : i32
      %dma_wait3A_310 = tpu.memref_slice %arg3[%arg1, %dma_wait3A_308, %dma_wait3A_309] : memref<16x80x128xi32, #tpu.memory_space<hbm>> -> memref<1x80x128xi32, #tpu.memory_space<hbm>>
      %dma_wait3A_311 = tpu.memref_squeeze %dma_wait3A_310 : memref<1x80x128xi32, #tpu.memory_space<hbm>> -> memref<80x128xi32, #tpu.memory_space<hbm>>
      tpu.wait_dma2 semaphore(%run_scoped3A : memref<!tpu.dma_semaphore, #tpu.memory_space<semaphore_mem>>) src(%dma_wait3A_311 : memref<80x128xi32, #tpu.memory_space<hbm>>) dst(%arg6 : memref<80x128xi32, #tpu.memory_space<vmem>>)
      tpu.yield
    }) : () -> ()
    "tpu.region"() ({
      %run_scoped3A = tpu.sem_alloc : memref<!tpu.dma_semaphore, #tpu.memory_space<semaphore_mem>>
      %dma_start3A_297 = arith.constant 0 : i32
      %dma_start3A_298 = arith.constant 0 : i32
      %dma_start3A_299 = tpu.memref_slice %arg4[%arg1, %dma_start3A_297, %dma_start3A_298] : memref<16x80x128xi32, #tpu.memory_space<hbm>> -> memref<1x80x128xi32, #tpu.memory_space<hbm>>
      %dma_start3A_300 = tpu.memref_squeeze %dma_start3A_299 : memref<1x80x128xi32, #tpu.memory_space<hbm>> -> memref<80x128xi32, #tpu.memory_space<hbm>>
      %dma_start3A_301 = arith.constant 0 : i32
      %dma_start3A_302 = arith.constant 0 : i32
      %dma_start3A_303 = tpu.memref_slice %arg4[%arg1, %dma_start3A_301, %dma_start3A_302] : memref<16x80x128xi32, #tpu.memory_space<hbm>> -> memref<1x80x128xi32, #tpu.memory_space<hbm>>
      %dma_start3A_304 = tpu.memref_squeeze %dma_start3A_303 : memref<1x80x128xi32, #tpu.memory_space<hbm>> -> memref<80x128xi32, #tpu.memory_space<hbm>>
      tpu.enqueue_dma source(%dma_start3A_304 : memref<80x128xi32, #tpu.memory_space<hbm>>) target(%arg7 : memref<80x128xi32, #tpu.memory_space<vmem>>) target_semaphore(%run_scoped3A : memref<!tpu.dma_semaphore, #tpu.memory_space<semaphore_mem>>)
      %dma_wait3A = arith.constant 0 : i32
      %dma_wait3A_305 = arith.constant 0 : i32
      %dma_wait3A_306 = tpu.memref_slice %arg4[%arg1, %dma_wait3A, %dma_wait3A_305] : memref<16x80x128xi32, #tpu.memory_space<hbm>> -> memref<1x80x128xi32, #tpu.memory_space<hbm>>
      %dma_wait3A_307 = tpu.memref_squeeze %dma_wait3A_306 : memref<1x80x128xi32, #tpu.memory_space<hbm>> -> memref<80x128xi32, #tpu.memory_space<hbm>>
      %dma_wait3A_308 = arith.constant 0 : i32
      %dma_wait3A_309 = arith.constant 0 : i32
      %dma_wait3A_310 = tpu.memref_slice %arg4[%arg1, %dma_wait3A_308, %dma_wait3A_309] : memref<16x80x128xi32, #tpu.memory_space<hbm>> -> memref<1x80x128xi32, #tpu.memory_space<hbm>>
      %dma_wait3A_311 = tpu.memref_squeeze %dma_wait3A_310 : memref<1x80x128xi32, #tpu.memory_space<hbm>> -> memref<80x128xi32, #tpu.memory_space<hbm>>
      tpu.wait_dma2 semaphore(%run_scoped3A : memref<!tpu.dma_semaphore, #tpu.memory_space<semaphore_mem>>) src(%dma_wait3A_311 : memref<80x128xi32, #tpu.memory_space<hbm>>) dst(%arg7 : memref<80x128xi32, #tpu.memory_space<vmem>>)
      tpu.yield
    }) : () -> ()
    %broadcast_in_dim3A = arith.constant 0.000000e+00 : f32
    %broadcast_in_dim3A_0 = vector.broadcast %broadcast_in_dim3A : f32 to vector<16xf32>
    %scan3A = arith.constant 0 : i32
    %scan3A_1 = arith.constant 0 : i32
    %scan3A_2 = arith.constant 252 : i32
    %scan3A_3 = arith.addi %scan3A_1, %scan3A_2 : i32
    %scan3A_4 = arith.constant 1 : i32
    %scan3A_5 = scf.for %scan3A_297 = %scan3A_1 to %scan3A_3 step %scan3A_4 iter_args(%scan3A_298 = %scan3A) -> (i32)  : i32 {
      %jit3A = arith.constant 4 : i32
      %div3A = arith.divsi %scan3A_297, %jit3A : i32
      %sign3A = arith.constant 0 : i32
      %sign3A_299 = arith.cmpi sgt, %scan3A_297, %sign3A : i32
      %sign3A_300 = arith.extui %sign3A_299 : i1 to i32
      %sign3A_301 = arith.constant 0 : i32
      %sign3A_302 = arith.cmpi slt, %scan3A_297, %sign3A_301 : i32
      %sign3A_303 = arith.extui %sign3A_302 : i1 to i32
      %sign3A_304 = arith.subi %sign3A_300, %sign3A_303 : i32
      %sign3A_305 = arith.constant 0 : i32
      %sign3A_306 = arith.cmpi sgt, %jit3A, %sign3A_305 : i32
      %sign3A_307 = arith.extui %sign3A_306 : i1 to i32
      %sign3A_308 = arith.constant 0 : i32
      %sign3A_309 = arith.cmpi slt, %jit3A, %sign3A_308 : i32
      %sign3A_310 = arith.extui %sign3A_309 : i1 to i32
      %sign3A_311 = arith.subi %sign3A_307, %sign3A_310 : i32
      %ne3A = arith.cmpi ne, %sign3A_304, %sign3A_311 : i32
      %rem3A = arith.remsi %scan3A_297, %jit3A : i32
      %ne3A_312 = arith.constant 0 : i32
      %ne3A_313 = arith.cmpi ne, %rem3A, %ne3A_312 : i32
      %and3A = arith.andi %ne3A, %ne3A_313 : i1
      %sub3A = arith.constant 1 : i32
      %sub3A_314 = arith.subi %div3A, %sub3A : i32
      %select_n3A = arith.select %and3A, %sub3A_314, %div3A : i32
      %jit3A_315 = arith.constant 4 : i32
      %eq3A = arith.constant 0 : i32
      %eq3A_316 = arith.cmpi eq, %jit3A_315, %eq3A : i32
      %jit3A_317 = arith.constant 1 : i32
      %select_n3A_318 = arith.select %eq3A_316, %jit3A_317, %jit3A_315 : i32
      %rem3A_319 = arith.remsi %scan3A_297, %select_n3A_318 : i32
      %ne3A_320 = arith.constant 0 : i32
      %ne3A_321 = arith.cmpi ne, %rem3A_319, %ne3A_320 : i32
      %lt3A = arith.constant 0 : i32
      %lt3A_322 = arith.cmpi slt, %rem3A_319, %lt3A : i32
      %lt3A_323 = arith.constant 0 : i32
      %lt3A_324 = arith.cmpi slt, %select_n3A_318, %lt3A_323 : i32
      %ne3A_325 = arith.xori %lt3A_322, %lt3A_324 : i1
      %and3A_326 = arith.andi %ne3A_325, %ne3A_321 : i1
      %add3A_327 = arith.addi %rem3A_319, %select_n3A_318 : i32
      %select_n3A_328 = arith.select %and3A_326, %add3A_327, %rem3A_319 : i32
      %mul3A_329 = arith.constant 16 : i32
      %mul3A_330 = arith.muli %select_n3A_328, %mul3A_329 : i32
      %swap3A = arith.index_cast %select_n3A : i32 to index
      %swap3A_331 = arith.index_cast %mul3A_330 : i32 to index
      %swap3A_332 = tpu.vector_load %arg16[%swap3A, %swap3A_331] {strides = array<i32>} : memref<63x64xf32, #tpu.memory_space<vmem>>, vector<1x16xf32>,
      %swap3A_333 = vector.shape_cast %swap3A_332 : vector<1x16xf32> to vector<16xf32>
      %swap3A_334 = vector.shape_cast %broadcast_in_dim3A_0 : vector<16xf32> to vector<1x16xf32>
      tpu.vector_store %arg16[%swap3A, %swap3A_331], %swap3A_334 {strides = array<i32>} : memref<63x64xf32, #tpu.memory_space<vmem>>, vector<1x16xf32>,
      %scan3A_335 = arith.constant 0 : i32
      scf.yield %scan3A_335 : i32
    }
    %scan3A_6 = arith.constant 252 : i32
    %mul3A = arith.constant 630 : i32
    %mul3A_7 = arith.muli %arg1, %mul3A : i32
    %add3A = arith.constant 0 : i32
    %add3A_8 = arith.addi %mul3A_7, %add3A : i32
    "tpu.region"() ({
      %run_scoped3A = tpu.sem_alloc : memref<!tpu.dma_semaphore, #tpu.memory_space<semaphore_mem>>
      %dma_start3A_297 = arith.constant 0 : i32
      %dma_start3A_298 = tpu.memref_slice %arg17[%add3A_8, %dma_start3A_297] : memref<10080x64xf32, #tpu.memory_space<vmem_shared>> -> memref<63x64xf32, #tpu.memory_space<vmem_shared>>
      %dma_start3A_299 = arith.constant 0 : i32
      %dma_start3A_300 = tpu.memref_slice %arg17[%add3A_8, %dma_start3A_299] : memref<10080x64xf32, #tpu.memory_space<vmem_shared>> -> memref<63x64xf32, #tpu.memory_space<vmem_shared>>
      tpu.enqueue_dma source(%arg16 : memref<63x64xf32, #tpu.memory_space<vmem>>) target(%dma_start3A_300 : memref<63x64xf32, #tpu.memory_space<vmem_shared>>) target_semaphore(%run_scoped3A : memref<!tpu.dma_semaphore, #tpu.memory_space<semaphore_mem>>)
      %dma_wait3A = arith.constant 0 : i32
      %dma_wait3A_301 = tpu.memref_slice %arg17[%add3A_8, %dma_wait3A] : memref<10080x64xf32, #tpu.memory_space<vmem_shared>> -> memref<63x64xf32, #tpu.memory_space<vmem_shared>>
      %dma_wait3A_302 = arith.constant 0 : i32
      %dma_wait3A_303 = tpu.memref_slice %arg17[%add3A_8, %dma_wait3A_302] : memref<10080x64xf32, #tpu.memory_space<vmem_shared>> -> memref<63x64xf32, #tpu.memory_space<vmem_shared>>
      tpu.wait_dma2 semaphore(%run_scoped3A : memref<!tpu.dma_semaphore, #tpu.memory_space<semaphore_mem>>) src(%arg16 : memref<63x64xf32, #tpu.memory_space<vmem>>) dst(%dma_wait3A_303 : memref<63x64xf32, #tpu.memory_space<vmem_shared>>)
      tpu.yield
    }) : () -> ()
    %mul3A_9 = arith.constant 630 : i32
    %mul3A_10 = arith.muli %arg1, %mul3A_9 : i32
    %add3A_11 = arith.constant 63 : i32
    %add3A_12 = arith.addi %mul3A_10, %add3A_11 : i32
    "tpu.region"() ({
      %run_scoped3A = tpu.sem_alloc : memref<!tpu.dma_semaphore, #tpu.memory_space<semaphore_mem>>
      %dma_start3A_297 = arith.constant 0 : i32
      %dma_start3A_298 = tpu.memref_slice %arg17[%add3A_12, %dma_start3A_297] : memref<10080x64xf32, #tpu.memory_space<vmem_shared>> -> memref<63x64xf32, #tpu.memory_space<vmem_shared>>
      %dma_start3A_299 = arith.constant 0 : i32
      %dma_start3A_300 = tpu.memref_slice %arg17[%add3A_12, %dma_start3A_299] : memref<10080x64xf32, #tpu.memory_space<vmem_shared>> -> memref<63x64xf32, #tpu.memory_space<vmem_shared>>
      tpu.enqueue_dma source(%arg16 : memref<63x64xf32, #tpu.memory_space<vmem>>) target(%dma_start3A_300 : memref<63x64xf32, #tpu.memory_space<vmem_shared>>) target_semaphore(%run_scoped3A : memref<!tpu.dma_semaphore, #tpu.memory_space<semaphore_mem>>)
      %dma_wait3A = arith.constant 0 : i32
      %dma_wait3A_301 = tpu.memref_slice %arg17[%add3A_12, %dma_wait3A] : memref<10080x64xf32, #tpu.memory_space<vmem_shared>> -> memref<63x64xf32, #tpu.memory_space<vmem_shared>>
      %dma_wait3A_302 = arith.constant 0 : i32
      %dma_wait3A_303 = tpu.memref_slice %arg17[%add3A_12, %dma_wait3A_302] : memref<10080x64xf32, #tpu.memory_space<vmem_shared>> -> memref<63x64xf32, #tpu.memory_space<vmem_shared>>
      tpu.wait_dma2 semaphore(%run_scoped3A : memref<!tpu.dma_semaphore, #tpu.memory_space<semaphore_mem>>) src(%arg16 : memref<63x64xf32, #tpu.memory_space<vmem>>) dst(%dma_wait3A_303 : memref<63x64xf32, #tpu.memory_space<vmem_shared>>)
      tpu.yield
    }) : () -> ()
    %mul3A_13 = arith.constant 630 : i32
    %mul3A_14 = arith.muli %arg1, %mul3A_13 : i32
    %add3A_15 = arith.constant 126 : i32
    %add3A_16 = arith.addi %mul3A_14, %add3A_15 : i32
    "tpu.region"() ({
      %run_scoped3A = tpu.sem_alloc : memref<!tpu.dma_semaphore, #tpu.memory_space<semaphore_mem>>
      %dma_start3A_297 = arith.constant 0 : i32
      %dma_start3A_298 = tpu.memref_slice %arg17[%add3A_16, %dma_start3A_297] : memref<10080x64xf32, #tpu.memory_space<vmem_shared>> -> memref<63x64xf32, #tpu.memory_space<vmem_shared>>
      %dma_start3A_299 = arith.constant 0 : i32
      %dma_start3A_300 = tpu.memref_slice %arg17[%add3A_16, %dma_start3A_299] : memref<10080x64xf32, #tpu.memory_space<vmem_shared>> -> memref<63x64xf32, #tpu.memory_space<vmem_shared>>
      tpu.enqueue_dma source(%arg16 : memref<63x64xf32, #tpu.memory_space<vmem>>) target(%dma_start3A_300 : memref<63x64xf32, #tpu.memory_space<vmem_shared>>) target_semaphore(%run_scoped3A : memref<!tpu.dma_semaphore, #tpu.memory_space<semaphore_mem>>)
      %dma_wait3A = arith.constant 0 : i32
      %dma_wait3A_301 = tpu.memref_slice %arg17[%add3A_16, %dma_wait3A] : memref<10080x64xf32, #tpu.memory_space<vmem_shared>> -> memref<63x64xf32, #tpu.memory_space<vmem_shared>>
      %dma_wait3A_302 = arith.constant 0 : i32
      %dma_wait3A_303 = tpu.memref_slice %arg17[%add3A_16, %dma_wait3A_302] : memref<10080x64xf32, #tpu.memory_space<vmem_shared>> -> memref<63x64xf32, #tpu.memory_space<vmem_shared>>
      tpu.wait_dma2 semaphore(%run_scoped3A : memref<!tpu.dma_semaphore, #tpu.memory_space<semaphore_mem>>) src(%arg16 : memref<63x64xf32, #tpu.memory_space<vmem>>) dst(%dma_wait3A_303 : memref<63x64xf32, #tpu.memory_space<vmem_shared>>)
      tpu.yield
    }) : () -> ()
    %mul3A_17 = arith.constant 630 : i32
    %mul3A_18 = arith.muli %arg1, %mul3A_17 : i32
    %add3A_19 = arith.constant 189 : i32
    %add3A_20 = arith.addi %mul3A_18, %add3A_19 : i32
    "tpu.region"() ({
      %run_scoped3A = tpu.sem_alloc : memref<!tpu.dma_semaphore, #tpu.memory_space<semaphore_mem>>
      %dma_start3A_297 = arith.constant 0 : i32
      %dma_start3A_298 = tpu.memref_slice %arg17[%add3A_20, %dma_start3A_297] : memref<10080x64xf32, #tpu.memory_space<vmem_shared>> -> memref<63x64xf32, #tpu.memory_space<vmem_shared>>
      %dma_start3A_299 = arith.constant 0 : i32
      %dma_start3A_300 = tpu.memref_slice %arg17[%add3A_20, %dma_start3A_299] : memref<10080x64xf32, #tpu.memory_space<vmem_shared>> -> memref<63x64xf32, #tpu.memory_space<vmem_shared>>
      tpu.enqueue_dma source(%arg16 : memref<63x64xf32, #tpu.memory_space<vmem>>) target(%dma_start3A_300 : memref<63x64xf32, #tpu.memory_space<vmem_shared>>) target_semaphore(%run_scoped3A : memref<!tpu.dma_semaphore, #tpu.memory_space<semaphore_mem>>)
      %dma_wait3A = arith.constant 0 : i32
      %dma_wait3A_301 = tpu.memref_slice %arg17[%add3A_20, %dma_wait3A] : memref<10080x64xf32, #tpu.memory_space<vmem_shared>> -> memref<63x64xf32, #tpu.memory_space<vmem_shared>>
      %dma_wait3A_302 = arith.constant 0 : i32
      %dma_wait3A_303 = tpu.memref_slice %arg17[%add3A_20, %dma_wait3A_302] : memref<10080x64xf32, #tpu.memory_space<vmem_shared>> -> memref<63x64xf32, #tpu.memory_space<vmem_shared>>
      tpu.wait_dma2 semaphore(%run_scoped3A : memref<!tpu.dma_semaphore, #tpu.memory_space<semaphore_mem>>) src(%arg16 : memref<63x64xf32, #tpu.memory_space<vmem>>) dst(%dma_wait3A_303 : memref<63x64xf32, #tpu.memory_space<vmem_shared>>)
      tpu.yield
    }) : () -> ()
    %mul3A_21 = arith.constant 630 : i32
    %mul3A_22 = arith.muli %arg1, %mul3A_21 : i32
    %add3A_23 = arith.constant 252 : i32
    %add3A_24 = arith.addi %mul3A_22, %add3A_23 : i32
    "tpu.region"() ({
      %run_scoped3A = tpu.sem_alloc : memref<!tpu.dma_semaphore, #tpu.memory_space<semaphore_mem>>
      %dma_start3A_297 = arith.constant 0 : i32
      %dma_start3A_298 = tpu.memref_slice %arg17[%add3A_24, %dma_start3A_297] : memref<10080x64xf32, #tpu.memory_space<vmem_shared>> -> memref<63x64xf32, #tpu.memory_space<vmem_shared>>
      %dma_start3A_299 = arith.constant 0 : i32
      %dma_start3A_300 = tpu.memref_slice %arg17[%add3A_24, %dma_start3A_299] : memref<10080x64xf32, #tpu.memory_space<vmem_shared>> -> memref<63x64xf32, #tpu.memory_space<vmem_shared>>
      tpu.enqueue_dma source(%arg16 : memref<63x64xf32, #tpu.memory_space<vmem>>) target(%dma_start3A_300 : memref<63x64xf32, #tpu.memory_space<vmem_shared>>) target_semaphore(%run_scoped3A : memref<!tpu.dma_semaphore, #tpu.memory_space<semaphore_mem>>)
      %dma_wait3A = arith.constant 0 : i32
      %dma_wait3A_301 = tpu.memref_slice %arg17[%add3A_24, %dma_wait3A] : memref<10080x64xf32, #tpu.memory_space<vmem_shared>> -> memref<63x64xf32, #tpu.memory_space<vmem_shared>>
      %dma_wait3A_302 = arith.constant 0 : i32
      %dma_wait3A_303 = tpu.memref_slice %arg17[%add3A_24, %dma_wait3A_302] : memref<10080x64xf32, #tpu.memory_space<vmem_shared>> -> memref<63x64xf32, #tpu.memory_space<vmem_shared>>
      tpu.wait_dma2 semaphore(%run_scoped3A : memref<!tpu.dma_semaphore, #tpu.memory_space<semaphore_mem>>) src(%arg16 : memref<63x64xf32, #tpu.memory_space<vmem>>) dst(%dma_wait3A_303 : memref<63x64xf32, #tpu.memory_space<vmem_shared>>)
      tpu.yield
    }) : () -> ()
    %mul3A_25 = arith.constant 630 : i32
    %mul3A_26 = arith.muli %arg1, %mul3A_25 : i32
    %add3A_27 = arith.constant 315 : i32
    %add3A_28 = arith.addi %mul3A_26, %add3A_27 : i32
    "tpu.region"() ({
      %run_scoped3A = tpu.sem_alloc : memref<!tpu.dma_semaphore, #tpu.memory_space<semaphore_mem>>
      %dma_start3A_297 = arith.constant 0 : i32
      %dma_start3A_298 = tpu.memref_slice %arg17[%add3A_28, %dma_start3A_297] : memref<10080x64xf32, #tpu.memory_space<vmem_shared>> -> memref<63x64xf32, #tpu.memory_space<vmem_shared>>
      %dma_start3A_299 = arith.constant 0 : i32
      %dma_start3A_300 = tpu.memref_slice %arg17[%add3A_28, %dma_start3A_299] : memref<10080x64xf32, #tpu.memory_space<vmem_shared>> -> memref<63x64xf32, #tpu.memory_space<vmem_shared>>
      tpu.enqueue_dma source(%arg16 : memref<63x64xf32, #tpu.memory_space<vmem>>) target(%dma_start3A_300 : memref<63x64xf32, #tpu.memory_space<vmem_shared>>) target_semaphore(%run_scoped3A : memref<!tpu.dma_semaphore, #tpu.memory_space<semaphore_mem>>)
      %dma_wait3A = arith.constant 0 : i32
      %dma_wait3A_301 = tpu.memref_slice %arg17[%add3A_28, %dma_wait3A] : memref<10080x64xf32, #tpu.memory_space<vmem_shared>> -> memref<63x64xf32, #tpu.memory_space<vmem_shared>>
      %dma_wait3A_302 = arith.constant 0 : i32
      %dma_wait3A_303 = tpu.memref_slice %arg17[%add3A_28, %dma_wait3A_302] : memref<10080x64xf32, #tpu.memory_space<vmem_shared>> -> memref<63x64xf32, #tpu.memory_space<vmem_shared>>
      tpu.wait_dma2 semaphore(%run_scoped3A : memref<!tpu.dma_semaphore, #tpu.memory_space<semaphore_mem>>) src(%arg16 : memref<63x64xf32, #tpu.memory_space<vmem>>) dst(%dma_wait3A_303 : memref<63x64xf32, #tpu.memory_space<vmem_shared>>)
      tpu.yield
    }) : () -> ()
    %mul3A_29 = arith.constant 630 : i32
    %mul3A_30 = arith.muli %arg1, %mul3A_29 : i32
    %add3A_31 = arith.constant 378 : i32
    %add3A_32 = arith.addi %mul3A_30, %add3A_31 : i32
    "tpu.region"() ({
      %run_scoped3A = tpu.sem_alloc : memref<!tpu.dma_semaphore, #tpu.memory_space<semaphore_mem>>
      %dma_start3A_297 = arith.constant 0 : i32
      %dma_start3A_298 = tpu.memref_slice %arg17[%add3A_32, %dma_start3A_297] : memref<10080x64xf32, #tpu.memory_space<vmem_shared>> -> memref<63x64xf32, #tpu.memory_space<vmem_shared>>
      %dma_start3A_299 = arith.constant 0 : i32
      %dma_start3A_300 = tpu.memref_slice %arg17[%add3A_32, %dma_start3A_299] : memref<10080x64xf32, #tpu.memory_space<vmem_shared>> -> memref<63x64xf32, #tpu.memory_space<vmem_shared>>
      tpu.enqueue_dma source(%arg16 : memref<63x64xf32, #tpu.memory_space<vmem>>) target(%dma_start3A_300 : memref<63x64xf32, #tpu.memory_space<vmem_shared>>) target_semaphore(%run_scoped3A : memref<!tpu.dma_semaphore, #tpu.memory_space<semaphore_mem>>)
      %dma_wait3A = arith.constant 0 : i32
      %dma_wait3A_301 = tpu.memref_slice %arg17[%add3A_32, %dma_wait3A] : memref<10080x64xf32, #tpu.memory_space<vmem_shared>> -> memref<63x64xf32, #tpu.memory_space<vmem_shared>>
      %dma_wait3A_302 = arith.constant 0 : i32
      %dma_wait3A_303 = tpu.memref_slice %arg17[%add3A_32, %dma_wait3A_302] : memref<10080x64xf32, #tpu.memory_space<vmem_shared>> -> memref<63x64xf32, #tpu.memory_space<vmem_shared>>
      tpu.wait_dma2 semaphore(%run_scoped3A : memref<!tpu.dma_semaphore, #tpu.memory_space<semaphore_mem>>) src(%arg16 : memref<63x64xf32, #tpu.memory_space<vmem>>) dst(%dma_wait3A_303 : memref<63x64xf32, #tpu.memory_space<vmem_shared>>)
      tpu.yield
    }) : () -> ()
    %mul3A_33 = arith.constant 630 : i32
    %mul3A_34 = arith.muli %arg1, %mul3A_33 : i32
    %add3A_35 = arith.constant 441 : i32
    %add3A_36 = arith.addi %mul3A_34, %add3A_35 : i32
    "tpu.region"() ({
      %run_scoped3A = tpu.sem_alloc : memref<!tpu.dma_semaphore, #tpu.memory_space<semaphore_mem>>
      %dma_start3A_297 = arith.constant 0 : i32
      %dma_start3A_298 = tpu.memref_slice %arg17[%add3A_36, %dma_start3A_297] : memref<10080x64xf32, #tpu.memory_space<vmem_shared>> -> memref<63x64xf32, #tpu.memory_space<vmem_shared>>
      %dma_start3A_299 = arith.constant 0 : i32
      %dma_start3A_300 = tpu.memref_slice %arg17[%add3A_36, %dma_start3A_299] : memref<10080x64xf32, #tpu.memory_space<vmem_shared>> -> memref<63x64xf32, #tpu.memory_space<vmem_shared>>
      tpu.enqueue_dma source(%arg16 : memref<63x64xf32, #tpu.memory_space<vmem>>) target(%dma_start3A_300 : memref<63x64xf32, #tpu.memory_space<vmem_shared>>) target_semaphore(%run_scoped3A : memref<!tpu.dma_semaphore, #tpu.memory_space<semaphore_mem>>)
      %dma_wait3A = arith.constant 0 : i32
      %dma_wait3A_301 = tpu.memref_slice %arg17[%add3A_36, %dma_wait3A] : memref<10080x64xf32, #tpu.memory_space<vmem_shared>> -> memref<63x64xf32, #tpu.memory_space<vmem_shared>>
      %dma_wait3A_302 = arith.constant 0 : i32
      %dma_wait3A_303 = tpu.memref_slice %arg17[%add3A_36, %dma_wait3A_302] : memref<10080x64xf32, #tpu.memory_space<vmem_shared>> -> memref<63x64xf32, #tpu.memory_space<vmem_shared>>
      tpu.wait_dma2 semaphore(%run_scoped3A : memref<!tpu.dma_semaphore, #tpu.memory_space<semaphore_mem>>) src(%arg16 : memref<63x64xf32, #tpu.memory_space<vmem>>) dst(%dma_wait3A_303 : memref<63x64xf32, #tpu.memory_space<vmem_shared>>)
      tpu.yield
    }) : () -> ()
    %mul3A_37 = arith.constant 630 : i32
    %mul3A_38 = arith.muli %arg1, %mul3A_37 : i32
    %add3A_39 = arith.constant 504 : i32
    %add3A_40 = arith.addi %mul3A_38, %add3A_39 : i32
    "tpu.region"() ({
      %run_scoped3A = tpu.sem_alloc : memref<!tpu.dma_semaphore, #tpu.memory_space<semaphore_mem>>
      %dma_start3A_297 = arith.constant 0 : i32
      %dma_start3A_298 = tpu.memref_slice %arg17[%add3A_40, %dma_start3A_297] : memref<10080x64xf32, #tpu.memory_space<vmem_shared>> -> memref<63x64xf32, #tpu.memory_space<vmem_shared>>
      %dma_start3A_299 = arith.constant 0 : i32
      %dma_start3A_300 = tpu.memref_slice %arg17[%add3A_40, %dma_start3A_299] : memref<10080x64xf32, #tpu.memory_space<vmem_shared>> -> memref<63x64xf32, #tpu.memory_space<vmem_shared>>
      tpu.enqueue_dma source(%arg16 : memref<63x64xf32, #tpu.memory_space<vmem>>) target(%dma_start3A_300 : memref<63x64xf32, #tpu.memory_space<vmem_shared>>) target_semaphore(%run_scoped3A : memref<!tpu.dma_semaphore, #tpu.memory_space<semaphore_mem>>)
      %dma_wait3A = arith.constant 0 : i32
      %dma_wait3A_301 = tpu.memref_slice %arg17[%add3A_40, %dma_wait3A] : memref<10080x64xf32, #tpu.memory_space<vmem_shared>> -> memref<63x64xf32, #tpu.memory_space<vmem_shared>>
      %dma_wait3A_302 = arith.constant 0 : i32
      %dma_wait3A_303 = tpu.memref_slice %arg17[%add3A_40, %dma_wait3A_302] : memref<10080x64xf32, #tpu.memory_space<vmem_shared>> -> memref<63x64xf32, #tpu.memory_space<vmem_shared>>
      tpu.wait_dma2 semaphore(%run_scoped3A : memref<!tpu.dma_semaphore, #tpu.memory_space<semaphore_mem>>) src(%arg16 : memref<63x64xf32, #tpu.memory_space<vmem>>) dst(%dma_wait3A_303 : memref<63x64xf32, #tpu.memory_space<vmem_shared>>)
      tpu.yield
    }) : () -> ()
    %mul3A_41 = arith.constant 630 : i32
    %mul3A_42 = arith.muli %arg1, %mul3A_41 : i32
    %add3A_43 = arith.constant 567 : i32
    %add3A_44 = arith.addi %mul3A_42, %add3A_43 : i32
    "tpu.region"() ({
      %run_scoped3A = tpu.sem_alloc : memref<!tpu.dma_semaphore, #tpu.memory_space<semaphore_mem>>
      %dma_start3A_297 = arith.constant 0 : i32
      %dma_start3A_298 = tpu.memref_slice %arg17[%add3A_44, %dma_start3A_297] : memref<10080x64xf32, #tpu.memory_space<vmem_shared>> -> memref<63x64xf32, #tpu.memory_space<vmem_shared>>
      %dma_start3A_299 = arith.constant 0 : i32
      %dma_start3A_300 = tpu.memref_slice %arg17[%add3A_44, %dma_start3A_299] : memref<10080x64xf32, #tpu.memory_space<vmem_shared>> -> memref<63x64xf32, #tpu.memory_space<vmem_shared>>
      tpu.enqueue_dma source(%arg16 : memref<63x64xf32, #tpu.memory_space<vmem>>) target(%dma_start3A_300 : memref<63x64xf32, #tpu.memory_space<vmem_shared>>) target_semaphore(%run_scoped3A : memref<!tpu.dma_semaphore, #tpu.memory_space<semaphore_mem>>)
      %dma_wait3A = arith.constant 0 : i32
      %dma_wait3A_301 = tpu.memref_slice %arg17[%add3A_44, %dma_wait3A] : memref<10080x64xf32, #tpu.memory_space<vmem_shared>> -> memref<63x64xf32, #tpu.memory_space<vmem_shared>>
      %dma_wait3A_302 = arith.constant 0 : i32
      %dma_wait3A_303 = tpu.memref_slice %arg17[%add3A_44, %dma_wait3A_302] : memref<10080x64xf32, #tpu.memory_space<vmem_shared>> -> memref<63x64xf32, #tpu.memory_space<vmem_shared>>
      tpu.wait_dma2 semaphore(%run_scoped3A : memref<!tpu.dma_semaphore, #tpu.memory_space<semaphore_mem>>) src(%arg16 : memref<63x64xf32, #tpu.memory_space<vmem>>) dst(%dma_wait3A_303 : memref<63x64xf32, #tpu.memory_space<vmem_shared>>)
      tpu.yield
    }) : () -> ()
    %barrier3A = arith.constant 0 : index
    tpu.barrier barrier_id(%barrier3A)
    %mul3A_45 = arith.constant 2 : i32
    %mul3A_46 = arith.muli %arg0, %mul3A_45 : i32
    %add3A_47 = arith.constant 0 : i32
    %add3A_48 = arith.addi %mul3A_46, %add3A_47 : i32
    %dma_start3A = arith.constant 0 : i32
    %dma_start3A_49 = arith.constant 0 : i32
    %dma_start3A_50 = tpu.memref_slice %arg6[%dma_start3A, %dma_start3A_49] : memref<80x128xi32, #tpu.memory_space<vmem>> -> memref<1x128xi32, #tpu.memory_space<vmem>>
    %dma_start3A_51 = tpu.memref_squeeze %dma_start3A_50 : memref<1x128xi32, #tpu.memory_space<vmem>> -> memref<128xi32, #tpu.memory_space<vmem>>
    %dma_start3A_52 = arith.constant 0 : i32
    %dma_start3A_53 = arith.constant 0 : i32
    %dma_start3A_54 = tpu.memref_slice %arg2[%add3A_48, %dma_start3A_52, %dma_start3A_53] : memref<4x10000x64xf32, #tpu.memory_space<hbm>> -> memref<1x10000x64xf32, #tpu.memory_space<hbm>>
    %dma_start3A_55 = tpu.memref_squeeze %dma_start3A_54 : memref<1x10000x64xf32, #tpu.memory_space<hbm>> -> memref<10000x64xf32, #tpu.memory_space<hbm>>
    %dma_start3A_56 = arith.constant 0 : i32
    %dma_start3A_57 = arith.constant 0 : i32
    %dma_start3A_58 = tpu.memref_slice %dma_start3A_55[%dma_start3A_56, %dma_start3A_57] : memref<10000x64xf32, #tpu.memory_space<hbm>> -> memref<10000x64xf32, #tpu.memory_space<hbm>>
    tpu.enqueue_indirect_dma source(%dma_start3A_58 : memref<10000x64xf32, #tpu.memory_space<hbm>>) target(%arg8 : memref<128x64xf32, #tpu.memory_space<vmem>>) offsets(%dma_start3A_51 : memref<128xi32, #tpu.memory_space<vmem>>) semaphore(%arg18 : memref<!tpu.dma_semaphore, #tpu.memory_space<semaphore_mem>>)
    %dma_start3A_59 = arith.constant 1 : i32
    %dma_start3A_60 = arith.constant 0 : i32
    %dma_start3A_61 = tpu.memref_slice %arg6[%dma_start3A_59, %dma_start3A_60] : memref<80x128xi32, #tpu.memory_space<vmem>> -> memref<1x128xi32, #tpu.memory_space<vmem>>
    %dma_start3A_62 = tpu.memref_squeeze %dma_start3A_61 : memref<1x128xi32, #tpu.memory_space<vmem>> -> memref<128xi32, #tpu.memory_space<vmem>>
    %dma_start3A_63 = arith.constant 0 : i32
    %dma_start3A_64 = arith.constant 0 : i32
    %dma_start3A_65 = tpu.memref_slice %arg2[%add3A_48, %dma_start3A_63, %dma_start3A_64] : memref<4x10000x64xf32, #tpu.memory_space<hbm>> -> memref<1x10000x64xf32, #tpu.memory_space<hbm>>
    %dma_start3A_66 = tpu.memref_squeeze %dma_start3A_65 : memref<1x10000x64xf32, #tpu.memory_space<hbm>> -> memref<10000x64xf32, #tpu.memory_space<hbm>>
    %dma_start3A_67 = arith.constant 0 : i32
    %dma_start3A_68 = arith.constant 0 : i32
    %dma_start3A_69 = tpu.memref_slice %dma_start3A_66[%dma_start3A_67, %dma_start3A_68] : memref<10000x64xf32, #tpu.memory_space<hbm>> -> memref<10000x64xf32, #tpu.memory_space<hbm>>
    tpu.enqueue_indirect_dma source(%dma_start3A_69 : memref<10000x64xf32, #tpu.memory_space<hbm>>) target(%arg9 : memref<128x64xf32, #tpu.memory_space<vmem>>) offsets(%dma_start3A_62 : memref<128xi32, #tpu.memory_space<vmem>>) semaphore(%arg19 : memref<!tpu.dma_semaphore, #tpu.memory_space<semaphore_mem>>)
    %dma_start3A_70 = arith.constant 2 : i32
    %dma_start3A_71 = arith.constant 0 : i32
    %dma_start3A_72 = tpu.memref_slice %arg6[%dma_start3A_70, %dma_start3A_71] : memref<80x128xi32, #tpu.memory_space<vmem>> -> memref<1x128xi32, #tpu.memory_space<vmem>>
    %dma_start3A_73 = tpu.memref_squeeze %dma_start3A_72 : memref<1x128xi32, #tpu.memory_space<vmem>> -> memref<128xi32, #tpu.memory_space<vmem>>
    %dma_start3A_74 = arith.constant 0 : i32
    %dma_start3A_75 = arith.constant 0 : i32
    %dma_start3A_76 = tpu.memref_slice %arg2[%add3A_48, %dma_start3A_74, %dma_start3A_75] : memref<4x10000x64xf32, #tpu.memory_space<hbm>> -> memref<1x10000x64xf32, #tpu.memory_space<hbm>>
    %dma_start3A_77 = tpu.memref_squeeze %dma_start3A_76 : memref<1x10000x64xf32, #tpu.memory_space<hbm>> -> memref<10000x64xf32, #tpu.memory_space<hbm>>
    %dma_start3A_78 = arith.constant 0 : i32
    %dma_start3A_79 = arith.constant 0 : i32
    %dma_start3A_80 = tpu.memref_slice %dma_start3A_77[%dma_start3A_78, %dma_start3A_79] : memref<10000x64xf32, #tpu.memory_space<hbm>> -> memref<10000x64xf32, #tpu.memory_space<hbm>>
    tpu.enqueue_indirect_dma source(%dma_start3A_80 : memref<10000x64xf32, #tpu.memory_space<hbm>>) target(%arg10 : memref<128x64xf32, #tpu.memory_space<vmem>>) offsets(%dma_start3A_73 : memref<128xi32, #tpu.memory_space<vmem>>) semaphore(%arg20 : memref<!tpu.dma_semaphore, #tpu.memory_space<semaphore_mem>>)
    %dma_start3A_81 = arith.constant 3 : i32
    %dma_start3A_82 = arith.constant 0 : i32
    %dma_start3A_83 = tpu.memref_slice %arg6[%dma_start3A_81, %dma_start3A_82] : memref<80x128xi32, #tpu.memory_space<vmem>> -> memref<1x128xi32, #tpu.memory_space<vmem>>
    %dma_start3A_84 = tpu.memref_squeeze %dma_start3A_83 : memref<1x128xi32, #tpu.memory_space<vmem>> -> memref<128xi32, #tpu.memory_space<vmem>>
    %dma_start3A_85 = arith.constant 0 : i32
    %dma_start3A_86 = arith.constant 0 : i32
    %dma_start3A_87 = tpu.memref_slice %arg2[%add3A_48, %dma_start3A_85, %dma_start3A_86] : memref<4x10000x64xf32, #tpu.memory_space<hbm>> -> memref<1x10000x64xf32, #tpu.memory_space<hbm>>
    %dma_start3A_88 = tpu.memref_squeeze %dma_start3A_87 : memref<1x10000x64xf32, #tpu.memory_space<hbm>> -> memref<10000x64xf32, #tpu.memory_space<hbm>>
    %dma_start3A_89 = arith.constant 0 : i32
    %dma_start3A_90 = arith.constant 0 : i32
    %dma_start3A_91 = tpu.memref_slice %dma_start3A_88[%dma_start3A_89, %dma_start3A_90] : memref<10000x64xf32, #tpu.memory_space<hbm>> -> memref<10000x64xf32, #tpu.memory_space<hbm>>
    tpu.enqueue_indirect_dma source(%dma_start3A_91 : memref<10000x64xf32, #tpu.memory_space<hbm>>) target(%arg11 : memref<128x64xf32, #tpu.memory_space<vmem>>) offsets(%dma_start3A_84 : memref<128xi32, #tpu.memory_space<vmem>>) semaphore(%arg21 : memref<!tpu.dma_semaphore, #tpu.memory_space<semaphore_mem>>)
    %dma_start3A_92 = arith.constant 4 : i32
    %dma_start3A_93 = arith.constant 0 : i32
    %dma_start3A_94 = tpu.memref_slice %arg6[%dma_start3A_92, %dma_start3A_93] : memref<80x128xi32, #tpu.memory_space<vmem>> -> memref<1x128xi32, #tpu.memory_space<vmem>>
    %dma_start3A_95 = tpu.memref_squeeze %dma_start3A_94 : memref<1x128xi32, #tpu.memory_space<vmem>> -> memref<128xi32, #tpu.memory_space<vmem>>
    %dma_start3A_96 = arith.constant 0 : i32
    %dma_start3A_97 = arith.constant 0 : i32
    %dma_start3A_98 = tpu.memref_slice %arg2[%add3A_48, %dma_start3A_96, %dma_start3A_97] : memref<4x10000x64xf32, #tpu.memory_space<hbm>> -> memref<1x10000x64xf32, #tpu.memory_space<hbm>>
    %dma_start3A_99 = tpu.memref_squeeze %dma_start3A_98 : memref<1x10000x64xf32, #tpu.memory_space<hbm>> -> memref<10000x64xf32, #tpu.memory_space<hbm>>
    %dma_start3A_100 = arith.constant 0 : i32
    %dma_start3A_101 = arith.constant 0 : i32
    %dma_start3A_102 = tpu.memref_slice %dma_start3A_99[%dma_start3A_100, %dma_start3A_101] : memref<10000x64xf32, #tpu.memory_space<hbm>> -> memref<10000x64xf32, #tpu.memory_space<hbm>>
    tpu.enqueue_indirect_dma source(%dma_start3A_102 : memref<10000x64xf32, #tpu.memory_space<hbm>>) target(%arg12 : memref<128x64xf32, #tpu.memory_space<vmem>>) offsets(%dma_start3A_95 : memref<128xi32, #tpu.memory_space<vmem>>) semaphore(%arg22 : memref<!tpu.dma_semaphore, #tpu.memory_space<semaphore_mem>>)
    %dma_start3A_103 = arith.constant 5 : i32
    %dma_start3A_104 = arith.constant 0 : i32
    %dma_start3A_105 = tpu.memref_slice %arg6[%dma_start3A_103, %dma_start3A_104] : memref<80x128xi32, #tpu.memory_space<vmem>> -> memref<1x128xi32, #tpu.memory_space<vmem>>
    %dma_start3A_106 = tpu.memref_squeeze %dma_start3A_105 : memref<1x128xi32, #tpu.memory_space<vmem>> -> memref<128xi32, #tpu.memory_space<vmem>>
    %dma_start3A_107 = arith.constant 0 : i32
    %dma_start3A_108 = arith.constant 0 : i32
    %dma_start3A_109 = tpu.memref_slice %arg2[%add3A_48, %dma_start3A_107, %dma_start3A_108] : memref<4x10000x64xf32, #tpu.memory_space<hbm>> -> memref<1x10000x64xf32, #tpu.memory_space<hbm>>
    %dma_start3A_110 = tpu.memref_squeeze %dma_start3A_109 : memref<1x10000x64xf32, #tpu.memory_space<hbm>> -> memref<10000x64xf32, #tpu.memory_space<hbm>>
    %dma_start3A_111 = arith.constant 0 : i32
    %dma_start3A_112 = arith.constant 0 : i32
    %dma_start3A_113 = tpu.memref_slice %dma_start3A_110[%dma_start3A_111, %dma_start3A_112] : memref<10000x64xf32, #tpu.memory_space<hbm>> -> memref<10000x64xf32, #tpu.memory_space<hbm>>
    tpu.enqueue_indirect_dma source(%dma_start3A_113 : memref<10000x64xf32, #tpu.memory_space<hbm>>) target(%arg13 : memref<128x64xf32, #tpu.memory_space<vmem>>) offsets(%dma_start3A_106 : memref<128xi32, #tpu.memory_space<vmem>>) semaphore(%arg23 : memref<!tpu.dma_semaphore, #tpu.memory_space<semaphore_mem>>)
    %dma_start3A_114 = arith.constant 6 : i32
    %dma_start3A_115 = arith.constant 0 : i32
    %dma_start3A_116 = tpu.memref_slice %arg6[%dma_start3A_114, %dma_start3A_115] : memref<80x128xi32, #tpu.memory_space<vmem>> -> memref<1x128xi32, #tpu.memory_space<vmem>>
    %dma_start3A_117 = tpu.memref_squeeze %dma_start3A_116 : memref<1x128xi32, #tpu.memory_space<vmem>> -> memref<128xi32, #tpu.memory_space<vmem>>
    %dma_start3A_118 = arith.constant 0 : i32
    %dma_start3A_119 = arith.constant 0 : i32
    %dma_start3A_120 = tpu.memref_slice %arg2[%add3A_48, %dma_start3A_118, %dma_start3A_119] : memref<4x10000x64xf32, #tpu.memory_space<hbm>> -> memref<1x10000x64xf32, #tpu.memory_space<hbm>>
    %dma_start3A_121 = tpu.memref_squeeze %dma_start3A_120 : memref<1x10000x64xf32, #tpu.memory_space<hbm>> -> memref<10000x64xf32, #tpu.memory_space<hbm>>
    %dma_start3A_122 = arith.constant 0 : i32
    %dma_start3A_123 = arith.constant 0 : i32
    %dma_start3A_124 = tpu.memref_slice %dma_start3A_121[%dma_start3A_122, %dma_start3A_123] : memref<10000x64xf32, #tpu.memory_space<hbm>> -> memref<10000x64xf32, #tpu.memory_space<hbm>>
    tpu.enqueue_indirect_dma source(%dma_start3A_124 : memref<10000x64xf32, #tpu.memory_space<hbm>>) target(%arg14 : memref<128x64xf32, #tpu.memory_space<vmem>>) offsets(%dma_start3A_117 : memref<128xi32, #tpu.memory_space<vmem>>) semaphore(%arg24 : memref<!tpu.dma_semaphore, #tpu.memory_space<semaphore_mem>>)
    %dma_start3A_125 = arith.constant 7 : i32
    %dma_start3A_126 = arith.constant 0 : i32
    %dma_start3A_127 = tpu.memref_slice %arg6[%dma_start3A_125, %dma_start3A_126] : memref<80x128xi32, #tpu.memory_space<vmem>> -> memref<1x128xi32, #tpu.memory_space<vmem>>
    %dma_start3A_128 = tpu.memref_squeeze %dma_start3A_127 : memref<1x128xi32, #tpu.memory_space<vmem>> -> memref<128xi32, #tpu.memory_space<vmem>>
    %dma_start3A_129 = arith.constant 0 : i32
    %dma_start3A_130 = arith.constant 0 : i32
    %dma_start3A_131 = tpu.memref_slice %arg2[%add3A_48, %dma_start3A_129, %dma_start3A_130] : memref<4x10000x64xf32, #tpu.memory_space<hbm>> -> memref<1x10000x64xf32, #tpu.memory_space<hbm>>
    %dma_start3A_132 = tpu.memref_squeeze %dma_start3A_131 : memref<1x10000x64xf32, #tpu.memory_space<hbm>> -> memref<10000x64xf32, #tpu.memory_space<hbm>>
    %dma_start3A_133 = arith.constant 0 : i32
    %dma_start3A_134 = arith.constant 0 : i32
    %dma_start3A_135 = tpu.memref_slice %dma_start3A_132[%dma_start3A_133, %dma_start3A_134] : memref<10000x64xf32, #tpu.memory_space<hbm>> -> memref<10000x64xf32, #tpu.memory_space<hbm>>
    tpu.enqueue_indirect_dma source(%dma_start3A_135 : memref<10000x64xf32, #tpu.memory_space<hbm>>) target(%arg15 : memref<128x64xf32, #tpu.memory_space<vmem>>) offsets(%dma_start3A_128 : memref<128xi32, #tpu.memory_space<vmem>>) semaphore(%arg25 : memref<!tpu.dma_semaphore, #tpu.memory_space<semaphore_mem>>)
    %scan3A_136 = arith.constant 0 : i32
    %scan3A_137 = arith.constant 0 : i32
    %scan3A_138 = arith.constant 10 : i32
    %scan3A_139 = arith.addi %scan3A_137, %scan3A_138 : i32
    %scan3A_140 = arith.constant 1 : i32
    %scan3A_141 = scf.for %scan3A_297 = %scan3A_137 to %scan3A_139 step %scan3A_140 iter_args(%scan3A_298 = %scan3A_136) -> (i32)  : i32 {
      %mul3A_299 = arith.constant 8 : i32
      %mul3A_300 = arith.muli %mul3A_299, %scan3A_297 : i32
      %dma_wait3A = arith.constant 0 : i32
      %dma_wait3A_301 = arith.constant 0 : i32
      %dma_wait3A_302 = arith.constant 0 : i32
      %dma_wait3A_303 = tpu.memref_slice %arg2[%dma_wait3A, %dma_wait3A_301, %dma_wait3A_302] : memref<4x10000x64xf32, #tpu.memory_space<hbm>> -> memref<1x10000x64xf32, #tpu.memory_space<hbm>>
      %dma_wait3A_304 = tpu.memref_squeeze %dma_wait3A_303 : memref<1x10000x64xf32, #tpu.memory_space<hbm>> -> memref<10000x64xf32, #tpu.memory_space<hbm>>
      %dma_wait3A_305 = arith.constant 0 : i32
      %dma_wait3A_306 = arith.constant 0 : i32
      %dma_wait3A_307 = tpu.memref_slice %dma_wait3A_304[%dma_wait3A_305, %dma_wait3A_306] : memref<10000x64xf32, #tpu.memory_space<hbm>> -> memref<128x64xf32, #tpu.memory_space<hbm>>
      %dma_wait3A_308 = arith.constant 0 : i32
      %dma_wait3A_309 = arith.constant 0 : i32
      %dma_wait3A_310 = tpu.memref_slice %arg2[%dma_wait3A, %dma_wait3A_308, %dma_wait3A_309] : memref<4x10000x64xf32, #tpu.memory_space<hbm>> -> memref<1x10000x64xf32, #tpu.memory_space<hbm>>
      %dma_wait3A_311 = tpu.memref_squeeze %dma_wait3A_310 : memref<1x10000x64xf32, #tpu.memory_space<hbm>> -> memref<10000x64xf32, #tpu.memory_space<hbm>>
      %dma_wait3A_312 = arith.constant 0 : i32
      %dma_wait3A_313 = arith.constant 0 : i32
      %dma_wait3A_314 = tpu.memref_slice %dma_wait3A_311[%dma_wait3A_312, %dma_wait3A_313] : memref<10000x64xf32, #tpu.memory_space<hbm>> -> memref<128x64xf32, #tpu.memory_space<hbm>>
      tpu.wait_dma2 semaphore(%arg18 : memref<!tpu.dma_semaphore, #tpu.memory_space<semaphore_mem>>) src(%dma_wait3A_314 : memref<128x64xf32, #tpu.memory_space<hbm>>) dst(%arg8 : memref<128x64xf32, #tpu.memory_space<vmem>>)
      %add3A_315 = arith.constant 0 : i32
      %add3A_316 = arith.addi %mul3A_300, %add3A_315 : i32
      %dma_start3A_317 = arith.constant 0 : i32
      %dma_start3A_318 = tpu.memref_slice %arg7[%add3A_316, %dma_start3A_317] : memref<80x128xi32, #tpu.memory_space<vmem>> -> memref<1x128xi32, #tpu.memory_space<vmem>>
      %dma_start3A_319 = tpu.memref_squeeze %dma_start3A_318 : memref<1x128xi32, #tpu.memory_space<vmem>> -> memref<128xi32, #tpu.memory_space<vmem>>
      %dma_start3A_320 = arith.constant 0 : i32
      %dma_start3A_321 = arith.constant 0 : i32
      %dma_start3A_322 = tpu.memref_slice %arg17[%dma_start3A_320, %dma_start3A_321] : memref<10080x64xf32, #tpu.memory_space<vmem_shared>> -> memref<10080x64xf32, #tpu.memory_space<vmem_shared>>
      tpu.enqueue_indirect_dma source(%arg8 : memref<128x64xf32, #tpu.memory_space<vmem>>) target(%dma_start3A_322 : memref<10080x64xf32, #tpu.memory_space<vmem_shared>>) offsets(%dma_start3A_319 : memref<128xi32, #tpu.memory_space<vmem>>) semaphore(%arg18 : memref<!tpu.dma_semaphore, #tpu.memory_space<semaphore_mem>>) {add = true}
      %dma_wait3A_323 = arith.constant 0 : i32
      %dma_wait3A_324 = arith.constant 0 : i32
      %dma_wait3A_325 = arith.constant 0 : i32
      %dma_wait3A_326 = tpu.memref_slice %arg2[%dma_wait3A_323, %dma_wait3A_324, %dma_wait3A_325] : memref<4x10000x64xf32, #tpu.memory_space<hbm>> -> memref<1x10000x64xf32, #tpu.memory_space<hbm>>
      %dma_wait3A_327 = tpu.memref_squeeze %dma_wait3A_326 : memref<1x10000x64xf32, #tpu.memory_space<hbm>> -> memref<10000x64xf32, #tpu.memory_space<hbm>>
      %dma_wait3A_328 = arith.constant 0 : i32
      %dma_wait3A_329 = arith.constant 0 : i32
      %dma_wait3A_330 = tpu.memref_slice %dma_wait3A_327[%dma_wait3A_328, %dma_wait3A_329] : memref<10000x64xf32, #tpu.memory_space<hbm>> -> memref<128x64xf32, #tpu.memory_space<hbm>>
      %dma_wait3A_331 = arith.constant 0 : i32
      %dma_wait3A_332 = arith.constant 0 : i32
      %dma_wait3A_333 = tpu.memref_slice %arg2[%dma_wait3A_323, %dma_wait3A_331, %dma_wait3A_332] : memref<4x10000x64xf32, #tpu.memory_space<hbm>> -> memref<1x10000x64xf32, #tpu.memory_space<hbm>>
      %dma_wait3A_334 = tpu.memref_squeeze %dma_wait3A_333 : memref<1x10000x64xf32, #tpu.memory_space<hbm>> -> memref<10000x64xf32, #tpu.memory_space<hbm>>
      %dma_wait3A_335 = arith.constant 0 : i32
      %dma_wait3A_336 = arith.constant 0 : i32
      %dma_wait3A_337 = tpu.memref_slice %dma_wait3A_334[%dma_wait3A_335, %dma_wait3A_336] : memref<10000x64xf32, #tpu.memory_space<hbm>> -> memref<128x64xf32, #tpu.memory_space<hbm>>
      tpu.wait_dma2 semaphore(%arg19 : memref<!tpu.dma_semaphore, #tpu.memory_space<semaphore_mem>>) src(%dma_wait3A_337 : memref<128x64xf32, #tpu.memory_space<hbm>>) dst(%arg9 : memref<128x64xf32, #tpu.memory_space<vmem>>)
      %add3A_338 = arith.constant 1 : i32
      %add3A_339 = arith.addi %mul3A_300, %add3A_338 : i32
      %dma_start3A_340 = arith.constant 0 : i32
      %dma_start3A_341 = tpu.memref_slice %arg7[%add3A_339, %dma_start3A_340] : memref<80x128xi32, #tpu.memory_space<vmem>> -> memref<1x128xi32, #tpu.memory_space<vmem>>
      %dma_start3A_342 = tpu.memref_squeeze %dma_start3A_341 : memref<1x128xi32, #tpu.memory_space<vmem>> -> memref<128xi32, #tpu.memory_space<vmem>>
      %dma_start3A_343 = arith.constant 0 : i32
      %dma_start3A_344 = arith.constant 0 : i32
      %dma_start3A_345 = tpu.memref_slice %arg17[%dma_start3A_343, %dma_start3A_344] : memref<10080x64xf32, #tpu.memory_space<vmem_shared>> -> memref<10080x64xf32, #tpu.memory_space<vmem_shared>>
      tpu.enqueue_indirect_dma source(%arg9 : memref<128x64xf32, #tpu.memory_space<vmem>>) target(%dma_start3A_345 : memref<10080x64xf32, #tpu.memory_space<vmem_shared>>) offsets(%dma_start3A_342 : memref<128xi32, #tpu.memory_space<vmem>>) semaphore(%arg19 : memref<!tpu.dma_semaphore, #tpu.memory_space<semaphore_mem>>) {add = true}
      %dma_wait3A_346 = arith.constant 0 : i32
      %dma_wait3A_347 = arith.constant 0 : i32
      %dma_wait3A_348 = arith.constant 0 : i32
      %dma_wait3A_349 = tpu.memref_slice %arg2[%dma_wait3A_346, %dma_wait3A_347, %dma_wait3A_348] : memref<4x10000x64xf32, #tpu.memory_space<hbm>> -> memref<1x10000x64xf32, #tpu.memory_space<hbm>>
      %dma_wait3A_350 = tpu.memref_squeeze %dma_wait3A_349 : memref<1x10000x64xf32, #tpu.memory_space<hbm>> -> memref<10000x64xf32, #tpu.memory_space<hbm>>
      %dma_wait3A_351 = arith.constant 0 : i32
      %dma_wait3A_352 = arith.constant 0 : i32
      %dma_wait3A_353 = tpu.memref_slice %dma_wait3A_350[%dma_wait3A_351, %dma_wait3A_352] : memref<10000x64xf32, #tpu.memory_space<hbm>> -> memref<128x64xf32, #tpu.memory_space<hbm>>
      %dma_wait3A_354 = arith.constant 0 : i32
      %dma_wait3A_355 = arith.constant 0 : i32
      %dma_wait3A_356 = tpu.memref_slice %arg2[%dma_wait3A_346, %dma_wait3A_354, %dma_wait3A_355] : memref<4x10000x64xf32, #tpu.memory_space<hbm>> -> memref<1x10000x64xf32, #tpu.memory_space<hbm>>
      %dma_wait3A_357 = tpu.memref_squeeze %dma_wait3A_356 : memref<1x10000x64xf32, #tpu.memory_space<hbm>> -> memref<10000x64xf32, #tpu.memory_space<hbm>>
      %dma_wait3A_358 = arith.constant 0 : i32
      %dma_wait3A_359 = arith.constant 0 : i32
      %dma_wait3A_360 = tpu.memref_slice %dma_wait3A_357[%dma_wait3A_358, %dma_wait3A_359] : memref<10000x64xf32, #tpu.memory_space<hbm>> -> memref<128x64xf32, #tpu.memory_space<hbm>>
      tpu.wait_dma2 semaphore(%arg20 : memref<!tpu.dma_semaphore, #tpu.memory_space<semaphore_mem>>) src(%dma_wait3A_360 : memref<128x64xf32, #tpu.memory_space<hbm>>) dst(%arg10 : memref<128x64xf32, #tpu.memory_space<vmem>>)
      %add3A_361 = arith.constant 2 : i32
      %add3A_362 = arith.addi %mul3A_300, %add3A_361 : i32
      %dma_start3A_363 = arith.constant 0 : i32
      %dma_start3A_364 = tpu.memref_slice %arg7[%add3A_362, %dma_start3A_363] : memref<80x128xi32, #tpu.memory_space<vmem>> -> memref<1x128xi32, #tpu.memory_space<vmem>>
      %dma_start3A_365 = tpu.memref_squeeze %dma_start3A_364 : memref<1x128xi32, #tpu.memory_space<vmem>> -> memref<128xi32, #tpu.memory_space<vmem>>
      %dma_start3A_366 = arith.constant 0 : i32
      %dma_start3A_367 = arith.constant 0 : i32
      %dma_start3A_368 = tpu.memref_slice %arg17[%dma_start3A_366, %dma_start3A_367] : memref<10080x64xf32, #tpu.memory_space<vmem_shared>> -> memref<10080x64xf32, #tpu.memory_space<vmem_shared>>
      tpu.enqueue_indirect_dma source(%arg10 : memref<128x64xf32, #tpu.memory_space<vmem>>) target(%dma_start3A_368 : memref<10080x64xf32, #tpu.memory_space<vmem_shared>>) offsets(%dma_start3A_365 : memref<128xi32, #tpu.memory_space<vmem>>) semaphore(%arg20 : memref<!tpu.dma_semaphore, #tpu.memory_space<semaphore_mem>>) {add = true}
      %dma_wait3A_369 = arith.constant 0 : i32
      %dma_wait3A_370 = arith.constant 0 : i32
      %dma_wait3A_371 = arith.constant 0 : i32
      %dma_wait3A_372 = tpu.memref_slice %arg2[%dma_wait3A_369, %dma_wait3A_370, %dma_wait3A_371] : memref<4x10000x64xf32, #tpu.memory_space<hbm>> -> memref<1x10000x64xf32, #tpu.memory_space<hbm>>
      %dma_wait3A_373 = tpu.memref_squeeze %dma_wait3A_372 : memref<1x10000x64xf32, #tpu.memory_space<hbm>> -> memref<10000x64xf32, #tpu.memory_space<hbm>>
      %dma_wait3A_374 = arith.constant 0 : i32
      %dma_wait3A_375 = arith.constant 0 : i32
      %dma_wait3A_376 = tpu.memref_slice %dma_wait3A_373[%dma_wait3A_374, %dma_wait3A_375] : memref<10000x64xf32, #tpu.memory_space<hbm>> -> memref<128x64xf32, #tpu.memory_space<hbm>>
      %dma_wait3A_377 = arith.constant 0 : i32
      %dma_wait3A_378 = arith.constant 0 : i32
      %dma_wait3A_379 = tpu.memref_slice %arg2[%dma_wait3A_369, %dma_wait3A_377, %dma_wait3A_378] : memref<4x10000x64xf32, #tpu.memory_space<hbm>> -> memref<1x10000x64xf32, #tpu.memory_space<hbm>>
      %dma_wait3A_380 = tpu.memref_squeeze %dma_wait3A_379 : memref<1x10000x64xf32, #tpu.memory_space<hbm>> -> memref<10000x64xf32, #tpu.memory_space<hbm>>
      %dma_wait3A_381 = arith.constant 0 : i32
      %dma_wait3A_382 = arith.constant 0 : i32
      %dma_wait3A_383 = tpu.memref_slice %dma_wait3A_380[%dma_wait3A_381, %dma_wait3A_382] : memref<10000x64xf32, #tpu.memory_space<hbm>> -> memref<128x64xf32, #tpu.memory_space<hbm>>
      tpu.wait_dma2 semaphore(%arg21 : memref<!tpu.dma_semaphore, #tpu.memory_space<semaphore_mem>>) src(%dma_wait3A_383 : memref<128x64xf32, #tpu.memory_space<hbm>>) dst(%arg11 : memref<128x64xf32, #tpu.memory_space<vmem>>)
      %add3A_384 = arith.constant 3 : i32
      %add3A_385 = arith.addi %mul3A_300, %add3A_384 : i32
      %dma_start3A_386 = arith.constant 0 : i32
      %dma_start3A_387 = tpu.memref_slice %arg7[%add3A_385, %dma_start3A_386] : memref<80x128xi32, #tpu.memory_space<vmem>> -> memref<1x128xi32, #tpu.memory_space<vmem>>
      %dma_start3A_388 = tpu.memref_squeeze %dma_start3A_387 : memref<1x128xi32, #tpu.memory_space<vmem>> -> memref<128xi32, #tpu.memory_space<vmem>>
      %dma_start3A_389 = arith.constant 0 : i32
      %dma_start3A_390 = arith.constant 0 : i32
      %dma_start3A_391 = tpu.memref_slice %arg17[%dma_start3A_389, %dma_start3A_390] : memref<10080x64xf32, #tpu.memory_space<vmem_shared>> -> memref<10080x64xf32, #tpu.memory_space<vmem_shared>>
      tpu.enqueue_indirect_dma source(%arg11 : memref<128x64xf32, #tpu.memory_space<vmem>>) target(%dma_start3A_391 : memref<10080x64xf32, #tpu.memory_space<vmem_shared>>) offsets(%dma_start3A_388 : memref<128xi32, #tpu.memory_space<vmem>>) semaphore(%arg21 : memref<!tpu.dma_semaphore, #tpu.memory_space<semaphore_mem>>) {add = true}
      %add3A_392 = arith.constant 8 : i32
      %add3A_393 = arith.addi %mul3A_300, %add3A_392 : i32
      %add3A_394 = arith.constant 0 : i32
      %add3A_395 = arith.addi %add3A_393, %add3A_394 : i32
      %dma_wait3A_396 = arith.constant 0 : i32
      %dma_wait3A_397 = arith.constant 0 : i32
      %dma_wait3A_398 = tpu.memref_slice %arg7[%dma_wait3A_396, %dma_wait3A_397] : memref<80x128xi32, #tpu.memory_space<vmem>> -> memref<1x128xi32, #tpu.memory_space<vmem>>
      %dma_wait3A_399 = tpu.memref_squeeze %dma_wait3A_398 : memref<1x128xi32, #tpu.memory_space<vmem>> -> memref<128xi32, #tpu.memory_space<vmem>>
      %dma_wait3A_400 = arith.constant 0 : i32
      %dma_wait3A_401 = arith.constant 0 : i32
      %dma_wait3A_402 = tpu.memref_slice %arg17[%dma_wait3A_400, %dma_wait3A_401] : memref<10080x64xf32, #tpu.memory_space<vmem_shared>> -> memref<10080x64xf32, #tpu.memory_space<vmem_shared>>
      tpu.wait_indirect_dma semaphore(%arg18 : memref<!tpu.dma_semaphore, #tpu.memory_space<semaphore_mem>>) src(%arg8 : memref<128x64xf32, #tpu.memory_space<vmem>>) dst(%dma_wait3A_402 : memref<10080x64xf32, #tpu.memory_space<vmem_shared>>)
      %lt3A = arith.constant 80 : i32
      %lt3A_403 = arith.cmpi slt, %add3A_395, %lt3A : i32
      %convert_element_type3A = arith.extui %lt3A_403 : i1 to i32
      %cond3A = arith.constant 0 : i32
      %cond3A_404 = arith.cmpi ne, %convert_element_type3A, %cond3A : i32
      scf.if %cond3A_404 {
        %dma_start3A_610 = arith.constant 0 : i32
        %dma_start3A_611 = tpu.memref_slice %arg6[%add3A_395, %dma_start3A_610] : memref<80x128xi32, #tpu.memory_space<vmem>> -> memref<1x128xi32, #tpu.memory_space<vmem>>
        %dma_start3A_612 = tpu.memref_squeeze %dma_start3A_611 : memref<1x128xi32, #tpu.memory_space<vmem>> -> memref<128xi32, #tpu.memory_space<vmem>>
        %dma_start3A_613 = arith.constant 0 : i32
        %dma_start3A_614 = arith.constant 0 : i32
        %dma_start3A_615 = tpu.memref_slice %arg2[%add3A_48, %dma_start3A_613, %dma_start3A_614] : memref<4x10000x64xf32, #tpu.memory_space<hbm>> -> memref<1x10000x64xf32, #tpu.memory_space<hbm>>
        %dma_start3A_616 = tpu.memref_squeeze %dma_start3A_615 : memref<1x10000x64xf32, #tpu.memory_space<hbm>> -> memref<10000x64xf32, #tpu.memory_space<hbm>>
        %dma_start3A_617 = arith.constant 0 : i32
        %dma_start3A_618 = arith.constant 0 : i32
        %dma_start3A_619 = tpu.memref_slice %dma_start3A_616[%dma_start3A_617, %dma_start3A_618] : memref<10000x64xf32, #tpu.memory_space<hbm>> -> memref<10000x64xf32, #tpu.memory_space<hbm>>
        tpu.enqueue_indirect_dma source(%dma_start3A_619 : memref<10000x64xf32, #tpu.memory_space<hbm>>) target(%arg8 : memref<128x64xf32, #tpu.memory_space<vmem>>) offsets(%dma_start3A_612 : memref<128xi32, #tpu.memory_space<vmem>>) semaphore(%arg18 : memref<!tpu.dma_semaphore, #tpu.memory_space<semaphore_mem>>)
      } else {
      }
      %add3A_405 = arith.constant 8 : i32
      %add3A_406 = arith.addi %mul3A_300, %add3A_405 : i32
      %add3A_407 = arith.constant 1 : i32
      %add3A_408 = arith.addi %add3A_406, %add3A_407 : i32
      %dma_wait3A_409 = arith.constant 0 : i32
      %dma_wait3A_410 = arith.constant 0 : i32
      %dma_wait3A_411 = tpu.memref_slice %arg7[%dma_wait3A_409, %dma_wait3A_410] : memref<80x128xi32, #tpu.memory_space<vmem>> -> memref<1x128xi32, #tpu.memory_space<vmem>>
      %dma_wait3A_412 = tpu.memref_squeeze %dma_wait3A_411 : memref<1x128xi32, #tpu.memory_space<vmem>> -> memref<128xi32, #tpu.memory_space<vmem>>
      %dma_wait3A_413 = arith.constant 0 : i32
      %dma_wait3A_414 = arith.constant 0 : i32
      %dma_wait3A_415 = tpu.memref_slice %arg17[%dma_wait3A_413, %dma_wait3A_414] : memref<10080x64xf32, #tpu.memory_space<vmem_shared>> -> memref<10080x64xf32, #tpu.memory_space<vmem_shared>>
      tpu.wait_indirect_dma semaphore(%arg19 : memref<!tpu.dma_semaphore, #tpu.memory_space<semaphore_mem>>) src(%arg9 : memref<128x64xf32, #tpu.memory_space<vmem>>) dst(%dma_wait3A_415 : memref<10080x64xf32, #tpu.memory_space<vmem_shared>>)
      %lt3A_416 = arith.constant 80 : i32
      %lt3A_417 = arith.cmpi slt, %add3A_408, %lt3A_416 : i32
      %convert_element_type3A_418 = arith.extui %lt3A_417 : i1 to i32
      %cond3A_419 = arith.constant 0 : i32
      %cond3A_420 = arith.cmpi ne, %convert_element_type3A_418, %cond3A_419 : i32
      scf.if %cond3A_420 {
        %dma_start3A_610 = arith.constant 0 : i32
        %dma_start3A_611 = tpu.memref_slice %arg6[%add3A_408, %dma_start3A_610] : memref<80x128xi32, #tpu.memory_space<vmem>> -> memref<1x128xi32, #tpu.memory_space<vmem>>
        %dma_start3A_612 = tpu.memref_squeeze %dma_start3A_611 : memref<1x128xi32, #tpu.memory_space<vmem>> -> memref<128xi32, #tpu.memory_space<vmem>>
        %dma_start3A_613 = arith.constant 0 : i32
        %dma_start3A_614 = arith.constant 0 : i32
        %dma_start3A_615 = tpu.memref_slice %arg2[%add3A_48, %dma_start3A_613, %dma_start3A_614] : memref<4x10000x64xf32, #tpu.memory_space<hbm>> -> memref<1x10000x64xf32, #tpu.memory_space<hbm>>
        %dma_start3A_616 = tpu.memref_squeeze %dma_start3A_615 : memref<1x10000x64xf32, #tpu.memory_space<hbm>> -> memref<10000x64xf32, #tpu.memory_space<hbm>>
        %dma_start3A_617 = arith.constant 0 : i32
        %dma_start3A_618 = arith.constant 0 : i32
        %dma_start3A_619 = tpu.memref_slice %dma_start3A_616[%dma_start3A_617, %dma_start3A_618] : memref<10000x64xf32, #tpu.memory_space<hbm>> -> memref<10000x64xf32, #tpu.memory_space<hbm>>
        tpu.enqueue_indirect_dma source(%dma_start3A_619 : memref<10000x64xf32, #tpu.memory_space<hbm>>) target(%arg9 : memref<128x64xf32, #tpu.memory_space<vmem>>) offsets(%dma_start3A_612 : memref<128xi32, #tpu.memory_space<vmem>>) semaphore(%arg19 : memref<!tpu.dma_semaphore, #tpu.memory_space<semaphore_mem>>)
      } else {
      }
      %add3A_421 = arith.constant 8 : i32
      %add3A_422 = arith.addi %mul3A_300, %add3A_421 : i32
      %add3A_423 = arith.constant 2 : i32
      %add3A_424 = arith.addi %add3A_422, %add3A_423 : i32
      %dma_wait3A_425 = arith.constant 0 : i32
      %dma_wait3A_426 = arith.constant 0 : i32
      %dma_wait3A_427 = tpu.memref_slice %arg7[%dma_wait3A_425, %dma_wait3A_426] : memref<80x128xi32, #tpu.memory_space<vmem>> -> memref<1x128xi32, #tpu.memory_space<vmem>>
      %dma_wait3A_428 = tpu.memref_squeeze %dma_wait3A_427 : memref<1x128xi32, #tpu.memory_space<vmem>> -> memref<128xi32, #tpu.memory_space<vmem>>
      %dma_wait3A_429 = arith.constant 0 : i32
      %dma_wait3A_430 = arith.constant 0 : i32
      %dma_wait3A_431 = tpu.memref_slice %arg17[%dma_wait3A_429, %dma_wait3A_430] : memref<10080x64xf32, #tpu.memory_space<vmem_shared>> -> memref<10080x64xf32, #tpu.memory_space<vmem_shared>>
      tpu.wait_indirect_dma semaphore(%arg20 : memref<!tpu.dma_semaphore, #tpu.memory_space<semaphore_mem>>) src(%arg10 : memref<128x64xf32, #tpu.memory_space<vmem>>) dst(%dma_wait3A_431 : memref<10080x64xf32, #tpu.memory_space<vmem_shared>>)
      %lt3A_432 = arith.constant 80 : i32
      %lt3A_433 = arith.cmpi slt, %add3A_424, %lt3A_432 : i32
      %convert_element_type3A_434 = arith.extui %lt3A_433 : i1 to i32
      %cond3A_435 = arith.constant 0 : i32
      %cond3A_436 = arith.cmpi ne, %convert_element_type3A_434, %cond3A_435 : i32
      scf.if %cond3A_436 {
        %dma_start3A_610 = arith.constant 0 : i32
        %dma_start3A_611 = tpu.memref_slice %arg6[%add3A_424, %dma_start3A_610] : memref<80x128xi32, #tpu.memory_space<vmem>> -> memref<1x128xi32, #tpu.memory_space<vmem>>
        %dma_start3A_612 = tpu.memref_squeeze %dma_start3A_611 : memref<1x128xi32, #tpu.memory_space<vmem>> -> memref<128xi32, #tpu.memory_space<vmem>>
        %dma_start3A_613 = arith.constant 0 : i32
        %dma_start3A_614 = arith.constant 0 : i32
        %dma_start3A_615 = tpu.memref_slice %arg2[%add3A_48, %dma_start3A_613, %dma_start3A_614] : memref<4x10000x64xf32, #tpu.memory_space<hbm>> -> memref<1x10000x64xf32, #tpu.memory_space<hbm>>
        %dma_start3A_616 = tpu.memref_squeeze %dma_start3A_615 : memref<1x10000x64xf32, #tpu.memory_space<hbm>> -> memref<10000x64xf32, #tpu.memory_space<hbm>>
        %dma_start3A_617 = arith.constant 0 : i32
        %dma_start3A_618 = arith.constant 0 : i32
        %dma_start3A_619 = tpu.memref_slice %dma_start3A_616[%dma_start3A_617, %dma_start3A_618] : memref<10000x64xf32, #tpu.memory_space<hbm>> -> memref<10000x64xf32, #tpu.memory_space<hbm>>
        tpu.enqueue_indirect_dma source(%dma_start3A_619 : memref<10000x64xf32, #tpu.memory_space<hbm>>) target(%arg10 : memref<128x64xf32, #tpu.memory_space<vmem>>) offsets(%dma_start3A_612 : memref<128xi32, #tpu.memory_space<vmem>>) semaphore(%arg20 : memref<!tpu.dma_semaphore, #tpu.memory_space<semaphore_mem>>)
      } else {
      }
      %add3A_437 = arith.constant 8 : i32
      %add3A_438 = arith.addi %mul3A_300, %add3A_437 : i32
      %add3A_439 = arith.constant 3 : i32
      %add3A_440 = arith.addi %add3A_438, %add3A_439 : i32
      %dma_wait3A_441 = arith.constant 0 : i32
      %dma_wait3A_442 = arith.constant 0 : i32
      %dma_wait3A_443 = tpu.memref_slice %arg7[%dma_wait3A_441, %dma_wait3A_442] : memref<80x128xi32, #tpu.memory_space<vmem>> -> memref<1x128xi32, #tpu.memory_space<vmem>>
      %dma_wait3A_444 = tpu.memref_squeeze %dma_wait3A_443 : memref<1x128xi32, #tpu.memory_space<vmem>> -> memref<128xi32, #tpu.memory_space<vmem>>
      %dma_wait3A_445 = arith.constant 0 : i32
      %dma_wait3A_446 = arith.constant 0 : i32
      %dma_wait3A_447 = tpu.memref_slice %arg17[%dma_wait3A_445, %dma_wait3A_446] : memref<10080x64xf32, #tpu.memory_space<vmem_shared>> -> memref<10080x64xf32, #tpu.memory_space<vmem_shared>>
      tpu.wait_indirect_dma semaphore(%arg21 : memref<!tpu.dma_semaphore, #tpu.memory_space<semaphore_mem>>) src(%arg11 : memref<128x64xf32, #tpu.memory_space<vmem>>) dst(%dma_wait3A_447 : memref<10080x64xf32, #tpu.memory_space<vmem_shared>>)
      %lt3A_448 = arith.constant 80 : i32
      %lt3A_449 = arith.cmpi slt, %add3A_440, %lt3A_448 : i32
      %convert_element_type3A_450 = arith.extui %lt3A_449 : i1 to i32
      %cond3A_451 = arith.constant 0 : i32
      %cond3A_452 = arith.cmpi ne, %convert_element_type3A_450, %cond3A_451 : i32
      scf.if %cond3A_452 {
        %dma_start3A_610 = arith.constant 0 : i32
        %dma_start3A_611 = tpu.memref_slice %arg6[%add3A_440, %dma_start3A_610] : memref<80x128xi32, #tpu.memory_space<vmem>> -> memref<1x128xi32, #tpu.memory_space<vmem>>
        %dma_start3A_612 = tpu.memref_squeeze %dma_start3A_611 : memref<1x128xi32, #tpu.memory_space<vmem>> -> memref<128xi32, #tpu.memory_space<vmem>>
        %dma_start3A_613 = arith.constant 0 : i32
        %dma_start3A_614 = arith.constant 0 : i32
        %dma_start3A_615 = tpu.memref_slice %arg2[%add3A_48, %dma_start3A_613, %dma_start3A_614] : memref<4x10000x64xf32, #tpu.memory_space<hbm>> -> memref<1x10000x64xf32, #tpu.memory_space<hbm>>
        %dma_start3A_616 = tpu.memref_squeeze %dma_start3A_615 : memref<1x10000x64xf32, #tpu.memory_space<hbm>> -> memref<10000x64xf32, #tpu.memory_space<hbm>>
        %dma_start3A_617 = arith.constant 0 : i32
        %dma_start3A_618 = arith.constant 0 : i32
        %dma_start3A_619 = tpu.memref_slice %dma_start3A_616[%dma_start3A_617, %dma_start3A_618] : memref<10000x64xf32, #tpu.memory_space<hbm>> -> memref<10000x64xf32, #tpu.memory_space<hbm>>
        tpu.enqueue_indirect_dma source(%dma_start3A_619 : memref<10000x64xf32, #tpu.memory_space<hbm>>) target(%arg11 : memref<128x64xf32, #tpu.memory_space<vmem>>) offsets(%dma_start3A_612 : memref<128xi32, #tpu.memory_space<vmem>>) semaphore(%arg21 : memref<!tpu.dma_semaphore, #tpu.memory_space<semaphore_mem>>)
      } else {
      }
      %dma_wait3A_453 = arith.constant 0 : i32
      %dma_wait3A_454 = arith.constant 0 : i32
      %dma_wait3A_455 = arith.constant 0 : i32
      %dma_wait3A_456 = tpu.memref_slice %arg2[%dma_wait3A_453, %dma_wait3A_454, %dma_wait3A_455] : memref<4x10000x64xf32, #tpu.memory_space<hbm>> -> memref<1x10000x64xf32, #tpu.memory_space<hbm>>
      %dma_wait3A_457 = tpu.memref_squeeze %dma_wait3A_456 : memref<1x10000x64xf32, #tpu.memory_space<hbm>> -> memref<10000x64xf32, #tpu.memory_space<hbm>>
      %dma_wait3A_458 = arith.constant 0 : i32
      %dma_wait3A_459 = arith.constant 0 : i32
      %dma_wait3A_460 = tpu.memref_slice %dma_wait3A_457[%dma_wait3A_458, %dma_wait3A_459] : memref<10000x64xf32, #tpu.memory_space<hbm>> -> memref<128x64xf32, #tpu.memory_space<hbm>>
      %dma_wait3A_461 = arith.constant 0 : i32
      %dma_wait3A_462 = arith.constant 0 : i32
      %dma_wait3A_463 = tpu.memref_slice %arg2[%dma_wait3A_453, %dma_wait3A_461, %dma_wait3A_462] : memref<4x10000x64xf32, #tpu.memory_space<hbm>> -> memref<1x10000x64xf32, #tpu.memory_space<hbm>>
      %dma_wait3A_464 = tpu.memref_squeeze %dma_wait3A_463 : memref<1x10000x64xf32, #tpu.memory_space<hbm>> -> memref<10000x64xf32, #tpu.memory_space<hbm>>
      %dma_wait3A_465 = arith.constant 0 : i32
      %dma_wait3A_466 = arith.constant 0 : i32
      %dma_wait3A_467 = tpu.memref_slice %dma_wait3A_464[%dma_wait3A_465, %dma_wait3A_466] : memref<10000x64xf32, #tpu.memory_space<hbm>> -> memref<128x64xf32, #tpu.memory_space<hbm>>
      tpu.wait_dma2 semaphore(%arg22 : memref<!tpu.dma_semaphore, #tpu.memory_space<semaphore_mem>>) src(%dma_wait3A_467 : memref<128x64xf32, #tpu.memory_space<hbm>>) dst(%arg12 : memref<128x64xf32, #tpu.memory_space<vmem>>)
      %add3A_468 = arith.constant 4 : i32
      %add3A_469 = arith.addi %mul3A_300, %add3A_468 : i32
      %dma_start3A_470 = arith.constant 0 : i32
      %dma_start3A_471 = tpu.memref_slice %arg7[%add3A_469, %dma_start3A_470] : memref<80x128xi32, #tpu.memory_space<vmem>> -> memref<1x128xi32, #tpu.memory_space<vmem>>
      %dma_start3A_472 = tpu.memref_squeeze %dma_start3A_471 : memref<1x128xi32, #tpu.memory_space<vmem>> -> memref<128xi32, #tpu.memory_space<vmem>>
      %dma_start3A_473 = arith.constant 0 : i32
      %dma_start3A_474 = arith.constant 0 : i32
      %dma_start3A_475 = tpu.memref_slice %arg17[%dma_start3A_473, %dma_start3A_474] : memref<10080x64xf32, #tpu.memory_space<vmem_shared>> -> memref<10080x64xf32, #tpu.memory_space<vmem_shared>>
      tpu.enqueue_indirect_dma source(%arg12 : memref<128x64xf32, #tpu.memory_space<vmem>>) target(%dma_start3A_475 : memref<10080x64xf32, #tpu.memory_space<vmem_shared>>) offsets(%dma_start3A_472 : memref<128xi32, #tpu.memory_space<vmem>>) semaphore(%arg22 : memref<!tpu.dma_semaphore, #tpu.memory_space<semaphore_mem>>) {add = true}
      %dma_wait3A_476 = arith.constant 0 : i32
      %dma_wait3A_477 = arith.constant 0 : i32
      %dma_wait3A_478 = arith.constant 0 : i32
      %dma_wait3A_479 = tpu.memref_slice %arg2[%dma_wait3A_476, %dma_wait3A_477, %dma_wait3A_478] : memref<4x10000x64xf32, #tpu.memory_space<hbm>> -> memref<1x10000x64xf32, #tpu.memory_space<hbm>>
      %dma_wait3A_480 = tpu.memref_squeeze %dma_wait3A_479 : memref<1x10000x64xf32, #tpu.memory_space<hbm>> -> memref<10000x64xf32, #tpu.memory_space<hbm>>
      %dma_wait3A_481 = arith.constant 0 : i32
      %dma_wait3A_482 = arith.constant 0 : i32
      %dma_wait3A_483 = tpu.memref_slice %dma_wait3A_480[%dma_wait3A_481, %dma_wait3A_482] : memref<10000x64xf32, #tpu.memory_space<hbm>> -> memref<128x64xf32, #tpu.memory_space<hbm>>
      %dma_wait3A_484 = arith.constant 0 : i32
      %dma_wait3A_485 = arith.constant 0 : i32
      %dma_wait3A_486 = tpu.memref_slice %arg2[%dma_wait3A_476, %dma_wait3A_484, %dma_wait3A_485] : memref<4x10000x64xf32, #tpu.memory_space<hbm>> -> memref<1x10000x64xf32, #tpu.memory_space<hbm>>
      %dma_wait3A_487 = tpu.memref_squeeze %dma_wait3A_486 : memref<1x10000x64xf32, #tpu.memory_space<hbm>> -> memref<10000x64xf32, #tpu.memory_space<hbm>>
      %dma_wait3A_488 = arith.constant 0 : i32
      %dma_wait3A_489 = arith.constant 0 : i32
      %dma_wait3A_490 = tpu.memref_slice %dma_wait3A_487[%dma_wait3A_488, %dma_wait3A_489] : memref<10000x64xf32, #tpu.memory_space<hbm>> -> memref<128x64xf32, #tpu.memory_space<hbm>>
      tpu.wait_dma2 semaphore(%arg23 : memref<!tpu.dma_semaphore, #tpu.memory_space<semaphore_mem>>) src(%dma_wait3A_490 : memref<128x64xf32, #tpu.memory_space<hbm>>) dst(%arg13 : memref<128x64xf32, #tpu.memory_space<vmem>>)
      %add3A_491 = arith.constant 5 : i32
      %add3A_492 = arith.addi %mul3A_300, %add3A_491 : i32
      %dma_start3A_493 = arith.constant 0 : i32
      %dma_start3A_494 = tpu.memref_slice %arg7[%add3A_492, %dma_start3A_493] : memref<80x128xi32, #tpu.memory_space<vmem>> -> memref<1x128xi32, #tpu.memory_space<vmem>>
      %dma_start3A_495 = tpu.memref_squeeze %dma_start3A_494 : memref<1x128xi32, #tpu.memory_space<vmem>> -> memref<128xi32, #tpu.memory_space<vmem>>
      %dma_start3A_496 = arith.constant 0 : i32
      %dma_start3A_497 = arith.constant 0 : i32
      %dma_start3A_498 = tpu.memref_slice %arg17[%dma_start3A_496, %dma_start3A_497] : memref<10080x64xf32, #tpu.memory_space<vmem_shared>> -> memref<10080x64xf32, #tpu.memory_space<vmem_shared>>
      tpu.enqueue_indirect_dma source(%arg13 : memref<128x64xf32, #tpu.memory_space<vmem>>) target(%dma_start3A_498 : memref<10080x64xf32, #tpu.memory_space<vmem_shared>>) offsets(%dma_start3A_495 : memref<128xi32, #tpu.memory_space<vmem>>) semaphore(%arg23 : memref<!tpu.dma_semaphore, #tpu.memory_space<semaphore_mem>>) {add = true}
      %dma_wait3A_499 = arith.constant 0 : i32
      %dma_wait3A_500 = arith.constant 0 : i32
      %dma_wait3A_501 = arith.constant 0 : i32
      %dma_wait3A_502 = tpu.memref_slice %arg2[%dma_wait3A_499, %dma_wait3A_500, %dma_wait3A_501] : memref<4x10000x64xf32, #tpu.memory_space<hbm>> -> memref<1x10000x64xf32, #tpu.memory_space<hbm>>
      %dma_wait3A_503 = tpu.memref_squeeze %dma_wait3A_502 : memref<1x10000x64xf32, #tpu.memory_space<hbm>> -> memref<10000x64xf32, #tpu.memory_space<hbm>>
      %dma_wait3A_504 = arith.constant 0 : i32
      %dma_wait3A_505 = arith.constant 0 : i32
      %dma_wait3A_506 = tpu.memref_slice %dma_wait3A_503[%dma_wait3A_504, %dma_wait3A_505] : memref<10000x64xf32, #tpu.memory_space<hbm>> -> memref<128x64xf32, #tpu.memory_space<hbm>>
      %dma_wait3A_507 = arith.constant 0 : i32
      %dma_wait3A_508 = arith.constant 0 : i32
      %dma_wait3A_509 = tpu.memref_slice %arg2[%dma_wait3A_499, %dma_wait3A_507, %dma_wait3A_508] : memref<4x10000x64xf32, #tpu.memory_space<hbm>> -> memref<1x10000x64xf32, #tpu.memory_space<hbm>>
      %dma_wait3A_510 = tpu.memref_squeeze %dma_wait3A_509 : memref<1x10000x64xf32, #tpu.memory_space<hbm>> -> memref<10000x64xf32, #tpu.memory_space<hbm>>
      %dma_wait3A_511 = arith.constant 0 : i32
      %dma_wait3A_512 = arith.constant 0 : i32
      %dma_wait3A_513 = tpu.memref_slice %dma_wait3A_510[%dma_wait3A_511, %dma_wait3A_512] : memref<10000x64xf32, #tpu.memory_space<hbm>> -> memref<128x64xf32, #tpu.memory_space<hbm>>
      tpu.wait_dma2 semaphore(%arg24 : memref<!tpu.dma_semaphore, #tpu.memory_space<semaphore_mem>>) src(%dma_wait3A_513 : memref<128x64xf32, #tpu.memory_space<hbm>>) dst(%arg14 : memref<128x64xf32, #tpu.memory_space<vmem>>)
      %add3A_514 = arith.constant 6 : i32
      %add3A_515 = arith.addi %mul3A_300, %add3A_514 : i32
      %dma_start3A_516 = arith.constant 0 : i32
      %dma_start3A_517 = tpu.memref_slice %arg7[%add3A_515, %dma_start3A_516] : memref<80x128xi32, #tpu.memory_space<vmem>> -> memref<1x128xi32, #tpu.memory_space<vmem>>
      %dma_start3A_518 = tpu.memref_squeeze %dma_start3A_517 : memref<1x128xi32, #tpu.memory_space<vmem>> -> memref<128xi32, #tpu.memory_space<vmem>>
      %dma_start3A_519 = arith.constant 0 : i32
      %dma_start3A_520 = arith.constant 0 : i32
      %dma_start3A_521 = tpu.memref_slice %arg17[%dma_start3A_519, %dma_start3A_520] : memref<10080x64xf32, #tpu.memory_space<vmem_shared>> -> memref<10080x64xf32, #tpu.memory_space<vmem_shared>>
      tpu.enqueue_indirect_dma source(%arg14 : memref<128x64xf32, #tpu.memory_space<vmem>>) target(%dma_start3A_521 : memref<10080x64xf32, #tpu.memory_space<vmem_shared>>) offsets(%dma_start3A_518 : memref<128xi32, #tpu.memory_space<vmem>>) semaphore(%arg24 : memref<!tpu.dma_semaphore, #tpu.memory_space<semaphore_mem>>) {add = true}
      %dma_wait3A_522 = arith.constant 0 : i32
      %dma_wait3A_523 = arith.constant 0 : i32
      %dma_wait3A_524 = arith.constant 0 : i32
      %dma_wait3A_525 = tpu.memref_slice %arg2[%dma_wait3A_522, %dma_wait3A_523, %dma_wait3A_524] : memref<4x10000x64xf32, #tpu.memory_space<hbm>> -> memref<1x10000x64xf32, #tpu.memory_space<hbm>>
      %dma_wait3A_526 = tpu.memref_squeeze %dma_wait3A_525 : memref<1x10000x64xf32, #tpu.memory_space<hbm>> -> memref<10000x64xf32, #tpu.memory_space<hbm>>
      %dma_wait3A_527 = arith.constant 0 : i32
      %dma_wait3A_528 = arith.constant 0 : i32
      %dma_wait3A_529 = tpu.memref_slice %dma_wait3A_526[%dma_wait3A_527, %dma_wait3A_528] : memref<10000x64xf32, #tpu.memory_space<hbm>> -> memref<128x64xf32, #tpu.memory_space<hbm>>
      %dma_wait3A_530 = arith.constant 0 : i32
      %dma_wait3A_531 = arith.constant 0 : i32
      %dma_wait3A_532 = tpu.memref_slice %arg2[%dma_wait3A_522, %dma_wait3A_530, %dma_wait3A_531] : memref<4x10000x64xf32, #tpu.memory_space<hbm>> -> memref<1x10000x64xf32, #tpu.memory_space<hbm>>
      %dma_wait3A_533 = tpu.memref_squeeze %dma_wait3A_532 : memref<1x10000x64xf32, #tpu.memory_space<hbm>> -> memref<10000x64xf32, #tpu.memory_space<hbm>>
      %dma_wait3A_534 = arith.constant 0 : i32
      %dma_wait3A_535 = arith.constant 0 : i32
      %dma_wait3A_536 = tpu.memref_slice %dma_wait3A_533[%dma_wait3A_534, %dma_wait3A_535] : memref<10000x64xf32, #tpu.memory_space<hbm>> -> memref<128x64xf32, #tpu.memory_space<hbm>>
      tpu.wait_dma2 semaphore(%arg25 : memref<!tpu.dma_semaphore, #tpu.memory_space<semaphore_mem>>) src(%dma_wait3A_536 : memref<128x64xf32, #tpu.memory_space<hbm>>) dst(%arg15 : memref<128x64xf32, #tpu.memory_space<vmem>>)
      %add3A_537 = arith.constant 7 : i32
      %add3A_538 = arith.addi %mul3A_300, %add3A_537 : i32
      %dma_start3A_539 = arith.constant 0 : i32
      %dma_start3A_540 = tpu.memref_slice %arg7[%add3A_538, %dma_start3A_539] : memref<80x128xi32, #tpu.memory_space<vmem>> -> memref<1x128xi32, #tpu.memory_space<vmem>>
      %dma_start3A_541 = tpu.memref_squeeze %dma_start3A_540 : memref<1x128xi32, #tpu.memory_space<vmem>> -> memref<128xi32, #tpu.memory_space<vmem>>
      %dma_start3A_542 = arith.constant 0 : i32
      %dma_start3A_543 = arith.constant 0 : i32
      %dma_start3A_544 = tpu.memref_slice %arg17[%dma_start3A_542, %dma_start3A_543] : memref<10080x64xf32, #tpu.memory_space<vmem_shared>> -> memref<10080x64xf32, #tpu.memory_space<vmem_shared>>
      tpu.enqueue_indirect_dma source(%arg15 : memref<128x64xf32, #tpu.memory_space<vmem>>) target(%dma_start3A_544 : memref<10080x64xf32, #tpu.memory_space<vmem_shared>>) offsets(%dma_start3A_541 : memref<128xi32, #tpu.memory_space<vmem>>) semaphore(%arg25 : memref<!tpu.dma_semaphore, #tpu.memory_space<semaphore_mem>>) {add = true}
      %add3A_545 = arith.constant 8 : i32
      %add3A_546 = arith.addi %mul3A_300, %add3A_545 : i32
      %add3A_547 = arith.constant 4 : i32
      %add3A_548 = arith.addi %add3A_546, %add3A_547 : i32
      %dma_wait3A_549 = arith.constant 0 : i32
      %dma_wait3A_550 = arith.constant 0 : i32
      %dma_wait3A_551 = tpu.memref_slice %arg7[%dma_wait3A_549, %dma_wait3A_550] : memref<80x128xi32, #tpu.memory_space<vmem>> -> memref<1x128xi32, #tpu.memory_space<vmem>>
      %dma_wait3A_552 = tpu.memref_squeeze %dma_wait3A_551 : memref<1x128xi32, #tpu.memory_space<vmem>> -> memref<128xi32, #tpu.memory_space<vmem>>
      %dma_wait3A_553 = arith.constant 0 : i32
      %dma_wait3A_554 = arith.constant 0 : i32
      %dma_wait3A_555 = tpu.memref_slice %arg17[%dma_wait3A_553, %dma_wait3A_554] : memref<10080x64xf32, #tpu.memory_space<vmem_shared>> -> memref<10080x64xf32, #tpu.memory_space<vmem_shared>>
      tpu.wait_indirect_dma semaphore(%arg22 : memref<!tpu.dma_semaphore, #tpu.memory_space<semaphore_mem>>) src(%arg12 : memref<128x64xf32, #tpu.memory_space<vmem>>) dst(%dma_wait3A_555 : memref<10080x64xf32, #tpu.memory_space<vmem_shared>>)
      %lt3A_556 = arith.constant 80 : i32
      %lt3A_557 = arith.cmpi slt, %add3A_548, %lt3A_556 : i32
      %convert_element_type3A_558 = arith.extui %lt3A_557 : i1 to i32
      %cond3A_559 = arith.constant 0 : i32
      %cond3A_560 = arith.cmpi ne, %convert_element_type3A_558, %cond3A_559 : i32
      scf.if %cond3A_560 {
        %dma_start3A_610 = arith.constant 0 : i32
        %dma_start3A_611 = tpu.memref_slice %arg6[%add3A_548, %dma_start3A_610] : memref<80x128xi32, #tpu.memory_space<vmem>> -> memref<1x128xi32, #tpu.memory_space<vmem>>
        %dma_start3A_612 = tpu.memref_squeeze %dma_start3A_611 : memref<1x128xi32, #tpu.memory_space<vmem>> -> memref<128xi32, #tpu.memory_space<vmem>>
        %dma_start3A_613 = arith.constant 0 : i32
        %dma_start3A_614 = arith.constant 0 : i32
        %dma_start3A_615 = tpu.memref_slice %arg2[%add3A_48, %dma_start3A_613, %dma_start3A_614] : memref<4x10000x64xf32, #tpu.memory_space<hbm>> -> memref<1x10000x64xf32, #tpu.memory_space<hbm>>
        %dma_start3A_616 = tpu.memref_squeeze %dma_start3A_615 : memref<1x10000x64xf32, #tpu.memory_space<hbm>> -> memref<10000x64xf32, #tpu.memory_space<hbm>>
        %dma_start3A_617 = arith.constant 0 : i32
        %dma_start3A_618 = arith.constant 0 : i32
        %dma_start3A_619 = tpu.memref_slice %dma_start3A_616[%dma_start3A_617, %dma_start3A_618] : memref<10000x64xf32, #tpu.memory_space<hbm>> -> memref<10000x64xf32, #tpu.memory_space<hbm>>
        tpu.enqueue_indirect_dma source(%dma_start3A_619 : memref<10000x64xf32, #tpu.memory_space<hbm>>) target(%arg12 : memref<128x64xf32, #tpu.memory_space<vmem>>) offsets(%dma_start3A_612 : memref<128xi32, #tpu.memory_space<vmem>>) semaphore(%arg22 : memref<!tpu.dma_semaphore, #tpu.memory_space<semaphore_mem>>)
      } else {
      }
      %add3A_561 = arith.constant 8 : i32
      %add3A_562 = arith.addi %mul3A_300, %add3A_561 : i32
      %add3A_563 = arith.constant 5 : i32
      %add3A_564 = arith.addi %add3A_562, %add3A_563 : i32
      %dma_wait3A_565 = arith.constant 0 : i32
      %dma_wait3A_566 = arith.constant 0 : i32
      %dma_wait3A_567 = tpu.memref_slice %arg7[%dma_wait3A_565, %dma_wait3A_566] : memref<80x128xi32, #tpu.memory_space<vmem>> -> memref<1x128xi32, #tpu.memory_space<vmem>>
      %dma_wait3A_568 = tpu.memref_squeeze %dma_wait3A_567 : memref<1x128xi32, #tpu.memory_space<vmem>> -> memref<128xi32, #tpu.memory_space<vmem>>
      %dma_wait3A_569 = arith.constant 0 : i32
      %dma_wait3A_570 = arith.constant 0 : i32
      %dma_wait3A_571 = tpu.memref_slice %arg17[%dma_wait3A_569, %dma_wait3A_570] : memref<10080x64xf32, #tpu.memory_space<vmem_shared>> -> memref<10080x64xf32, #tpu.memory_space<vmem_shared>>
      tpu.wait_indirect_dma semaphore(%arg23 : memref<!tpu.dma_semaphore, #tpu.memory_space<semaphore_mem>>) src(%arg13 : memref<128x64xf32, #tpu.memory_space<vmem>>) dst(%dma_wait3A_571 : memref<10080x64xf32, #tpu.memory_space<vmem_shared>>)
      %lt3A_572 = arith.constant 80 : i32
      %lt3A_573 = arith.cmpi slt, %add3A_564, %lt3A_572 : i32
      %convert_element_type3A_574 = arith.extui %lt3A_573 : i1 to i32
      %cond3A_575 = arith.constant 0 : i32
      %cond3A_576 = arith.cmpi ne, %convert_element_type3A_574, %cond3A_575 : i32
      scf.if %cond3A_576 {
        %dma_start3A_610 = arith.constant 0 : i32
        %dma_start3A_611 = tpu.memref_slice %arg6[%add3A_564, %dma_start3A_610] : memref<80x128xi32, #tpu.memory_space<vmem>> -> memref<1x128xi32, #tpu.memory_space<vmem>>
        %dma_start3A_612 = tpu.memref_squeeze %dma_start3A_611 : memref<1x128xi32, #tpu.memory_space<vmem>> -> memref<128xi32, #tpu.memory_space<vmem>>
        %dma_start3A_613 = arith.constant 0 : i32
        %dma_start3A_614 = arith.constant 0 : i32
        %dma_start3A_615 = tpu.memref_slice %arg2[%add3A_48, %dma_start3A_613, %dma_start3A_614] : memref<4x10000x64xf32, #tpu.memory_space<hbm>> -> memref<1x10000x64xf32, #tpu.memory_space<hbm>>
        %dma_start3A_616 = tpu.memref_squeeze %dma_start3A_615 : memref<1x10000x64xf32, #tpu.memory_space<hbm>> -> memref<10000x64xf32, #tpu.memory_space<hbm>>
        %dma_start3A_617 = arith.constant 0 : i32
        %dma_start3A_618 = arith.constant 0 : i32
        %dma_start3A_619 = tpu.memref_slice %dma_start3A_616[%dma_start3A_617, %dma_start3A_618] : memref<10000x64xf32, #tpu.memory_space<hbm>> -> memref<10000x64xf32, #tpu.memory_space<hbm>>
        tpu.enqueue_indirect_dma source(%dma_start3A_619 : memref<10000x64xf32, #tpu.memory_space<hbm>>) target(%arg13 : memref<128x64xf32, #tpu.memory_space<vmem>>) offsets(%dma_start3A_612 : memref<128xi32, #tpu.memory_space<vmem>>) semaphore(%arg23 : memref<!tpu.dma_semaphore, #tpu.memory_space<semaphore_mem>>)
      } else {
      }
      %add3A_577 = arith.constant 8 : i32
      %add3A_578 = arith.addi %mul3A_300, %add3A_577 : i32
      %add3A_579 = arith.constant 6 : i32
      %add3A_580 = arith.addi %add3A_578, %add3A_579 : i32
      %dma_wait3A_581 = arith.constant 0 : i32
      %dma_wait3A_582 = arith.constant 0 : i32
      %dma_wait3A_583 = tpu.memref_slice %arg7[%dma_wait3A_581, %dma_wait3A_582] : memref<80x128xi32, #tpu.memory_space<vmem>> -> memref<1x128xi32, #tpu.memory_space<vmem>>
      %dma_wait3A_584 = tpu.memref_squeeze %dma_wait3A_583 : memref<1x128xi32, #tpu.memory_space<vmem>> -> memref<128xi32, #tpu.memory_space<vmem>>
      %dma_wait3A_585 = arith.constant 0 : i32
      %dma_wait3A_586 = arith.constant 0 : i32
      %dma_wait3A_587 = tpu.memref_slice %arg17[%dma_wait3A_585, %dma_wait3A_586] : memref<10080x64xf32, #tpu.memory_space<vmem_shared>> -> memref<10080x64xf32, #tpu.memory_space<vmem_shared>>
      tpu.wait_indirect_dma semaphore(%arg24 : memref<!tpu.dma_semaphore, #tpu.memory_space<semaphore_mem>>) src(%arg14 : memref<128x64xf32, #tpu.memory_space<vmem>>) dst(%dma_wait3A_587 : memref<10080x64xf32, #tpu.memory_space<vmem_shared>>)
      %lt3A_588 = arith.constant 80 : i32
      %lt3A_589 = arith.cmpi slt, %add3A_580, %lt3A_588 : i32
      %convert_element_type3A_590 = arith.extui %lt3A_589 : i1 to i32
      %cond3A_591 = arith.constant 0 : i32
      %cond3A_592 = arith.cmpi ne, %convert_element_type3A_590, %cond3A_591 : i32
      scf.if %cond3A_592 {
        %dma_start3A_610 = arith.constant 0 : i32
        %dma_start3A_611 = tpu.memref_slice %arg6[%add3A_580, %dma_start3A_610] : memref<80x128xi32, #tpu.memory_space<vmem>> -> memref<1x128xi32, #tpu.memory_space<vmem>>
        %dma_start3A_612 = tpu.memref_squeeze %dma_start3A_611 : memref<1x128xi32, #tpu.memory_space<vmem>> -> memref<128xi32, #tpu.memory_space<vmem>>
        %dma_start3A_613 = arith.constant 0 : i32
        %dma_start3A_614 = arith.constant 0 : i32
        %dma_start3A_615 = tpu.memref_slice %arg2[%add3A_48, %dma_start3A_613, %dma_start3A_614] : memref<4x10000x64xf32, #tpu.memory_space<hbm>> -> memref<1x10000x64xf32, #tpu.memory_space<hbm>>
        %dma_start3A_616 = tpu.memref_squeeze %dma_start3A_615 : memref<1x10000x64xf32, #tpu.memory_space<hbm>> -> memref<10000x64xf32, #tpu.memory_space<hbm>>
        %dma_start3A_617 = arith.constant 0 : i32
        %dma_start3A_618 = arith.constant 0 : i32
        %dma_start3A_619 = tpu.memref_slice %dma_start3A_616[%dma_start3A_617, %dma_start3A_618] : memref<10000x64xf32, #tpu.memory_space<hbm>> -> memref<10000x64xf32, #tpu.memory_space<hbm>>
        tpu.enqueue_indirect_dma source(%dma_start3A_619 : memref<10000x64xf32, #tpu.memory_space<hbm>>) target(%arg14 : memref<128x64xf32, #tpu.memory_space<vmem>>) offsets(%dma_start3A_612 : memref<128xi32, #tpu.memory_space<vmem>>) semaphore(%arg24 : memref<!tpu.dma_semaphore, #tpu.memory_space<semaphore_mem>>)
      } else {
      }
      %add3A_593 = arith.constant 8 : i32
      %add3A_594 = arith.addi %mul3A_300, %add3A_593 : i32
      %add3A_595 = arith.constant 7 : i32
      %add3A_596 = arith.addi %add3A_594, %add3A_595 : i32
      %dma_wait3A_597 = arith.constant 0 : i32
      %dma_wait3A_598 = arith.constant 0 : i32
      %dma_wait3A_599 = tpu.memref_slice %arg7[%dma_wait3A_597, %dma_wait3A_598] : memref<80x128xi32, #tpu.memory_space<vmem>> -> memref<1x128xi32, #tpu.memory_space<vmem>>
      %dma_wait3A_600 = tpu.memref_squeeze %dma_wait3A_599 : memref<1x128xi32, #tpu.memory_space<vmem>> -> memref<128xi32, #tpu.memory_space<vmem>>
      %dma_wait3A_601 = arith.constant 0 : i32
      %dma_wait3A_602 = arith.constant 0 : i32
      %dma_wait3A_603 = tpu.memref_slice %arg17[%dma_wait3A_601, %dma_wait3A_602] : memref<10080x64xf32, #tpu.memory_space<vmem_shared>> -> memref<10080x64xf32, #tpu.memory_space<vmem_shared>>
      tpu.wait_indirect_dma semaphore(%arg25 : memref<!tpu.dma_semaphore, #tpu.memory_space<semaphore_mem>>) src(%arg15 : memref<128x64xf32, #tpu.memory_space<vmem>>) dst(%dma_wait3A_603 : memref<10080x64xf32, #tpu.memory_space<vmem_shared>>)
      %lt3A_604 = arith.constant 80 : i32
      %lt3A_605 = arith.cmpi slt, %add3A_596, %lt3A_604 : i32
      %convert_element_type3A_606 = arith.extui %lt3A_605 : i1 to i32
      %cond3A_607 = arith.constant 0 : i32
      %cond3A_608 = arith.cmpi ne, %convert_element_type3A_606, %cond3A_607 : i32
      scf.if %cond3A_608 {
        %dma_start3A_610 = arith.constant 0 : i32
        %dma_start3A_611 = tpu.memref_slice %arg6[%add3A_596, %dma_start3A_610] : memref<80x128xi32, #tpu.memory_space<vmem>> -> memref<1x128xi32, #tpu.memory_space<vmem>>
        %dma_start3A_612 = tpu.memref_squeeze %dma_start3A_611 : memref<1x128xi32, #tpu.memory_space<vmem>> -> memref<128xi32, #tpu.memory_space<vmem>>
        %dma_start3A_613 = arith.constant 0 : i32
        %dma_start3A_614 = arith.constant 0 : i32
        %dma_start3A_615 = tpu.memref_slice %arg2[%add3A_48, %dma_start3A_613, %dma_start3A_614] : memref<4x10000x64xf32, #tpu.memory_space<hbm>> -> memref<1x10000x64xf32, #tpu.memory_space<hbm>>
        %dma_start3A_616 = tpu.memref_squeeze %dma_start3A_615 : memref<1x10000x64xf32, #tpu.memory_space<hbm>> -> memref<10000x64xf32, #tpu.memory_space<hbm>>
        %dma_start3A_617 = arith.constant 0 : i32
        %dma_start3A_618 = arith.constant 0 : i32
        %dma_start3A_619 = tpu.memref_slice %dma_start3A_616[%dma_start3A_617, %dma_start3A_618] : memref<10000x64xf32, #tpu.memory_space<hbm>> -> memref<10000x64xf32, #tpu.memory_space<hbm>>
        tpu.enqueue_indirect_dma source(%dma_start3A_619 : memref<10000x64xf32, #tpu.memory_space<hbm>>) target(%arg15 : memref<128x64xf32, #tpu.memory_space<vmem>>) offsets(%dma_start3A_612 : memref<128xi32, #tpu.memory_space<vmem>>) semaphore(%arg25 : memref<!tpu.dma_semaphore, #tpu.memory_space<semaphore_mem>>)
      } else {
      }
      %scan3A_609 = arith.constant 0 : i32
      scf.yield %scan3A_609 : i32
    }
    %scan3A_142 = arith.constant 10 : i32
    %barrier3A_143 = arith.constant 0 : index
    tpu.barrier barrier_id(%barrier3A_143)
    %mul3A_144 = arith.constant 630 : i32
    %mul3A_145 = arith.muli %arg1, %mul3A_144 : i32
    %mul3A_146 = arith.constant 2 : i32
    %mul3A_147 = arith.muli %arg0, %mul3A_146 : i32
    %add3A_148 = arith.constant 0 : i32
    %add3A_149 = arith.addi %mul3A_147, %add3A_148 : i32
    "tpu.region"() ({
      %run_scoped3A = tpu.sem_alloc : memref<!tpu.dma_semaphore, #tpu.memory_space<semaphore_mem>>
      %dma_start3A_297 = arith.constant 0 : i32
      %dma_start3A_298 = tpu.memref_slice %arg5[%add3A_149, %mul3A_145, %dma_start3A_297] : memref<4x10080x64xf32, #tpu.memory_space<hbm>> -> memref<1x630x64xf32, #tpu.memory_space<hbm>>
      %dma_start3A_299 = tpu.memref_squeeze %dma_start3A_298 : memref<1x630x64xf32, #tpu.memory_space<hbm>> -> memref<630x64xf32, #tpu.memory_space<hbm>>
      %dma_start3A_300 = arith.constant 0 : i32
      %dma_start3A_301 = tpu.memref_slice %arg17[%mul3A_145, %dma_start3A_300] : memref<10080x64xf32, #tpu.memory_space<vmem_shared>> -> memref<630x64xf32, #tpu.memory_space<vmem_shared>>
      tpu.enqueue_dma source(%dma_start3A_301 : memref<630x64xf32, #tpu.memory_space<vmem_shared>>) target(%dma_start3A_299 : memref<630x64xf32, #tpu.memory_space<hbm>>) target_semaphore(%run_scoped3A : memref<!tpu.dma_semaphore, #tpu.memory_space<semaphore_mem>>)
      %dma_wait3A = arith.constant 0 : i32
      %dma_wait3A_302 = tpu.memref_slice %arg5[%add3A_149, %mul3A_145, %dma_wait3A] : memref<4x10080x64xf32, #tpu.memory_space<hbm>> -> memref<1x630x64xf32, #tpu.memory_space<hbm>>
      %dma_wait3A_303 = tpu.memref_squeeze %dma_wait3A_302 : memref<1x630x64xf32, #tpu.memory_space<hbm>> -> memref<630x64xf32, #tpu.memory_space<hbm>>
      %dma_wait3A_304 = arith.constant 0 : i32
      %dma_wait3A_305 = tpu.memref_slice %arg17[%mul3A_145, %dma_wait3A_304] : memref<10080x64xf32, #tpu.memory_space<vmem_shared>> -> memref<630x64xf32, #tpu.memory_space<vmem_shared>>
      tpu.wait_dma2 semaphore(%run_scoped3A : memref<!tpu.dma_semaphore, #tpu.memory_space<semaphore_mem>>) src(%dma_wait3A_305 : memref<630x64xf32, #tpu.memory_space<vmem_shared>>) dst(%dma_wait3A_303 : memref<630x64xf32, #tpu.memory_space<hbm>>)
      tpu.yield
    }) : () -> ()
    %mul3A_150 = arith.constant 630 : i32
    %mul3A_151 = arith.muli %arg1, %mul3A_150 : i32
    %add3A_152 = arith.constant 0 : i32
    %add3A_153 = arith.addi %mul3A_151, %add3A_152 : i32
    "tpu.region"() ({
      %run_scoped3A = tpu.sem_alloc : memref<!tpu.dma_semaphore, #tpu.memory_space<semaphore_mem>>
      %dma_start3A_297 = arith.constant 0 : i32
      %dma_start3A_298 = tpu.memref_slice %arg17[%add3A_153, %dma_start3A_297] : memref<10080x64xf32, #tpu.memory_space<vmem_shared>> -> memref<63x64xf32, #tpu.memory_space<vmem_shared>>
      %dma_start3A_299 = arith.constant 0 : i32
      %dma_start3A_300 = tpu.memref_slice %arg17[%add3A_153, %dma_start3A_299] : memref<10080x64xf32, #tpu.memory_space<vmem_shared>> -> memref<63x64xf32, #tpu.memory_space<vmem_shared>>
      tpu.enqueue_dma source(%arg16 : memref<63x64xf32, #tpu.memory_space<vmem>>) target(%dma_start3A_300 : memref<63x64xf32, #tpu.memory_space<vmem_shared>>) target_semaphore(%run_scoped3A : memref<!tpu.dma_semaphore, #tpu.memory_space<semaphore_mem>>)
      %dma_wait3A = arith.constant 0 : i32
      %dma_wait3A_301 = tpu.memref_slice %arg17[%add3A_153, %dma_wait3A] : memref<10080x64xf32, #tpu.memory_space<vmem_shared>> -> memref<63x64xf32, #tpu.memory_space<vmem_shared>>
      %dma_wait3A_302 = arith.constant 0 : i32
      %dma_wait3A_303 = tpu.memref_slice %arg17[%add3A_153, %dma_wait3A_302] : memref<10080x64xf32, #tpu.memory_space<vmem_shared>> -> memref<63x64xf32, #tpu.memory_space<vmem_shared>>
      tpu.wait_dma2 semaphore(%run_scoped3A : memref<!tpu.dma_semaphore, #tpu.memory_space<semaphore_mem>>) src(%arg16 : memref<63x64xf32, #tpu.memory_space<vmem>>) dst(%dma_wait3A_303 : memref<63x64xf32, #tpu.memory_space<vmem_shared>>)
      tpu.yield
    }) : () -> ()
    %mul3A_154 = arith.constant 630 : i32
    %mul3A_155 = arith.muli %arg1, %mul3A_154 : i32
    %add3A_156 = arith.constant 63 : i32
    %add3A_157 = arith.addi %mul3A_155, %add3A_156 : i32
    "tpu.region"() ({
      %run_scoped3A = tpu.sem_alloc : memref<!tpu.dma_semaphore, #tpu.memory_space<semaphore_mem>>
      %dma_start3A_297 = arith.constant 0 : i32
      %dma_start3A_298 = tpu.memref_slice %arg17[%add3A_157, %dma_start3A_297] : memref<10080x64xf32, #tpu.memory_space<vmem_shared>> -> memref<63x64xf32, #tpu.memory_space<vmem_shared>>
      %dma_start3A_299 = arith.constant 0 : i32
      %dma_start3A_300 = tpu.memref_slice %arg17[%add3A_157, %dma_start3A_299] : memref<10080x64xf32, #tpu.memory_space<vmem_shared>> -> memref<63x64xf32, #tpu.memory_space<vmem_shared>>
      tpu.enqueue_dma source(%arg16 : memref<63x64xf32, #tpu.memory_space<vmem>>) target(%dma_start3A_300 : memref<63x64xf32, #tpu.memory_space<vmem_shared>>) target_semaphore(%run_scoped3A : memref<!tpu.dma_semaphore, #tpu.memory_space<semaphore_mem>>)
      %dma_wait3A = arith.constant 0 : i32
      %dma_wait3A_301 = tpu.memref_slice %arg17[%add3A_157, %dma_wait3A] : memref<10080x64xf32, #tpu.memory_space<vmem_shared>> -> memref<63x64xf32, #tpu.memory_space<vmem_shared>>
      %dma_wait3A_302 = arith.constant 0 : i32
      %dma_wait3A_303 = tpu.memref_slice %arg17[%add3A_157, %dma_wait3A_302] : memref<10080x64xf32, #tpu.memory_space<vmem_shared>> -> memref<63x64xf32, #tpu.memory_space<vmem_shared>>
      tpu.wait_dma2 semaphore(%run_scoped3A : memref<!tpu.dma_semaphore, #tpu.memory_space<semaphore_mem>>) src(%arg16 : memref<63x64xf32, #tpu.memory_space<vmem>>) dst(%dma_wait3A_303 : memref<63x64xf32, #tpu.memory_space<vmem_shared>>)
      tpu.yield
    }) : () -> ()
    %mul3A_158 = arith.constant 630 : i32
    %mul3A_159 = arith.muli %arg1, %mul3A_158 : i32
    %add3A_160 = arith.constant 126 : i32
    %add3A_161 = arith.addi %mul3A_159, %add3A_160 : i32
    "tpu.region"() ({
      %run_scoped3A = tpu.sem_alloc : memref<!tpu.dma_semaphore, #tpu.memory_space<semaphore_mem>>
      %dma_start3A_297 = arith.constant 0 : i32
      %dma_start3A_298 = tpu.memref_slice %arg17[%add3A_161, %dma_start3A_297] : memref<10080x64xf32, #tpu.memory_space<vmem_shared>> -> memref<63x64xf32, #tpu.memory_space<vmem_shared>>
      %dma_start3A_299 = arith.constant 0 : i32
      %dma_start3A_300 = tpu.memref_slice %arg17[%add3A_161, %dma_start3A_299] : memref<10080x64xf32, #tpu.memory_space<vmem_shared>> -> memref<63x64xf32, #tpu.memory_space<vmem_shared>>
      tpu.enqueue_dma source(%arg16 : memref<63x64xf32, #tpu.memory_space<vmem>>) target(%dma_start3A_300 : memref<63x64xf32, #tpu.memory_space<vmem_shared>>) target_semaphore(%run_scoped3A : memref<!tpu.dma_semaphore, #tpu.memory_space<semaphore_mem>>)
      %dma_wait3A = arith.constant 0 : i32
      %dma_wait3A_301 = tpu.memref_slice %arg17[%add3A_161, %dma_wait3A] : memref<10080x64xf32, #tpu.memory_space<vmem_shared>> -> memref<63x64xf32, #tpu.memory_space<vmem_shared>>
      %dma_wait3A_302 = arith.constant 0 : i32
      %dma_wait3A_303 = tpu.memref_slice %arg17[%add3A_161, %dma_wait3A_302] : memref<10080x64xf32, #tpu.memory_space<vmem_shared>> -> memref<63x64xf32, #tpu.memory_space<vmem_shared>>
      tpu.wait_dma2 semaphore(%run_scoped3A : memref<!tpu.dma_semaphore, #tpu.memory_space<semaphore_mem>>) src(%arg16 : memref<63x64xf32, #tpu.memory_space<vmem>>) dst(%dma_wait3A_303 : memref<63x64xf32, #tpu.memory_space<vmem_shared>>)
      tpu.yield
    }) : () -> ()
    %mul3A_162 = arith.constant 630 : i32
    %mul3A_163 = arith.muli %arg1, %mul3A_162 : i32
    %add3A_164 = arith.constant 189 : i32
    %add3A_165 = arith.addi %mul3A_163, %add3A_164 : i32
    "tpu.region"() ({
      %run_scoped3A = tpu.sem_alloc : memref<!tpu.dma_semaphore, #tpu.memory_space<semaphore_mem>>
      %dma_start3A_297 = arith.constant 0 : i32
      %dma_start3A_298 = tpu.memref_slice %arg17[%add3A_165, %dma_start3A_297] : memref<10080x64xf32, #tpu.memory_space<vmem_shared>> -> memref<63x64xf32, #tpu.memory_space<vmem_shared>>
      %dma_start3A_299 = arith.constant 0 : i32
      %dma_start3A_300 = tpu.memref_slice %arg17[%add3A_165, %dma_start3A_299] : memref<10080x64xf32, #tpu.memory_space<vmem_shared>> -> memref<63x64xf32, #tpu.memory_space<vmem_shared>>
      tpu.enqueue_dma source(%arg16 : memref<63x64xf32, #tpu.memory_space<vmem>>) target(%dma_start3A_300 : memref<63x64xf32, #tpu.memory_space<vmem_shared>>) target_semaphore(%run_scoped3A : memref<!tpu.dma_semaphore, #tpu.memory_space<semaphore_mem>>)
      %dma_wait3A = arith.constant 0 : i32
      %dma_wait3A_301 = tpu.memref_slice %arg17[%add3A_165, %dma_wait3A] : memref<10080x64xf32, #tpu.memory_space<vmem_shared>> -> memref<63x64xf32, #tpu.memory_space<vmem_shared>>
      %dma_wait3A_302 = arith.constant 0 : i32
      %dma_wait3A_303 = tpu.memref_slice %arg17[%add3A_165, %dma_wait3A_302] : memref<10080x64xf32, #tpu.memory_space<vmem_shared>> -> memref<63x64xf32, #tpu.memory_space<vmem_shared>>
      tpu.wait_dma2 semaphore(%run_scoped3A : memref<!tpu.dma_semaphore, #tpu.memory_space<semaphore_mem>>) src(%arg16 : memref<63x64xf32, #tpu.memory_space<vmem>>) dst(%dma_wait3A_303 : memref<63x64xf32, #tpu.memory_space<vmem_shared>>)
      tpu.yield
    }) : () -> ()
    %mul3A_166 = arith.constant 630 : i32
    %mul3A_167 = arith.muli %arg1, %mul3A_166 : i32
    %add3A_168 = arith.constant 252 : i32
    %add3A_169 = arith.addi %mul3A_167, %add3A_168 : i32
    "tpu.region"() ({
      %run_scoped3A = tpu.sem_alloc : memref<!tpu.dma_semaphore, #tpu.memory_space<semaphore_mem>>
      %dma_start3A_297 = arith.constant 0 : i32
      %dma_start3A_298 = tpu.memref_slice %arg17[%add3A_169, %dma_start3A_297] : memref<10080x64xf32, #tpu.memory_space<vmem_shared>> -> memref<63x64xf32, #tpu.memory_space<vmem_shared>>
      %dma_start3A_299 = arith.constant 0 : i32
      %dma_start3A_300 = tpu.memref_slice %arg17[%add3A_169, %dma_start3A_299] : memref<10080x64xf32, #tpu.memory_space<vmem_shared>> -> memref<63x64xf32, #tpu.memory_space<vmem_shared>>
      tpu.enqueue_dma source(%arg16 : memref<63x64xf32, #tpu.memory_space<vmem>>) target(%dma_start3A_300 : memref<63x64xf32, #tpu.memory_space<vmem_shared>>) target_semaphore(%run_scoped3A : memref<!tpu.dma_semaphore, #tpu.memory_space<semaphore_mem>>)
      %dma_wait3A = arith.constant 0 : i32
      %dma_wait3A_301 = tpu.memref_slice %arg17[%add3A_169, %dma_wait3A] : memref<10080x64xf32, #tpu.memory_space<vmem_shared>> -> memref<63x64xf32, #tpu.memory_space<vmem_shared>>
      %dma_wait3A_302 = arith.constant 0 : i32
      %dma_wait3A_303 = tpu.memref_slice %arg17[%add3A_169, %dma_wait3A_302] : memref<10080x64xf32, #tpu.memory_space<vmem_shared>> -> memref<63x64xf32, #tpu.memory_space<vmem_shared>>
      tpu.wait_dma2 semaphore(%run_scoped3A : memref<!tpu.dma_semaphore, #tpu.memory_space<semaphore_mem>>) src(%arg16 : memref<63x64xf32, #tpu.memory_space<vmem>>) dst(%dma_wait3A_303 : memref<63x64xf32, #tpu.memory_space<vmem_shared>>)
      tpu.yield
    }) : () -> ()
    %mul3A_170 = arith.constant 630 : i32
    %mul3A_171 = arith.muli %arg1, %mul3A_170 : i32
    %add3A_172 = arith.constant 315 : i32
    %add3A_173 = arith.addi %mul3A_171, %add3A_172 : i32
    "tpu.region"() ({
      %run_scoped3A = tpu.sem_alloc : memref<!tpu.dma_semaphore, #tpu.memory_space<semaphore_mem>>
      %dma_start3A_297 = arith.constant 0 : i32
      %dma_start3A_298 = tpu.memref_slice %arg17[%add3A_173, %dma_start3A_297] : memref<10080x64xf32, #tpu.memory_space<vmem_shared>> -> memref<63x64xf32, #tpu.memory_space<vmem_shared>>
      %dma_start3A_299 = arith.constant 0 : i32
      %dma_start3A_300 = tpu.memref_slice %arg17[%add3A_173, %dma_start3A_299] : memref<10080x64xf32, #tpu.memory_space<vmem_shared>> -> memref<63x64xf32, #tpu.memory_space<vmem_shared>>
      tpu.enqueue_dma source(%arg16 : memref<63x64xf32, #tpu.memory_space<vmem>>) target(%dma_start3A_300 : memref<63x64xf32, #tpu.memory_space<vmem_shared>>) target_semaphore(%run_scoped3A : memref<!tpu.dma_semaphore, #tpu.memory_space<semaphore_mem>>)
      %dma_wait3A = arith.constant 0 : i32
      %dma_wait3A_301 = tpu.memref_slice %arg17[%add3A_173, %dma_wait3A] : memref<10080x64xf32, #tpu.memory_space<vmem_shared>> -> memref<63x64xf32, #tpu.memory_space<vmem_shared>>
      %dma_wait3A_302 = arith.constant 0 : i32
      %dma_wait3A_303 = tpu.memref_slice %arg17[%add3A_173, %dma_wait3A_302] : memref<10080x64xf32, #tpu.memory_space<vmem_shared>> -> memref<63x64xf32, #tpu.memory_space<vmem_shared>>
      tpu.wait_dma2 semaphore(%run_scoped3A : memref<!tpu.dma_semaphore, #tpu.memory_space<semaphore_mem>>) src(%arg16 : memref<63x64xf32, #tpu.memory_space<vmem>>) dst(%dma_wait3A_303 : memref<63x64xf32, #tpu.memory_space<vmem_shared>>)
      tpu.yield
    }) : () -> ()
    %mul3A_174 = arith.constant 630 : i32
    %mul3A_175 = arith.muli %arg1, %mul3A_174 : i32
    %add3A_176 = arith.constant 378 : i32
    %add3A_177 = arith.addi %mul3A_175, %add3A_176 : i32
    "tpu.region"() ({
      %run_scoped3A = tpu.sem_alloc : memref<!tpu.dma_semaphore, #tpu.memory_space<semaphore_mem>>
      %dma_start3A_297 = arith.constant 0 : i32
      %dma_start3A_298 = tpu.memref_slice %arg17[%add3A_177, %dma_start3A_297] : memref<10080x64xf32, #tpu.memory_space<vmem_shared>> -> memref<63x64xf32, #tpu.memory_space<vmem_shared>>
      %dma_start3A_299 = arith.constant 0 : i32
      %dma_start3A_300 = tpu.memref_slice %arg17[%add3A_177, %dma_start3A_299] : memref<10080x64xf32, #tpu.memory_space<vmem_shared>> -> memref<63x64xf32, #tpu.memory_space<vmem_shared>>
      tpu.enqueue_dma source(%arg16 : memref<63x64xf32, #tpu.memory_space<vmem>>) target(%dma_start3A_300 : memref<63x64xf32, #tpu.memory_space<vmem_shared>>) target_semaphore(%run_scoped3A : memref<!tpu.dma_semaphore, #tpu.memory_space<semaphore_mem>>)
      %dma_wait3A = arith.constant 0 : i32
      %dma_wait3A_301 = tpu.memref_slice %arg17[%add3A_177, %dma_wait3A] : memref<10080x64xf32, #tpu.memory_space<vmem_shared>> -> memref<63x64xf32, #tpu.memory_space<vmem_shared>>
      %dma_wait3A_302 = arith.constant 0 : i32
      %dma_wait3A_303 = tpu.memref_slice %arg17[%add3A_177, %dma_wait3A_302] : memref<10080x64xf32, #tpu.memory_space<vmem_shared>> -> memref<63x64xf32, #tpu.memory_space<vmem_shared>>
      tpu.wait_dma2 semaphore(%run_scoped3A : memref<!tpu.dma_semaphore, #tpu.memory_space<semaphore_mem>>) src(%arg16 : memref<63x64xf32, #tpu.memory_space<vmem>>) dst(%dma_wait3A_303 : memref<63x64xf32, #tpu.memory_space<vmem_shared>>)
      tpu.yield
    }) : () -> ()
    %mul3A_178 = arith.constant 630 : i32
    %mul3A_179 = arith.muli %arg1, %mul3A_178 : i32
    %add3A_180 = arith.constant 441 : i32
    %add3A_181 = arith.addi %mul3A_179, %add3A_180 : i32
    "tpu.region"() ({
      %run_scoped3A = tpu.sem_alloc : memref<!tpu.dma_semaphore, #tpu.memory_space<semaphore_mem>>
      %dma_start3A_297 = arith.constant 0 : i32
      %dma_start3A_298 = tpu.memref_slice %arg17[%add3A_181, %dma_start3A_297] : memref<10080x64xf32, #tpu.memory_space<vmem_shared>> -> memref<63x64xf32, #tpu.memory_space<vmem_shared>>
      %dma_start3A_299 = arith.constant 0 : i32
      %dma_start3A_300 = tpu.memref_slice %arg17[%add3A_181, %dma_start3A_299] : memref<10080x64xf32, #tpu.memory_space<vmem_shared>> -> memref<63x64xf32, #tpu.memory_space<vmem_shared>>
      tpu.enqueue_dma source(%arg16 : memref<63x64xf32, #tpu.memory_space<vmem>>) target(%dma_start3A_300 : memref<63x64xf32, #tpu.memory_space<vmem_shared>>) target_semaphore(%run_scoped3A : memref<!tpu.dma_semaphore, #tpu.memory_space<semaphore_mem>>)
      %dma_wait3A = arith.constant 0 : i32
      %dma_wait3A_301 = tpu.memref_slice %arg17[%add3A_181, %dma_wait3A] : memref<10080x64xf32, #tpu.memory_space<vmem_shared>> -> memref<63x64xf32, #tpu.memory_space<vmem_shared>>
      %dma_wait3A_302 = arith.constant 0 : i32
      %dma_wait3A_303 = tpu.memref_slice %arg17[%add3A_181, %dma_wait3A_302] : memref<10080x64xf32, #tpu.memory_space<vmem_shared>> -> memref<63x64xf32, #tpu.memory_space<vmem_shared>>
      tpu.wait_dma2 semaphore(%run_scoped3A : memref<!tpu.dma_semaphore, #tpu.memory_space<semaphore_mem>>) src(%arg16 : memref<63x64xf32, #tpu.memory_space<vmem>>) dst(%dma_wait3A_303 : memref<63x64xf32, #tpu.memory_space<vmem_shared>>)
      tpu.yield
    }) : () -> ()
    %mul3A_182 = arith.constant 630 : i32
    %mul3A_183 = arith.muli %arg1, %mul3A_182 : i32
    %add3A_184 = arith.constant 504 : i32
    %add3A_185 = arith.addi %mul3A_183, %add3A_184 : i32
    "tpu.region"() ({
      %run_scoped3A = tpu.sem_alloc : memref<!tpu.dma_semaphore, #tpu.memory_space<semaphore_mem>>
      %dma_start3A_297 = arith.constant 0 : i32
      %dma_start3A_298 = tpu.memref_slice %arg17[%add3A_185, %dma_start3A_297] : memref<10080x64xf32, #tpu.memory_space<vmem_shared>> -> memref<63x64xf32, #tpu.memory_space<vmem_shared>>
      %dma_start3A_299 = arith.constant 0 : i32
      %dma_start3A_300 = tpu.memref_slice %arg17[%add3A_185, %dma_start3A_299] : memref<10080x64xf32, #tpu.memory_space<vmem_shared>> -> memref<63x64xf32, #tpu.memory_space<vmem_shared>>
      tpu.enqueue_dma source(%arg16 : memref<63x64xf32, #tpu.memory_space<vmem>>) target(%dma_start3A_300 : memref<63x64xf32, #tpu.memory_space<vmem_shared>>) target_semaphore(%run_scoped3A : memref<!tpu.dma_semaphore, #tpu.memory_space<semaphore_mem>>)
      %dma_wait3A = arith.constant 0 : i32
      %dma_wait3A_301 = tpu.memref_slice %arg17[%add3A_185, %dma_wait3A] : memref<10080x64xf32, #tpu.memory_space<vmem_shared>> -> memref<63x64xf32, #tpu.memory_space<vmem_shared>>
      %dma_wait3A_302 = arith.constant 0 : i32
      %dma_wait3A_303 = tpu.memref_slice %arg17[%add3A_185, %dma_wait3A_302] : memref<10080x64xf32, #tpu.memory_space<vmem_shared>> -> memref<63x64xf32, #tpu.memory_space<vmem_shared>>
      tpu.wait_dma2 semaphore(%run_scoped3A : memref<!tpu.dma_semaphore, #tpu.memory_space<semaphore_mem>>) src(%arg16 : memref<63x64xf32, #tpu.memory_space<vmem>>) dst(%dma_wait3A_303 : memref<63x64xf32, #tpu.memory_space<vmem_shared>>)
      tpu.yield
    }) : () -> ()
    %mul3A_186 = arith.constant 630 : i32
    %mul3A_187 = arith.muli %arg1, %mul3A_186 : i32
    %add3A_188 = arith.constant 567 : i32
    %add3A_189 = arith.addi %mul3A_187, %add3A_188 : i32
    "tpu.region"() ({
      %run_scoped3A = tpu.sem_alloc : memref<!tpu.dma_semaphore, #tpu.memory_space<semaphore_mem>>
      %dma_start3A_297 = arith.constant 0 : i32
      %dma_start3A_298 = tpu.memref_slice %arg17[%add3A_189, %dma_start3A_297] : memref<10080x64xf32, #tpu.memory_space<vmem_shared>> -> memref<63x64xf32, #tpu.memory_space<vmem_shared>>
      %dma_start3A_299 = arith.constant 0 : i32
      %dma_start3A_300 = tpu.memref_slice %arg17[%add3A_189, %dma_start3A_299] : memref<10080x64xf32, #tpu.memory_space<vmem_shared>> -> memref<63x64xf32, #tpu.memory_space<vmem_shared>>
      tpu.enqueue_dma source(%arg16 : memref<63x64xf32, #tpu.memory_space<vmem>>) target(%dma_start3A_300 : memref<63x64xf32, #tpu.memory_space<vmem_shared>>) target_semaphore(%run_scoped3A : memref<!tpu.dma_semaphore, #tpu.memory_space<semaphore_mem>>)
      %dma_wait3A = arith.constant 0 : i32
      %dma_wait3A_301 = tpu.memref_slice %arg17[%add3A_189, %dma_wait3A] : memref<10080x64xf32, #tpu.memory_space<vmem_shared>> -> memref<63x64xf32, #tpu.memory_space<vmem_shared>>
      %dma_wait3A_302 = arith.constant 0 : i32
      %dma_wait3A_303 = tpu.memref_slice %arg17[%add3A_189, %dma_wait3A_302] : memref<10080x64xf32, #tpu.memory_space<vmem_shared>> -> memref<63x64xf32, #tpu.memory_space<vmem_shared>>
      tpu.wait_dma2 semaphore(%run_scoped3A : memref<!tpu.dma_semaphore, #tpu.memory_space<semaphore_mem>>) src(%arg16 : memref<63x64xf32, #tpu.memory_space<vmem>>) dst(%dma_wait3A_303 : memref<63x64xf32, #tpu.memory_space<vmem_shared>>)
      tpu.yield
    }) : () -> ()
    %barrier3A_190 = arith.constant 0 : index
    tpu.barrier barrier_id(%barrier3A_190)
    %mul3A_191 = arith.constant 2 : i32
    %mul3A_192 = arith.muli %arg0, %mul3A_191 : i32
    %add3A_193 = arith.constant 1 : i32
    %add3A_194 = arith.addi %mul3A_192, %add3A_193 : i32
    %dma_start3A_195 = arith.constant 0 : i32
    %dma_start3A_196 = arith.constant 0 : i32
    %dma_start3A_197 = tpu.memref_slice %arg6[%dma_start3A_195, %dma_start3A_196] : memref<80x128xi32, #tpu.memory_space<vmem>> -> memref<1x128xi32, #tpu.memory_space<vmem>>
    %dma_start3A_198 = tpu.memref_squeeze %dma_start3A_197 : memref<1x128xi32, #tpu.memory_space<vmem>> -> memref<128xi32, #tpu.memory_space<vmem>>
    %dma_start3A_199 = arith.constant 0 : i32
    %dma_start3A_200 = arith.constant 0 : i32
    %dma_start3A_201 = tpu.memref_slice %arg2[%add3A_194, %dma_start3A_199, %dma_start3A_200] : memref<4x10000x64xf32, #tpu.memory_space<hbm>> -> memref<1x10000x64xf32, #tpu.memory_space<hbm>>
    %dma_start3A_202 = tpu.memref_squeeze %dma_start3A_201 : memref<1x10000x64xf32, #tpu.memory_space<hbm>> -> memref<10000x64xf32, #tpu.memory_space<hbm>>
    %dma_start3A_203 = arith.constant 0 : i32
    %dma_start3A_204 = arith.constant 0 : i32
    %dma_start3A_205 = tpu.memref_slice %dma_start3A_202[%dma_start3A_203, %dma_start3A_204] : memref<10000x64xf32, #tpu.memory_space<hbm>> -> memref<10000x64xf32, #tpu.memory_space<hbm>>
    tpu.enqueue_indirect_dma source(%dma_start3A_205 : memref<10000x64xf32, #tpu.memory_space<hbm>>) target(%arg8 : memref<128x64xf32, #tpu.memory_space<vmem>>) offsets(%dma_start3A_198 : memref<128xi32, #tpu.memory_space<vmem>>) semaphore(%arg18 : memref<!tpu.dma_semaphore, #tpu.memory_space<semaphore_mem>>)
    %dma_start3A_206 = arith.constant 1 : i32
    %dma_start3A_207 = arith.constant 0 : i32
    %dma_start3A_208 = tpu.memref_slice %arg6[%dma_start3A_206, %dma_start3A_207] : memref<80x128xi32, #tpu.memory_space<vmem>> -> memref<1x128xi32, #tpu.memory_space<vmem>>
    %dma_start3A_209 = tpu.memref_squeeze %dma_start3A_208 : memref<1x128xi32, #tpu.memory_space<vmem>> -> memref<128xi32, #tpu.memory_space<vmem>>
    %dma_start3A_210 = arith.constant 0 : i32
    %dma_start3A_211 = arith.constant 0 : i32
    %dma_start3A_212 = tpu.memref_slice %arg2[%add3A_194, %dma_start3A_210, %dma_start3A_211] : memref<4x10000x64xf32, #tpu.memory_space<hbm>> -> memref<1x10000x64xf32, #tpu.memory_space<hbm>>
    %dma_start3A_213 = tpu.memref_squeeze %dma_start3A_212 : memref<1x10000x64xf32, #tpu.memory_space<hbm>> -> memref<10000x64xf32, #tpu.memory_space<hbm>>
    %dma_start3A_214 = arith.constant 0 : i32
    %dma_start3A_215 = arith.constant 0 : i32
    %dma_start3A_216 = tpu.memref_slice %dma_start3A_213[%dma_start3A_214, %dma_start3A_215] : memref<10000x64xf32, #tpu.memory_space<hbm>> -> memref<10000x64xf32, #tpu.memory_space<hbm>>
    tpu.enqueue_indirect_dma source(%dma_start3A_216 : memref<10000x64xf32, #tpu.memory_space<hbm>>) target(%arg9 : memref<128x64xf32, #tpu.memory_space<vmem>>) offsets(%dma_start3A_209 : memref<128xi32, #tpu.memory_space<vmem>>) semaphore(%arg19 : memref<!tpu.dma_semaphore, #tpu.memory_space<semaphore_mem>>)
    %dma_start3A_217 = arith.constant 2 : i32
    %dma_start3A_218 = arith.constant 0 : i32
    %dma_start3A_219 = tpu.memref_slice %arg6[%dma_start3A_217, %dma_start3A_218] : memref<80x128xi32, #tpu.memory_space<vmem>> -> memref<1x128xi32, #tpu.memory_space<vmem>>
    %dma_start3A_220 = tpu.memref_squeeze %dma_start3A_219 : memref<1x128xi32, #tpu.memory_space<vmem>> -> memref<128xi32, #tpu.memory_space<vmem>>
    %dma_start3A_221 = arith.constant 0 : i32
    %dma_start3A_222 = arith.constant 0 : i32
    %dma_start3A_223 = tpu.memref_slice %arg2[%add3A_194, %dma_start3A_221, %dma_start3A_222] : memref<4x10000x64xf32, #tpu.memory_space<hbm>> -> memref<1x10000x64xf32, #tpu.memory_space<hbm>>
    %dma_start3A_224 = tpu.memref_squeeze %dma_start3A_223 : memref<1x10000x64xf32, #tpu.memory_space<hbm>> -> memref<10000x64xf32, #tpu.memory_space<hbm>>
    %dma_start3A_225 = arith.constant 0 : i32
    %dma_start3A_226 = arith.constant 0 : i32
    %dma_start3A_227 = tpu.memref_slice %dma_start3A_224[%dma_start3A_225, %dma_start3A_226] : memref<10000x64xf32, #tpu.memory_space<hbm>> -> memref<10000x64xf32, #tpu.memory_space<hbm>>
    tpu.enqueue_indirect_dma source(%dma_start3A_227 : memref<10000x64xf32, #tpu.memory_space<hbm>>) target(%arg10 : memref<128x64xf32, #tpu.memory_space<vmem>>) offsets(%dma_start3A_220 : memref<128xi32, #tpu.memory_space<vmem>>) semaphore(%arg20 : memref<!tpu.dma_semaphore, #tpu.memory_space<semaphore_mem>>)
    %dma_start3A_228 = arith.constant 3 : i32
    %dma_start3A_229 = arith.constant 0 : i32
    %dma_start3A_230 = tpu.memref_slice %arg6[%dma_start3A_228, %dma_start3A_229] : memref<80x128xi32, #tpu.memory_space<vmem>> -> memref<1x128xi32, #tpu.memory_space<vmem>>
    %dma_start3A_231 = tpu.memref_squeeze %dma_start3A_230 : memref<1x128xi32, #tpu.memory_space<vmem>> -> memref<128xi32, #tpu.memory_space<vmem>>
    %dma_start3A_232 = arith.constant 0 : i32
    %dma_start3A_233 = arith.constant 0 : i32
    %dma_start3A_234 = tpu.memref_slice %arg2[%add3A_194, %dma_start3A_232, %dma_start3A_233] : memref<4x10000x64xf32, #tpu.memory_space<hbm>> -> memref<1x10000x64xf32, #tpu.memory_space<hbm>>
    %dma_start3A_235 = tpu.memref_squeeze %dma_start3A_234 : memref<1x10000x64xf32, #tpu.memory_space<hbm>> -> memref<10000x64xf32, #tpu.memory_space<hbm>>
    %dma_start3A_236 = arith.constant 0 : i32
    %dma_start3A_237 = arith.constant 0 : i32
    %dma_start3A_238 = tpu.memref_slice %dma_start3A_235[%dma_start3A_236, %dma_start3A_237] : memref<10000x64xf32, #tpu.memory_space<hbm>> -> memref<10000x64xf32, #tpu.memory_space<hbm>>
    tpu.enqueue_indirect_dma source(%dma_start3A_238 : memref<10000x64xf32, #tpu.memory_space<hbm>>) target(%arg11 : memref<128x64xf32, #tpu.memory_space<vmem>>) offsets(%dma_start3A_231 : memref<128xi32, #tpu.memory_space<vmem>>) semaphore(%arg21 : memref<!tpu.dma_semaphore, #tpu.memory_space<semaphore_mem>>)
    %dma_start3A_239 = arith.constant 4 : i32
    %dma_start3A_240 = arith.constant 0 : i32
    %dma_start3A_241 = tpu.memref_slice %arg6[%dma_start3A_239, %dma_start3A_240] : memref<80x128xi32, #tpu.memory_space<vmem>> -> memref<1x128xi32, #tpu.memory_space<vmem>>
    %dma_start3A_242 = tpu.memref_squeeze %dma_start3A_241 : memref<1x128xi32, #tpu.memory_space<vmem>> -> memref<128xi32, #tpu.memory_space<vmem>>
    %dma_start3A_243 = arith.constant 0 : i32
    %dma_start3A_244 = arith.constant 0 : i32
    %dma_start3A_245 = tpu.memref_slice %arg2[%add3A_194, %dma_start3A_243, %dma_start3A_244] : memref<4x10000x64xf32, #tpu.memory_space<hbm>> -> memref<1x10000x64xf32, #tpu.memory_space<hbm>>
    %dma_start3A_246 = tpu.memref_squeeze %dma_start3A_245 : memref<1x10000x64xf32, #tpu.memory_space<hbm>> -> memref<10000x64xf32, #tpu.memory_space<hbm>>
    %dma_start3A_247 = arith.constant 0 : i32
    %dma_start3A_248 = arith.constant 0 : i32
    %dma_start3A_249 = tpu.memref_slice %dma_start3A_246[%dma_start3A_247, %dma_start3A_248] : memref<10000x64xf32, #tpu.memory_space<hbm>> -> memref<10000x64xf32, #tpu.memory_space<hbm>>
    tpu.enqueue_indirect_dma source(%dma_start3A_249 : memref<10000x64xf32, #tpu.memory_space<hbm>>) target(%arg12 : memref<128x64xf32, #tpu.memory_space<vmem>>) offsets(%dma_start3A_242 : memref<128xi32, #tpu.memory_space<vmem>>) semaphore(%arg22 : memref<!tpu.dma_semaphore, #tpu.memory_space<semaphore_mem>>)
    %dma_start3A_250 = arith.constant 5 : i32
    %dma_start3A_251 = arith.constant 0 : i32
    %dma_start3A_252 = tpu.memref_slice %arg6[%dma_start3A_250, %dma_start3A_251] : memref<80x128xi32, #tpu.memory_space<vmem>> -> memref<1x128xi32, #tpu.memory_space<vmem>>
    %dma_start3A_253 = tpu.memref_squeeze %dma_start3A_252 : memref<1x128xi32, #tpu.memory_space<vmem>> -> memref<128xi32, #tpu.memory_space<vmem>>
    %dma_start3A_254 = arith.constant 0 : i32
    %dma_start3A_255 = arith.constant 0 : i32
    %dma_start3A_256 = tpu.memref_slice %arg2[%add3A_194, %dma_start3A_254, %dma_start3A_255] : memref<4x10000x64xf32, #tpu.memory_space<hbm>> -> memref<1x10000x64xf32, #tpu.memory_space<hbm>>
    %dma_start3A_257 = tpu.memref_squeeze %dma_start3A_256 : memref<1x10000x64xf32, #tpu.memory_space<hbm>> -> memref<10000x64xf32, #tpu.memory_space<hbm>>
    %dma_start3A_258 = arith.constant 0 : i32
    %dma_start3A_259 = arith.constant 0 : i32
    %dma_start3A_260 = tpu.memref_slice %dma_start3A_257[%dma_start3A_258, %dma_start3A_259] : memref<10000x64xf32, #tpu.memory_space<hbm>> -> memref<10000x64xf32, #tpu.memory_space<hbm>>
    tpu.enqueue_indirect_dma source(%dma_start3A_260 : memref<10000x64xf32, #tpu.memory_space<hbm>>) target(%arg13 : memref<128x64xf32, #tpu.memory_space<vmem>>) offsets(%dma_start3A_253 : memref<128xi32, #tpu.memory_space<vmem>>) semaphore(%arg23 : memref<!tpu.dma_semaphore, #tpu.memory_space<semaphore_mem>>)
    %dma_start3A_261 = arith.constant 6 : i32
    %dma_start3A_262 = arith.constant 0 : i32
    %dma_start3A_263 = tpu.memref_slice %arg6[%dma_start3A_261, %dma_start3A_262] : memref<80x128xi32, #tpu.memory_space<vmem>> -> memref<1x128xi32, #tpu.memory_space<vmem>>
    %dma_start3A_264 = tpu.memref_squeeze %dma_start3A_263 : memref<1x128xi32, #tpu.memory_space<vmem>> -> memref<128xi32, #tpu.memory_space<vmem>>
    %dma_start3A_265 = arith.constant 0 : i32
    %dma_start3A_266 = arith.constant 0 : i32
    %dma_start3A_267 = tpu.memref_slice %arg2[%add3A_194, %dma_start3A_265, %dma_start3A_266] : memref<4x10000x64xf32, #tpu.memory_space<hbm>> -> memref<1x10000x64xf32, #tpu.memory_space<hbm>>
    %dma_start3A_268 = tpu.memref_squeeze %dma_start3A_267 : memref<1x10000x64xf32, #tpu.memory_space<hbm>> -> memref<10000x64xf32, #tpu.memory_space<hbm>>
    %dma_start3A_269 = arith.constant 0 : i32
    %dma_start3A_270 = arith.constant 0 : i32
    %dma_start3A_271 = tpu.memref_slice %dma_start3A_268[%dma_start3A_269, %dma_start3A_270] : memref<10000x64xf32, #tpu.memory_space<hbm>> -> memref<10000x64xf32, #tpu.memory_space<hbm>>
    tpu.enqueue_indirect_dma source(%dma_start3A_271 : memref<10000x64xf32, #tpu.memory_space<hbm>>) target(%arg14 : memref<128x64xf32, #tpu.memory_space<vmem>>) offsets(%dma_start3A_264 : memref<128xi32, #tpu.memory_space<vmem>>) semaphore(%arg24 : memref<!tpu.dma_semaphore, #tpu.memory_space<semaphore_mem>>)
    %dma_start3A_272 = arith.constant 7 : i32
    %dma_start3A_273 = arith.constant 0 : i32
    %dma_start3A_274 = tpu.memref_slice %arg6[%dma_start3A_272, %dma_start3A_273] : memref<80x128xi32, #tpu.memory_space<vmem>> -> memref<1x128xi32, #tpu.memory_space<vmem>>
    %dma_start3A_275 = tpu.memref_squeeze %dma_start3A_274 : memref<1x128xi32, #tpu.memory_space<vmem>> -> memref<128xi32, #tpu.memory_space<vmem>>
    %dma_start3A_276 = arith.constant 0 : i32
    %dma_start3A_277 = arith.constant 0 : i32
    %dma_start3A_278 = tpu.memref_slice %arg2[%add3A_194, %dma_start3A_276, %dma_start3A_277] : memref<4x10000x64xf32, #tpu.memory_space<hbm>> -> memref<1x10000x64xf32, #tpu.memory_space<hbm>>
    %dma_start3A_279 = tpu.memref_squeeze %dma_start3A_278 : memref<1x10000x64xf32, #tpu.memory_space<hbm>> -> memref<10000x64xf32, #tpu.memory_space<hbm>>
    %dma_start3A_280 = arith.constant 0 : i32
    %dma_start3A_281 = arith.constant 0 : i32
    %dma_start3A_282 = tpu.memref_slice %dma_start3A_279[%dma_start3A_280, %dma_start3A_281] : memref<10000x64xf32, #tpu.memory_space<hbm>> -> memref<10000x64xf32, #tpu.memory_space<hbm>>
    tpu.enqueue_indirect_dma source(%dma_start3A_282 : memref<10000x64xf32, #tpu.memory_space<hbm>>) target(%arg15 : memref<128x64xf32, #tpu.memory_space<vmem>>) offsets(%dma_start3A_275 : memref<128xi32, #tpu.memory_space<vmem>>) semaphore(%arg25 : memref<!tpu.dma_semaphore, #tpu.memory_space<semaphore_mem>>)
    %scan3A_283 = arith.constant 0 : i32
    %scan3A_284 = arith.constant 0 : i32
    %scan3A_285 = arith.constant 10 : i32
    %scan3A_286 = arith.addi %scan3A_284, %scan3A_285 : i32
    %scan3A_287 = arith.constant 1 : i32
    %scan3A_288 = scf.for %scan3A_297 = %scan3A_284 to %scan3A_286 step %scan3A_287 iter_args(%scan3A_298 = %scan3A_283) -> (i32)  : i32 {
      %mul3A_299 = arith.constant 8 : i32
      %mul3A_300 = arith.muli %mul3A_299, %scan3A_297 : i32
      %dma_wait3A = arith.constant 0 : i32
      %dma_wait3A_301 = arith.constant 0 : i32
      %dma_wait3A_302 = arith.constant 0 : i32
      %dma_wait3A_303 = tpu.memref_slice %arg2[%dma_wait3A, %dma_wait3A_301, %dma_wait3A_302] : memref<4x10000x64xf32, #tpu.memory_space<hbm>> -> memref<1x10000x64xf32, #tpu.memory_space<hbm>>
      %dma_wait3A_304 = tpu.memref_squeeze %dma_wait3A_303 : memref<1x10000x64xf32, #tpu.memory_space<hbm>> -> memref<10000x64xf32, #tpu.memory_space<hbm>>
      %dma_wait3A_305 = arith.constant 0 : i32
      %dma_wait3A_306 = arith.constant 0 : i32
      %dma_wait3A_307 = tpu.memref_slice %dma_wait3A_304[%dma_wait3A_305, %dma_wait3A_306] : memref<10000x64xf32, #tpu.memory_space<hbm>> -> memref<128x64xf32, #tpu.memory_space<hbm>>
      %dma_wait3A_308 = arith.constant 0 : i32
      %dma_wait3A_309 = arith.constant 0 : i32
      %dma_wait3A_310 = tpu.memref_slice %arg2[%dma_wait3A, %dma_wait3A_308, %dma_wait3A_309] : memref<4x10000x64xf32, #tpu.memory_space<hbm>> -> memref<1x10000x64xf32, #tpu.memory_space<hbm>>
      %dma_wait3A_311 = tpu.memref_squeeze %dma_wait3A_310 : memref<1x10000x64xf32, #tpu.memory_space<hbm>> -> memref<10000x64xf32, #tpu.memory_space<hbm>>
      %dma_wait3A_312 = arith.constant 0 : i32
      %dma_wait3A_313 = arith.constant 0 : i32
      %dma_wait3A_314 = tpu.memref_slice %dma_wait3A_311[%dma_wait3A_312, %dma_wait3A_313] : memref<10000x64xf32, #tpu.memory_space<hbm>> -> memref<128x64xf32, #tpu.memory_space<hbm>>
      tpu.wait_dma2 semaphore(%arg18 : memref<!tpu.dma_semaphore, #tpu.memory_space<semaphore_mem>>) src(%dma_wait3A_314 : memref<128x64xf32, #tpu.memory_space<hbm>>) dst(%arg8 : memref<128x64xf32, #tpu.memory_space<vmem>>)
      %add3A_315 = arith.constant 0 : i32
      %add3A_316 = arith.addi %mul3A_300, %add3A_315 : i32
      %dma_start3A_317 = arith.constant 0 : i32
      %dma_start3A_318 = tpu.memref_slice %arg7[%add3A_316, %dma_start3A_317] : memref<80x128xi32, #tpu.memory_space<vmem>> -> memref<1x128xi32, #tpu.memory_space<vmem>>
      %dma_start3A_319 = tpu.memref_squeeze %dma_start3A_318 : memref<1x128xi32, #tpu.memory_space<vmem>> -> memref<128xi32, #tpu.memory_space<vmem>>
      %dma_start3A_320 = arith.constant 0 : i32
      %dma_start3A_321 = arith.constant 0 : i32
      %dma_start3A_322 = tpu.memref_slice %arg17[%dma_start3A_320, %dma_start3A_321] : memref<10080x64xf32, #tpu.memory_space<vmem_shared>> -> memref<10080x64xf32, #tpu.memory_space<vmem_shared>>
      tpu.enqueue_indirect_dma source(%arg8 : memref<128x64xf32, #tpu.memory_space<vmem>>) target(%dma_start3A_322 : memref<10080x64xf32, #tpu.memory_space<vmem_shared>>) offsets(%dma_start3A_319 : memref<128xi32, #tpu.memory_space<vmem>>) semaphore(%arg18 : memref<!tpu.dma_semaphore, #tpu.memory_space<semaphore_mem>>) {add = true}
      %dma_wait3A_323 = arith.constant 0 : i32
      %dma_wait3A_324 = arith.constant 0 : i32
      %dma_wait3A_325 = arith.constant 0 : i32
      %dma_wait3A_326 = tpu.memref_slice %arg2[%dma_wait3A_323, %dma_wait3A_324, %dma_wait3A_325] : memref<4x10000x64xf32, #tpu.memory_space<hbm>> -> memref<1x10000x64xf32, #tpu.memory_space<hbm>>
      %dma_wait3A_327 = tpu.memref_squeeze %dma_wait3A_326 : memref<1x10000x64xf32, #tpu.memory_space<hbm>> -> memref<10000x64xf32, #tpu.memory_space<hbm>>
      %dma_wait3A_328 = arith.constant 0 : i32
      %dma_wait3A_329 = arith.constant 0 : i32
      %dma_wait3A_330 = tpu.memref_slice %dma_wait3A_327[%dma_wait3A_328, %dma_wait3A_329] : memref<10000x64xf32, #tpu.memory_space<hbm>> -> memref<128x64xf32, #tpu.memory_space<hbm>>
      %dma_wait3A_331 = arith.constant 0 : i32
      %dma_wait3A_332 = arith.constant 0 : i32
      %dma_wait3A_333 = tpu.memref_slice %arg2[%dma_wait3A_323, %dma_wait3A_331, %dma_wait3A_332] : memref<4x10000x64xf32, #tpu.memory_space<hbm>> -> memref<1x10000x64xf32, #tpu.memory_space<hbm>>
      %dma_wait3A_334 = tpu.memref_squeeze %dma_wait3A_333 : memref<1x10000x64xf32, #tpu.memory_space<hbm>> -> memref<10000x64xf32, #tpu.memory_space<hbm>>
      %dma_wait3A_335 = arith.constant 0 : i32
      %dma_wait3A_336 = arith.constant 0 : i32
      %dma_wait3A_337 = tpu.memref_slice %dma_wait3A_334[%dma_wait3A_335, %dma_wait3A_336] : memref<10000x64xf32, #tpu.memory_space<hbm>> -> memref<128x64xf32, #tpu.memory_space<hbm>>
      tpu.wait_dma2 semaphore(%arg19 : memref<!tpu.dma_semaphore, #tpu.memory_space<semaphore_mem>>) src(%dma_wait3A_337 : memref<128x64xf32, #tpu.memory_space<hbm>>) dst(%arg9 : memref<128x64xf32, #tpu.memory_space<vmem>>)
      %add3A_338 = arith.constant 1 : i32
      %add3A_339 = arith.addi %mul3A_300, %add3A_338 : i32
      %dma_start3A_340 = arith.constant 0 : i32
      %dma_start3A_341 = tpu.memref_slice %arg7[%add3A_339, %dma_start3A_340] : memref<80x128xi32, #tpu.memory_space<vmem>> -> memref<1x128xi32, #tpu.memory_space<vmem>>
      %dma_start3A_342 = tpu.memref_squeeze %dma_start3A_341 : memref<1x128xi32, #tpu.memory_space<vmem>> -> memref<128xi32, #tpu.memory_space<vmem>>
      %dma_start3A_343 = arith.constant 0 : i32
      %dma_start3A_344 = arith.constant 0 : i32
      %dma_start3A_345 = tpu.memref_slice %arg17[%dma_start3A_343, %dma_start3A_344] : memref<10080x64xf32, #tpu.memory_space<vmem_shared>> -> memref<10080x64xf32, #tpu.memory_space<vmem_shared>>
      tpu.enqueue_indirect_dma source(%arg9 : memref<128x64xf32, #tpu.memory_space<vmem>>) target(%dma_start3A_345 : memref<10080x64xf32, #tpu.memory_space<vmem_shared>>) offsets(%dma_start3A_342 : memref<128xi32, #tpu.memory_space<vmem>>) semaphore(%arg19 : memref<!tpu.dma_semaphore, #tpu.memory_space<semaphore_mem>>) {add = true}
      %dma_wait3A_346 = arith.constant 0 : i32
      %dma_wait3A_347 = arith.constant 0 : i32
      %dma_wait3A_348 = arith.constant 0 : i32
      %dma_wait3A_349 = tpu.memref_slice %arg2[%dma_wait3A_346, %dma_wait3A_347, %dma_wait3A_348] : memref<4x10000x64xf32, #tpu.memory_space<hbm>> -> memref<1x10000x64xf32, #tpu.memory_space<hbm>>
      %dma_wait3A_350 = tpu.memref_squeeze %dma_wait3A_349 : memref<1x10000x64xf32, #tpu.memory_space<hbm>> -> memref<10000x64xf32, #tpu.memory_space<hbm>>
      %dma_wait3A_351 = arith.constant 0 : i32
      %dma_wait3A_352 = arith.constant 0 : i32
      %dma_wait3A_353 = tpu.memref_slice %dma_wait3A_350[%dma_wait3A_351, %dma_wait3A_352] : memref<10000x64xf32, #tpu.memory_space<hbm>> -> memref<128x64xf32, #tpu.memory_space<hbm>>
      %dma_wait3A_354 = arith.constant 0 : i32
      %dma_wait3A_355 = arith.constant 0 : i32
      %dma_wait3A_356 = tpu.memref_slice %arg2[%dma_wait3A_346, %dma_wait3A_354, %dma_wait3A_355] : memref<4x10000x64xf32, #tpu.memory_space<hbm>> -> memref<1x10000x64xf32, #tpu.memory_space<hbm>>
      %dma_wait3A_357 = tpu.memref_squeeze %dma_wait3A_356 : memref<1x10000x64xf32, #tpu.memory_space<hbm>> -> memref<10000x64xf32, #tpu.memory_space<hbm>>
      %dma_wait3A_358 = arith.constant 0 : i32
      %dma_wait3A_359 = arith.constant 0 : i32
      %dma_wait3A_360 = tpu.memref_slice %dma_wait3A_357[%dma_wait3A_358, %dma_wait3A_359] : memref<10000x64xf32, #tpu.memory_space<hbm>> -> memref<128x64xf32, #tpu.memory_space<hbm>>
      tpu.wait_dma2 semaphore(%arg20 : memref<!tpu.dma_semaphore, #tpu.memory_space<semaphore_mem>>) src(%dma_wait3A_360 : memref<128x64xf32, #tpu.memory_space<hbm>>) dst(%arg10 : memref<128x64xf32, #tpu.memory_space<vmem>>)
      %add3A_361 = arith.constant 2 : i32
      %add3A_362 = arith.addi %mul3A_300, %add3A_361 : i32
      %dma_start3A_363 = arith.constant 0 : i32
      %dma_start3A_364 = tpu.memref_slice %arg7[%add3A_362, %dma_start3A_363] : memref<80x128xi32, #tpu.memory_space<vmem>> -> memref<1x128xi32, #tpu.memory_space<vmem>>
      %dma_start3A_365 = tpu.memref_squeeze %dma_start3A_364 : memref<1x128xi32, #tpu.memory_space<vmem>> -> memref<128xi32, #tpu.memory_space<vmem>>
      %dma_start3A_366 = arith.constant 0 : i32
      %dma_start3A_367 = arith.constant 0 : i32
      %dma_start3A_368 = tpu.memref_slice %arg17[%dma_start3A_366, %dma_start3A_367] : memref<10080x64xf32, #tpu.memory_space<vmem_shared>> -> memref<10080x64xf32, #tpu.memory_space<vmem_shared>>
      tpu.enqueue_indirect_dma source(%arg10 : memref<128x64xf32, #tpu.memory_space<vmem>>) target(%dma_start3A_368 : memref<10080x64xf32, #tpu.memory_space<vmem_shared>>) offsets(%dma_start3A_365 : memref<128xi32, #tpu.memory_space<vmem>>) semaphore(%arg20 : memref<!tpu.dma_semaphore, #tpu.memory_space<semaphore_mem>>) {add = true}
      %dma_wait3A_369 = arith.constant 0 : i32
      %dma_wait3A_370 = arith.constant 0 : i32
      %dma_wait3A_371 = arith.constant 0 : i32
      %dma_wait3A_372 = tpu.memref_slice %arg2[%dma_wait3A_369, %dma_wait3A_370, %dma_wait3A_371] : memref<4x10000x64xf32, #tpu.memory_space<hbm>> -> memref<1x10000x64xf32, #tpu.memory_space<hbm>>
      %dma_wait3A_373 = tpu.memref_squeeze %dma_wait3A_372 : memref<1x10000x64xf32, #tpu.memory_space<hbm>> -> memref<10000x64xf32, #tpu.memory_space<hbm>>
      %dma_wait3A_374 = arith.constant 0 : i32
      %dma_wait3A_375 = arith.constant 0 : i32
      %dma_wait3A_376 = tpu.memref_slice %dma_wait3A_373[%dma_wait3A_374, %dma_wait3A_375] : memref<10000x64xf32, #tpu.memory_space<hbm>> -> memref<128x64xf32, #tpu.memory_space<hbm>>
      %dma_wait3A_377 = arith.constant 0 : i32
      %dma_wait3A_378 = arith.constant 0 : i32
      %dma_wait3A_379 = tpu.memref_slice %arg2[%dma_wait3A_369, %dma_wait3A_377, %dma_wait3A_378] : memref<4x10000x64xf32, #tpu.memory_space<hbm>> -> memref<1x10000x64xf32, #tpu.memory_space<hbm>>
      %dma_wait3A_380 = tpu.memref_squeeze %dma_wait3A_379 : memref<1x10000x64xf32, #tpu.memory_space<hbm>> -> memref<10000x64xf32, #tpu.memory_space<hbm>>
      %dma_wait3A_381 = arith.constant 0 : i32
      %dma_wait3A_382 = arith.constant 0 : i32
      %dma_wait3A_383 = tpu.memref_slice %dma_wait3A_380[%dma_wait3A_381, %dma_wait3A_382] : memref<10000x64xf32, #tpu.memory_space<hbm>> -> memref<128x64xf32, #tpu.memory_space<hbm>>
      tpu.wait_dma2 semaphore(%arg21 : memref<!tpu.dma_semaphore, #tpu.memory_space<semaphore_mem>>) src(%dma_wait3A_383 : memref<128x64xf32, #tpu.memory_space<hbm>>) dst(%arg11 : memref<128x64xf32, #tpu.memory_space<vmem>>)
      %add3A_384 = arith.constant 3 : i32
      %add3A_385 = arith.addi %mul3A_300, %add3A_384 : i32
      %dma_start3A_386 = arith.constant 0 : i32
      %dma_start3A_387 = tpu.memref_slice %arg7[%add3A_385, %dma_start3A_386] : memref<80x128xi32, #tpu.memory_space<vmem>> -> memref<1x128xi32, #tpu.memory_space<vmem>>
      %dma_start3A_388 = tpu.memref_squeeze %dma_start3A_387 : memref<1x128xi32, #tpu.memory_space<vmem>> -> memref<128xi32, #tpu.memory_space<vmem>>
      %dma_start3A_389 = arith.constant 0 : i32
      %dma_start3A_390 = arith.constant 0 : i32
      %dma_start3A_391 = tpu.memref_slice %arg17[%dma_start3A_389, %dma_start3A_390] : memref<10080x64xf32, #tpu.memory_space<vmem_shared>> -> memref<10080x64xf32, #tpu.memory_space<vmem_shared>>
      tpu.enqueue_indirect_dma source(%arg11 : memref<128x64xf32, #tpu.memory_space<vmem>>) target(%dma_start3A_391 : memref<10080x64xf32, #tpu.memory_space<vmem_shared>>) offsets(%dma_start3A_388 : memref<128xi32, #tpu.memory_space<vmem>>) semaphore(%arg21 : memref<!tpu.dma_semaphore, #tpu.memory_space<semaphore_mem>>) {add = true}
      %add3A_392 = arith.constant 8 : i32
      %add3A_393 = arith.addi %mul3A_300, %add3A_392 : i32
      %add3A_394 = arith.constant 0 : i32
      %add3A_395 = arith.addi %add3A_393, %add3A_394 : i32
      %dma_wait3A_396 = arith.constant 0 : i32
      %dma_wait3A_397 = arith.constant 0 : i32
      %dma_wait3A_398 = tpu.memref_slice %arg7[%dma_wait3A_396, %dma_wait3A_397] : memref<80x128xi32, #tpu.memory_space<vmem>> -> memref<1x128xi32, #tpu.memory_space<vmem>>
      %dma_wait3A_399 = tpu.memref_squeeze %dma_wait3A_398 : memref<1x128xi32, #tpu.memory_space<vmem>> -> memref<128xi32, #tpu.memory_space<vmem>>
      %dma_wait3A_400 = arith.constant 0 : i32
      %dma_wait3A_401 = arith.constant 0 : i32
      %dma_wait3A_402 = tpu.memref_slice %arg17[%dma_wait3A_400, %dma_wait3A_401] : memref<10080x64xf32, #tpu.memory_space<vmem_shared>> -> memref<10080x64xf32, #tpu.memory_space<vmem_shared>>
      tpu.wait_indirect_dma semaphore(%arg18 : memref<!tpu.dma_semaphore, #tpu.memory_space<semaphore_mem>>) src(%arg8 : memref<128x64xf32, #tpu.memory_space<vmem>>) dst(%dma_wait3A_402 : memref<10080x64xf32, #tpu.memory_space<vmem_shared>>)
      %lt3A = arith.constant 80 : i32
      %lt3A_403 = arith.cmpi slt, %add3A_395, %lt3A : i32
      %convert_element_type3A = arith.extui %lt3A_403 : i1 to i32
      %cond3A = arith.constant 0 : i32
      %cond3A_404 = arith.cmpi ne, %convert_element_type3A, %cond3A : i32
      scf.if %cond3A_404 {
        %dma_start3A_610 = arith.constant 0 : i32
        %dma_start3A_611 = tpu.memref_slice %arg6[%add3A_395, %dma_start3A_610] : memref<80x128xi32, #tpu.memory_space<vmem>> -> memref<1x128xi32, #tpu.memory_space<vmem>>
        %dma_start3A_612 = tpu.memref_squeeze %dma_start3A_611 : memref<1x128xi32, #tpu.memory_space<vmem>> -> memref<128xi32, #tpu.memory_space<vmem>>
        %dma_start3A_613 = arith.constant 0 : i32
        %dma_start3A_614 = arith.constant 0 : i32
        %dma_start3A_615 = tpu.memref_slice %arg2[%add3A_194, %dma_start3A_613, %dma_start3A_614] : memref<4x10000x64xf32, #tpu.memory_space<hbm>> -> memref<1x10000x64xf32, #tpu.memory_space<hbm>>
        %dma_start3A_616 = tpu.memref_squeeze %dma_start3A_615 : memref<1x10000x64xf32, #tpu.memory_space<hbm>> -> memref<10000x64xf32, #tpu.memory_space<hbm>>
        %dma_start3A_617 = arith.constant 0 : i32
        %dma_start3A_618 = arith.constant 0 : i32
        %dma_start3A_619 = tpu.memref_slice %dma_start3A_616[%dma_start3A_617, %dma_start3A_618] : memref<10000x64xf32, #tpu.memory_space<hbm>> -> memref<10000x64xf32, #tpu.memory_space<hbm>>
        tpu.enqueue_indirect_dma source(%dma_start3A_619 : memref<10000x64xf32, #tpu.memory_space<hbm>>) target(%arg8 : memref<128x64xf32, #tpu.memory_space<vmem>>) offsets(%dma_start3A_612 : memref<128xi32, #tpu.memory_space<vmem>>) semaphore(%arg18 : memref<!tpu.dma_semaphore, #tpu.memory_space<semaphore_mem>>)
      } else {
      }
      %add3A_405 = arith.constant 8 : i32
      %add3A_406 = arith.addi %mul3A_300, %add3A_405 : i32
      %add3A_407 = arith.constant 1 : i32
      %add3A_408 = arith.addi %add3A_406, %add3A_407 : i32
      %dma_wait3A_409 = arith.constant 0 : i32
      %dma_wait3A_410 = arith.constant 0 : i32
      %dma_wait3A_411 = tpu.memref_slice %arg7[%dma_wait3A_409, %dma_wait3A_410] : memref<80x128xi32, #tpu.memory_space<vmem>> -> memref<1x128xi32, #tpu.memory_space<vmem>>
      %dma_wait3A_412 = tpu.memref_squeeze %dma_wait3A_411 : memref<1x128xi32, #tpu.memory_space<vmem>> -> memref<128xi32, #tpu.memory_space<vmem>>
      %dma_wait3A_413 = arith.constant 0 : i32
      %dma_wait3A_414 = arith.constant 0 : i32
      %dma_wait3A_415 = tpu.memref_slice %arg17[%dma_wait3A_413, %dma_wait3A_414] : memref<10080x64xf32, #tpu.memory_space<vmem_shared>> -> memref<10080x64xf32, #tpu.memory_space<vmem_shared>>
      tpu.wait_indirect_dma semaphore(%arg19 : memref<!tpu.dma_semaphore, #tpu.memory_space<semaphore_mem>>) src(%arg9 : memref<128x64xf32, #tpu.memory_space<vmem>>) dst(%dma_wait3A_415 : memref<10080x64xf32, #tpu.memory_space<vmem_shared>>)
      %lt3A_416 = arith.constant 80 : i32
      %lt3A_417 = arith.cmpi slt, %add3A_408, %lt3A_416 : i32
      %convert_element_type3A_418 = arith.extui %lt3A_417 : i1 to i32
      %cond3A_419 = arith.constant 0 : i32
      %cond3A_420 = arith.cmpi ne, %convert_element_type3A_418, %cond3A_419 : i32
      scf.if %cond3A_420 {
        %dma_start3A_610 = arith.constant 0 : i32
        %dma_start3A_611 = tpu.memref_slice %arg6[%add3A_408, %dma_start3A_610] : memref<80x128xi32, #tpu.memory_space<vmem>> -> memref<1x128xi32, #tpu.memory_space<vmem>>
        %dma_start3A_612 = tpu.memref_squeeze %dma_start3A_611 : memref<1x128xi32, #tpu.memory_space<vmem>> -> memref<128xi32, #tpu.memory_space<vmem>>
        %dma_start3A_613 = arith.constant 0 : i32
        %dma_start3A_614 = arith.constant 0 : i32
        %dma_start3A_615 = tpu.memref_slice %arg2[%add3A_194, %dma_start3A_613, %dma_start3A_614] : memref<4x10000x64xf32, #tpu.memory_space<hbm>> -> memref<1x10000x64xf32, #tpu.memory_space<hbm>>
        %dma_start3A_616 = tpu.memref_squeeze %dma_start3A_615 : memref<1x10000x64xf32, #tpu.memory_space<hbm>> -> memref<10000x64xf32, #tpu.memory_space<hbm>>
        %dma_start3A_617 = arith.constant 0 : i32
        %dma_start3A_618 = arith.constant 0 : i32
        %dma_start3A_619 = tpu.memref_slice %dma_start3A_616[%dma_start3A_617, %dma_start3A_618] : memref<10000x64xf32, #tpu.memory_space<hbm>> -> memref<10000x64xf32, #tpu.memory_space<hbm>>
        tpu.enqueue_indirect_dma source(%dma_start3A_619 : memref<10000x64xf32, #tpu.memory_space<hbm>>) target(%arg9 : memref<128x64xf32, #tpu.memory_space<vmem>>) offsets(%dma_start3A_612 : memref<128xi32, #tpu.memory_space<vmem>>) semaphore(%arg19 : memref<!tpu.dma_semaphore, #tpu.memory_space<semaphore_mem>>)
      } else {
      }
      %add3A_421 = arith.constant 8 : i32
      %add3A_422 = arith.addi %mul3A_300, %add3A_421 : i32
      %add3A_423 = arith.constant 2 : i32
      %add3A_424 = arith.addi %add3A_422, %add3A_423 : i32
      %dma_wait3A_425 = arith.constant 0 : i32
      %dma_wait3A_426 = arith.constant 0 : i32
      %dma_wait3A_427 = tpu.memref_slice %arg7[%dma_wait3A_425, %dma_wait3A_426] : memref<80x128xi32, #tpu.memory_space<vmem>> -> memref<1x128xi32, #tpu.memory_space<vmem>>
      %dma_wait3A_428 = tpu.memref_squeeze %dma_wait3A_427 : memref<1x128xi32, #tpu.memory_space<vmem>> -> memref<128xi32, #tpu.memory_space<vmem>>
      %dma_wait3A_429 = arith.constant 0 : i32
      %dma_wait3A_430 = arith.constant 0 : i32
      %dma_wait3A_431 = tpu.memref_slice %arg17[%dma_wait3A_429, %dma_wait3A_430] : memref<10080x64xf32, #tpu.memory_space<vmem_shared>> -> memref<10080x64xf32, #tpu.memory_space<vmem_shared>>
      tpu.wait_indirect_dma semaphore(%arg20 : memref<!tpu.dma_semaphore, #tpu.memory_space<semaphore_mem>>) src(%arg10 : memref<128x64xf32, #tpu.memory_space<vmem>>) dst(%dma_wait3A_431 : memref<10080x64xf32, #tpu.memory_space<vmem_shared>>)
      %lt3A_432 = arith.constant 80 : i32
      %lt3A_433 = arith.cmpi slt, %add3A_424, %lt3A_432 : i32
      %convert_element_type3A_434 = arith.extui %lt3A_433 : i1 to i32
      %cond3A_435 = arith.constant 0 : i32
      %cond3A_436 = arith.cmpi ne, %convert_element_type3A_434, %cond3A_435 : i32
      scf.if %cond3A_436 {
        %dma_start3A_610 = arith.constant 0 : i32
        %dma_start3A_611 = tpu.memref_slice %arg6[%add3A_424, %dma_start3A_610] : memref<80x128xi32, #tpu.memory_space<vmem>> -> memref<1x128xi32, #tpu.memory_space<vmem>>
        %dma_start3A_612 = tpu.memref_squeeze %dma_start3A_611 : memref<1x128xi32, #tpu.memory_space<vmem>> -> memref<128xi32, #tpu.memory_space<vmem>>
        %dma_start3A_613 = arith.constant 0 : i32
        %dma_start3A_614 = arith.constant 0 : i32
        %dma_start3A_615 = tpu.memref_slice %arg2[%add3A_194, %dma_start3A_613, %dma_start3A_614] : memref<4x10000x64xf32, #tpu.memory_space<hbm>> -> memref<1x10000x64xf32, #tpu.memory_space<hbm>>
        %dma_start3A_616 = tpu.memref_squeeze %dma_start3A_615 : memref<1x10000x64xf32, #tpu.memory_space<hbm>> -> memref<10000x64xf32, #tpu.memory_space<hbm>>
        %dma_start3A_617 = arith.constant 0 : i32
        %dma_start3A_618 = arith.constant 0 : i32
        %dma_start3A_619 = tpu.memref_slice %dma_start3A_616[%dma_start3A_617, %dma_start3A_618] : memref<10000x64xf32, #tpu.memory_space<hbm>> -> memref<10000x64xf32, #tpu.memory_space<hbm>>
        tpu.enqueue_indirect_dma source(%dma_start3A_619 : memref<10000x64xf32, #tpu.memory_space<hbm>>) target(%arg10 : memref<128x64xf32, #tpu.memory_space<vmem>>) offsets(%dma_start3A_612 : memref<128xi32, #tpu.memory_space<vmem>>) semaphore(%arg20 : memref<!tpu.dma_semaphore, #tpu.memory_space<semaphore_mem>>)
      } else {
      }
      %add3A_437 = arith.constant 8 : i32
      %add3A_438 = arith.addi %mul3A_300, %add3A_437 : i32
      %add3A_439 = arith.constant 3 : i32
      %add3A_440 = arith.addi %add3A_438, %add3A_439 : i32
      %dma_wait3A_441 = arith.constant 0 : i32
      %dma_wait3A_442 = arith.constant 0 : i32
      %dma_wait3A_443 = tpu.memref_slice %arg7[%dma_wait3A_441, %dma_wait3A_442] : memref<80x128xi32, #tpu.memory_space<vmem>> -> memref<1x128xi32, #tpu.memory_space<vmem>>
      %dma_wait3A_444 = tpu.memref_squeeze %dma_wait3A_443 : memref<1x128xi32, #tpu.memory_space<vmem>> -> memref<128xi32, #tpu.memory_space<vmem>>
      %dma_wait3A_445 = arith.constant 0 : i32
      %dma_wait3A_446 = arith.constant 0 : i32
      %dma_wait3A_447 = tpu.memref_slice %arg17[%dma_wait3A_445, %dma_wait3A_446] : memref<10080x64xf32, #tpu.memory_space<vmem_shared>> -> memref<10080x64xf32, #tpu.memory_space<vmem_shared>>
      tpu.wait_indirect_dma semaphore(%arg21 : memref<!tpu.dma_semaphore, #tpu.memory_space<semaphore_mem>>) src(%arg11 : memref<128x64xf32, #tpu.memory_space<vmem>>) dst(%dma_wait3A_447 : memref<10080x64xf32, #tpu.memory_space<vmem_shared>>)
      %lt3A_448 = arith.constant 80 : i32
      %lt3A_449 = arith.cmpi slt, %add3A_440, %lt3A_448 : i32
      %convert_element_type3A_450 = arith.extui %lt3A_449 : i1 to i32
      %cond3A_451 = arith.constant 0 : i32
      %cond3A_452 = arith.cmpi ne, %convert_element_type3A_450, %cond3A_451 : i32
      scf.if %cond3A_452 {
        %dma_start3A_610 = arith.constant 0 : i32
        %dma_start3A_611 = tpu.memref_slice %arg6[%add3A_440, %dma_start3A_610] : memref<80x128xi32, #tpu.memory_space<vmem>> -> memref<1x128xi32, #tpu.memory_space<vmem>>
        %dma_start3A_612 = tpu.memref_squeeze %dma_start3A_611 : memref<1x128xi32, #tpu.memory_space<vmem>> -> memref<128xi32, #tpu.memory_space<vmem>>
        %dma_start3A_613 = arith.constant 0 : i32
        %dma_start3A_614 = arith.constant 0 : i32
        %dma_start3A_615 = tpu.memref_slice %arg2[%add3A_194, %dma_start3A_613, %dma_start3A_614] : memref<4x10000x64xf32, #tpu.memory_space<hbm>> -> memref<1x10000x64xf32, #tpu.memory_space<hbm>>
        %dma_start3A_616 = tpu.memref_squeeze %dma_start3A_615 : memref<1x10000x64xf32, #tpu.memory_space<hbm>> -> memref<10000x64xf32, #tpu.memory_space<hbm>>
        %dma_start3A_617 = arith.constant 0 : i32
        %dma_start3A_618 = arith.constant 0 : i32
        %dma_start3A_619 = tpu.memref_slice %dma_start3A_616[%dma_start3A_617, %dma_start3A_618] : memref<10000x64xf32, #tpu.memory_space<hbm>> -> memref<10000x64xf32, #tpu.memory_space<hbm>>
        tpu.enqueue_indirect_dma source(%dma_start3A_619 : memref<10000x64xf32, #tpu.memory_space<hbm>>) target(%arg11 : memref<128x64xf32, #tpu.memory_space<vmem>>) offsets(%dma_start3A_612 : memref<128xi32, #tpu.memory_space<vmem>>) semaphore(%arg21 : memref<!tpu.dma_semaphore, #tpu.memory_space<semaphore_mem>>)
      } else {
      }
      %dma_wait3A_453 = arith.constant 0 : i32
      %dma_wait3A_454 = arith.constant 0 : i32
      %dma_wait3A_455 = arith.constant 0 : i32
      %dma_wait3A_456 = tpu.memref_slice %arg2[%dma_wait3A_453, %dma_wait3A_454, %dma_wait3A_455] : memref<4x10000x64xf32, #tpu.memory_space<hbm>> -> memref<1x10000x64xf32, #tpu.memory_space<hbm>>
      %dma_wait3A_457 = tpu.memref_squeeze %dma_wait3A_456 : memref<1x10000x64xf32, #tpu.memory_space<hbm>> -> memref<10000x64xf32, #tpu.memory_space<hbm>>
      %dma_wait3A_458 = arith.constant 0 : i32
      %dma_wait3A_459 = arith.constant 0 : i32
      %dma_wait3A_460 = tpu.memref_slice %dma_wait3A_457[%dma_wait3A_458, %dma_wait3A_459] : memref<10000x64xf32, #tpu.memory_space<hbm>> -> memref<128x64xf32, #tpu.memory_space<hbm>>
      %dma_wait3A_461 = arith.constant 0 : i32
      %dma_wait3A_462 = arith.constant 0 : i32
      %dma_wait3A_463 = tpu.memref_slice %arg2[%dma_wait3A_453, %dma_wait3A_461, %dma_wait3A_462] : memref<4x10000x64xf32, #tpu.memory_space<hbm>> -> memref<1x10000x64xf32, #tpu.memory_space<hbm>>
      %dma_wait3A_464 = tpu.memref_squeeze %dma_wait3A_463 : memref<1x10000x64xf32, #tpu.memory_space<hbm>> -> memref<10000x64xf32, #tpu.memory_space<hbm>>
      %dma_wait3A_465 = arith.constant 0 : i32
      %dma_wait3A_466 = arith.constant 0 : i32
      %dma_wait3A_467 = tpu.memref_slice %dma_wait3A_464[%dma_wait3A_465, %dma_wait3A_466] : memref<10000x64xf32, #tpu.memory_space<hbm>> -> memref<128x64xf32, #tpu.memory_space<hbm>>
      tpu.wait_dma2 semaphore(%arg22 : memref<!tpu.dma_semaphore, #tpu.memory_space<semaphore_mem>>) src(%dma_wait3A_467 : memref<128x64xf32, #tpu.memory_space<hbm>>) dst(%arg12 : memref<128x64xf32, #tpu.memory_space<vmem>>)
      %add3A_468 = arith.constant 4 : i32
      %add3A_469 = arith.addi %mul3A_300, %add3A_468 : i32
      %dma_start3A_470 = arith.constant 0 : i32
      %dma_start3A_471 = tpu.memref_slice %arg7[%add3A_469, %dma_start3A_470] : memref<80x128xi32, #tpu.memory_space<vmem>> -> memref<1x128xi32, #tpu.memory_space<vmem>>
      %dma_start3A_472 = tpu.memref_squeeze %dma_start3A_471 : memref<1x128xi32, #tpu.memory_space<vmem>> -> memref<128xi32, #tpu.memory_space<vmem>>
      %dma_start3A_473 = arith.constant 0 : i32
      %dma_start3A_474 = arith.constant 0 : i32
      %dma_start3A_475 = tpu.memref_slice %arg17[%dma_start3A_473, %dma_start3A_474] : memref<10080x64xf32, #tpu.memory_space<vmem_shared>> -> memref<10080x64xf32, #tpu.memory_space<vmem_shared>>
      tpu.enqueue_indirect_dma source(%arg12 : memref<128x64xf32, #tpu.memory_space<vmem>>) target(%dma_start3A_475 : memref<10080x64xf32, #tpu.memory_space<vmem_shared>>) offsets(%dma_start3A_472 : memref<128xi32, #tpu.memory_space<vmem>>) semaphore(%arg22 : memref<!tpu.dma_semaphore, #tpu.memory_space<semaphore_mem>>) {add = true}
      %dma_wait3A_476 = arith.constant 0 : i32
      %dma_wait3A_477 = arith.constant 0 : i32
      %dma_wait3A_478 = arith.constant 0 : i32
      %dma_wait3A_479 = tpu.memref_slice %arg2[%dma_wait3A_476, %dma_wait3A_477, %dma_wait3A_478] : memref<4x10000x64xf32, #tpu.memory_space<hbm>> -> memref<1x10000x64xf32, #tpu.memory_space<hbm>>
      %dma_wait3A_480 = tpu.memref_squeeze %dma_wait3A_479 : memref<1x10000x64xf32, #tpu.memory_space<hbm>> -> memref<10000x64xf32, #tpu.memory_space<hbm>>
      %dma_wait3A_481 = arith.constant 0 : i32
      %dma_wait3A_482 = arith.constant 0 : i32
      %dma_wait3A_483 = tpu.memref_slice %dma_wait3A_480[%dma_wait3A_481, %dma_wait3A_482] : memref<10000x64xf32, #tpu.memory_space<hbm>> -> memref<128x64xf32, #tpu.memory_space<hbm>>
      %dma_wait3A_484 = arith.constant 0 : i32
      %dma_wait3A_485 = arith.constant 0 : i32
      %dma_wait3A_486 = tpu.memref_slice %arg2[%dma_wait3A_476, %dma_wait3A_484, %dma_wait3A_485] : memref<4x10000x64xf32, #tpu.memory_space<hbm>> -> memref<1x10000x64xf32, #tpu.memory_space<hbm>>
      %dma_wait3A_487 = tpu.memref_squeeze %dma_wait3A_486 : memref<1x10000x64xf32, #tpu.memory_space<hbm>> -> memref<10000x64xf32, #tpu.memory_space<hbm>>
      %dma_wait3A_488 = arith.constant 0 : i32
      %dma_wait3A_489 = arith.constant 0 : i32
      %dma_wait3A_490 = tpu.memref_slice %dma_wait3A_487[%dma_wait3A_488, %dma_wait3A_489] : memref<10000x64xf32, #tpu.memory_space<hbm>> -> memref<128x64xf32, #tpu.memory_space<hbm>>
      tpu.wait_dma2 semaphore(%arg23 : memref<!tpu.dma_semaphore, #tpu.memory_space<semaphore_mem>>) src(%dma_wait3A_490 : memref<128x64xf32, #tpu.memory_space<hbm>>) dst(%arg13 : memref<128x64xf32, #tpu.memory_space<vmem>>)
      %add3A_491 = arith.constant 5 : i32
      %add3A_492 = arith.addi %mul3A_300, %add3A_491 : i32
      %dma_start3A_493 = arith.constant 0 : i32
      %dma_start3A_494 = tpu.memref_slice %arg7[%add3A_492, %dma_start3A_493] : memref<80x128xi32, #tpu.memory_space<vmem>> -> memref<1x128xi32, #tpu.memory_space<vmem>>
      %dma_start3A_495 = tpu.memref_squeeze %dma_start3A_494 : memref<1x128xi32, #tpu.memory_space<vmem>> -> memref<128xi32, #tpu.memory_space<vmem>>
      %dma_start3A_496 = arith.constant 0 : i32
      %dma_start3A_497 = arith.constant 0 : i32
      %dma_start3A_498 = tpu.memref_slice %arg17[%dma_start3A_496, %dma_start3A_497] : memref<10080x64xf32, #tpu.memory_space<vmem_shared>> -> memref<10080x64xf32, #tpu.memory_space<vmem_shared>>
      tpu.enqueue_indirect_dma source(%arg13 : memref<128x64xf32, #tpu.memory_space<vmem>>) target(%dma_start3A_498 : memref<10080x64xf32, #tpu.memory_space<vmem_shared>>) offsets(%dma_start3A_495 : memref<128xi32, #tpu.memory_space<vmem>>) semaphore(%arg23 : memref<!tpu.dma_semaphore, #tpu.memory_space<semaphore_mem>>) {add = true}
      %dma_wait3A_499 = arith.constant 0 : i32
      %dma_wait3A_500 = arith.constant 0 : i32
      %dma_wait3A_501 = arith.constant 0 : i32
      %dma_wait3A_502 = tpu.memref_slice %arg2[%dma_wait3A_499, %dma_wait3A_500, %dma_wait3A_501] : memref<4x10000x64xf32, #tpu.memory_space<hbm>> -> memref<1x10000x64xf32, #tpu.memory_space<hbm>>
      %dma_wait3A_503 = tpu.memref_squeeze %dma_wait3A_502 : memref<1x10000x64xf32, #tpu.memory_space<hbm>> -> memref<10000x64xf32, #tpu.memory_space<hbm>>
      %dma_wait3A_504 = arith.constant 0 : i32
      %dma_wait3A_505 = arith.constant 0 : i32
      %dma_wait3A_506 = tpu.memref_slice %dma_wait3A_503[%dma_wait3A_504, %dma_wait3A_505] : memref<10000x64xf32, #tpu.memory_space<hbm>> -> memref<128x64xf32, #tpu.memory_space<hbm>>
      %dma_wait3A_507 = arith.constant 0 : i32
      %dma_wait3A_508 = arith.constant 0 : i32
      %dma_wait3A_509 = tpu.memref_slice %arg2[%dma_wait3A_499, %dma_wait3A_507, %dma_wait3A_508] : memref<4x10000x64xf32, #tpu.memory_space<hbm>> -> memref<1x10000x64xf32, #tpu.memory_space<hbm>>
      %dma_wait3A_510 = tpu.memref_squeeze %dma_wait3A_509 : memref<1x10000x64xf32, #tpu.memory_space<hbm>> -> memref<10000x64xf32, #tpu.memory_space<hbm>>
      %dma_wait3A_511 = arith.constant 0 : i32
      %dma_wait3A_512 = arith.constant 0 : i32
      %dma_wait3A_513 = tpu.memref_slice %dma_wait3A_510[%dma_wait3A_511, %dma_wait3A_512] : memref<10000x64xf32, #tpu.memory_space<hbm>> -> memref<128x64xf32, #tpu.memory_space<hbm>>
      tpu.wait_dma2 semaphore(%arg24 : memref<!tpu.dma_semaphore, #tpu.memory_space<semaphore_mem>>) src(%dma_wait3A_513 : memref<128x64xf32, #tpu.memory_space<hbm>>) dst(%arg14 : memref<128x64xf32, #tpu.memory_space<vmem>>)
      %add3A_514 = arith.constant 6 : i32
      %add3A_515 = arith.addi %mul3A_300, %add3A_514 : i32
      %dma_start3A_516 = arith.constant 0 : i32
      %dma_start3A_517 = tpu.memref_slice %arg7[%add3A_515, %dma_start3A_516] : memref<80x128xi32, #tpu.memory_space<vmem>> -> memref<1x128xi32, #tpu.memory_space<vmem>>
      %dma_start3A_518 = tpu.memref_squeeze %dma_start3A_517 : memref<1x128xi32, #tpu.memory_space<vmem>> -> memref<128xi32, #tpu.memory_space<vmem>>
      %dma_start3A_519 = arith.constant 0 : i32
      %dma_start3A_520 = arith.constant 0 : i32
      %dma_start3A_521 = tpu.memref_slice %arg17[%dma_start3A_519, %dma_start3A_520] : memref<10080x64xf32, #tpu.memory_space<vmem_shared>> -> memref<10080x64xf32, #tpu.memory_space<vmem_shared>>
      tpu.enqueue_indirect_dma source(%arg14 : memref<128x64xf32, #tpu.memory_space<vmem>>) target(%dma_start3A_521 : memref<10080x64xf32, #tpu.memory_space<vmem_shared>>) offsets(%dma_start3A_518 : memref<128xi32, #tpu.memory_space<vmem>>) semaphore(%arg24 : memref<!tpu.dma_semaphore, #tpu.memory_space<semaphore_mem>>) {add = true}
      %dma_wait3A_522 = arith.constant 0 : i32
      %dma_wait3A_523 = arith.constant 0 : i32
      %dma_wait3A_524 = arith.constant 0 : i32
      %dma_wait3A_525 = tpu.memref_slice %arg2[%dma_wait3A_522, %dma_wait3A_523, %dma_wait3A_524] : memref<4x10000x64xf32, #tpu.memory_space<hbm>> -> memref<1x10000x64xf32, #tpu.memory_space<hbm>>
      %dma_wait3A_526 = tpu.memref_squeeze %dma_wait3A_525 : memref<1x10000x64xf32, #tpu.memory_space<hbm>> -> memref<10000x64xf32, #tpu.memory_space<hbm>>
      %dma_wait3A_527 = arith.constant 0 : i32
      %dma_wait3A_528 = arith.constant 0 : i32
      %dma_wait3A_529 = tpu.memref_slice %dma_wait3A_526[%dma_wait3A_527, %dma_wait3A_528] : memref<10000x64xf32, #tpu.memory_space<hbm>> -> memref<128x64xf32, #tpu.memory_space<hbm>>
      %dma_wait3A_530 = arith.constant 0 : i32
      %dma_wait3A_531 = arith.constant 0 : i32
      %dma_wait3A_532 = tpu.memref_slice %arg2[%dma_wait3A_522, %dma_wait3A_530, %dma_wait3A_531] : memref<4x10000x64xf32, #tpu.memory_space<hbm>> -> memref<1x10000x64xf32, #tpu.memory_space<hbm>>
      %dma_wait3A_533 = tpu.memref_squeeze %dma_wait3A_532 : memref<1x10000x64xf32, #tpu.memory_space<hbm>> -> memref<10000x64xf32, #tpu.memory_space<hbm>>
      %dma_wait3A_534 = arith.constant 0 : i32
      %dma_wait3A_535 = arith.constant 0 : i32
      %dma_wait3A_536 = tpu.memref_slice %dma_wait3A_533[%dma_wait3A_534, %dma_wait3A_535] : memref<10000x64xf32, #tpu.memory_space<hbm>> -> memref<128x64xf32, #tpu.memory_space<hbm>>
      tpu.wait_dma2 semaphore(%arg25 : memref<!tpu.dma_semaphore, #tpu.memory_space<semaphore_mem>>) src(%dma_wait3A_536 : memref<128x64xf32, #tpu.memory_space<hbm>>) dst(%arg15 : memref<128x64xf32, #tpu.memory_space<vmem>>)
      %add3A_537 = arith.constant 7 : i32
      %add3A_538 = arith.addi %mul3A_300, %add3A_537 : i32
      %dma_start3A_539 = arith.constant 0 : i32
      %dma_start3A_540 = tpu.memref_slice %arg7[%add3A_538, %dma_start3A_539] : memref<80x128xi32, #tpu.memory_space<vmem>> -> memref<1x128xi32, #tpu.memory_space<vmem>>
      %dma_start3A_541 = tpu.memref_squeeze %dma_start3A_540 : memref<1x128xi32, #tpu.memory_space<vmem>> -> memref<128xi32, #tpu.memory_space<vmem>>
      %dma_start3A_542 = arith.constant 0 : i32
      %dma_start3A_543 = arith.constant 0 : i32
      %dma_start3A_544 = tpu.memref_slice %arg17[%dma_start3A_542, %dma_start3A_543] : memref<10080x64xf32, #tpu.memory_space<vmem_shared>> -> memref<10080x64xf32, #tpu.memory_space<vmem_shared>>
      tpu.enqueue_indirect_dma source(%arg15 : memref<128x64xf32, #tpu.memory_space<vmem>>) target(%dma_start3A_544 : memref<10080x64xf32, #tpu.memory_space<vmem_shared>>) offsets(%dma_start3A_541 : memref<128xi32, #tpu.memory_space<vmem>>) semaphore(%arg25 : memref<!tpu.dma_semaphore, #tpu.memory_space<semaphore_mem>>) {add = true}
      %add3A_545 = arith.constant 8 : i32
      %add3A_546 = arith.addi %mul3A_300, %add3A_545 : i32
      %add3A_547 = arith.constant 4 : i32
      %add3A_548 = arith.addi %add3A_546, %add3A_547 : i32
      %dma_wait3A_549 = arith.constant 0 : i32
      %dma_wait3A_550 = arith.constant 0 : i32
      %dma_wait3A_551 = tpu.memref_slice %arg7[%dma_wait3A_549, %dma_wait3A_550] : memref<80x128xi32, #tpu.memory_space<vmem>> -> memref<1x128xi32, #tpu.memory_space<vmem>>
      %dma_wait3A_552 = tpu.memref_squeeze %dma_wait3A_551 : memref<1x128xi32, #tpu.memory_space<vmem>> -> memref<128xi32, #tpu.memory_space<vmem>>
      %dma_wait3A_553 = arith.constant 0 : i32
      %dma_wait3A_554 = arith.constant 0 : i32
      %dma_wait3A_555 = tpu.memref_slice %arg17[%dma_wait3A_553, %dma_wait3A_554] : memref<10080x64xf32, #tpu.memory_space<vmem_shared>> -> memref<10080x64xf32, #tpu.memory_space<vmem_shared>>
      tpu.wait_indirect_dma semaphore(%arg22 : memref<!tpu.dma_semaphore, #tpu.memory_space<semaphore_mem>>) src(%arg12 : memref<128x64xf32, #tpu.memory_space<vmem>>) dst(%dma_wait3A_555 : memref<10080x64xf32, #tpu.memory_space<vmem_shared>>)
      %lt3A_556 = arith.constant 80 : i32
      %lt3A_557 = arith.cmpi slt, %add3A_548, %lt3A_556 : i32
      %convert_element_type3A_558 = arith.extui %lt3A_557 : i1 to i32
      %cond3A_559 = arith.constant 0 : i32
      %cond3A_560 = arith.cmpi ne, %convert_element_type3A_558, %cond3A_559 : i32
      scf.if %cond3A_560 {
        %dma_start3A_610 = arith.constant 0 : i32
        %dma_start3A_611 = tpu.memref_slice %arg6[%add3A_548, %dma_start3A_610] : memref<80x128xi32, #tpu.memory_space<vmem>> -> memref<1x128xi32, #tpu.memory_space<vmem>>
        %dma_start3A_612 = tpu.memref_squeeze %dma_start3A_611 : memref<1x128xi32, #tpu.memory_space<vmem>> -> memref<128xi32, #tpu.memory_space<vmem>>
        %dma_start3A_613 = arith.constant 0 : i32
        %dma_start3A_614 = arith.constant 0 : i32
        %dma_start3A_615 = tpu.memref_slice %arg2[%add3A_194, %dma_start3A_613, %dma_start3A_614] : memref<4x10000x64xf32, #tpu.memory_space<hbm>> -> memref<1x10000x64xf32, #tpu.memory_space<hbm>>
        %dma_start3A_616 = tpu.memref_squeeze %dma_start3A_615 : memref<1x10000x64xf32, #tpu.memory_space<hbm>> -> memref<10000x64xf32, #tpu.memory_space<hbm>>
        %dma_start3A_617 = arith.constant 0 : i32
        %dma_start3A_618 = arith.constant 0 : i32
        %dma_start3A_619 = tpu.memref_slice %dma_start3A_616[%dma_start3A_617, %dma_start3A_618] : memref<10000x64xf32, #tpu.memory_space<hbm>> -> memref<10000x64xf32, #tpu.memory_space<hbm>>
        tpu.enqueue_indirect_dma source(%dma_start3A_619 : memref<10000x64xf32, #tpu.memory_space<hbm>>) target(%arg12 : memref<128x64xf32, #tpu.memory_space<vmem>>) offsets(%dma_start3A_612 : memref<128xi32, #tpu.memory_space<vmem>>) semaphore(%arg22 : memref<!tpu.dma_semaphore, #tpu.memory_space<semaphore_mem>>)
      } else {
      }
      %add3A_561 = arith.constant 8 : i32
      %add3A_562 = arith.addi %mul3A_300, %add3A_561 : i32
      %add3A_563 = arith.constant 5 : i32
      %add3A_564 = arith.addi %add3A_562, %add3A_563 : i32
      %dma_wait3A_565 = arith.constant 0 : i32
      %dma_wait3A_566 = arith.constant 0 : i32
      %dma_wait3A_567 = tpu.memref_slice %arg7[%dma_wait3A_565, %dma_wait3A_566] : memref<80x128xi32, #tpu.memory_space<vmem>> -> memref<1x128xi32, #tpu.memory_space<vmem>>
      %dma_wait3A_568 = tpu.memref_squeeze %dma_wait3A_567 : memref<1x128xi32, #tpu.memory_space<vmem>> -> memref<128xi32, #tpu.memory_space<vmem>>
      %dma_wait3A_569 = arith.constant 0 : i32
      %dma_wait3A_570 = arith.constant 0 : i32
      %dma_wait3A_571 = tpu.memref_slice %arg17[%dma_wait3A_569, %dma_wait3A_570] : memref<10080x64xf32, #tpu.memory_space<vmem_shared>> -> memref<10080x64xf32, #tpu.memory_space<vmem_shared>>
      tpu.wait_indirect_dma semaphore(%arg23 : memref<!tpu.dma_semaphore, #tpu.memory_space<semaphore_mem>>) src(%arg13 : memref<128x64xf32, #tpu.memory_space<vmem>>) dst(%dma_wait3A_571 : memref<10080x64xf32, #tpu.memory_space<vmem_shared>>)
      %lt3A_572 = arith.constant 80 : i32
      %lt3A_573 = arith.cmpi slt, %add3A_564, %lt3A_572 : i32
      %convert_element_type3A_574 = arith.extui %lt3A_573 : i1 to i32
      %cond3A_575 = arith.constant 0 : i32
      %cond3A_576 = arith.cmpi ne, %convert_element_type3A_574, %cond3A_575 : i32
      scf.if %cond3A_576 {
        %dma_start3A_610 = arith.constant 0 : i32
        %dma_start3A_611 = tpu.memref_slice %arg6[%add3A_564, %dma_start3A_610] : memref<80x128xi32, #tpu.memory_space<vmem>> -> memref<1x128xi32, #tpu.memory_space<vmem>>
        %dma_start3A_612 = tpu.memref_squeeze %dma_start3A_611 : memref<1x128xi32, #tpu.memory_space<vmem>> -> memref<128xi32, #tpu.memory_space<vmem>>
        %dma_start3A_613 = arith.constant 0 : i32
        %dma_start3A_614 = arith.constant 0 : i32
        %dma_start3A_615 = tpu.memref_slice %arg2[%add3A_194, %dma_start3A_613, %dma_start3A_614] : memref<4x10000x64xf32, #tpu.memory_space<hbm>> -> memref<1x10000x64xf32, #tpu.memory_space<hbm>>
        %dma_start3A_616 = tpu.memref_squeeze %dma_start3A_615 : memref<1x10000x64xf32, #tpu.memory_space<hbm>> -> memref<10000x64xf32, #tpu.memory_space<hbm>>
        %dma_start3A_617 = arith.constant 0 : i32
        %dma_start3A_618 = arith.constant 0 : i32
        %dma_start3A_619 = tpu.memref_slice %dma_start3A_616[%dma_start3A_617, %dma_start3A_618] : memref<10000x64xf32, #tpu.memory_space<hbm>> -> memref<10000x64xf32, #tpu.memory_space<hbm>>
        tpu.enqueue_indirect_dma source(%dma_start3A_619 : memref<10000x64xf32, #tpu.memory_space<hbm>>) target(%arg13 : memref<128x64xf32, #tpu.memory_space<vmem>>) offsets(%dma_start3A_612 : memref<128xi32, #tpu.memory_space<vmem>>) semaphore(%arg23 : memref<!tpu.dma_semaphore, #tpu.memory_space<semaphore_mem>>)
      } else {
      }
      %add3A_577 = arith.constant 8 : i32
      %add3A_578 = arith.addi %mul3A_300, %add3A_577 : i32
      %add3A_579 = arith.constant 6 : i32
      %add3A_580 = arith.addi %add3A_578, %add3A_579 : i32
      %dma_wait3A_581 = arith.constant 0 : i32
      %dma_wait3A_582 = arith.constant 0 : i32
      %dma_wait3A_583 = tpu.memref_slice %arg7[%dma_wait3A_581, %dma_wait3A_582] : memref<80x128xi32, #tpu.memory_space<vmem>> -> memref<1x128xi32, #tpu.memory_space<vmem>>
      %dma_wait3A_584 = tpu.memref_squeeze %dma_wait3A_583 : memref<1x128xi32, #tpu.memory_space<vmem>> -> memref<128xi32, #tpu.memory_space<vmem>>
      %dma_wait3A_585 = arith.constant 0 : i32
      %dma_wait3A_586 = arith.constant 0 : i32
      %dma_wait3A_587 = tpu.memref_slice %arg17[%dma_wait3A_585, %dma_wait3A_586] : memref<10080x64xf32, #tpu.memory_space<vmem_shared>> -> memref<10080x64xf32, #tpu.memory_space<vmem_shared>>
      tpu.wait_indirect_dma semaphore(%arg24 : memref<!tpu.dma_semaphore, #tpu.memory_space<semaphore_mem>>) src(%arg14 : memref<128x64xf32, #tpu.memory_space<vmem>>) dst(%dma_wait3A_587 : memref<10080x64xf32, #tpu.memory_space<vmem_shared>>)
      %lt3A_588 = arith.constant 80 : i32
      %lt3A_589 = arith.cmpi slt, %add3A_580, %lt3A_588 : i32
      %convert_element_type3A_590 = arith.extui %lt3A_589 : i1 to i32
      %cond3A_591 = arith.constant 0 : i32
      %cond3A_592 = arith.cmpi ne, %convert_element_type3A_590, %cond3A_591 : i32
      scf.if %cond3A_592 {
        %dma_start3A_610 = arith.constant 0 : i32
        %dma_start3A_611 = tpu.memref_slice %arg6[%add3A_580, %dma_start3A_610] : memref<80x128xi32, #tpu.memory_space<vmem>> -> memref<1x128xi32, #tpu.memory_space<vmem>>
        %dma_start3A_612 = tpu.memref_squeeze %dma_start3A_611 : memref<1x128xi32, #tpu.memory_space<vmem>> -> memref<128xi32, #tpu.memory_space<vmem>>
        %dma_start3A_613 = arith.constant 0 : i32
        %dma_start3A_614 = arith.constant 0 : i32
        %dma_start3A_615 = tpu.memref_slice %arg2[%add3A_194, %dma_start3A_613, %dma_start3A_614] : memref<4x10000x64xf32, #tpu.memory_space<hbm>> -> memref<1x10000x64xf32, #tpu.memory_space<hbm>>
        %dma_start3A_616 = tpu.memref_squeeze %dma_start3A_615 : memref<1x10000x64xf32, #tpu.memory_space<hbm>> -> memref<10000x64xf32, #tpu.memory_space<hbm>>
        %dma_start3A_617 = arith.constant 0 : i32
        %dma_start3A_618 = arith.constant 0 : i32
        %dma_start3A_619 = tpu.memref_slice %dma_start3A_616[%dma_start3A_617, %dma_start3A_618] : memref<10000x64xf32, #tpu.memory_space<hbm>> -> memref<10000x64xf32, #tpu.memory_space<hbm>>
        tpu.enqueue_indirect_dma source(%dma_start3A_619 : memref<10000x64xf32, #tpu.memory_space<hbm>>) target(%arg14 : memref<128x64xf32, #tpu.memory_space<vmem>>) offsets(%dma_start3A_612 : memref<128xi32, #tpu.memory_space<vmem>>) semaphore(%arg24 : memref<!tpu.dma_semaphore, #tpu.memory_space<semaphore_mem>>)
      } else {
      }
      %add3A_593 = arith.constant 8 : i32
      %add3A_594 = arith.addi %mul3A_300, %add3A_593 : i32
      %add3A_595 = arith.constant 7 : i32
      %add3A_596 = arith.addi %add3A_594, %add3A_595 : i32
      %dma_wait3A_597 = arith.constant 0 : i32
      %dma_wait3A_598 = arith.constant 0 : i32
      %dma_wait3A_599 = tpu.memref_slice %arg7[%dma_wait3A_597, %dma_wait3A_598] : memref<80x128xi32, #tpu.memory_space<vmem>> -> memref<1x128xi32, #tpu.memory_space<vmem>>
      %dma_wait3A_600 = tpu.memref_squeeze %dma_wait3A_599 : memref<1x128xi32, #tpu.memory_space<vmem>> -> memref<128xi32, #tpu.memory_space<vmem>>
      %dma_wait3A_601 = arith.constant 0 : i32
      %dma_wait3A_602 = arith.constant 0 : i32
      %dma_wait3A_603 = tpu.memref_slice %arg17[%dma_wait3A_601, %dma_wait3A_602] : memref<10080x64xf32, #tpu.memory_space<vmem_shared>> -> memref<10080x64xf32, #tpu.memory_space<vmem_shared>>
      tpu.wait_indirect_dma semaphore(%arg25 : memref<!tpu.dma_semaphore, #tpu.memory_space<semaphore_mem>>) src(%arg15 : memref<128x64xf32, #tpu.memory_space<vmem>>) dst(%dma_wait3A_603 : memref<10080x64xf32, #tpu.memory_space<vmem_shared>>)
      %lt3A_604 = arith.constant 80 : i32
      %lt3A_605 = arith.cmpi slt, %add3A_596, %lt3A_604 : i32
      %convert_element_type3A_606 = arith.extui %lt3A_605 : i1 to i32
      %cond3A_607 = arith.constant 0 : i32
      %cond3A_608 = arith.cmpi ne, %convert_element_type3A_606, %cond3A_607 : i32
      scf.if %cond3A_608 {
        %dma_start3A_610 = arith.constant 0 : i32
        %dma_start3A_611 = tpu.memref_slice %arg6[%add3A_596, %dma_start3A_610] : memref<80x128xi32, #tpu.memory_space<vmem>> -> memref<1x128xi32, #tpu.memory_space<vmem>>
        %dma_start3A_612 = tpu.memref_squeeze %dma_start3A_611 : memref<1x128xi32, #tpu.memory_space<vmem>> -> memref<128xi32, #tpu.memory_space<vmem>>
        %dma_start3A_613 = arith.constant 0 : i32
        %dma_start3A_614 = arith.constant 0 : i32
        %dma_start3A_615 = tpu.memref_slice %arg2[%add3A_194, %dma_start3A_613, %dma_start3A_614] : memref<4x10000x64xf32, #tpu.memory_space<hbm>> -> memref<1x10000x64xf32, #tpu.memory_space<hbm>>
        %dma_start3A_616 = tpu.memref_squeeze %dma_start3A_615 : memref<1x10000x64xf32, #tpu.memory_space<hbm>> -> memref<10000x64xf32, #tpu.memory_space<hbm>>
        %dma_start3A_617 = arith.constant 0 : i32
        %dma_start3A_618 = arith.constant 0 : i32
        %dma_start3A_619 = tpu.memref_slice %dma_start3A_616[%dma_start3A_617, %dma_start3A_618] : memref<10000x64xf32, #tpu.memory_space<hbm>> -> memref<10000x64xf32, #tpu.memory_space<hbm>>
        tpu.enqueue_indirect_dma source(%dma_start3A_619 : memref<10000x64xf32, #tpu.memory_space<hbm>>) target(%arg15 : memref<128x64xf32, #tpu.memory_space<vmem>>) offsets(%dma_start3A_612 : memref<128xi32, #tpu.memory_space<vmem>>) semaphore(%arg25 : memref<!tpu.dma_semaphore, #tpu.memory_space<semaphore_mem>>)
      } else {
      }
      %scan3A_609 = arith.constant 0 : i32
      scf.yield %scan3A_609 : i32
    }
    %scan3A_289 = arith.constant 10 : i32
    %barrier3A_290 = arith.constant 0 : index
    tpu.barrier barrier_id(%barrier3A_290)
    %mul3A_291 = arith.constant 630 : i32
    %mul3A_292 = arith.muli %arg1, %mul3A_291 : i32
    %mul3A_293 = arith.constant 2 : i32
    %mul3A_294 = arith.muli %arg0, %mul3A_293 : i32
    %add3A_295 = arith.constant 1 : i32
    %add3A_296 = arith.addi %mul3A_294, %add3A_295 : i32
    "tpu.region"() ({
      %run_scoped3A = tpu.sem_alloc : memref<!tpu.dma_semaphore, #tpu.memory_space<semaphore_mem>>
      %dma_start3A_297 = arith.constant 0 : i32
      %dma_start3A_298 = tpu.memref_slice %arg5[%add3A_296, %mul3A_292, %dma_start3A_297] : memref<4x10080x64xf32, #tpu.memory_space<hbm>> -> memref<1x630x64xf32, #tpu.memory_space<hbm>>
      %dma_start3A_299 = tpu.memref_squeeze %dma_start3A_298 : memref<1x630x64xf32, #tpu.memory_space<hbm>> -> memref<630x64xf32, #tpu.memory_space<hbm>>
      %dma_start3A_300 = arith.constant 0 : i32
      %dma_start3A_301 = tpu.memref_slice %arg17[%mul3A_292, %dma_start3A_300] : memref<10080x64xf32, #tpu.memory_space<vmem_shared>> -> memref<630x64xf32, #tpu.memory_space<vmem_shared>>
      tpu.enqueue_dma source(%dma_start3A_301 : memref<630x64xf32, #tpu.memory_space<vmem_shared>>) target(%dma_start3A_299 : memref<630x64xf32, #tpu.memory_space<hbm>>) target_semaphore(%run_scoped3A : memref<!tpu.dma_semaphore, #tpu.memory_space<semaphore_mem>>)
      %dma_wait3A = arith.constant 0 : i32
      %dma_wait3A_302 = tpu.memref_slice %arg5[%add3A_296, %mul3A_292, %dma_wait3A] : memref<4x10080x64xf32, #tpu.memory_space<hbm>> -> memref<1x630x64xf32, #tpu.memory_space<hbm>>
      %dma_wait3A_303 = tpu.memref_squeeze %dma_wait3A_302 : memref<1x630x64xf32, #tpu.memory_space<hbm>> -> memref<630x64xf32, #tpu.memory_space<hbm>>
      %dma_wait3A_304 = arith.constant 0 : i32
      %dma_wait3A_305 = tpu.memref_slice %arg17[%mul3A_292, %dma_wait3A_304] : memref<10080x64xf32, #tpu.memory_space<vmem_shared>> -> memref<630x64xf32, #tpu.memory_space<vmem_shared>>
      tpu.wait_dma2 semaphore(%run_scoped3A : memref<!tpu.dma_semaphore, #tpu.memory_space<semaphore_mem>>) src(%dma_wait3A_305 : memref<630x64xf32, #tpu.memory_space<vmem_shared>>) dst(%dma_wait3A_303 : memref<630x64xf32, #tpu.memory_space<hbm>>)
      tpu.yield
    }) : () -> ()
    return
  }
}

module attributes {stable_mosaic.version = 14 : i64} {
  func.func @_tc1_body(%arg0: i32, %arg1: memref<4x512x64xf32, #tpu.memory_space<vmem>>, %arg2: memref<2x512x16xf32, #tpu.memory_space<vmem>>, %arg3: memref<512x256xf32, #tpu.memory_space<vmem>>, %arg4: memref<256x512xf32, #tpu.memory_space<vmem>>, %arg5: memref<256x512xf32, #tpu.memory_space<vmem>>, %arg6: memref<1x512xf32, #tpu.memory_space<vmem>>, %arg7: memref<512x128xf32, #tpu.memory_space<vmem>>, %arg8: memref<512x128xf32, #tpu.memory_space<vmem>>, %arg9: memref<1x128xf32, #tpu.memory_space<vmem>>, %arg10: memref<2x512x64xf32, #tpu.memory_space<vmem>>, %arg11: memref<512x128xf32, #tpu.memory_space<vmem>>) attributes {dimension_semantics = [#tpu.dimension_semantics<arbitrary>], iteration_bounds = array<i64: 20>, scalar_prefetch = 0 : i64, scratch_operands = 0 : i64, tpu.core_type = #tpu.core_type<tc>, window_params = [{transform_indices = @transform_0, window_bounds = array<i64: 4, 512, 64>}, {transform_indices = @transform_1, window_bounds = array<i64: 2, 512, 16>}, {transform_indices = @transform_2, window_bounds = array<i64: 512, 256>}, {pipeline_mode = #tpu.pipeline_mode<synchronous>, transform_indices = @transform_3, window_bounds = array<i64: 256, 512>}, {pipeline_mode = #tpu.pipeline_mode<synchronous>, transform_indices = @transform_4, window_bounds = array<i64: 256, 512>}, {pipeline_mode = #tpu.pipeline_mode<synchronous>, transform_indices = @transform_5, window_bounds = array<i64: 1, 512>}, {pipeline_mode = #tpu.pipeline_mode<synchronous>, transform_indices = @transform_6, window_bounds = array<i64: 512, 128>}, {pipeline_mode = #tpu.pipeline_mode<synchronous>, transform_indices = @transform_7, window_bounds = array<i64: 512, 128>}, {pipeline_mode = #tpu.pipeline_mode<synchronous>, transform_indices = @transform_8, window_bounds = array<i64: 1, 128>}, {transform_indices = @transform_9, window_bounds = array<i64: 2, 512, 64>}, {transform_indices = @transform_10, window_bounds = array<i64: 512, 128>}]} {
    %get3A = arith.constant 0 : index
    %get3A_0 = arith.constant 0 : index
    %get3A_1 = arith.constant 0 : index
    %get3A_2 = vector.load %arg2[%get3A, %get3A_0, %get3A_1] : memref<2x512x16xf32, #tpu.memory_space<vmem>>, vector<1x512x1xf32>
    %get3A_3 = vector.shape_cast %get3A_2 : vector<1x512x1xf32> to vector<512x1xf32>
    %get3A_4 = arith.constant 1 : index
    %get3A_5 = arith.constant 0 : index
    %get3A_6 = arith.constant 0 : index
    %get3A_7 = vector.load %arg2[%get3A_4, %get3A_5, %get3A_6] : memref<2x512x16xf32, #tpu.memory_space<vmem>>, vector<1x512x1xf32>
    %get3A_8 = vector.shape_cast %get3A_7 : vector<1x512x1xf32> to vector<512x1xf32>
    %add3A = arith.addf %get3A_3, %get3A_8 : vector<512x1xf32>
    %max3A = arith.constant 1.000000e+00 : f32
    %max3A_9 = vector.broadcast %max3A : f32 to vector<512x1xf32>
    %max3A_10 = arith.maximumf %add3A, %max3A_9 : vector<512x1xf32>
    %div3A = arith.constant 1.000000e+00 : f32
    %div3A_11 = vector.broadcast %div3A : f32 to vector<512x1xf32>
    %div3A_12 = arith.divf %div3A_11, %max3A_10 : vector<512x1xf32>
    %get3A_13 = arith.constant 0 : index
    %get3A_14 = arith.constant 0 : index
    %get3A_15 = arith.constant 0 : index
    %get3A_16 = vector.load %arg1[%get3A_13, %get3A_14, %get3A_15] : memref<4x512x64xf32, #tpu.memory_space<vmem>>, vector<1x512x64xf32>
    %get3A_17 = vector.shape_cast %get3A_16 : vector<1x512x64xf32> to vector<512x64xf32>
    %get3A_18 = arith.constant 1 : index
    %get3A_19 = arith.constant 0 : index
    %get3A_20 = arith.constant 0 : index
    %get3A_21 = vector.load %arg1[%get3A_18, %get3A_19, %get3A_20] : memref<4x512x64xf32, #tpu.memory_space<vmem>>, vector<1x512x64xf32>
    %get3A_22 = vector.shape_cast %get3A_21 : vector<1x512x64xf32> to vector<512x64xf32>
    %get3A_23 = arith.constant 2 : index
    %get3A_24 = arith.constant 0 : index
    %get3A_25 = arith.constant 0 : index
    %get3A_26 = vector.load %arg1[%get3A_23, %get3A_24, %get3A_25] : memref<4x512x64xf32, #tpu.memory_space<vmem>>, vector<1x512x64xf32>
    %get3A_27 = vector.shape_cast %get3A_26 : vector<1x512x64xf32> to vector<512x64xf32>
    %get3A_28 = arith.constant 3 : index
    %get3A_29 = arith.constant 0 : index
    %get3A_30 = arith.constant 0 : index
    %get3A_31 = vector.load %arg1[%get3A_28, %get3A_29, %get3A_30] : memref<4x512x64xf32, #tpu.memory_space<vmem>>, vector<1x512x64xf32>
    %get3A_32 = vector.shape_cast %get3A_31 : vector<1x512x64xf32> to vector<512x64xf32>
    %concatenate3A = tpu.concatenate %get3A_17, %get3A_22, %get3A_27, %get3A_32 in 1 : vector<512x64xf32>, vector<512x64xf32>, vector<512x64xf32>, vector<512x64xf32> -> vector<512x256xf32>
    %mul3A = vector.broadcast %div3A_12 : vector<512x1xf32> to vector<512x256xf32>
    %mul3A_33 = arith.mulf %concatenate3A, %mul3A : vector<512x256xf32>
    %get3A_34 = arith.constant 0 : index
    %get3A_35 = arith.constant 0 : index
    %get3A_36 = vector.load %arg4[%get3A_34, %get3A_35] : memref<256x512xf32, #tpu.memory_space<vmem>>, vector<256x512xf32>
    %dot_general3A = arith.constant dense<0.000000e+00> : vector<512x512xf32>
    %dot_general3A_37 = tpu.matmul %mul3A_33, %get3A_36, %dot_general3A {dimension_numbers = #tpu.dot_dimension_numbers<[1], [0], [0], [1], [0, 0, 1, 1], [], []>, transpose_lhs_hint = false} : vector<512x256xf32>, vector<256x512xf32>, vector<512x512xf32> -> vector<512x512xf32>
    %get3A_38 = arith.constant 0 : index
    %get3A_39 = arith.constant 0 : index
    %get3A_40 = vector.load %arg3[%get3A_38, %get3A_39] : memref<512x256xf32, #tpu.memory_space<vmem>>, vector<512x256xf32>
    %get3A_41 = arith.constant 0 : index
    %get3A_42 = arith.constant 0 : index
    %get3A_43 = vector.load %arg5[%get3A_41, %get3A_42] : memref<256x512xf32, #tpu.memory_space<vmem>>, vector<256x512xf32>
    %dot_general3A_44 = arith.constant dense<0.000000e+00> : vector<512x512xf32>
    %dot_general3A_45 = tpu.matmul %get3A_40, %get3A_43, %dot_general3A_44 {dimension_numbers = #tpu.dot_dimension_numbers<[1], [0], [0], [1], [0, 0, 1, 1], [], []>, transpose_lhs_hint = false} : vector<512x256xf32>, vector<256x512xf32>, vector<512x512xf32> -> vector<512x512xf32>
    %add3A_46 = arith.addf %dot_general3A_37, %dot_general3A_45 : vector<512x512xf32>
    %get3A_47 = arith.constant 0 : index
    %get3A_48 = arith.constant 0 : index
    %get3A_49 = vector.load %arg6[%get3A_47, %get3A_48] : memref<1x512xf32, #tpu.memory_space<vmem>>, vector<1x512xf32>
    %add3A_50 = vector.broadcast %get3A_49 : vector<1x512xf32> to vector<512x512xf32>
    %add3A_51 = arith.addf %add3A_46, %add3A_50 : vector<512x512xf32>
    %max3A_52 = arith.constant 0.000000e+00 : f32
    %max3A_53 = vector.broadcast %max3A_52 : f32 to vector<512x512xf32>
    %max3A_54 = arith.maximumf %add3A_51, %max3A_53 : vector<512x512xf32>
    %get3A_55 = arith.constant 0 : index
    %get3A_56 = arith.constant 0 : index
    %get3A_57 = vector.load %arg7[%get3A_55, %get3A_56] : memref<512x128xf32, #tpu.memory_space<vmem>>, vector<512x128xf32>
    %dot_general3A_58 = arith.constant dense<0.000000e+00> : vector<512x128xf32>
    %dot_general3A_59 = tpu.matmul %max3A_54, %get3A_57, %dot_general3A_58 {dimension_numbers = #tpu.dot_dimension_numbers<[1], [0], [0], [1], [0, 0, 1, 1], [], []>, transpose_lhs_hint = false} : vector<512x512xf32>, vector<512x128xf32>, vector<512x128xf32> -> vector<512x128xf32>
    %slice3A = vector.extract_strided_slice %dot_general3A_59 {offsets = [0, 0], sizes = [512, 64], strides = [1, 1]} : vector<512x128xf32> to vector<512x64xf32>
    %swap3A = arith.constant 0 : index
    %swap3A_60 = arith.constant 0 : index
    %swap3A_61 = arith.constant 0 : index
    %swap3A_62 = vector.load %arg10[%swap3A, %swap3A_60, %swap3A_61] : memref<2x512x64xf32, #tpu.memory_space<vmem>>, vector<1x512x64xf32>
    %swap3A_63 = vector.shape_cast %swap3A_62 : vector<1x512x64xf32> to vector<512x64xf32>
    %swap3A_64 = vector.shape_cast %slice3A : vector<512x64xf32> to vector<1x512x64xf32>
    tpu.vector_store %arg10[%swap3A, %swap3A_60, %swap3A_61], %swap3A_64 {strides = array<i32>} : memref<2x512x64xf32, #tpu.memory_space<vmem>>, vector<1x512x64xf32>,
    %slice3A_65 = vector.extract_strided_slice %dot_general3A_59 {offsets = [0, 64], sizes = [512, 64], strides = [1, 1]} : vector<512x128xf32> to vector<512x64xf32>
    %swap3A_66 = arith.constant 1 : index
    %swap3A_67 = arith.constant 0 : index
    %swap3A_68 = arith.constant 0 : index
    %swap3A_69 = vector.load %arg10[%swap3A_66, %swap3A_67, %swap3A_68] : memref<2x512x64xf32, #tpu.memory_space<vmem>>, vector<1x512x64xf32>
    %swap3A_70 = vector.shape_cast %swap3A_69 : vector<1x512x64xf32> to vector<512x64xf32>
    %swap3A_71 = vector.shape_cast %slice3A_65 : vector<512x64xf32> to vector<1x512x64xf32>
    tpu.vector_store %arg10[%swap3A_66, %swap3A_67, %swap3A_68], %swap3A_71 {strides = array<i32>} : memref<2x512x64xf32, #tpu.memory_space<vmem>>, vector<1x512x64xf32>,
    %get3A_72 = arith.constant 0 : index
    %get3A_73 = arith.constant 0 : index
    %get3A_74 = vector.load %arg8[%get3A_72, %get3A_73] : memref<512x128xf32, #tpu.memory_space<vmem>>, vector<512x128xf32>
    %dot_general3A_75 = arith.constant dense<0.000000e+00> : vector<512x128xf32>
    %dot_general3A_76 = tpu.matmul %max3A_54, %get3A_74, %dot_general3A_75 {dimension_numbers = #tpu.dot_dimension_numbers<[1], [0], [0], [1], [0, 0, 1, 1], [], []>, transpose_lhs_hint = false} : vector<512x512xf32>, vector<512x128xf32>, vector<512x128xf32> -> vector<512x128xf32>
    %get3A_77 = arith.constant 0 : index
    %get3A_78 = arith.constant 0 : index
    %get3A_79 = vector.load %arg9[%get3A_77, %get3A_78] : memref<1x128xf32, #tpu.memory_space<vmem>>, vector<1x128xf32>
    %add3A_80 = vector.broadcast %get3A_79 : vector<1x128xf32> to vector<512x128xf32>
    %add3A_81 = arith.addf %dot_general3A_76, %add3A_80 : vector<512x128xf32>
    %swap3A_82 = arith.constant 0 : index
    %swap3A_83 = arith.constant 0 : index
    %swap3A_84 = vector.load %arg11[%swap3A_82, %swap3A_83] : memref<512x128xf32, #tpu.memory_space<vmem>>, vector<512x128xf32>
    tpu.vector_store %arg11[%swap3A_82, %swap3A_83], %add3A_81 {strides = array<i32>} : memref<512x128xf32, #tpu.memory_space<vmem>>, vector<512x128xf32>,
    return
  }
  func.func @transform_0(%arg0: i32) -> (i32, i32, i32) {
    %c0_i32 = arith.constant 0 : i32
    %c0_i32_0 = arith.constant 0 : i32
    %c0_i32_1 = arith.constant 0 : i32
    return %c0_i32, %arg0, %c0_i32_0 : i32, i32, i32
  }
  func.func @transform_1(%arg0: i32) -> (i32, i32, i32) {
    %c0_i32 = arith.constant 0 : i32
    %c0_i32_0 = arith.constant 0 : i32
    %c0_i32_1 = arith.constant 0 : i32
    return %c0_i32, %arg0, %c0_i32_0 : i32, i32, i32
  }
  func.func @transform_2(%arg0: i32) -> (i32, i32) {
    %c0_i32 = arith.constant 0 : i32
    %c0_i32_0 = arith.constant 0 : i32
    return %arg0, %c0_i32 : i32, i32
  }
  func.func @transform_3(%arg0: i32) -> (i32, i32) {
    %c0_i32 = arith.constant 0 : i32
    %c0_i32_0 = arith.constant 0 : i32
    %c0_i32_1 = arith.constant 0 : i32
    return %c0_i32, %c0_i32_0 : i32, i32
  }
  func.func @transform_4(%arg0: i32) -> (i32, i32) {
    %c0_i32 = arith.constant 0 : i32
    %c0_i32_0 = arith.constant 0 : i32
    %c0_i32_1 = arith.constant 0 : i32
    return %c0_i32, %c0_i32_0 : i32, i32
  }
  func.func @transform_5(%arg0: i32) -> (i32, i32) {
    %c0_i32 = arith.constant 0 : i32
    %c0_i32_0 = arith.constant 0 : i32
    %c0_i32_1 = arith.constant 0 : i32
    return %c0_i32, %c0_i32_0 : i32, i32
  }
  func.func @transform_6(%arg0: i32) -> (i32, i32) {
    %c0_i32 = arith.constant 0 : i32
    %c0_i32_0 = arith.constant 0 : i32
    %c0_i32_1 = arith.constant 0 : i32
    return %c0_i32, %c0_i32_0 : i32, i32
  }
  func.func @transform_7(%arg0: i32) -> (i32, i32) {
    %c0_i32 = arith.constant 0 : i32
    %c0_i32_0 = arith.constant 0 : i32
    %c0_i32_1 = arith.constant 0 : i32
    return %c0_i32, %c0_i32_0 : i32, i32
  }
  func.func @transform_8(%arg0: i32) -> (i32, i32) {
    %c0_i32 = arith.constant 0 : i32
    %c0_i32_0 = arith.constant 0 : i32
    %c0_i32_1 = arith.constant 0 : i32
    return %c0_i32, %c0_i32_0 : i32, i32
  }
  func.func @transform_9(%arg0: i32) -> (i32, i32, i32) {
    %c0_i32 = arith.constant 0 : i32
    %c0_i32_0 = arith.constant 0 : i32
    %c0_i32_1 = arith.constant 0 : i32
    return %c0_i32, %arg0, %c0_i32_0 : i32, i32, i32
  }
  func.func @transform_10(%arg0: i32) -> (i32, i32) {
    %c0_i32 = arith.constant 0 : i32
    %c0_i32_0 = arith.constant 0 : i32
    return %arg0, %c0_i32 : i32, i32
  }
}

module attributes {stable_mosaic.version = 14 : i64} {
  func.func @_tc3_body(%arg0: i32, %arg1: memref<2x512x64xf32, #tpu.memory_space<vmem>>, %arg2: memref<2x512x16xf32, #tpu.memory_space<vmem>>, %arg3: memref<512x128xf32, #tpu.memory_space<vmem>>, %arg4: memref<512x128xf32, #tpu.memory_space<vmem>>) attributes {dimension_semantics = [#tpu.dimension_semantics<arbitrary>], iteration_bounds = array<i64: 20>, scalar_prefetch = 0 : i64, scratch_operands = 0 : i64, tpu.core_type = #tpu.core_type<tc>, window_params = [{transform_indices = @transform_0, window_bounds = array<i64: 2, 512, 64>}, {transform_indices = @transform_1, window_bounds = array<i64: 2, 512, 16>}, {transform_indices = @transform_2, window_bounds = array<i64: 512, 128>}, {transform_indices = @transform_3, window_bounds = array<i64: 512, 128>}]} {
    %get3A = arith.constant 0 : index
    %get3A_0 = arith.constant 0 : index
    %get3A_1 = arith.constant 0 : index
    %get3A_2 = vector.load %arg2[%get3A, %get3A_0, %get3A_1] : memref<2x512x16xf32, #tpu.memory_space<vmem>>, vector<1x512x1xf32>
    %get3A_3 = vector.shape_cast %get3A_2 : vector<1x512x1xf32> to vector<512x1xf32>
    %get3A_4 = arith.constant 1 : index
    %get3A_5 = arith.constant 0 : index
    %get3A_6 = arith.constant 0 : index
    %get3A_7 = vector.load %arg2[%get3A_4, %get3A_5, %get3A_6] : memref<2x512x16xf32, #tpu.memory_space<vmem>>, vector<1x512x1xf32>
    %get3A_8 = vector.shape_cast %get3A_7 : vector<1x512x1xf32> to vector<512x1xf32>
    %add3A = arith.addf %get3A_3, %get3A_8 : vector<512x1xf32>
    %max3A = arith.constant 1.000000e+00 : f32
    %max3A_9 = vector.broadcast %max3A : f32 to vector<512x1xf32>
    %max3A_10 = arith.maximumf %add3A, %max3A_9 : vector<512x1xf32>
    %div3A = arith.constant 1.000000e+00 : f32
    %div3A_11 = vector.broadcast %div3A : f32 to vector<512x1xf32>
    %div3A_12 = arith.divf %div3A_11, %max3A_10 : vector<512x1xf32>
    %get3A_13 = arith.constant 0 : index
    %get3A_14 = arith.constant 0 : index
    %get3A_15 = arith.constant 0 : index
    %get3A_16 = vector.load %arg1[%get3A_13, %get3A_14, %get3A_15] : memref<2x512x64xf32, #tpu.memory_space<vmem>>, vector<1x512x64xf32>
    %get3A_17 = vector.shape_cast %get3A_16 : vector<1x512x64xf32> to vector<512x64xf32>
    %get3A_18 = arith.constant 1 : index
    %get3A_19 = arith.constant 0 : index
    %get3A_20 = arith.constant 0 : index
    %get3A_21 = vector.load %arg1[%get3A_18, %get3A_19, %get3A_20] : memref<2x512x64xf32, #tpu.memory_space<vmem>>, vector<1x512x64xf32>
    %get3A_22 = vector.shape_cast %get3A_21 : vector<1x512x64xf32> to vector<512x64xf32>
    %concatenate3A = tpu.concatenate %get3A_17, %get3A_22 in 1 : vector<512x64xf32>, vector<512x64xf32> -> vector<512x128xf32>
    %mul3A = vector.broadcast %div3A_12 : vector<512x1xf32> to vector<512x128xf32>
    %mul3A_23 = arith.mulf %concatenate3A, %mul3A : vector<512x128xf32>
    %get3A_24 = arith.constant 0 : index
    %get3A_25 = arith.constant 0 : index
    %get3A_26 = vector.load %arg3[%get3A_24, %get3A_25] : memref<512x128xf32, #tpu.memory_space<vmem>>, vector<512x128xf32>
    %add3A_27 = arith.addf %mul3A_23, %get3A_26 : vector<512x128xf32>
    %swap3A = arith.constant 0 : index
    %swap3A_28 = arith.constant 0 : index
    %swap3A_29 = vector.load %arg4[%swap3A, %swap3A_28] : memref<512x128xf32, #tpu.memory_space<vmem>>, vector<512x128xf32>
    tpu.vector_store %arg4[%swap3A, %swap3A_28], %add3A_27 {strides = array<i32>} : memref<512x128xf32, #tpu.memory_space<vmem>>, vector<512x128xf32>,
    return
  }
  func.func @transform_0(%arg0: i32) -> (i32, i32, i32) {
    %c0_i32 = arith.constant 0 : i32
    %c0_i32_0 = arith.constant 0 : i32
    %c0_i32_1 = arith.constant 0 : i32
    return %c0_i32, %arg0, %c0_i32_0 : i32, i32, i32
  }
  func.func @transform_1(%arg0: i32) -> (i32, i32, i32) {
    %c0_i32 = arith.constant 0 : i32
    %c0_i32_0 = arith.constant 0 : i32
    %c0_i32_1 = arith.constant 0 : i32
    return %c0_i32, %arg0, %c0_i32_0 : i32, i32, i32
  }
  func.func @transform_2(%arg0: i32) -> (i32, i32) {
    %c0_i32 = arith.constant 0 : i32
    %c0_i32_0 = arith.constant 0 : i32
    return %arg0, %c0_i32 : i32, i32
  }
  func.func @transform_3(%arg0: i32) -> (i32, i32) {
    %c0_i32 = arith.constant 0 : i32
    %c0_i32_0 = arith.constant 0 : i32
    return %arg0, %c0_i32 : i32, i32
  }
}

</mosaic_0001>

<sc_bundles>
// kernel: sc_sage_agg1.3.cloned.1.call-start
scs
__scs_entry_jumppad:
0x0: {  	(pc) =	sbr.rel $0x88, $3  }
0x1: {  	(tag) =	ssettag $0x0;
	lr =	simm.s32 $0x1  }
0x2: {  	[smem:$0x3F99] =	sst lr;
	_ =	strace $0xD0000000  }
0x3: {  	_ = 	snop  }
0x4: {  	_ = 	snop  }
0x5: {  	_ = 	snop  }
0x6: {  	_ = 	snop  }
0x7: {  	_ = 	snop  }
__scs_overlays_trampoline_lowered:
0x8: {  	[smem:$0x3FA8] =	sst s0  }
0x9: {  	[smem:$0x3FA9] =	sst s1  }
0xa: {  	[smem:$0x3FAA] =	sst s2  }
0xb: {  	[smem:$0x3FAB] =	sst s3  }
0xc: {  	[smem:$0x3FAC] =	sst s4  }
0xd: {  	[smem:$0x3FAD] =	sst s5  }
0xe: {  	[smem:$0x3FAE] =	sst s6  }
0xf: {  	[smem:$0x3FAF] =	sst s7  }
0x10: {  	[smem:$0x3FB0] =	sst s8  }
0x11: {  	[smem:$0x3FB1] =	sst s9;
	s0 =	simm.s32 @!p0 $0x0  }
0x12: {  	s1 =	sld [smem:$0x3F97];
	s0 =	simm.s32 @p0 $0x1  }
0x13: {  	[smem:$0x3FB2] =	sst s0;
	s0 =	simm.s32 @!p1 $0x0  }
0x14: {  	s2 =	sld [smem:$0x3F96];
	s0 =	simm.s32 @p1 $0x1  }
0x15: {  	[smem:$0x3FB3] =	sst s0;
	s0 =	simm.s32 @!p2 $0x0  }
0x16: {  	s3 =	sld [smem:$0x3FDB];
	s0 =	simm.s32 @p2 $0x1  }
0x17: {  	s4 =	simm.s32 $0x1BF5;
	[smem:$0x3FB5] =	sst s0  }
0x18: {  	s0 =	sld [smem:$0x3F98];
	_ =	swait.ge [sflag:s4], $0x0  }
0x19: {  	s7 =	sld [smem:$0x3F99]  }
0x1a: {  	s8 =	sadd.s32 $0xFFFFE003, lr  }
0x1b: {  	s9 =	sadd.s32 $0xFFFFFEF7, lr;
	s5 =	simm.s32 $0xFFFFFFFF;
	p2 =	slt.u32 s8, $0xFFFFF086  }
0x1c: {  	p1 =	slt.u32 s9, $0xF7A;
	s5 =	simm.s32 @!p2 $0x0  }
0x1d: {  	s5 =	simm.s32 @p1 $0x1;
	p0 =	seq.s32 s7, s2  }
0x1e: {  	s7 =	smul.u32 @!p0 $0xF7A, s2;
	p2 =	seq.s32 @!p0 s5, $0x0  }
0x1f: {  	s9 =	smul.u32 $0xF7A, s1;
	s8 =	simm.s32 @!p0 $0x1BF5;
	p2 =	por !p2, p0  }
0x20: {  	[sflag:s8] =	ssyncset.s32 @!p0 $0xFFFFF086;
	s6 =	sadd.s32 @!p0 s3, s7;
	s7 =	simm.s32 @!p0 $0x108  }
0x21: {  	s3 =	sadd.s32 s3, s9;
	s6 =	sadd.s32 @!p0 $0x88, s6;
	s7 =	simm.s32 @p2 $0x1082  }
0x22: {  	[simem:s7], [sflag:s8] =	dma.local @!p0 [hbm:s6], $0xF7A  }
0x23: {  	s9 =	sor.u32 $0xD0000000, s2;
	s6 =	simm.s32 $0x108;
	_ =	swait.ge @!p0 [sflag:s8], $0x0  }
0x24: {  	s3 =	sadd.s32 $0x88, s3;
	s6 =	simm.s32 @!p1 $0x1082;
	[sflag:s4] =	ssyncset.s32 $0xFFFFF086  }
0x25: {  	[simem:s6], [sflag:s4] =	dma.local [hbm:s3], $0xF7A  }
0x26: {  	[smem:$0x3F99] =	sst s1;
	(tag) =	ssettag s2;
	_ =	strace s9  }
0x27: {  	s1 =	sld [smem:$0x3FA9]  }
0x28: {  	s2 =	sld [smem:$0x3FAA]  }
0x29: {  	s4 =	sld [smem:$0x3FAC]  }
0x2a: {  	p0 =	seq.s32 s5, $0x0;
	s5 =	sld [smem:$0x3FAD]  }
0x2b: {  	s6 =	sld [smem:$0x3FAE]  }
0x2c: {  	s7 =	sld [smem:$0x3FAF]  }
0x2d: {  	s3 =	simm.s32 $0x108;
	s8 =	sld [smem:$0x3FB0]  }
0x2e: {  	s3 =	simm.s32 @!p0 $0x1082;
	s9 =	sld [smem:$0x3FB1]  }
0x2f: {  	lr =	sadd.s32 s0, s3;
	s0 =	sld [smem:$0x3FA8]  }
0x30: {  	s3 =	sld [smem:$0x3FAB]  }
0x31: {  	[smem:$0x3FB4] =	sst s10  }
0x32: {  	s10 =	sld [smem:$0x3FB2];
	_ =	sdelay $0x3  }
0x33: {  	p0 =	seq.s32 s10, $0x1;
	s10 =	sld [smem:$0x3FB4];
	_ =	sdelay $0x3  }
0x34: {  	[smem:$0x3FB4] =	sst s10  }
0x35: {  	s10 =	sld [smem:$0x3FB3];
	_ =	sdelay $0x3  }
0x36: {  	p1 =	seq.s32 s10, $0x1;
	s10 =	sld [smem:$0x3FB4];
	_ =	sdelay $0x3  }
0x37: {  	[smem:$0x3FB4] =	sst s10  }
0x38: {  	s10 =	sld [smem:$0x3FB5]  }
0x39: {  	_ = 	snop;
	(pc) =	sbr.ind lr, $3  }
0x3a: {  	_ = 	snop  }
0x3b: {  	_ = 	snop  }
0x3c: {  	p2 =	seq.s32 s10, $0x1;
	s10 =	sld [smem:$0x3FB4]  }
0x3d: {  	_ =	shalt  }
0x3e: {  	_ =	shalt  }
0x3f: {  	_ =	shalt  }
0x40: {  	_ =	shalt  }
0x41: {  	_ =	shalt  }
0x42: {  	_ =	shalt  }
0x43: {  	_ =	shalt  }
0x44: {  	_ =	shalt  }
0x45: {  	_ =	shalt  }
0x46: {  	_ =	shalt  }
0x47: {  	_ =	shalt  }
0x48: {  	_ =	shalt  }
0x49: {  	_ =	shalt  }
0x4a: {  	_ =	shalt  }
0x4b: {  	_ =	shalt  }
0x4c: {  	_ =	shalt  }
0x4d: {  	_ =	shalt  }
0x4e: {  	_ =	shalt  }
0x4f: {  	_ =	shalt  }
0x50: {  	_ =	shalt  }
0x51: {  	_ =	shalt  }
0x52: {  	_ =	shalt  }
0x53: {  	_ =	shalt  }
0x54: {  	_ =	shalt  }
0x55: {  	_ =	shalt  }
0x56: {  	_ =	shalt  }
0x57: {  	_ =	shalt  }
0x58: {  	_ =	shalt  }
0x59: {  	_ =	shalt  }
0x5a: {  	_ =	shalt  }
0x5b: {  	_ =	shalt  }
0x5c: {  	_ =	shalt  }
0x5d: {  	_ =	shalt  }
0x5e: {  	_ =	shalt  }
0x5f: {  	_ =	shalt  }
0x60: {  	_ =	shalt  }
0x61: {  	_ =	shalt  }
0x62: {  	_ =	shalt  }
0x63: {  	_ =	shalt  }
0x64: {  	_ =	shalt  }
0x65: {  	_ =	shalt  }
0x66: {  	_ =	shalt  }
0x67: {  	_ =	shalt  }
0x68: {  	_ =	shalt  }
0x69: {  	_ =	shalt  }
0x6a: {  	_ =	shalt  }
0x6b: {  	_ =	shalt  }
0x6c: {  	_ =	shalt  }
0x6d: {  	_ =	shalt  }
0x6e: {  	_ =	shalt  }
0x6f: {  	_ =	shalt  }
0x70: {  	_ =	shalt  }
0x71: {  	_ =	shalt  }
0x72: {  	_ =	shalt  }
0x73: {  	_ =	shalt  }
0x74: {  	_ =	shalt  }
0x75: {  	_ =	shalt  }
0x76: {  	_ =	shalt  }
0x77: {  	_ =	shalt  }
0x78: {  	_ =	shalt  }
0x79: {  	_ =	shalt  }
0x7a: {  	_ =	shalt  }
0x7b: {  	_ =	shalt  }
0x7c: {  	_ =	shalt  }
0x7d: {  	_ =	shalt  }
0x7e: {  	_ =	shalt  }
0x7f: {  	_ =	shalt  }
0x80: {  	_ =	shalt  }
0x81: {  	_ =	shalt  }
0x82: {  	_ =	shalt  }
0x83: {  	_ =	shalt  }
0x84: {  	_ =	shalt  }
0x85: {  	_ =	shalt  }
0x86: {  	_ =	shalt  }
0x87: {  	_ =	shalt  }
.Lfunc_end0:
.L_simem_size_0:
called_computation.2_lowered:
.L_overlay_start_0:
0x88: {  	s2 =	sld [smem:$0x3FD9]  }
0x89: {  	s3 =	sld [smem:$0x3FFE];
	_ =	sdelay $0x1  }
0x8a: {  	s1 =	srdreg.scid  }
0x8b: {  	s0 =	sand.u32 $0x1, s1  }
0x8c: {  	s17 =	sshll.u32 s0, $0xA;
	s2 =	sadd.s32 s3, s2  }
0x8d: {  	s2 =	sadd.s32 s2, s17  }
0x8e: {  	[smem:$0x3FC0] =	sst s2  }
0x8f: {  	_ = 	snop  }
0x90: {  	s2 =	sld [smem:$0x3FD0];
	(tm) =	ssettm $0x1  }
0x91: {  	s18 =	sld [smem:$0x3FFB];
	_ =	sdelay $0x3  }
0x92: {  	_ =	strace s18  }
0x93: {  	s3 =	sld [smem:$0x3FFC];
	_ =	sdelay $0x3  }
0x94: {  	_ =	strace s3  }
0x95: {  	s3 =	sld [smem:$0x3FFD];
	_ =	sdelay $0x3  }
0x96: {  	_ =	strace s3  }
0x97: {  	_ =	strace $0x8FFFFFFF  }
0x98: {  	s19 =	sld [smem:$0x3FDB];
	_ =	sdelay $0x1  }
0x99: {  	s4 =	simm.s32 $_scs_section_size  }
0x9a: {  	s5 =	simm.s32 $_size__tile_overlayer_lowered;
	s6 =	simm.s32 $_tile_overlayer_lowered  }
0x9b: {  	s22 =	simm.s32 $0x1BFF;
	s21 =	sshll.u32 s6, $0x1;
	s3 =	sadd.s32 s4, s19  }
0x9c: {  	s7 =	simm.s32 $0x0;
	s20 =	sshll.u32 s5, $0x1;
	s5 =	sadd.s32 s21, s3  }
0x9d: {  	[timem:s7], [sflag:s22] =	dma.local [hbm:s5], s20  }
0x9e: {  	_ =	swait.ge [sflag:s22], s20  }
0x9f: {  	s4 =	ssub.s32 $0x0, s20;
	[sflag:s22] =	ssyncset.done $0x0  }
0xa0: {  	[sflag:s22] =	ssyncadd.s32 s4;
	_ =	sdelay $0x1  }
0xa1: {  	s23 =	simm.s32 $0x1B8B  }
0xa2: {  	_ =	swait.ge [sflag:s23], $0x1  }
0xa3: {  	[sflag:s23] =	ssyncset.done $0x0  }
0xa4: {  	s25 =	simm.s32 $0x1B8E;
	s24 =	sld [smem:$0x3FFE];
	[sflag:s23] =	ssyncadd.s32 $0xFFFFFFFF  }
0xa5: {  	s26 =	simm.s32 $execute0_lowered;
	[smem:$0x3FD2] =	sst s25  }
0xa6: {  	s5 =	sshll.u32 s26, $0x1;
	_ =	strace $0x8000004C;
	[dreg:$0x1] =	wrdreg $0xFFFFFFFF  }
0xa7: {  	s28 =	simm.s32 $_size_execute0_lowered;
	s3 =	sadd.s32 s3, s5;
	[dreg:$0x0] =	wrdreg $0x0  }
0xa8: {  	s5 =	sshll.u32 s28, $0x1;
	[dreg:$0x2] =	wrdreg s3  }
0xa9: {  	[dreg:$0x3] =	wrdreg s5  }
0xaa: {  	[dreg:$0x4] =	wrdreg $0xC0  }
0xab: {  	_ =	task [dreg:s7], $0x5FFFF  }
0xac: {  	[dreg:$0x1] =	wrdreg $0xFFFFFFFF  }
0xad: {  	[dreg:$0x0] =	wrdreg $0x60  }
0xae: {  	[dreg:$0x2] =	wrdreg s2  }
0xaf: {  	[dreg:$0x3] =	wrdreg s24  }
0xb0: {  	[dreg:$0x4] =	wrdreg $0x15FC00  }
0xb1: {  	[dreg:$0x5] =	wrdreg $0x9  }
0xb2: {  	_ =	task.clear_ibuf [dreg:s7], $0x6FFFF;
	_ =	strace $0x9000004C  }
0xb3: {  	s29 =	simm.s32 $0x9;
	_ =	strace $0x8000004E  }
0xb4: {  	_ =	swait.ge [sflag:s29], $0x1  }
0xb5: {  	[sflag:s29] =	ssyncadd.s32 $0xFFFFFFFF  }
0xb6: {  	_ =	strace $0x9000004E  }
0xb7: {  	_ =	sfence  }
0xb8: {  	s30 =	sld [smem:$0x0];
	_ =	sdelay $0x2  }
0xb9: {  	s31 =	sshll.u32 s1, $0xD;
	s1 =	sshrl.u32 s1, $0x2  }
0xba: {  	s3 =	sand.u32 $0x4000, s31;
	s1 =	sadd.s32 s1, s30  }
0xbb: {  	s0 =	sor.u32 s3, s0;
	s1 =	sshll.u32 s1, $0x11  }
0xbc: {  	s0 =	sor.u32 s1, s0  }
0xbd: {  	s0 =	sadd.s32 $0x8F2B, s0  }
0xbe: {  	[sflag:s0] =	ssyncadd.remote.s32 $0x1  }
0xbf: {  	_ =	sfence.sel $0xFFFF  }
0xc0: {  	[dreg:$0x0] =	wrdreg $0xFFFFFFFF;
	(pc) =	sbr.abs _section_cstart, $3  }
0xc1: {  	[dreg:$0x1] =	wrdreg $0xFFFFFFFF  }
0xc2: {  	_ =	task.clear_ibuf [dreg:s7], $0x2FFFF;
	_ =	strace $0x9FFFFFFF  }
0xc3: {  	(tm) =	ssettm $0x7FFFFFFF  }
tec
execute0_lowered:
.L_overlay_start_1:
0x0: {  	(tag) =	ssettag $0x1  }
0x1: {  	s0 =	rddreg [dreg:$0x0]  }
0x2: {  	s1 =	rddreg [dreg:$0x1];
	s8 =	stileid.u32  }
0x3: {  	s3 =	srdreg.scid;
	s2 =	rddreg [dreg:$0x2]  }
0x4: {  	s29 =	simm.s32 $0xB000;
	s31 =	simm.s32 $0xD000;
	s5 =	smul.u32 $0x9D80, s8  }
0x5: {  	s30 =	simm.s32 $0x13000;
	s28 =	simm.s32 $0x3;
	s7 =	smul.u32 $0x500, s8  }
0x6: {  	s4 =	sand.u32 $0x1, s3;
	s3 =	simm.s32 $0x0;
	s8 =	smul.u32 $0x27600, s8  }
0x7: {  	s10 =	simm.s32 $0x0;
	s6 =	smul.u32 $0x9D800, s4;
	[smem:$0x7FF] =	sst s3  }
0x8: {  	s9 =	ssub.s32 $0x2, s4;
	s4 =	smul.u32 $0x13880, s4;
	s7 =	sadd.s32 s7, s1  }
0x9: {  	_ =	strace $0x8000004D;
	s8 =	sshrl.u32 s8, $0x2;
	s15 =	sadd.s32 $0x54600, s7  }
0xa: {  	s8 =	sadd.s32 s8, s2;
	s16 =	sadd.s32 $0x1400, s7;
	[dreg:$0x4] =	wrdreg s15  }
0xb: {  	s14 =	sshrl.u32 s9, $0x1;
	[dreg:$0x5] =	wrdreg s16;
	s17 =	sadd.s32 $0xFC0, s8  }
0xc: {  	s6 =	sadd.s32 s5, s6;
	s18 =	sadd.s32 $0x1F80, s8;
	[dreg:$0x6] =	wrdreg s17  }
0xd: {  	s9 =	ssub.s32 s9, s14;
	s19 =	sadd.s32 $0x2F40, s8;
	[dreg:$0x7] =	wrdreg s18  }
0xe: {  	s7 =	simm.s32 $0x6;
	s20 =	sadd.s32 $0x3F00, s8;
	[dreg:$0x8] =	wrdreg s19  }
0xf: {  	s6 =	sshrl.u32 s6, $0x3;
	s21 =	sadd.s32 $0x4EC0, s8;
	[dreg:$0x9] =	wrdreg s20  }
0x10: {  	s22 =	sadd.s32 $0x5E80, s8;
	s23 =	sadd.s32 $0x6E40, s8;
	[dreg:$0xa] =	wrdreg s21  }
0x11: {  	s24 =	sadd.s32 $0x7E00, s8;
	s25 =	sadd.s32 $0x8DC0, s8;
	[dreg:$0xb] =	wrdreg s22  }
0x12: {  	s16 =	sadd.s32 s0, s4;
	s0 =	simm.s32 $0xF000;
	[dreg:$0xc] =	wrdreg s23  }
0x13: {  	s4 =	simm.s32 $0x4;
	s8 =	simm.s32 $0x7;
	[dreg:$0xd] =	wrdreg s24  }
0x14: {  	s1 =	sadd.s32 s6, s1;
	s6 =	sadd.s32 s5, s2;
	[dreg:$0xe] =	wrdreg s25  }
.Ltmp0:
0x15: {  	s18 =	smax.u32 s9, $0x1;
	s19 =	simm.s32 $0x9;
	(pc) =	sbr.rel .LBB2_1-.Ltmp0, $4  }
0x16: {  	s21 =	simm.s32 $0x15000;
	s22 =	simm.s32 $0x80;
	s23 =	simm.s32 $0x5000  }
0x17: {  	s24 =	simm.s32 $0x7000;
	s25 =	simm.s32 $0x11000;
	s20 =	simm.s32 $0x2  }
0x18: {  	s5 =	simm.s32 $0x5;
	s9 =	simm.s32 $0x8;
	s26 =	sadd.s32 $0x6400, s1  }
0x19: {  	v0 =	vimm.f32 $0.0e+00;
	s1 =	simm.s32 $0x1;
	[dreg:$0xf] =	wrdreg s26;
	s26 =	simm.s32 $0x9000  }
.LBB2_6:
0x1a: {  	_ =	swait.ge [sflag:s7], $0x2000  }
0x1b: {  	[sflag:s7] =	ssyncset.done $0x0  }
0x1c: {  	[sflag:s7] =	ssyncadd.s32 $0xFFFFE000  }
0x1d: {  	_ =	swait.ge [sflag:s8], $0x2000  }
0x1e: {  	[sflag:s8] =	ssyncset.done $0x0  }
0x1f: {  	[sflag:s8] =	ssyncadd.s32 $0xFFFFE000  }
0x20: {  	_ =	swait.ge [sflag:s9], $0x2000  }
0x21: {  	s11 =	stileid.u32;
	[sflag:s9] =	ssyncset.done $0x0  }
0x22: {  	s12 =	sshrl.u32 s6, $0x3;
	s10 =	sadd.s32 $0x1, s10;
	[sflag:s9] =	ssyncadd.s32 $0xFFFFE000  }
0x23: {  	s11 =	sshll.u32 s11, $0x6;
	p0 =	sne.s32 s10, s18;
	[bflag:$0x0] =	sbarrier.arrive $0xFFFF  }
.Ltmp1:
0x24: {  	s11 =	sor.u32 $0x1C09, s11;
	s13 =	rddreg [dreg:$0xf];
	(pc) =	sbr.rel @!p0 .LBB2_7-.Ltmp1, $4  }
0x25: {  	[hbm:s13], [sflag:s11] =	dma.local [spmem:s12], $0x13B0  }
0x26: {  	_ =	swait.ge [sflag:s19], $0x13B0  }
0x27: {  	[sflag:s19] =	ssyncset.done $0x0  }
0x28: {  	[sflag:s19] =	ssyncadd.s32 $0xFFFFEC50  }
.LBB2_1:
0x29: {  	s11 =	rddreg [dreg:$0x4]  }
0x2a: {  	[tilespmem:s3], [sflag:$0x9] =	stream.linear.gather [hbm4b:s11+s3], $0x2800, $0x38;
	[tilespmem:$0x1FD40] =	vst v63  }
0x2b: {  	_ =	swait.ge [sflag:s19], $0x2800  }
0x2c: {  	[sflag:s19] =	ssyncset.done $0x0  }
0x2d: {  	s12 =	simm.s32 $0x2800;
	s14 =	rddreg [dreg:$0x5];
	[sflag:s19] =	ssyncadd.s32 $0xFFFFD800  }
0x2e: {  	[tilespmem:s12], [sflag:$0x9] =	stream.linear.gather [hbm4b:s14+s3], $0x2800, $0x38;
	[tilespmem:$0x1FD40] =	vst v63  }
0x2f: {  	s15 =	sand.u32 $0x3F00, s3;
	s17 =	sand.u32 $0x30, s3;
	_ =	swait.ge [sflag:s19], $0x2800  }
0x30: {  	s13 =	sshrl.u32 s15, $0x2;
	s11 =	simm.s32 $0x40;
	[sflag:s19] =	ssyncset.done $0x0  }
0x31: {  	s13 =	sor.u32 s17, s13;
	s12 =	simm.s32 $0x0;
	[sflag:s19] =	ssyncadd.s32 $0xFFFFD800  }
.LBB2_2:
0x32: {  	p0 =	sne.s32 s11, $0x3EC0  }
0x33: {  	[tilespmem:s13+$0x15000] =	vst v0;
	s12 =	sadd.s32 $0x10, s12;
	s13 =	smov.u32 s11;
	s11 =	sadd.s32 $0x40, s11  }
.Ltmp2:
0x34: {  	(pc) =	sbr.rel @p0 .LBB2_2-.Ltmp2, $4  }
0x35: {  	_ = 	snop  }
0x36: {  	s13 =	sand.u32 $0x3F00, s13  }
0x37: {  	s14 =	sand.u32 $0x30, s12;
	s13 =	sshrl.u32 s13, $0x2  }
0x38: {  	s13 =	sor.u32 s14, s13  }
0x39: {  	[tilespmem:s13+$0x15000] =	vst v0  }
0x3a: {  	[spmem:s6] =	stream.linear.scatter [tilespmem:s21], [sflag:$0x9], $0xFC0, $0x38;
	[tilespmem:$0x1FD40] =	vst v63  }
0x3b: {  	_ =	swait.ge [sflag:s19], $0xFC0  }
0x3c: {  	[sflag:s19] =	ssyncset.done $0x0  }
0x3d: {  	s11 =	rddreg [dreg:$0x6];
	[sflag:s19] =	ssyncadd.s32 $0xFFFFF040  }
0x3e: {  	[spmem:s11] =	stream.linear.scatter [tilespmem:s21], [sflag:$0x9], $0xFC0, $0x38;
	[tilespmem:$0x1FD40] =	vst v63  }
0x3f: {  	_ =	swait.ge [sflag:s19], $0xFC0  }
0x40: {  	[sflag:s19] =	ssyncset.done $0x0  }
0x41: {  	s13 =	rddreg [dreg:$0x7];
	[sflag:s19] =	ssyncadd.s32 $0xFFFFF040  }
0x42: {  	[spmem:s13] =	stream.linear.scatter [tilespmem:s21], [sflag:$0x9], $0xFC0, $0x38;
	[tilespmem:$0x1FD40] =	vst v63  }
0x43: {  	_ =	swait.ge [sflag:s19], $0xFC0  }
0x44: {  	[sflag:s19] =	ssyncset.done $0x0  }
0x45: {  	s14 =	rddreg [dreg:$0x8];
	[sflag:s19] =	ssyncadd.s32 $0xFFFFF040  }
0x46: {  	[spmem:s14] =	stream.linear.scatter [tilespmem:s21], [sflag:$0x9], $0xFC0, $0x38;
	[tilespmem:$0x1FD40] =	vst v63  }
0x47: {  	_ =	swait.ge [sflag:s19], $0xFC0  }
0x48: {  	[sflag:s19] =	ssyncset.done $0x0  }
0x49: {  	s15 =	rddreg [dreg:$0x9];
	[sflag:s19] =	ssyncadd.s32 $0xFFFFF040  }
0x4a: {  	[spmem:s15] =	stream.linear.scatter [tilespmem:s21], [sflag:$0x9], $0xFC0, $0x38;
	[tilespmem:$0x1FD40] =	vst v63  }
0x4b: {  	_ =	swait.ge [sflag:s19], $0xFC0  }
0x4c: {  	[sflag:s19] =	ssyncset.done $0x0  }
0x4d: {  	s17 =	rddreg [dreg:$0xa];
	[sflag:s19] =	ssyncadd.s32 $0xFFFFF040  }
0x4e: {  	[spmem:s17] =	stream.linear.scatter [tilespmem:s21], [sflag:$0x9], $0xFC0, $0x38;
	[tilespmem:$0x1FD40] =	vst v63  }
0x4f: {  	_ =	swait.ge [sflag:s19], $0xFC0  }
0x50: {  	[sflag:s19] =	ssyncset.done $0x0  }
0x51: {  	s12 =	rddreg [dreg:$0xb];
	[sflag:s19] =	ssyncadd.s32 $0xFFFFF040  }
0x52: {  	[spmem:s12] =	stream.linear.scatter [tilespmem:s21], [sflag:$0x9], $0xFC0, $0x38;
	[tilespmem:$0x1FD40] =	vst v63  }
0x53: {  	_ =	swait.ge [sflag:s19], $0xFC0  }
0x54: {  	[sflag:s19] =	ssyncset.done $0x0  }
0x55: {  	s13 =	rddreg [dreg:$0xc];
	[sflag:s19] =	ssyncadd.s32 $0xFFFFF040  }
0x56: {  	[spmem:s13] =	stream.linear.scatter [tilespmem:s21], [sflag:$0x9], $0xFC0, $0x38;
	[tilespmem:$0x1FD40] =	vst v63  }
0x57: {  	_ =	swait.ge [sflag:s19], $0xFC0  }
0x58: {  	[sflag:s19] =	ssyncset.done $0x0  }
0x59: {  	s14 =	rddreg [dreg:$0xd];
	[sflag:s19] =	ssyncadd.s32 $0xFFFFF040  }
0x5a: {  	[spmem:s14] =	stream.linear.scatter [tilespmem:s21], [sflag:$0x9], $0xFC0, $0x38;
	[tilespmem:$0x1FD40] =	vst v63  }
0x5b: {  	_ =	swait.ge [sflag:s19], $0xFC0  }
0x5c: {  	[sflag:s19] =	ssyncset.done $0x0  }
0x5d: {  	s15 =	rddreg [dreg:$0xe];
	[sflag:s19] =	ssyncadd.s32 $0xFFFFF040  }
0x5e: {  	[spmem:s15] =	stream.linear.scatter [tilespmem:s21], [sflag:$0x9], $0xFC0, $0x38;
	[tilespmem:$0x1FD40] =	vst v63  }
0x5f: {  	_ =	swait.ge [sflag:s19], $0xFC0  }
0x60: {  	[sflag:s19] =	ssyncset.done $0x0  }
0x61: {  	[sflag:s19] =	ssyncadd.s32 $0xFFFFF040  }
0x62: {  	s11 =	simm.s32 $0x0;
	[bflag:$0x0] =	sbarrier.arrive $0xFFFF  }
0x63: {  	[tilespmem:s23], [sflag:$0x1] =	stream.indirect.gather [hbm4b:s16+s22], $0x40, s11, s22, $0xb8;
	[tilespmem:$0x1FD40] =	vst v63  }
0x64: {  	_ = 	snop  }
0x65: {  	[tilespmem:s24], [sflag:$0x2] =	stream.indirect.gather [hbm4b:s16+s22], $0x40, s22, s22, $0xb8;
	[tilespmem:$0x1FD40] =	vst v63  }
0x66: {  	s12 =	simm.s32 $0x100  }
0x67: {  	[tilespmem:s26], [sflag:$0x3] =	stream.indirect.gather [hbm4b:s16+s22], $0x40, s12, s22, $0xb8;
	[tilespmem:$0x1FD40] =	vst v63  }
0x68: {  	s17 =	simm.s32 $0x180  }
0x69: {  	[tilespmem:s29], [sflag:$0x4] =	stream.indirect.gather [hbm4b:s16+s22], $0x40, s17, s22, $0xb8;
	[tilespmem:$0x1FD40] =	vst v63  }
0x6a: {  	s13 =	simm.s32 $0x200  }
0x6b: {  	[tilespmem:s31], [sflag:$0x5] =	stream.indirect.gather [hbm4b:s16+s22], $0x40, s13, s22, $0xb8;
	[tilespmem:$0x1FD40] =	vst v63  }
0x6c: {  	s14 =	simm.s32 $0x280  }
0x6d: {  	[tilespmem:s0], [sflag:$0x6] =	stream.indirect.gather [hbm4b:s16+s22], $0x40, s14, s22, $0xb8;
	[tilespmem:$0x1FD40] =	vst v63  }
0x6e: {  	s15 =	simm.s32 $0x300  }
0x6f: {  	[tilespmem:s25], [sflag:$0x7] =	stream.indirect.gather [hbm4b:s16+s22], $0x40, s15, s22, $0xb8;
	[tilespmem:$0x1FD40] =	vst v63  }
0x70: {  	s17 =	simm.s32 $0x380  }
0x71: {  	[tilespmem:s30], [sflag:$0x8] =	stream.indirect.gather [hbm4b:s16+s22], $0x40, s17, s22, $0xb8;
	[tilespmem:$0x1FD40] =	vst v63  }
.LBB2_4:
0x72: {  	_ =	swait.ge [sflag:s1], $0x2000  }
0x73: {  	s12 =	sshra.s32 s11, $0x2;
	[sflag:s1] =	ssyncset.done $0x0  }
0x74: {  	s13 =	sadd.s32 $0x2800, s12;
	[sflag:s1] =	ssyncadd.s32 $0xFFFFE000  }
0x75: {  	[spmem:s2] =	stream.indirect.scatter.add.f32 [tilespmem:s23], [sflag:$0x1], $0x40, s13, s22, $0xb8;
	[tilespmem:$0x1FD40] =	vst v63  }
0x76: {  	_ =	swait.ge [sflag:s20], $0x2000  }
0x77: {  	[sflag:s20] =	ssyncset.done $0x0  }
0x78: {  	s17 =	sadd.s32 $0x2880, s12;
	[sflag:s20] =	ssyncadd.s32 $0xFFFFE000  }
0x79: {  	[spmem:s2] =	stream.indirect.scatter.add.f32 [tilespmem:s24], [sflag:$0x2], $0x40, s17, s22, $0xb8;
	[tilespmem:$0x1FD40] =	vst v63  }
0x7a: {  	_ =	swait.ge [sflag:s28], $0x2000  }
0x7b: {  	[sflag:s28] =	ssyncset.done $0x0  }
0x7c: {  	s14 =	sadd.s32 $0x2900, s12;
	[sflag:s28] =	ssyncadd.s32 $0xFFFFE000  }
0x7d: {  	[spmem:s2] =	stream.indirect.scatter.add.f32 [tilespmem:s26], [sflag:$0x3], $0x40, s14, s22, $0xb8;
	[tilespmem:$0x1FD40] =	vst v63  }
0x7e: {  	_ =	swait.ge [sflag:s4], $0x2000  }
0x7f: {  	[sflag:s4] =	ssyncset.done $0x0  }
0x80: {  	s15 =	sadd.s32 $0x2980, s12;
	[sflag:s4] =	ssyncadd.s32 $0xFFFFE000  }
0x81: {  	[spmem:s2] =	stream.indirect.scatter.add.f32 [tilespmem:s29], [sflag:$0x4], $0x40, s15, s22, $0xb8;
	[tilespmem:$0x1FD40] =	vst v63  }
0x82: {  	p0 =	sne.s32 s11, $0x9000;
	_ =	swait.ge [sflag:s1], $0x2000  }
0x83: {  	s13 =	sshra.s32 @p0 s11, $0x2;
	s17 =	simm.s32 @p0 $0x5000;
	[sflag:s1] =	ssyncset.done $0x0  }
0x84: {  	s14 =	sadd.s32 @p0 $0x400, s13;
	s15 =	simm.s32 @p0 $0x80;
	[sflag:s1] =	ssyncadd.s32 $0xFFFFE000  }
0x85: {  	[tilespmem:s17], [sflag:$0x1] =	stream.indirect.gather @p0 [hbm4b:s16+s15], $0x40, s14, s15, $0xb8;
	[tilespmem:$0x1FD40] =	vst v63  }
0x86: {  	s14 =	simm.s32 @p0 $0x2  }
0x87: {  	_ =	swait.ge @p0 [sflag:s14], $0x2000  }
0x88: {  	[sflag:s14] =	ssyncset.done @p0 $0x0  }
0x89: {  	s17 =	simm.s32 @p0 $0x7000;
	[sflag:s14] =	ssyncadd.s32 @p0 $0xFFFFE000;
	s14 =	sadd.s32 @p0 $0x480, s13  }
0x8a: {  	[tilespmem:s17], [sflag:$0x2] =	stream.indirect.gather @p0 [hbm4b:s16+s15], $0x40, s14, s15, $0xb8;
	[tilespmem:$0x1FD40] =	vst v63  }
0x8b: {  	s14 =	simm.s32 @p0 $0x3  }
0x8c: {  	_ =	swait.ge @p0 [sflag:s14], $0x2000  }
0x8d: {  	[sflag:s14] =	ssyncset.done @p0 $0x0  }
0x8e: {  	s17 =	simm.s32 @p0 $0x9000;
	[sflag:s14] =	ssyncadd.s32 @p0 $0xFFFFE000;
	s14 =	sadd.s32 @p0 $0x500, s13  }
0x8f: {  	[tilespmem:s17], [sflag:$0x3] =	stream.indirect.gather @p0 [hbm4b:s16+s15], $0x40, s14, s15, $0xb8;
	[tilespmem:$0x1FD40] =	vst v63  }
0x90: {  	s14 =	simm.s32 @p0 $0x4  }
0x91: {  	_ =	swait.ge @p0 [sflag:s14], $0x2000  }
0x92: {  	[sflag:s14] =	ssyncset.done @p0 $0x0  }
0x93: {  	s13 =	sadd.s32 @p0 $0x580, s13;
	[sflag:s14] =	ssyncadd.s32 @p0 $0xFFFFE000;
	s14 =	simm.s32 @p0 $0xB000  }
0x94: {  	[tilespmem:s14], [sflag:$0x4] =	stream.indirect.gather @p0 [hbm4b:s16+s15], $0x40, s13, s15, $0xb8;
	[tilespmem:$0x1FD40] =	vst v63  }
0x95: {  	s13 =	simm.s32 @!p0 $0x2  }
0x96: {  	_ =	swait.ge @!p0 [sflag:s13], $0x2000  }
0x97: {  	[sflag:s13] =	ssyncset.done @!p0 $0x0  }
0x98: {  	[sflag:s13] =	ssyncadd.s32 @!p0 $0xFFFFE000;
	s13 =	simm.s32 @!p0 $0x3  }
0x99: {  	_ =	swait.ge @!p0 [sflag:s13], $0x2000  }
0x9a: {  	[sflag:s13] =	ssyncset.done @!p0 $0x0  }
0x9b: {  	[sflag:s13] =	ssyncadd.s32 @!p0 $0xFFFFE000;
	s13 =	simm.s32 @!p0 $0x4  }
0x9c: {  	_ =	swait.ge @!p0 [sflag:s13], $0x2000  }
0x9d: {  	[sflag:s13] =	ssyncset.done @!p0 $0x0  }
0x9e: {  	[sflag:s13] =	ssyncadd.s32 @!p0 $0xFFFFE000  }
0x9f: {  	_ =	swait.ge [sflag:s5], $0x2000  }
0xa0: {  	[sflag:s5] =	ssyncset.done $0x0  }
0xa1: {  	s17 =	sadd.s32 $0x2A00, s12;
	[sflag:s5] =	ssyncadd.s32 $0xFFFFE000  }
0xa2: {  	[spmem:s2] =	stream.indirect.scatter.add.f32 [tilespmem:s31], [sflag:$0x5], $0x40, s17, s22, $0xb8;
	[tilespmem:$0x1FD40] =	vst v63  }
0xa3: {  	_ =	swait.ge [sflag:s7], $0x2000  }
0xa4: {  	[sflag:s7] =	ssyncset.done $0x0  }
0xa5: {  	s14 =	sadd.s32 $0x2A80, s12;
	[sflag:s7] =	ssyncadd.s32 $0xFFFFE000  }
0xa6: {  	[spmem:s2] =	stream.indirect.scatter.add.f32 [tilespmem:s0], [sflag:$0x6], $0x40, s14, s22, $0xb8;
	[tilespmem:$0x1FD40] =	vst v63  }
0xa7: {  	_ =	swait.ge [sflag:s8], $0x2000  }
0xa8: {  	[sflag:s8] =	ssyncset.done $0x0  }
0xa9: {  	s15 =	sadd.s32 $0x2B00, s12;
	[sflag:s8] =	ssyncadd.s32 $0xFFFFE000  }
0xaa: {  	[spmem:s2] =	stream.indirect.scatter.add.f32 [tilespmem:s25], [sflag:$0x7], $0x40, s15, s22, $0xb8;
	[tilespmem:$0x1FD40] =	vst v63  }
0xab: {  	_ =	swait.ge [sflag:s9], $0x2000  }
0xac: {  	p0 =	seq.s32 s11, $0x9000;
	[sflag:s9] =	ssyncset.done $0x0  }
.Ltmp3:
0xad: {  	s17 =	sadd.s32 $0x2B80, s12;
	[sflag:s9] =	ssyncadd.s32 $0xFFFFE000;
	(pc) =	sbr.rel @p0 .LBB2_6-.Ltmp3, $4  }
0xae: {  	[spmem:s2] =	stream.indirect.scatter.add.f32 [tilespmem:s30], [sflag:$0x8], $0x40, s17, s22, $0xb8;
	[tilespmem:$0x1FD40] =	vst v63  }
0xaf: {  	_ =	swait.ge [sflag:s5], $0x2000  }
0xb0: {  	[sflag:s5] =	ssyncset.done $0x0  }
0xb1: {  	[sflag:s5] =	ssyncadd.s32 $0xFFFFE000  }
0xb2: {  	s13 =	sadd.s32 $0x600, s12  }
0xb3: {  	[tilespmem:s31], [sflag:$0x5] =	stream.indirect.gather [hbm4b:s16+s22], $0x40, s13, s22, $0xb8;
	[tilespmem:$0x1FD40] =	vst v63  }
0xb4: {  	_ =	swait.ge [sflag:s7], $0x2000  }
0xb5: {  	[sflag:s7] =	ssyncset.done $0x0  }
0xb6: {  	s14 =	sadd.s32 $0x680, s12;
	[sflag:s7] =	ssyncadd.s32 $0xFFFFE000  }
0xb7: {  	[tilespmem:s0], [sflag:$0x6] =	stream.indirect.gather [hbm4b:s16+s22], $0x40, s14, s22, $0xb8;
	[tilespmem:$0x1FD40] =	vst v63  }
0xb8: {  	_ =	swait.ge [sflag:s8], $0x2000  }
0xb9: {  	[sflag:s8] =	ssyncset.done $0x0  }
0xba: {  	s15 =	sadd.s32 $0x700, s12;
	[sflag:s8] =	ssyncadd.s32 $0xFFFFE000  }
0xbb: {  	[tilespmem:s25], [sflag:$0x7] =	stream.indirect.gather [hbm4b:s16+s22], $0x40, s15, s22, $0xb8;
	[tilespmem:$0x1FD40] =	vst v63  }
.Ltmp4:
0xbc: {  	_ = 	snop;
	(pc) =	sbr.rel .LBB2_4-.Ltmp4, $4  }
0xbd: {  	_ =	swait.ge [sflag:s9], $0x2000  }
0xbe: {  	[sflag:s9] =	ssyncset.done $0x0  }
0xbf: {  	s17 =	sadd.s32 $0x780, s12;
	s11 =	sadd.s32 $0x1000, s11;
	[sflag:s9] =	ssyncadd.s32 $0xFFFFE000  }
0xc0: {  	[tilespmem:s30], [sflag:$0x8] =	stream.indirect.gather [hbm4b:s16+s22], $0x40, s17, s22, $0xb8;
	[tilespmem:$0x1FD40] =	vst v63  }
.LBB2_7:
0xc1: {  	_ =	sfence.sel $0x180000  }
0xc2: {  	[bflag:$0x0] =	sbarrier.arrive $0xFFFF  }
0xc3: {  	_ =	strace $0x9000004D  }
0xc4: {  	s0 =	stileid.u32;
	[bflag:$0x2] =	sbarrier.arrive $0xFFFF  }
0xc5: {  	p0 =	sne.s32 s0, $0x0;
	s0 =	rddreg [dreg:$0x3]  }
0xc6: {  	s0 =	sadd.s32 @!p0 $0x100000, s0  }
0xc7: {  	[sflag:s0] =	ssyncadd.tile.s32 @!p0 $0x1;
	_ =	shalt  }
.Lfunc_end2:
_tile_overlayer_lowered:
.L_overlay_start_2:
0xc8: {  	(tag) =	ssettag $0x2  }
0xc9: {  	s0 =	rddreg [dreg:$0x0];
	s2 =	stileid.u32  }
0xca: {  	s1 =	rddreg [dreg:$0x1];
	p0 =	sne.s32 s2, $0x0  }
0xcb: {  	s3 =	rddreg [dreg:$0x2];
	[bflag:$0x3] =	sbarrier.arrive $0xFFFF;
	s2 =	simm.s32 @!p0 $0x1C09  }
0xcc: {  	[timem:s3], [sflag:s2] =	dma.local @!p0 [hbm:s0], s1  }
0xcd: {  	s0 =	simm.s32 @!p0 $0x9  }
0xce: {  	_ =	swait.ge @!p0 [sflag:s0], s1  }
0xcf: {  	s1 =	ssub.s32 @!p0 $0x0, s1;
	[sflag:s0] =	ssyncset.done @!p0 $0x0  }
0xd0: {  	[sflag:s0] =	ssyncadd.s32 @!p0 s1  }
0xd1: {  	[bflag:$0x3] =	sbarrier.arrive $0xFFFF  }
0xd2: {  	_ =	shalt  }

// kernel: sc_sage_agg2.3.cloned.1.call-start
scs
__scs_entry_jumppad:
0x0: {  	(pc) =	sbr.rel $0x88, $3  }
0x1: {  	(tag) =	ssettag $0x0;
	lr =	simm.s32 $0x1  }
0x2: {  	[smem:$0x3F99] =	sst lr;
	_ =	strace $0xD0000000  }
0x3: {  	_ = 	snop  }
0x4: {  	_ = 	snop  }
0x5: {  	_ = 	snop  }
0x6: {  	_ = 	snop  }
0x7: {  	_ = 	snop  }
__scs_overlays_trampoline_lowered:
0x8: {  	[smem:$0x3FA8] =	sst s0  }
0x9: {  	[smem:$0x3FA9] =	sst s1  }
0xa: {  	[smem:$0x3FAA] =	sst s2  }
0xb: {  	[smem:$0x3FAB] =	sst s3  }
0xc: {  	[smem:$0x3FAC] =	sst s4  }
0xd: {  	[smem:$0x3FAD] =	sst s5  }
0xe: {  	[smem:$0x3FAE] =	sst s6  }
0xf: {  	[smem:$0x3FAF] =	sst s7  }
0x10: {  	[smem:$0x3FB0] =	sst s8  }
0x11: {  	[smem:$0x3FB1] =	sst s9;
	s0 =	simm.s32 @!p0 $0x0  }
0x12: {  	s1 =	sld [smem:$0x3F97];
	s0 =	simm.s32 @p0 $0x1  }
0x13: {  	[smem:$0x3FB2] =	sst s0;
	s0 =	simm.s32 @!p1 $0x0  }
0x14: {  	s2 =	sld [smem:$0x3F96];
	s0 =	simm.s32 @p1 $0x1  }
0x15: {  	[smem:$0x3FB3] =	sst s0;
	s0 =	simm.s32 @!p2 $0x0  }
0x16: {  	s3 =	sld [smem:$0x3FDB];
	s0 =	simm.s32 @p2 $0x1  }
0x17: {  	s4 =	simm.s32 $0x1BF5;
	[smem:$0x3FB5] =	sst s0  }
0x18: {  	s0 =	sld [smem:$0x3F98];
	_ =	swait.ge [sflag:s4], $0x0  }
0x19: {  	s7 =	sld [smem:$0x3F99]  }
0x1a: {  	s8 =	sadd.s32 $0xFFFFE003, lr  }
0x1b: {  	s9 =	sadd.s32 $0xFFFFFEF7, lr;
	s5 =	simm.s32 $0xFFFFFFFF;
	p2 =	slt.u32 s8, $0xFFFFF086  }
0x1c: {  	p1 =	slt.u32 s9, $0xF7A;
	s5 =	simm.s32 @!p2 $0x0  }
0x1d: {  	s5 =	simm.s32 @p1 $0x1;
	p0 =	seq.s32 s7, s2  }
0x1e: {  	s7 =	smul.u32 @!p0 $0xF7A, s2;
	p2 =	seq.s32 @!p0 s5, $0x0  }
0x1f: {  	s9 =	smul.u32 $0xF7A, s1;
	s8 =	simm.s32 @!p0 $0x1BF5;
	p2 =	por !p2, p0  }
0x20: {  	[sflag:s8] =	ssyncset.s32 @!p0 $0xFFFFF086;
	s6 =	sadd.s32 @!p0 s3, s7;
	s7 =	simm.s32 @!p0 $0x108  }
0x21: {  	s3 =	sadd.s32 s3, s9;
	s6 =	sadd.s32 @!p0 $0x88, s6;
	s7 =	simm.s32 @p2 $0x1082  }
0x22: {  	[simem:s7], [sflag:s8] =	dma.local @!p0 [hbm:s6], $0xF7A  }
0x23: {  	s9 =	sor.u32 $0xD0000000, s2;
	s6 =	simm.s32 $0x108;
	_ =	swait.ge @!p0 [sflag:s8], $0x0  }
0x24: {  	s3 =	sadd.s32 $0x88, s3;
	s6 =	simm.s32 @!p1 $0x1082;
	[sflag:s4] =	ssyncset.s32 $0xFFFFF086  }
0x25: {  	[simem:s6], [sflag:s4] =	dma.local [hbm:s3], $0xF7A  }
0x26: {  	[smem:$0x3F99] =	sst s1;
	(tag) =	ssettag s2;
	_ =	strace s9  }
0x27: {  	s1 =	sld [smem:$0x3FA9]  }
0x28: {  	s2 =	sld [smem:$0x3FAA]  }
0x29: {  	s4 =	sld [smem:$0x3FAC]  }
0x2a: {  	p0 =	seq.s32 s5, $0x0;
	s5 =	sld [smem:$0x3FAD]  }
0x2b: {  	s6 =	sld [smem:$0x3FAE]  }
0x2c: {  	s7 =	sld [smem:$0x3FAF]  }
0x2d: {  	s3 =	simm.s32 $0x108;
	s8 =	sld [smem:$0x3FB0]  }
0x2e: {  	s3 =	simm.s32 @!p0 $0x1082;
	s9 =	sld [smem:$0x3FB1]  }
0x2f: {  	lr =	sadd.s32 s0, s3;
	s0 =	sld [smem:$0x3FA8]  }
0x30: {  	s3 =	sld [smem:$0x3FAB]  }
0x31: {  	[smem:$0x3FB4] =	sst s10  }
0x32: {  	s10 =	sld [smem:$0x3FB2];
	_ =	sdelay $0x3  }
0x33: {  	p0 =	seq.s32 s10, $0x1;
	s10 =	sld [smem:$0x3FB4];
	_ =	sdelay $0x3  }
0x34: {  	[smem:$0x3FB4] =	sst s10  }
0x35: {  	s10 =	sld [smem:$0x3FB3];
	_ =	sdelay $0x3  }
0x36: {  	p1 =	seq.s32 s10, $0x1;
	s10 =	sld [smem:$0x3FB4];
	_ =	sdelay $0x3  }
0x37: {  	[smem:$0x3FB4] =	sst s10  }
0x38: {  	s10 =	sld [smem:$0x3FB5]  }
0x39: {  	_ = 	snop;
	(pc) =	sbr.ind lr, $3  }
0x3a: {  	_ = 	snop  }
0x3b: {  	_ = 	snop  }
0x3c: {  	p2 =	seq.s32 s10, $0x1;
	s10 =	sld [smem:$0x3FB4]  }
0x3d: {  	_ =	shalt  }
0x3e: {  	_ =	shalt  }
0x3f: {  	_ =	shalt  }
0x40: {  	_ =	shalt  }
0x41: {  	_ =	shalt  }
0x42: {  	_ =	shalt  }
0x43: {  	_ =	shalt  }
0x44: {  	_ =	shalt  }
0x45: {  	_ =	shalt  }
0x46: {  	_ =	shalt  }
0x47: {  	_ =	shalt  }
0x48: {  	_ =	shalt  }
0x49: {  	_ =	shalt  }
0x4a: {  	_ =	shalt  }
0x4b: {  	_ =	shalt  }
0x4c: {  	_ =	shalt  }
0x4d: {  	_ =	shalt  }
0x4e: {  	_ =	shalt  }
0x4f: {  	_ =	shalt  }
0x50: {  	_ =	shalt  }
0x51: {  	_ =	shalt  }
0x52: {  	_ =	shalt  }
0x53: {  	_ =	shalt  }
0x54: {  	_ =	shalt  }
0x55: {  	_ =	shalt  }
0x56: {  	_ =	shalt  }
0x57: {  	_ =	shalt  }
0x58: {  	_ =	shalt  }
0x59: {  	_ =	shalt  }
0x5a: {  	_ =	shalt  }
0x5b: {  	_ =	shalt  }
0x5c: {  	_ =	shalt  }
0x5d: {  	_ =	shalt  }
0x5e: {  	_ =	shalt  }
0x5f: {  	_ =	shalt  }
0x60: {  	_ =	shalt  }
0x61: {  	_ =	shalt  }
0x62: {  	_ =	shalt  }
0x63: {  	_ =	shalt  }
0x64: {  	_ =	shalt  }
0x65: {  	_ =	shalt  }
0x66: {  	_ =	shalt  }
0x67: {  	_ =	shalt  }
0x68: {  	_ =	shalt  }
0x69: {  	_ =	shalt  }
0x6a: {  	_ =	shalt  }
0x6b: {  	_ =	shalt  }
0x6c: {  	_ =	shalt  }
0x6d: {  	_ =	shalt  }
0x6e: {  	_ =	shalt  }
0x6f: {  	_ =	shalt  }
0x70: {  	_ =	shalt  }
0x71: {  	_ =	shalt  }
0x72: {  	_ =	shalt  }
0x73: {  	_ =	shalt  }
0x74: {  	_ =	shalt  }
0x75: {  	_ =	shalt  }
0x76: {  	_ =	shalt  }
0x77: {  	_ =	shalt  }
0x78: {  	_ =	shalt  }
0x79: {  	_ =	shalt  }
0x7a: {  	_ =	shalt  }
0x7b: {  	_ =	shalt  }
0x7c: {  	_ =	shalt  }
0x7d: {  	_ =	shalt  }
0x7e: {  	_ =	shalt  }
0x7f: {  	_ =	shalt  }
0x80: {  	_ =	shalt  }
0x81: {  	_ =	shalt  }
0x82: {  	_ =	shalt  }
0x83: {  	_ =	shalt  }
0x84: {  	_ =	shalt  }
0x85: {  	_ =	shalt  }
0x86: {  	_ =	shalt  }
0x87: {  	_ =	shalt  }
.Lfunc_end0:
.L_simem_size_0:
called_computation.1_lowered:
.L_overlay_start_0:
0x88: {  	s2 =	sld [smem:$0x3FD9]  }
0x89: {  	s3 =	sld [smem:$0x3FFE];
	_ =	sdelay $0x1  }
0x8a: {  	s1 =	srdreg.scid  }
0x8b: {  	s0 =	sand.u32 $0x1, s1  }
0x8c: {  	s17 =	sshll.u32 s0, $0xA;
	s2 =	sadd.s32 s3, s2  }
0x8d: {  	s2 =	sadd.s32 s2, s17  }
0x8e: {  	[smem:$0x3FC0] =	sst s2  }
0x8f: {  	_ = 	snop  }
0x90: {  	(tm) =	ssettm $0x1  }
0x91: {  	s18 =	sld [smem:$0x3FFB];
	_ =	sdelay $0x3  }
0x92: {  	_ =	strace s18  }
0x93: {  	s2 =	sld [smem:$0x3FFC];
	_ =	sdelay $0x3  }
0x94: {  	_ =	strace s2  }
0x95: {  	s2 =	sld [smem:$0x3FFD];
	_ =	sdelay $0x3  }
0x96: {  	_ =	strace s2  }
0x97: {  	_ =	strace $0x8FFFFFFF  }
0x98: {  	s19 =	sld [smem:$0x3FDB];
	_ =	sdelay $0x1  }
0x99: {  	s20 =	simm.s32 $_scs_section_size  }
0x9a: {  	s4 =	simm.s32 $_size__tile_overlayer_lowered;
	s5 =	simm.s32 $_tile_overlayer_lowered  }
0x9b: {  	s6 =	simm.s32 $0x1BFF;
	s21 =	sshll.u32 s5, $0x1;
	s3 =	sadd.s32 s20, s19  }
0x9c: {  	s22 =	simm.s32 $0x0;
	s4 =	sshll.u32 s4, $0x1;
	s5 =	sadd.s32 s21, s3  }
0x9d: {  	[timem:s22], [sflag:s6] =	dma.local [hbm:s5], s4  }
0x9e: {  	_ =	swait.ge [sflag:s6], s4  }
0x9f: {  	s4 =	ssub.s32 $0x0, s4;
	[sflag:s6] =	ssyncset.done $0x0  }
0xa0: {  	[sflag:s6] =	ssyncadd.s32 s4;
	_ =	sdelay $0x1  }
0xa1: {  	s23 =	simm.s32 $0x1B8B  }
0xa2: {  	_ =	swait.ge [sflag:s23], $0x1  }
0xa3: {  	[sflag:s23] =	ssyncset.done $0x0  }
0xa4: {  	[sflag:s23] =	ssyncadd.s32 $0xFFFFFFFF  }
0xa5: {  	s4 =	sld [smem:$0x0]  }
0xa6: {  	s5 =	sand.u32 $0xFFFFFFFE, s1  }
0xa7: {  	p0 =	sne.s32 s1, s5  }
0xa8: {  	s5 =	sshll.u32 @p0 s5, $0xE  }
0xa9: {  	s5 =	sadd.s32 @p0 $0x11B8D, s5;
	s6 =	sshll.u32 @p0 s4, $0x11  }
0xaa: {  	s5 =	sor.u32 @p0 s6, s5  }
0xab: {  	[sflag:s5] =	ssyncadd.remote.s32 @p0 $0x1;
	_ =	sdelay $0x1  }
0xac: {  	s5 =	simm.s32 @p0 $0x1B8D  }
0xad: {  	_ =	swait.eq @p0 [sflag:s5], $0x1  }
0xae: {  	[sflag:s5] =	ssyncadd.s32 @p0 $0xFFFFFFFF  }
0xaf: {  	s6 =	sshll.u32 @!p0 s1, $0xE  }
0xb0: {  	s6 =	sor.u32 @!p0 $0x4000, s6;
	s5 =	simm.s32 @!p0 $0x1B8D  }
0xb1: {  	s4 =	sshll.u32 @!p0 s4, $0x11;
	s6 =	sadd.s32 @!p0 $0x11B8D, s6;
	_ =	swait.eq @!p0 [sflag:s5], $0x1  }
0xb2: {  	s4 =	sor.u32 @!p0 s4, s6;
	[sflag:s5] =	ssyncadd.s32 @!p0 $0xFFFFFFFF  }
0xb3: {  	s25 =	simm.s32 $0x1B8E;
	s24 =	sld [smem:$0x3FFE];
	[sflag:s4] =	ssyncadd.remote.s32 @!p0 $0x1  }
0xb4: {  	s26 =	simm.s32 $execute0_lowered;
	[smem:$0x3FD2] =	sst s25  }
0xb5: {  	s5 =	sshll.u32 s26, $0x1;
	_ =	strace $0x80000049;
	[dreg:$0x1] =	wrdreg $0xFFFFFFFF  }
0xb6: {  	s28 =	simm.s32 $_size_execute0_lowered;
	s3 =	sadd.s32 s3, s5;
	[dreg:$0x0] =	wrdreg $0x0  }
0xb7: {  	s5 =	sshll.u32 s28, $0x1;
	[dreg:$0x2] =	wrdreg s3  }
0xb8: {  	[dreg:$0x3] =	wrdreg s5  }
0xb9: {  	[dreg:$0x4] =	wrdreg $0xC0  }
0xba: {  	_ =	task [dreg:s22], $0x5FFFF  }
0xbb: {  	[dreg:$0x1] =	wrdreg $0xFFFFFFFF  }
0xbc: {  	[dreg:$0x0] =	wrdreg $0x60  }
0xbd: {  	[dreg:$0x2] =	wrdreg s24  }
0xbe: {  	[dreg:$0x3] =	wrdreg $0x15FC00  }
0xbf: {  	[dreg:$0x4] =	wrdreg $0xA  }
0xc0: {  	_ =	task.clear_ibuf [dreg:s22], $0x5FFFF;
	_ =	strace $0x90000049  }
0xc1: {  	s29 =	simm.s32 $0xA;
	_ =	strace $0x8000004B  }
0xc2: {  	_ =	swait.ge [sflag:s29], $0x1  }
0xc3: {  	[sflag:s29] =	ssyncadd.s32 $0xFFFFFFFF  }
0xc4: {  	_ =	strace $0x9000004B  }
0xc5: {  	_ =	sfence  }
0xc6: {  	s30 =	sld [smem:$0x0];
	_ =	sdelay $0x2  }
0xc7: {  	s31 =	sshll.u32 s1, $0xD;
	s1 =	sshrl.u32 s1, $0x2  }
0xc8: {  	s4 =	sand.u32 $0x4000, s31;
	s1 =	sadd.s32 s1, s30  }
0xc9: {  	s0 =	sor.u32 s4, s0;
	s1 =	sshll.u32 s1, $0x11  }
0xca: {  	s0 =	sor.u32 s1, s0  }
0xcb: {  	s0 =	sadd.s32 $0x8F2B, s0  }
0xcc: {  	[sflag:s0] =	ssyncadd.remote.s32 $0x1  }
0xcd: {  	_ =	sfence.sel $0xFFFF  }
0xce: {  	[dreg:$0x0] =	wrdreg $0xFFFFFFFF;
	(pc) =	sbr.abs _section_cstart, $3  }
0xcf: {  	[dreg:$0x1] =	wrdreg $0xFFFFFFFF  }
0xd0: {  	_ =	task.clear_ibuf [dreg:s22], $0x2FFFF;
	_ =	strace $0x9FFFFFFF  }
0xd1: {  	(tm) =	ssettm $0x7FFFFFFF  }
tec
execute0_lowered:
.L_overlay_start_1:
0x0: {  	(tag) =	ssettag $0x1  }
0x1: {  	s0 =	rddreg [dreg:$0x0]  }
0x2: {  	s2 =	rddreg [dreg:$0x1];
	s1 =	simm.s32 $0x0  }
0x3: {  	s8 =	stileid.u32;
	s25 =	srdreg.scid;
	s29 =	simm.s32 $0x9000  }
0x4: {  	s31 =	simm.s32 $0xB000;
	s28 =	simm.s32 $0x1;
	s3 =	smul.u32 $0x500, s8  }
0x5: {  	s30 =	simm.s32 $0x2;
	[smem:$0x7FF] =	sst s1;
	s6 =	smul.u32 $0x27600, s8  }
0x6: {  	s1 =	sand.u32 $0x1, s25;
	s4 =	sadd.s32 $0x6400, s0;
	s26 =	smul.u32 $0x9D80, s8  }
0x7: {  	s8 =	simm.s32 $0x0;
	_ =	strace $0x8000004A;
	s19 =	smul.u32 $0x13B000, s1  }
0x8: {  	s5 =	ssub.s32 $0x2, s1;
	s9 =	sshllo.u32 s1, $0x1;
	s1 =	smul.u32 $0x27100, s1  }
0x9: {  	s3 =	sadd.s32 s3, s0;
	s0 =	sadd.s32 $0x59600, s0;
	s15 =	sadd.s32 s26, s2  }
0xa: {  	s6 =	sshrl.u32 s6, $0x2;
	s11 =	sadd.s32 $0x54600, s3;
	[dreg:$0x5] =	wrdreg s15  }
0xb: {  	s3 =	sadd.s32 $0x1400, s3;
	s12 =	sadd.s32 s6, s2;
	[dreg:$0x3] =	wrdreg s11  }
0xc: {  	s7 =	sshrl.u32 s5, $0x1;
	[dreg:$0x4] =	wrdreg s3;
	s6 =	sadd.s32 $0xFC0, s12  }
0xd: {  	s10 =	smul.u32 $0x9D800, s9;
	s13 =	sadd.s32 $0x1F80, s12;
	[dreg:$0x6] =	wrdreg s6  }
0xe: {  	s23 =	smul.u32 $0x13880, s9;
	s14 =	sadd.s32 $0x2F40, s12;
	[dreg:$0x7] =	wrdreg s13  }
0xf: {  	s5 =	ssub.s32 s5, s7;
	s16 =	sadd.s32 $0x3F00, s12;
	[dreg:$0x8] =	wrdreg s14  }
0x10: {  	s22 =	sadd.s32 s26, s19;
	s17 =	sadd.s32 $0x4EC0, s12;
	[dreg:$0x9] =	wrdreg s16  }
0x11: {  	s19 =	simm.s32 $0x6;
	s18 =	sadd.s32 $0x5E80, s12;
	[dreg:$0xa] =	wrdreg s17  }
0x12: {  	s20 =	sadd.s32 $0x6E40, s12;
	s21 =	sadd.s32 $0x7E00, s12;
	[dreg:$0xb] =	wrdreg s18  }
0x13: {  	s3 =	sadd.s32 $0x8DC0, s12;
	s7 =	sadd.s32 s26, s10;
	[dreg:$0xc] =	wrdreg s20  }
0x14: {  	s26 =	smax.u32 s5, $0x1;
	s5 =	simm.s32 $0x5;
	[dreg:$0xd] =	wrdreg s21  }
0x15: {  	[dreg:$0xe] =	wrdreg s3;
	s3 =	sshrl.u32 s22, $0x3;
	s16 =	sadd.s32 s4, s1  }
0x16: {  	s25 =	sshrl.u32 s7, $0x3;
	s18 =	sadd.s32 s4, s23;
	[dreg:$0x11] =	wrdreg s26  }
0x17: {  	s21 =	simm.s32 $0x9;
	s23 =	simm.s32 $0x15000;
	s26 =	simm.s32 $0x7000  }
.Ltmp0:
0x18: {  	s22 =	simm.s32 $0xD000;
	s4 =	simm.s32 $0xF000;
	(pc) =	sbr.rel .LBB2_1-.Ltmp0, $4  }
0x19: {  	s17 =	simm.s32 $0x11000;
	s20 =	simm.s32 $0x13000;
	s1 =	simm.s32 $0x4  }
0x1a: {  	s7 =	simm.s32 $0x8;
	s24 =	sadd.s32 s0, s3;
	s0 =	sadd.s32 s0, s25  }
0x1b: {  	s25 =	simm.s32 $0x5000;
	s3 =	simm.s32 $0x7;
	[dreg:$0xf] =	wrdreg s24  }
0x1c: {  	v0 =	vimm.f32 $0.0e+00;
	[dreg:$0x10] =	wrdreg s0;
	s24 =	simm.s32 $0x80;
	s0 =	simm.s32 $0x3  }
.LBB2_9:
0x1d: {  	_ =	swait.ge [sflag:s19], $0x2000  }
0x1e: {  	[sflag:s19] =	ssyncset.done $0x0  }
0x1f: {  	[sflag:s19] =	ssyncadd.s32 $0xFFFFE000  }
0x20: {  	_ =	swait.ge [sflag:s3], $0x2000  }
0x21: {  	[sflag:s3] =	ssyncset.done $0x0  }
0x22: {  	[sflag:s3] =	ssyncadd.s32 $0xFFFFE000  }
0x23: {  	_ =	swait.ge [sflag:s7], $0x2000  }
0x24: {  	[sflag:s7] =	ssyncset.done $0x0  }
0x25: {  	[sflag:s7] =	ssyncadd.s32 $0xFFFFE000  }
0x26: {  	[bflag:$0x0] =	sbarrier.arrive $0xFFFF  }
0x27: {  	s6 =	rddreg [dreg:$0x10]  }
0x28: {  	[hbm:s6], [sflag:s9] =	dma.local [spmem:s10], $0x13B0  }
0x29: {  	_ =	swait.ge [sflag:s21], $0x13B0  }
0x2a: {  	s8 =	sadd.s32 $0x1, s8;
	s15 =	rddreg [dreg:$0x11]  }
0x2b: {  	p0 =	sne.s32 s8, s15  }
.Ltmp1:
0x2c: {  	_ = 	snop;
	(pc) =	sbr.rel @!p0 .LBB2_10-.Ltmp1, $3  }
0x2d: {  	_ =	sdelay $0x1  }
0x2e: {  	[sflag:s21] =	ssyncset.done $0x0  }
0x2f: {  	[sflag:s21] =	ssyncadd.s32 $0xFFFFEC50;
	s15 =	rddreg [dreg:$0x5]  }
.LBB2_1:
0x30: {  	s6 =	simm.s32 $0x0;
	s9 =	rddreg [dreg:$0x3]  }
0x31: {  	[tilespmem:s6], [sflag:$0x9] =	stream.linear.gather [hbm4b:s9+s6], $0x2800, $0x38;
	[tilespmem:$0x1FD40] =	vst v63  }
0x32: {  	_ =	swait.ge [sflag:s21], $0x2800  }
0x33: {  	[sflag:s21] =	ssyncset.done $0x0  }
0x34: {  	s10 =	simm.s32 $0x2800;
	s12 =	rddreg [dreg:$0x4];
	[sflag:s21] =	ssyncadd.s32 $0xFFFFD800  }
0x35: {  	[tilespmem:s10], [sflag:$0x9] =	stream.linear.gather [hbm4b:s12+s6], $0x2800, $0x38;
	[tilespmem:$0x1FD40] =	vst v63  }
0x36: {  	s13 =	sand.u32 $0x3F00, s6;
	s14 =	sand.u32 $0x30, s6;
	_ =	swait.ge [sflag:s21], $0x2800  }
0x37: {  	s9 =	simm.s32 $0x40;
	s11 =	sshrl.u32 s13, $0x2;
	[sflag:s21] =	ssyncset.done $0x0  }
0x38: {  	s11 =	sor.u32 s14, s11;
	s10 =	simm.s32 $0x0;
	[sflag:s21] =	ssyncadd.s32 $0xFFFFD800  }
.LBB2_2:
0x39: {  	p0 =	sne.s32 s9, $0x3EC0  }
0x3a: {  	[tilespmem:s11+$0x15000] =	vst v0;
	s10 =	sadd.s32 $0x10, s10;
	s11 =	smov.u32 s9;
	s9 =	sadd.s32 $0x40, s9  }
.Ltmp2:
0x3b: {  	(pc) =	sbr.rel @p0 .LBB2_2-.Ltmp2, $4  }
0x3c: {  	_ = 	snop  }
0x3d: {  	s11 =	sand.u32 $0x3F00, s11  }
0x3e: {  	s12 =	sand.u32 $0x30, s10;
	s11 =	sshrl.u32 s11, $0x2  }
0x3f: {  	s11 =	sor.u32 s12, s11  }
0x40: {  	[tilespmem:s11+$0x15000] =	vst v0  }
0x41: {  	[spmem:s15] =	stream.linear.scatter [tilespmem:s23], [sflag:$0x9], $0xFC0, $0x38;
	[tilespmem:$0x1FD40] =	vst v63  }
0x42: {  	_ =	swait.ge [sflag:s21], $0xFC0  }
0x43: {  	[sflag:s21] =	ssyncset.done $0x0  }
0x44: {  	s6 =	rddreg [dreg:$0x6];
	[sflag:s21] =	ssyncadd.s32 $0xFFFFF040  }
0x45: {  	[spmem:s6] =	stream.linear.scatter [tilespmem:s23], [sflag:$0x9], $0xFC0, $0x38;
	[tilespmem:$0x1FD40] =	vst v63  }
0x46: {  	_ =	swait.ge [sflag:s21], $0xFC0  }
0x47: {  	[sflag:s21] =	ssyncset.done $0x0  }
0x48: {  	s12 =	rddreg [dreg:$0x7];
	[sflag:s21] =	ssyncadd.s32 $0xFFFFF040  }
0x49: {  	[spmem:s12] =	stream.linear.scatter [tilespmem:s23], [sflag:$0x9], $0xFC0, $0x38;
	[tilespmem:$0x1FD40] =	vst v63  }
0x4a: {  	_ =	swait.ge [sflag:s21], $0xFC0  }
0x4b: {  	[sflag:s21] =	ssyncset.done $0x0  }
0x4c: {  	s13 =	rddreg [dreg:$0x8];
	[sflag:s21] =	ssyncadd.s32 $0xFFFFF040  }
0x4d: {  	[spmem:s13] =	stream.linear.scatter [tilespmem:s23], [sflag:$0x9], $0xFC0, $0x38;
	[tilespmem:$0x1FD40] =	vst v63  }
0x4e: {  	_ =	swait.ge [sflag:s21], $0xFC0  }
0x4f: {  	[sflag:s21] =	ssyncset.done $0x0  }
0x50: {  	s14 =	rddreg [dreg:$0x9];
	[sflag:s21] =	ssyncadd.s32 $0xFFFFF040  }
0x51: {  	[spmem:s14] =	stream.linear.scatter [tilespmem:s23], [sflag:$0x9], $0xFC0, $0x38;
	[tilespmem:$0x1FD40] =	vst v63  }
0x52: {  	_ =	swait.ge [sflag:s21], $0xFC0  }
0x53: {  	[sflag:s21] =	ssyncset.done $0x0  }
0x54: {  	s9 =	rddreg [dreg:$0xa];
	[sflag:s21] =	ssyncadd.s32 $0xFFFFF040  }
0x55: {  	[spmem:s9] =	stream.linear.scatter [tilespmem:s23], [sflag:$0x9], $0xFC0, $0x38;
	[tilespmem:$0x1FD40] =	vst v63  }
0x56: {  	_ =	swait.ge [sflag:s21], $0xFC0  }
0x57: {  	[sflag:s21] =	ssyncset.done $0x0  }
0x58: {  	s10 =	rddreg [dreg:$0xb];
	[sflag:s21] =	ssyncadd.s32 $0xFFFFF040  }
0x59: {  	[spmem:s10] =	stream.linear.scatter [tilespmem:s23], [sflag:$0x9], $0xFC0, $0x38;
	[tilespmem:$0x1FD40] =	vst v63  }
0x5a: {  	_ =	swait.ge [sflag:s21], $0xFC0  }
0x5b: {  	[sflag:s21] =	ssyncset.done $0x0  }
0x5c: {  	s11 =	rddreg [dreg:$0xc];
	[sflag:s21] =	ssyncadd.s32 $0xFFFFF040  }
0x5d: {  	[spmem:s11] =	stream.linear.scatter [tilespmem:s23], [sflag:$0x9], $0xFC0, $0x38;
	[tilespmem:$0x1FD40] =	vst v63  }
0x5e: {  	_ =	swait.ge [sflag:s21], $0xFC0  }
0x5f: {  	[sflag:s21] =	ssyncset.done $0x0  }
0x60: {  	s12 =	rddreg [dreg:$0xd];
	[sflag:s21] =	ssyncadd.s32 $0xFFFFF040  }
0x61: {  	[spmem:s12] =	stream.linear.scatter [tilespmem:s23], [sflag:$0x9], $0xFC0, $0x38;
	[tilespmem:$0x1FD40] =	vst v63  }
0x62: {  	_ =	swait.ge [sflag:s21], $0xFC0  }
0x63: {  	[sflag:s21] =	ssyncset.done $0x0  }
0x64: {  	s13 =	rddreg [dreg:$0xe];
	[sflag:s21] =	ssyncadd.s32 $0xFFFFF040  }
0x65: {  	[spmem:s13] =	stream.linear.scatter [tilespmem:s23], [sflag:$0x9], $0xFC0, $0x38;
	[tilespmem:$0x1FD40] =	vst v63  }
0x66: {  	_ =	swait.ge [sflag:s21], $0xFC0  }
0x67: {  	[sflag:s21] =	ssyncset.done $0x0  }
0x68: {  	[sflag:s21] =	ssyncadd.s32 $0xFFFFF040  }
0x69: {  	s9 =	simm.s32 $0x0;
	[bflag:$0x0] =	sbarrier.arrive $0xFFFF  }
0x6a: {  	[tilespmem:s25], [sflag:$0x1] =	stream.indirect.gather [hbm4b:s16+s24], $0x40, s9, s24, $0xb8;
	[tilespmem:$0x1FD40] =	vst v63  }
0x6b: {  	_ = 	snop  }
0x6c: {  	[tilespmem:s26], [sflag:$0x2] =	stream.indirect.gather [hbm4b:s16+s24], $0x40, s24, s24, $0xb8;
	[tilespmem:$0x1FD40] =	vst v63  }
0x6d: {  	s14 =	simm.s32 $0x100  }
0x6e: {  	[tilespmem:s29], [sflag:$0x3] =	stream.indirect.gather [hbm4b:s16+s24], $0x40, s14, s24, $0xb8;
	[tilespmem:$0x1FD40] =	vst v63  }
0x6f: {  	s10 =	simm.s32 $0x180  }
0x70: {  	[tilespmem:s31], [sflag:$0x4] =	stream.indirect.gather [hbm4b:s16+s24], $0x40, s10, s24, $0xb8;
	[tilespmem:$0x1FD40] =	vst v63  }
0x71: {  	s11 =	simm.s32 $0x200  }
0x72: {  	[tilespmem:s22], [sflag:$0x5] =	stream.indirect.gather [hbm4b:s16+s24], $0x40, s11, s24, $0xb8;
	[tilespmem:$0x1FD40] =	vst v63  }
0x73: {  	s12 =	simm.s32 $0x280  }
0x74: {  	[tilespmem:s4], [sflag:$0x6] =	stream.indirect.gather [hbm4b:s16+s24], $0x40, s12, s24, $0xb8;
	[tilespmem:$0x1FD40] =	vst v63  }
0x75: {  	s13 =	simm.s32 $0x300  }
0x76: {  	[tilespmem:s17], [sflag:$0x7] =	stream.indirect.gather [hbm4b:s16+s24], $0x40, s13, s24, $0xb8;
	[tilespmem:$0x1FD40] =	vst v63  }
0x77: {  	s14 =	simm.s32 $0x380  }
0x78: {  	[tilespmem:s20], [sflag:$0x8] =	stream.indirect.gather [hbm4b:s16+s24], $0x40, s14, s24, $0xb8;
	[tilespmem:$0x1FD40] =	vst v63  }
.LBB2_4:
0x79: {  	_ =	swait.ge [sflag:s28], $0x2000  }
0x7a: {  	s10 =	sshra.s32 s9, $0x2;
	[sflag:s28] =	ssyncset.done $0x0  }
0x7b: {  	s11 =	sadd.s32 $0x2800, s10;
	[sflag:s28] =	ssyncadd.s32 $0xFFFFE000  }
0x7c: {  	[spmem:s2] =	stream.indirect.scatter.add.f32 [tilespmem:s25], [sflag:$0x1], $0x40, s11, s24, $0xb8;
	[tilespmem:$0x1FD40] =	vst v63  }
0x7d: {  	_ =	swait.ge [sflag:s30], $0x2000  }
0x7e: {  	[sflag:s30] =	ssyncset.done $0x0  }
0x7f: {  	s12 =	sadd.s32 $0x2880, s10;
	[sflag:s30] =	ssyncadd.s32 $0xFFFFE000  }
0x80: {  	[spmem:s2] =	stream.indirect.scatter.add.f32 [tilespmem:s26], [sflag:$0x2], $0x40, s12, s24, $0xb8;
	[tilespmem:$0x1FD40] =	vst v63  }
0x81: {  	_ =	swait.ge [sflag:s0], $0x2000  }
0x82: {  	[sflag:s0] =	ssyncset.done $0x0  }
0x83: {  	s13 =	sadd.s32 $0x2900, s10;
	[sflag:s0] =	ssyncadd.s32 $0xFFFFE000  }
0x84: {  	[spmem:s2] =	stream.indirect.scatter.add.f32 [tilespmem:s29], [sflag:$0x3], $0x40, s13, s24, $0xb8;
	[tilespmem:$0x1FD40] =	vst v63  }
0x85: {  	_ =	swait.ge [sflag:s1], $0x2000  }
0x86: {  	[sflag:s1] =	ssyncset.done $0x0  }
0x87: {  	p0 =	sne.s32 s9, $0x9000;
	s14 =	sadd.s32 $0x2980, s10;
	[sflag:s1] =	ssyncadd.s32 $0xFFFFE000  }
0x88: {  	[spmem:s2] =	stream.indirect.scatter.add.f32 [tilespmem:s31], [sflag:$0x4], $0x40, s14, s24, $0xb8;
	[tilespmem:$0x1FD40] =	vst v63  }
0x89: {  	s11 =	sshra.s32 @p0 s9, $0x2;
	_ =	swait.ge [sflag:s28], $0x2000  }
0x8a: {  	s12 =	sadd.s32 @p0 $0x400, s11;
	[sflag:s28] =	ssyncset.done $0x0  }
0x8b: {  	s13 =	simm.s32 @p0 $0x80;
	s14 =	simm.s32 @p0 $0x5000;
	[sflag:s28] =	ssyncadd.s32 $0xFFFFE000  }
0x8c: {  	[tilespmem:s14], [sflag:$0x1] =	stream.indirect.gather @p0 [hbm4b:s16+s13], $0x40, s12, s13, $0xb8;
	[tilespmem:$0x1FD40] =	vst v63  }
0x8d: {  	s12 =	simm.s32 @p0 $0x2  }
0x8e: {  	_ =	swait.ge @p0 [sflag:s12], $0x2000  }
0x8f: {  	[sflag:s12] =	ssyncset.done @p0 $0x0  }
0x90: {  	s14 =	simm.s32 @p0 $0x7000;
	[sflag:s12] =	ssyncadd.s32 @p0 $0xFFFFE000;
	s12 =	sadd.s32 @p0 $0x480, s11  }
0x91: {  	[tilespmem:s14], [sflag:$0x2] =	stream.indirect.gather @p0 [hbm4b:s16+s13], $0x40, s12, s13, $0xb8;
	[tilespmem:$0x1FD40] =	vst v63  }
0x92: {  	s12 =	simm.s32 @p0 $0x3  }
0x93: {  	_ =	swait.ge @p0 [sflag:s12], $0x2000  }
0x94: {  	[sflag:s12] =	ssyncset.done @p0 $0x0  }
0x95: {  	s14 =	simm.s32 @p0 $0x9000;
	[sflag:s12] =	ssyncadd.s32 @p0 $0xFFFFE000;
	s12 =	sadd.s32 @p0 $0x500, s11  }
0x96: {  	[tilespmem:s14], [sflag:$0x3] =	stream.indirect.gather @p0 [hbm4b:s16+s13], $0x40, s12, s13, $0xb8;
	[tilespmem:$0x1FD40] =	vst v63  }
0x97: {  	s12 =	simm.s32 @p0 $0x4  }
0x98: {  	_ =	swait.ge @p0 [sflag:s12], $0x2000  }
0x99: {  	[sflag:s12] =	ssyncset.done @p0 $0x0  }
0x9a: {  	s11 =	sadd.s32 @p0 $0x580, s11;
	[sflag:s12] =	ssyncadd.s32 @p0 $0xFFFFE000;
	s12 =	simm.s32 @p0 $0xB000  }
0x9b: {  	[tilespmem:s12], [sflag:$0x4] =	stream.indirect.gather @p0 [hbm4b:s16+s13], $0x40, s11, s13, $0xb8;
	[tilespmem:$0x1FD40] =	vst v63  }
0x9c: {  	s11 =	simm.s32 @!p0 $0x2  }
0x9d: {  	_ =	swait.ge @!p0 [sflag:s11], $0x2000  }
0x9e: {  	[sflag:s11] =	ssyncset.done @!p0 $0x0  }
0x9f: {  	[sflag:s11] =	ssyncadd.s32 @!p0 $0xFFFFE000;
	s11 =	simm.s32 @!p0 $0x3  }
0xa0: {  	_ =	swait.ge @!p0 [sflag:s11], $0x2000  }
0xa1: {  	[sflag:s11] =	ssyncset.done @!p0 $0x0  }
0xa2: {  	[sflag:s11] =	ssyncadd.s32 @!p0 $0xFFFFE000;
	s11 =	simm.s32 @!p0 $0x4  }
0xa3: {  	_ =	swait.ge @!p0 [sflag:s11], $0x2000  }
0xa4: {  	[sflag:s11] =	ssyncset.done @!p0 $0x0  }
0xa5: {  	[sflag:s11] =	ssyncadd.s32 @!p0 $0xFFFFE000  }
0xa6: {  	_ =	swait.ge [sflag:s5], $0x2000  }
0xa7: {  	[sflag:s5] =	ssyncset.done $0x0  }
0xa8: {  	s6 =	sadd.s32 $0x2A00, s10;
	[sflag:s5] =	ssyncadd.s32 $0xFFFFE000  }
0xa9: {  	[spmem:s2] =	stream.indirect.scatter.add.f32 [tilespmem:s22], [sflag:$0x5], $0x40, s6, s24, $0xb8;
	[tilespmem:$0x1FD40] =	vst v63  }
0xaa: {  	_ =	swait.ge [sflag:s19], $0x2000  }
0xab: {  	[sflag:s19] =	ssyncset.done $0x0  }
0xac: {  	s12 =	sadd.s32 $0x2A80, s10;
	[sflag:s19] =	ssyncadd.s32 $0xFFFFE000  }
0xad: {  	[spmem:s2] =	stream.indirect.scatter.add.f32 [tilespmem:s4], [sflag:$0x6], $0x40, s12, s24, $0xb8;
	[tilespmem:$0x1FD40] =	vst v63  }
0xae: {  	_ =	swait.ge [sflag:s3], $0x2000  }
0xaf: {  	[sflag:s3] =	ssyncset.done $0x0  }
0xb0: {  	s13 =	sadd.s32 $0x2B00, s10;
	[sflag:s3] =	ssyncadd.s32 $0xFFFFE000  }
0xb1: {  	[spmem:s2] =	stream.indirect.scatter.add.f32 [tilespmem:s17], [sflag:$0x7], $0x40, s13, s24, $0xb8;
	[tilespmem:$0x1FD40] =	vst v63  }
0xb2: {  	_ =	swait.ge [sflag:s7], $0x2000  }
0xb3: {  	p0 =	seq.s32 s9, $0x9000;
	[sflag:s7] =	ssyncset.done $0x0  }
.Ltmp3:
0xb4: {  	s14 =	sadd.s32 $0x2B80, s10;
	[sflag:s7] =	ssyncadd.s32 $0xFFFFE000;
	(pc) =	sbr.rel @p0 .LBB2_6-.Ltmp3, $4  }
0xb5: {  	[spmem:s2] =	stream.indirect.scatter.add.f32 [tilespmem:s20], [sflag:$0x8], $0x40, s14, s24, $0xb8;
	[tilespmem:$0x1FD40] =	vst v63  }
0xb6: {  	_ =	swait.ge [sflag:s5], $0x2000  }
0xb7: {  	[sflag:s5] =	ssyncset.done $0x0  }
0xb8: {  	[sflag:s5] =	ssyncadd.s32 $0xFFFFE000  }
0xb9: {  	s11 =	sadd.s32 $0x600, s10  }
0xba: {  	[tilespmem:s22], [sflag:$0x5] =	stream.indirect.gather [hbm4b:s16+s24], $0x40, s11, s24, $0xb8;
	[tilespmem:$0x1FD40] =	vst v63  }
0xbb: {  	_ =	swait.ge [sflag:s19], $0x2000  }
0xbc: {  	[sflag:s19] =	ssyncset.done $0x0  }
0xbd: {  	s12 =	sadd.s32 $0x680, s10;
	[sflag:s19] =	ssyncadd.s32 $0xFFFFE000  }
0xbe: {  	[tilespmem:s4], [sflag:$0x6] =	stream.indirect.gather [hbm4b:s16+s24], $0x40, s12, s24, $0xb8;
	[tilespmem:$0x1FD40] =	vst v63  }
0xbf: {  	_ =	swait.ge [sflag:s3], $0x2000  }
0xc0: {  	[sflag:s3] =	ssyncset.done $0x0  }
0xc1: {  	s13 =	sadd.s32 $0x700, s10;
	[sflag:s3] =	ssyncadd.s32 $0xFFFFE000  }
0xc2: {  	[tilespmem:s17], [sflag:$0x7] =	stream.indirect.gather [hbm4b:s16+s24], $0x40, s13, s24, $0xb8;
	[tilespmem:$0x1FD40] =	vst v63  }
.Ltmp4:
0xc3: {  	_ = 	snop;
	(pc) =	sbr.rel .LBB2_4-.Ltmp4, $4  }
0xc4: {  	_ =	swait.ge [sflag:s7], $0x2000  }
0xc5: {  	[sflag:s7] =	ssyncset.done $0x0  }
0xc6: {  	s14 =	sadd.s32 $0x780, s10;
	s9 =	sadd.s32 $0x1000, s9;
	[sflag:s7] =	ssyncadd.s32 $0xFFFFE000  }
0xc7: {  	[tilespmem:s20], [sflag:$0x8] =	stream.indirect.gather [hbm4b:s16+s24], $0x40, s14, s24, $0xb8;
	[tilespmem:$0x1FD40] =	vst v63  }
.LBB2_6:
0xc8: {  	_ =	swait.ge [sflag:s19], $0x2000  }
0xc9: {  	[sflag:s19] =	ssyncset.done $0x0  }
0xca: {  	[sflag:s19] =	ssyncadd.s32 $0xFFFFE000  }
0xcb: {  	_ =	swait.ge [sflag:s3], $0x2000  }
0xcc: {  	[sflag:s3] =	ssyncset.done $0x0  }
0xcd: {  	[sflag:s3] =	ssyncadd.s32 $0xFFFFE000  }
0xce: {  	_ =	swait.ge [sflag:s7], $0x2000  }
0xcf: {  	[sflag:s7] =	ssyncset.done $0x0  }
0xd0: {  	s6 =	stileid.u32;
	[sflag:s7] =	ssyncadd.s32 $0xFFFFE000  }
0xd1: {  	s9 =	sshll.u32 s6, $0x6;
	[bflag:$0x0] =	sbarrier.arrive $0xFFFF  }
0xd2: {  	s10 =	sshrl.u32 s15, $0x3;
	s9 =	sor.u32 $0x1C09, s9;
	s14 =	rddreg [dreg:$0xf]  }
0xd3: {  	[hbm:s14], [sflag:s9] =	dma.local [spmem:s10], $0x13B0  }
0xd4: {  	_ =	swait.ge [sflag:s21], $0x13B0  }
0xd5: {  	[sflag:s21] =	ssyncset.done $0x0  }
0xd6: {  	[sflag:s21] =	ssyncadd.s32 $0xFFFFEC50  }
0xd7: {  	[spmem:s15] =	stream.linear.scatter [tilespmem:s23], [sflag:$0x9], $0xFC0, $0x38;
	[tilespmem:$0x1FD40] =	vst v63  }
0xd8: {  	_ =	swait.ge [sflag:s21], $0xFC0  }
0xd9: {  	[sflag:s21] =	ssyncset.done $0x0  }
0xda: {  	s15 =	rddreg [dreg:$0x6];
	[sflag:s21] =	ssyncadd.s32 $0xFFFFF040  }
0xdb: {  	[spmem:s15] =	stream.linear.scatter [tilespmem:s23], [sflag:$0x9], $0xFC0, $0x38;
	[tilespmem:$0x1FD40] =	vst v63  }
0xdc: {  	_ =	swait.ge [sflag:s21], $0xFC0  }
0xdd: {  	[sflag:s21] =	ssyncset.done $0x0  }
0xde: {  	s11 =	rddreg [dreg:$0x7];
	[sflag:s21] =	ssyncadd.s32 $0xFFFFF040  }
0xdf: {  	[spmem:s11] =	stream.linear.scatter [tilespmem:s23], [sflag:$0x9], $0xFC0, $0x38;
	[tilespmem:$0x1FD40] =	vst v63  }
0xe0: {  	_ =	swait.ge [sflag:s21], $0xFC0  }
0xe1: {  	[sflag:s21] =	ssyncset.done $0x0  }
0xe2: {  	s12 =	rddreg [dreg:$0x8];
	[sflag:s21] =	ssyncadd.s32 $0xFFFFF040  }
0xe3: {  	[spmem:s12] =	stream.linear.scatter [tilespmem:s23], [sflag:$0x9], $0xFC0, $0x38;
	[tilespmem:$0x1FD40] =	vst v63  }
0xe4: {  	_ =	swait.ge [sflag:s21], $0xFC0  }
0xe5: {  	[sflag:s21] =	ssyncset.done $0x0  }
0xe6: {  	s13 =	rddreg [dreg:$0x9];
	[sflag:s21] =	ssyncadd.s32 $0xFFFFF040  }
0xe7: {  	[spmem:s13] =	stream.linear.scatter [tilespmem:s23], [sflag:$0x9], $0xFC0, $0x38;
	[tilespmem:$0x1FD40] =	vst v63  }
0xe8: {  	_ =	swait.ge [sflag:s21], $0xFC0  }
0xe9: {  	[sflag:s21] =	ssyncset.done $0x0  }
0xea: {  	s14 =	rddreg [dreg:$0xa];
	[sflag:s21] =	ssyncadd.s32 $0xFFFFF040  }
0xeb: {  	[spmem:s14] =	stream.linear.scatter [tilespmem:s23], [sflag:$0x9], $0xFC0, $0x38;
	[tilespmem:$0x1FD40] =	vst v63  }
0xec: {  	_ =	swait.ge [sflag:s21], $0xFC0  }
0xed: {  	[sflag:s21] =	ssyncset.done $0x0  }
0xee: {  	s15 =	rddreg [dreg:$0xb];
	[sflag:s21] =	ssyncadd.s32 $0xFFFFF040  }
0xef: {  	[spmem:s15] =	stream.linear.scatter [tilespmem:s23], [sflag:$0x9], $0xFC0, $0x38;
	[tilespmem:$0x1FD40] =	vst v63  }
0xf0: {  	_ =	swait.ge [sflag:s21], $0xFC0  }
0xf1: {  	[sflag:s21] =	ssyncset.done $0x0  }
0xf2: {  	s11 =	rddreg [dreg:$0xc];
	[sflag:s21] =	ssyncadd.s32 $0xFFFFF040  }
0xf3: {  	[spmem:s11] =	stream.linear.scatter [tilespmem:s23], [sflag:$0x9], $0xFC0, $0x38;
	[tilespmem:$0x1FD40] =	vst v63  }
0xf4: {  	_ =	swait.ge [sflag:s21], $0xFC0  }
0xf5: {  	[sflag:s21] =	ssyncset.done $0x0  }
0xf6: {  	s12 =	rddreg [dreg:$0xd];
	[sflag:s21] =	ssyncadd.s32 $0xFFFFF040  }
0xf7: {  	[spmem:s12] =	stream.linear.scatter [tilespmem:s23], [sflag:$0x9], $0xFC0, $0x38;
	[tilespmem:$0x1FD40] =	vst v63  }
0xf8: {  	_ =	swait.ge [sflag:s21], $0xFC0  }
0xf9: {  	[sflag:s21] =	ssyncset.done $0x0  }
0xfa: {  	s13 =	rddreg [dreg:$0xe];
	[sflag:s21] =	ssyncadd.s32 $0xFFFFF040  }
0xfb: {  	[spmem:s13] =	stream.linear.scatter [tilespmem:s23], [sflag:$0x9], $0xFC0, $0x38;
	[tilespmem:$0x1FD40] =	vst v63  }
0xfc: {  	_ =	swait.ge [sflag:s21], $0xFC0  }
0xfd: {  	[sflag:s21] =	ssyncset.done $0x0  }
0xfe: {  	[sflag:s21] =	ssyncadd.s32 $0xFFFFF040  }
0xff: {  	s11 =	simm.s32 $0x0;
	[bflag:$0x0] =	sbarrier.arrive $0xFFFF  }
0x100: {  	[tilespmem:s25], [sflag:$0x1] =	stream.indirect.gather [hbm4b:s18+s24], $0x40, s11, s24, $0xb8;
	[tilespmem:$0x1FD40] =	vst v63  }
0x101: {  	_ = 	snop  }
0x102: {  	[tilespmem:s26], [sflag:$0x2] =	stream.indirect.gather [hbm4b:s18+s24], $0x40, s24, s24, $0xb8;
	[tilespmem:$0x1FD40] =	vst v63  }
0x103: {  	s14 =	simm.s32 $0x100  }
0x104: {  	[tilespmem:s29], [sflag:$0x3] =	stream.indirect.gather [hbm4b:s18+s24], $0x40, s14, s24, $0xb8;
	[tilespmem:$0x1FD40] =	vst v63  }
0x105: {  	s15 =	simm.s32 $0x180  }
0x106: {  	[tilespmem:s31], [sflag:$0x4] =	stream.indirect.gather [hbm4b:s18+s24], $0x40, s15, s24, $0xb8;
	[tilespmem:$0x1FD40] =	vst v63  }
0x107: {  	s12 =	simm.s32 $0x200  }
0x108: {  	[tilespmem:s22], [sflag:$0x5] =	stream.indirect.gather [hbm4b:s18+s24], $0x40, s12, s24, $0xb8;
	[tilespmem:$0x1FD40] =	vst v63  }
0x109: {  	s13 =	simm.s32 $0x280  }
0x10a: {  	[tilespmem:s4], [sflag:$0x6] =	stream.indirect.gather [hbm4b:s18+s24], $0x40, s13, s24, $0xb8;
	[tilespmem:$0x1FD40] =	vst v63  }
0x10b: {  	s14 =	simm.s32 $0x300  }
0x10c: {  	[tilespmem:s17], [sflag:$0x7] =	stream.indirect.gather [hbm4b:s18+s24], $0x40, s14, s24, $0xb8;
	[tilespmem:$0x1FD40] =	vst v63  }
0x10d: {  	s15 =	simm.s32 $0x380  }
0x10e: {  	[tilespmem:s20], [sflag:$0x8] =	stream.indirect.gather [hbm4b:s18+s24], $0x40, s15, s24, $0xb8;
	[tilespmem:$0x1FD40] =	vst v63  }
.LBB2_7:
0x10f: {  	_ =	swait.ge [sflag:s28], $0x2000  }
0x110: {  	s12 =	sshra.s32 s11, $0x2;
	[sflag:s28] =	ssyncset.done $0x0  }
0x111: {  	s13 =	sadd.s32 $0x2800, s12;
	[sflag:s28] =	ssyncadd.s32 $0xFFFFE000  }
0x112: {  	[spmem:s2] =	stream.indirect.scatter.add.f32 [tilespmem:s25], [sflag:$0x1], $0x40, s13, s24, $0xb8;
	[tilespmem:$0x1FD40] =	vst v63  }
0x113: {  	_ =	swait.ge [sflag:s30], $0x2000  }
0x114: {  	[sflag:s30] =	ssyncset.done $0x0  }
0x115: {  	s15 =	sadd.s32 $0x2880, s12;
	[sflag:s30] =	ssyncadd.s32 $0xFFFFE000  }
0x116: {  	[spmem:s2] =	stream.indirect.scatter.add.f32 [tilespmem:s26], [sflag:$0x2], $0x40, s15, s24, $0xb8;
	[tilespmem:$0x1FD40] =	vst v63  }
0x117: {  	_ =	swait.ge [sflag:s0], $0x2000  }
0x118: {  	[sflag:s0] =	ssyncset.done $0x0  }
0x119: {  	s6 =	sadd.s32 $0x2900, s12;
	[sflag:s0] =	ssyncadd.s32 $0xFFFFE000  }
0x11a: {  	[spmem:s2] =	stream.indirect.scatter.add.f32 [tilespmem:s29], [sflag:$0x3], $0x40, s6, s24, $0xb8;
	[tilespmem:$0x1FD40] =	vst v63  }
0x11b: {  	_ =	swait.ge [sflag:s1], $0x2000  }
0x11c: {  	[sflag:s1] =	ssyncset.done $0x0  }
0x11d: {  	s14 =	sadd.s32 $0x2980, s12;
	[sflag:s1] =	ssyncadd.s32 $0xFFFFE000  }
0x11e: {  	[spmem:s2] =	stream.indirect.scatter.add.f32 [tilespmem:s31], [sflag:$0x4], $0x40, s14, s24, $0xb8;
	[tilespmem:$0x1FD40] =	vst v63  }
0x11f: {  	p0 =	sne.s32 s11, $0x9000;
	_ =	swait.ge [sflag:s28], $0x2000  }
0x120: {  	s13 =	sshra.s32 @p0 s11, $0x2;
	s15 =	simm.s32 @p0 $0x80;
	[sflag:s28] =	ssyncset.done $0x0  }
0x121: {  	s6 =	simm.s32 @p0 $0x5000;
	s14 =	sadd.s32 @p0 $0x400, s13;
	[sflag:s28] =	ssyncadd.s32 $0xFFFFE000  }
0x122: {  	[tilespmem:s6], [sflag:$0x1] =	stream.indirect.gather @p0 [hbm4b:s18+s15], $0x40, s14, s15, $0xb8;
	[tilespmem:$0x1FD40] =	vst v63  }
0x123: {  	s6 =	simm.s32 @p0 $0x2  }
0x124: {  	_ =	swait.ge @p0 [sflag:s6], $0x2000  }
0x125: {  	[sflag:s6] =	ssyncset.done @p0 $0x0  }
0x126: {  	s14 =	simm.s32 @p0 $0x7000;
	[sflag:s6] =	ssyncadd.s32 @p0 $0xFFFFE000;
	s6 =	sadd.s32 @p0 $0x480, s13  }
0x127: {  	[tilespmem:s14], [sflag:$0x2] =	stream.indirect.gather @p0 [hbm4b:s18+s15], $0x40, s6, s15, $0xb8;
	[tilespmem:$0x1FD40] =	vst v63  }
0x128: {  	s6 =	simm.s32 @p0 $0x3  }
0x129: {  	_ =	swait.ge @p0 [sflag:s6], $0x2000  }
0x12a: {  	[sflag:s6] =	ssyncset.done @p0 $0x0  }
0x12b: {  	s14 =	simm.s32 @p0 $0x9000;
	[sflag:s6] =	ssyncadd.s32 @p0 $0xFFFFE000;
	s6 =	sadd.s32 @p0 $0x500, s13  }
0x12c: {  	[tilespmem:s14], [sflag:$0x3] =	stream.indirect.gather @p0 [hbm4b:s18+s15], $0x40, s6, s15, $0xb8;
	[tilespmem:$0x1FD40] =	vst v63  }
0x12d: {  	s6 =	simm.s32 @p0 $0x4  }
0x12e: {  	_ =	swait.ge @p0 [sflag:s6], $0x2000  }
0x12f: {  	[sflag:s6] =	ssyncset.done @p0 $0x0  }
0x130: {  	[sflag:s6] =	ssyncadd.s32 @p0 $0xFFFFE000;
	s6 =	sadd.s32 @p0 $0x580, s13;
	s13 =	simm.s32 @p0 $0xB000  }
0x131: {  	[tilespmem:s13], [sflag:$0x4] =	stream.indirect.gather @p0 [hbm4b:s18+s15], $0x40, s6, s15, $0xb8;
	[tilespmem:$0x1FD40] =	vst v63  }
0x132: {  	s6 =	simm.s32 @!p0 $0x2  }
0x133: {  	_ =	swait.ge @!p0 [sflag:s6], $0x2000  }
0x134: {  	[sflag:s6] =	ssyncset.done @!p0 $0x0  }
0x135: {  	[sflag:s6] =	ssyncadd.s32 @!p0 $0xFFFFE000;
	s6 =	simm.s32 @!p0 $0x3  }
0x136: {  	_ =	swait.ge @!p0 [sflag:s6], $0x2000  }
0x137: {  	[sflag:s6] =	ssyncset.done @!p0 $0x0  }
0x138: {  	[sflag:s6] =	ssyncadd.s32 @!p0 $0xFFFFE000;
	s6 =	simm.s32 @!p0 $0x4  }
0x139: {  	_ =	swait.ge @!p0 [sflag:s6], $0x2000  }
0x13a: {  	[sflag:s6] =	ssyncset.done @!p0 $0x0  }
0x13b: {  	[sflag:s6] =	ssyncadd.s32 @!p0 $0xFFFFE000  }
0x13c: {  	_ =	swait.ge [sflag:s5], $0x2000  }
0x13d: {  	[sflag:s5] =	ssyncset.done $0x0  }
0x13e: {  	s15 =	sadd.s32 $0x2A00, s12;
	[sflag:s5] =	ssyncadd.s32 $0xFFFFE000  }
0x13f: {  	[spmem:s2] =	stream.indirect.scatter.add.f32 [tilespmem:s22], [sflag:$0x5], $0x40, s15, s24, $0xb8;
	[tilespmem:$0x1FD40] =	vst v63  }
0x140: {  	_ =	swait.ge [sflag:s19], $0x2000  }
0x141: {  	[sflag:s19] =	ssyncset.done $0x0  }
0x142: {  	s13 =	sadd.s32 $0x2A80, s12;
	[sflag:s19] =	ssyncadd.s32 $0xFFFFE000  }
0x143: {  	[spmem:s2] =	stream.indirect.scatter.add.f32 [tilespmem:s4], [sflag:$0x6], $0x40, s13, s24, $0xb8;
	[tilespmem:$0x1FD40] =	vst v63  }
0x144: {  	_ =	swait.ge [sflag:s3], $0x2000  }
0x145: {  	[sflag:s3] =	ssyncset.done $0x0  }
0x146: {  	s14 =	sadd.s32 $0x2B00, s12;
	[sflag:s3] =	ssyncadd.s32 $0xFFFFE000  }
0x147: {  	[spmem:s2] =	stream.indirect.scatter.add.f32 [tilespmem:s17], [sflag:$0x7], $0x40, s14, s24, $0xb8;
	[tilespmem:$0x1FD40] =	vst v63  }
0x148: {  	_ =	swait.ge [sflag:s7], $0x2000  }
0x149: {  	p0 =	seq.s32 s11, $0x9000;
	[sflag:s7] =	ssyncset.done $0x0  }
.Ltmp5:
0x14a: {  	s15 =	sadd.s32 $0x2B80, s12;
	[sflag:s7] =	ssyncadd.s32 $0xFFFFE000;
	(pc) =	sbr.rel @p0 .LBB2_9-.Ltmp5, $4  }
0x14b: {  	[spmem:s2] =	stream.indirect.scatter.add.f32 [tilespmem:s20], [sflag:$0x8], $0x40, s15, s24, $0xb8;
	[tilespmem:$0x1FD40] =	vst v63  }
0x14c: {  	_ =	swait.ge [sflag:s5], $0x2000  }
0x14d: {  	[sflag:s5] =	ssyncset.done $0x0  }
0x14e: {  	[sflag:s5] =	ssyncadd.s32 $0xFFFFE000  }
0x14f: {  	s6 =	sadd.s32 $0x600, s12  }
0x150: {  	[tilespmem:s22], [sflag:$0x5] =	stream.indirect.gather [hbm4b:s18+s24], $0x40, s6, s24, $0xb8;
	[tilespmem:$0x1FD40] =	vst v63  }
0x151: {  	_ =	swait.ge [sflag:s19], $0x2000  }
0x152: {  	[sflag:s19] =	ssyncset.done $0x0  }
0x153: {  	s13 =	sadd.s32 $0x680, s12;
	[sflag:s19] =	ssyncadd.s32 $0xFFFFE000  }
0x154: {  	[tilespmem:s4], [sflag:$0x6] =	stream.indirect.gather [hbm4b:s18+s24], $0x40, s13, s24, $0xb8;
	[tilespmem:$0x1FD40] =	vst v63  }
0x155: {  	_ =	swait.ge [sflag:s3], $0x2000  }
0x156: {  	[sflag:s3] =	ssyncset.done $0x0  }
0x157: {  	s14 =	sadd.s32 $0x700, s12;
	[sflag:s3] =	ssyncadd.s32 $0xFFFFE000  }
0x158: {  	[tilespmem:s17], [sflag:$0x7] =	stream.indirect.gather [hbm4b:s18+s24], $0x40, s14, s24, $0xb8;
	[tilespmem:$0x1FD40] =	vst v63  }
.Ltmp6:
0x159: {  	_ = 	snop;
	(pc) =	sbr.rel .LBB2_7-.Ltmp6, $4  }
0x15a: {  	_ =	swait.ge [sflag:s7], $0x2000  }
0x15b: {  	[sflag:s7] =	ssyncset.done $0x0  }
0x15c: {  	s15 =	sadd.s32 $0x780, s12;
	s11 =	sadd.s32 $0x1000, s11;
	[sflag:s7] =	ssyncadd.s32 $0xFFFFE000  }
0x15d: {  	[tilespmem:s20], [sflag:$0x8] =	stream.indirect.gather [hbm4b:s18+s24], $0x40, s15, s24, $0xb8;
	[tilespmem:$0x1FD40] =	vst v63  }
.LBB2_10:
0x15e: {  	_ =	sfence.sel $0x180000  }
0x15f: {  	[bflag:$0x0] =	sbarrier.arrive $0xFFFF  }
0x160: {  	_ =	strace $0x9000004A  }
0x161: {  	s0 =	stileid.u32;
	[bflag:$0x2] =	sbarrier.arrive $0xFFFF  }
0x162: {  	p0 =	sne.s32 s0, $0x0;
	s0 =	rddreg [dreg:$0x2]  }
0x163: {  	s0 =	sadd.s32 @!p0 $0x100000, s0  }
0x164: {  	[sflag:s0] =	ssyncadd.tile.s32 @!p0 $0x1;
	_ =	shalt  }
.Lfunc_end2:
_tile_overlayer_lowered:
.L_overlay_start_2:
0x165: {  	(tag) =	ssettag $0x2  }
0x166: {  	s0 =	rddreg [dreg:$0x0];
	s2 =	stileid.u32  }
0x167: {  	s1 =	rddreg [dreg:$0x1];
	p0 =	sne.s32 s2, $0x0  }
0x168: {  	s3 =	rddreg [dreg:$0x2];
	[bflag:$0x3] =	sbarrier.arrive $0xFFFF;
	s2 =	simm.s32 @!p0 $0x1C09  }
0x169: {  	[timem:s3], [sflag:s2] =	dma.local @!p0 [hbm:s0], s1  }
0x16a: {  	s0 =	simm.s32 @!p0 $0x9  }
0x16b: {  	_ =	swait.ge @!p0 [sflag:s0], s1  }
0x16c: {  	s1 =	ssub.s32 @!p0 $0x0, s1;
	[sflag:s0] =	ssyncset.done @!p0 $0x0  }
0x16d: {  	[sflag:s0] =	ssyncadd.s32 @!p0 s1  }
0x16e: {  	[bflag:$0x3] =	sbarrier.arrive $0xFFFF  }
0x16f: {  	_ =	shalt  }

// kernel: sc_sage_cnt.3.cloned.1.call-start
scs
__scs_entry_jumppad:
0x0: {  	(pc) =	sbr.rel $0x88, $3  }
0x1: {  	(tag) =	ssettag $0x0;
	lr =	simm.s32 $0x1  }
0x2: {  	[smem:$0x3F99] =	sst lr;
	_ =	strace $0xD0000000  }
0x3: {  	_ = 	snop  }
0x4: {  	_ = 	snop  }
0x5: {  	_ = 	snop  }
0x6: {  	_ = 	snop  }
0x7: {  	_ = 	snop  }
__scs_overlays_trampoline_lowered:
0x8: {  	[smem:$0x3FA8] =	sst s0  }
0x9: {  	[smem:$0x3FA9] =	sst s1  }
0xa: {  	[smem:$0x3FAA] =	sst s2  }
0xb: {  	[smem:$0x3FAB] =	sst s3  }
0xc: {  	[smem:$0x3FAC] =	sst s4  }
0xd: {  	[smem:$0x3FAD] =	sst s5  }
0xe: {  	[smem:$0x3FAE] =	sst s6  }
0xf: {  	[smem:$0x3FAF] =	sst s7  }
0x10: {  	[smem:$0x3FB0] =	sst s8  }
0x11: {  	[smem:$0x3FB1] =	sst s9;
	s0 =	simm.s32 @!p0 $0x0  }
0x12: {  	s1 =	sld [smem:$0x3F97];
	s0 =	simm.s32 @p0 $0x1  }
0x13: {  	[smem:$0x3FB2] =	sst s0;
	s0 =	simm.s32 @!p1 $0x0  }
0x14: {  	s2 =	sld [smem:$0x3F96];
	s0 =	simm.s32 @p1 $0x1  }
0x15: {  	[smem:$0x3FB3] =	sst s0;
	s0 =	simm.s32 @!p2 $0x0  }
0x16: {  	s3 =	sld [smem:$0x3FDB];
	s0 =	simm.s32 @p2 $0x1  }
0x17: {  	s4 =	simm.s32 $0x1BF5;
	[smem:$0x3FB5] =	sst s0  }
0x18: {  	s0 =	sld [smem:$0x3F98];
	_ =	swait.ge [sflag:s4], $0x0  }
0x19: {  	s7 =	sld [smem:$0x3F99]  }
0x1a: {  	s8 =	sadd.s32 $0xFFFFE003, lr  }
0x1b: {  	s9 =	sadd.s32 $0xFFFFFEF7, lr;
	s5 =	simm.s32 $0xFFFFFFFF;
	p2 =	slt.u32 s8, $0xFFFFF086  }
0x1c: {  	p1 =	slt.u32 s9, $0xF7A;
	s5 =	simm.s32 @!p2 $0x0  }
0x1d: {  	s5 =	simm.s32 @p1 $0x1;
	p0 =	seq.s32 s7, s2  }
0x1e: {  	s7 =	smul.u32 @!p0 $0xF7A, s2;
	p2 =	seq.s32 @!p0 s5, $0x0  }
0x1f: {  	s9 =	smul.u32 $0xF7A, s1;
	s8 =	simm.s32 @!p0 $0x1BF5;
	p2 =	por !p2, p0  }
0x20: {  	[sflag:s8] =	ssyncset.s32 @!p0 $0xFFFFF086;
	s6 =	sadd.s32 @!p0 s3, s7;
	s7 =	simm.s32 @!p0 $0x108  }
0x21: {  	s3 =	sadd.s32 s3, s9;
	s6 =	sadd.s32 @!p0 $0x88, s6;
	s7 =	simm.s32 @p2 $0x1082  }
0x22: {  	[simem:s7], [sflag:s8] =	dma.local @!p0 [hbm:s6], $0xF7A  }
0x23: {  	s9 =	sor.u32 $0xD0000000, s2;
	s6 =	simm.s32 $0x108;
	_ =	swait.ge @!p0 [sflag:s8], $0x0  }
0x24: {  	s3 =	sadd.s32 $0x88, s3;
	s6 =	simm.s32 @!p1 $0x1082;
	[sflag:s4] =	ssyncset.s32 $0xFFFFF086  }
0x25: {  	[simem:s6], [sflag:s4] =	dma.local [hbm:s3], $0xF7A  }
0x26: {  	[smem:$0x3F99] =	sst s1;
	(tag) =	ssettag s2;
	_ =	strace s9  }
0x27: {  	s1 =	sld [smem:$0x3FA9]  }
0x28: {  	s2 =	sld [smem:$0x3FAA]  }
0x29: {  	s4 =	sld [smem:$0x3FAC]  }
0x2a: {  	p0 =	seq.s32 s5, $0x0;
	s5 =	sld [smem:$0x3FAD]  }
0x2b: {  	s6 =	sld [smem:$0x3FAE]  }
0x2c: {  	s7 =	sld [smem:$0x3FAF]  }
0x2d: {  	s3 =	simm.s32 $0x108;
	s8 =	sld [smem:$0x3FB0]  }
0x2e: {  	s3 =	simm.s32 @!p0 $0x1082;
	s9 =	sld [smem:$0x3FB1]  }
0x2f: {  	lr =	sadd.s32 s0, s3;
	s0 =	sld [smem:$0x3FA8]  }
0x30: {  	s3 =	sld [smem:$0x3FAB]  }
0x31: {  	[smem:$0x3FB4] =	sst s10  }
0x32: {  	s10 =	sld [smem:$0x3FB2];
	_ =	sdelay $0x3  }
0x33: {  	p0 =	seq.s32 s10, $0x1;
	s10 =	sld [smem:$0x3FB4];
	_ =	sdelay $0x3  }
0x34: {  	[smem:$0x3FB4] =	sst s10  }
0x35: {  	s10 =	sld [smem:$0x3FB3];
	_ =	sdelay $0x3  }
0x36: {  	p1 =	seq.s32 s10, $0x1;
	s10 =	sld [smem:$0x3FB4];
	_ =	sdelay $0x3  }
0x37: {  	[smem:$0x3FB4] =	sst s10  }
0x38: {  	s10 =	sld [smem:$0x3FB5]  }
0x39: {  	_ = 	snop;
	(pc) =	sbr.ind lr, $3  }
0x3a: {  	_ = 	snop  }
0x3b: {  	_ = 	snop  }
0x3c: {  	p2 =	seq.s32 s10, $0x1;
	s10 =	sld [smem:$0x3FB4]  }
0x3d: {  	_ =	shalt  }
0x3e: {  	_ =	shalt  }
0x3f: {  	_ =	shalt  }
0x40: {  	_ =	shalt  }
0x41: {  	_ =	shalt  }
0x42: {  	_ =	shalt  }
0x43: {  	_ =	shalt  }
0x44: {  	_ =	shalt  }
0x45: {  	_ =	shalt  }
0x46: {  	_ =	shalt  }
0x47: {  	_ =	shalt  }
0x48: {  	_ =	shalt  }
0x49: {  	_ =	shalt  }
0x4a: {  	_ =	shalt  }
0x4b: {  	_ =	shalt  }
0x4c: {  	_ =	shalt  }
0x4d: {  	_ =	shalt  }
0x4e: {  	_ =	shalt  }
0x4f: {  	_ =	shalt  }
0x50: {  	_ =	shalt  }
0x51: {  	_ =	shalt  }
0x52: {  	_ =	shalt  }
0x53: {  	_ =	shalt  }
0x54: {  	_ =	shalt  }
0x55: {  	_ =	shalt  }
0x56: {  	_ =	shalt  }
0x57: {  	_ =	shalt  }
0x58: {  	_ =	shalt  }
0x59: {  	_ =	shalt  }
0x5a: {  	_ =	shalt  }
0x5b: {  	_ =	shalt  }
0x5c: {  	_ =	shalt  }
0x5d: {  	_ =	shalt  }
0x5e: {  	_ =	shalt  }
0x5f: {  	_ =	shalt  }
0x60: {  	_ =	shalt  }
0x61: {  	_ =	shalt  }
0x62: {  	_ =	shalt  }
0x63: {  	_ =	shalt  }
0x64: {  	_ =	shalt  }
0x65: {  	_ =	shalt  }
0x66: {  	_ =	shalt  }
0x67: {  	_ =	shalt  }
0x68: {  	_ =	shalt  }
0x69: {  	_ =	shalt  }
0x6a: {  	_ =	shalt  }
0x6b: {  	_ =	shalt  }
0x6c: {  	_ =	shalt  }
0x6d: {  	_ =	shalt  }
0x6e: {  	_ =	shalt  }
0x6f: {  	_ =	shalt  }
0x70: {  	_ =	shalt  }
0x71: {  	_ =	shalt  }
0x72: {  	_ =	shalt  }
0x73: {  	_ =	shalt  }
0x74: {  	_ =	shalt  }
0x75: {  	_ =	shalt  }
0x76: {  	_ =	shalt  }
0x77: {  	_ =	shalt  }
0x78: {  	_ =	shalt  }
0x79: {  	_ =	shalt  }
0x7a: {  	_ =	shalt  }
0x7b: {  	_ =	shalt  }
0x7c: {  	_ =	shalt  }
0x7d: {  	_ =	shalt  }
0x7e: {  	_ =	shalt  }
0x7f: {  	_ =	shalt  }
0x80: {  	_ =	shalt  }
0x81: {  	_ =	shalt  }
0x82: {  	_ =	shalt  }
0x83: {  	_ =	shalt  }
0x84: {  	_ =	shalt  }
0x85: {  	_ =	shalt  }
0x86: {  	_ =	shalt  }
0x87: {  	_ =	shalt  }
.Lfunc_end0:
.L_simem_size_0:
called_computation_lowered:
.L_overlay_start_0:
0x88: {  	s2 =	sld [smem:$0x3FD9]  }
0x89: {  	s3 =	sld [smem:$0x3FFE];
	_ =	sdelay $0x1  }
0x8a: {  	s1 =	srdreg.scid  }
0x8b: {  	s0 =	sand.u32 $0x1, s1  }
0x8c: {  	s17 =	sshll.u32 s0, $0xA;
	s2 =	sadd.s32 s3, s2  }
0x8d: {  	s2 =	sadd.s32 s2, s17  }
0x8e: {  	[smem:$0x3FC0] =	sst s2  }
0x8f: {  	_ = 	snop  }
0x90: {  	s2 =	sld [smem:$0x3FD0];
	(tm) =	ssettm $0x1  }
0x91: {  	s18 =	sld [smem:$0x3FFB];
	_ =	sdelay $0x3  }
0x92: {  	_ =	strace s18  }
0x93: {  	s3 =	sld [smem:$0x3FFC];
	_ =	sdelay $0x3  }
0x94: {  	_ =	strace s3  }
0x95: {  	s3 =	sld [smem:$0x3FFD];
	_ =	sdelay $0x3  }
0x96: {  	_ =	strace s3  }
0x97: {  	_ =	strace $0x8FFFFFFF  }
0x98: {  	s19 =	sld [smem:$0x3FDB];
	_ =	sdelay $0x1  }
0x99: {  	s4 =	simm.s32 $_scs_section_size  }
0x9a: {  	s5 =	simm.s32 $_size__tile_overlayer_lowered;
	s6 =	simm.s32 $_tile_overlayer_lowered  }
0x9b: {  	s22 =	simm.s32 $0x1BFF;
	s21 =	sshll.u32 s6, $0x1;
	s3 =	sadd.s32 s4, s19  }
0x9c: {  	s7 =	simm.s32 $0x0;
	s20 =	sshll.u32 s5, $0x1;
	s5 =	sadd.s32 s21, s3  }
0x9d: {  	[timem:s7], [sflag:s22] =	dma.local [hbm:s5], s20  }
0x9e: {  	_ =	swait.ge [sflag:s22], s20  }
0x9f: {  	s4 =	ssub.s32 $0x0, s20;
	[sflag:s22] =	ssyncset.done $0x0  }
0xa0: {  	[sflag:s22] =	ssyncadd.s32 s4;
	_ =	sdelay $0x1  }
0xa1: {  	s23 =	simm.s32 $0x1B8B  }
0xa2: {  	_ =	swait.ge [sflag:s23], $0x1  }
0xa3: {  	[sflag:s23] =	ssyncset.done $0x0  }
0xa4: {  	s25 =	simm.s32 $0x1B8E;
	s24 =	sld [smem:$0x3FFE];
	[sflag:s23] =	ssyncadd.s32 $0xFFFFFFFF  }
0xa5: {  	s26 =	simm.s32 $execute0_lowered;
	[smem:$0x3FD2] =	sst s25  }
0xa6: {  	s5 =	sshll.u32 s26, $0x1;
	_ =	strace $0x80000046;
	[dreg:$0x1] =	wrdreg $0xFFFFFFFF  }
0xa7: {  	s28 =	simm.s32 $_size_execute0_lowered;
	s3 =	sadd.s32 s3, s5;
	[dreg:$0x0] =	wrdreg $0x0  }
0xa8: {  	s5 =	sshll.u32 s28, $0x1;
	[dreg:$0x2] =	wrdreg s3  }
0xa9: {  	[dreg:$0x3] =	wrdreg s5  }
0xaa: {  	[dreg:$0x4] =	wrdreg $0xC0  }
0xab: {  	_ =	task [dreg:s7], $0x5FFFF  }
0xac: {  	[dreg:$0x1] =	wrdreg $0xFFFFFFFF  }
0xad: {  	[dreg:$0x0] =	wrdreg $0x60  }
0xae: {  	[dreg:$0x2] =	wrdreg s24  }
0xaf: {  	[dreg:$0x3] =	wrdreg s2  }
0xb0: {  	[dreg:$0x4] =	wrdreg $0x1FF00  }
0xb1: {  	[dreg:$0x5] =	wrdreg $0x9  }
0xb2: {  	_ =	task.clear_ibuf [dreg:s7], $0x6FFFF;
	_ =	strace $0x90000046  }
0xb3: {  	s29 =	simm.s32 $0x9;
	_ =	strace $0x80000048  }
0xb4: {  	_ =	swait.ge [sflag:s29], $0x1  }
0xb5: {  	[sflag:s29] =	ssyncadd.s32 $0xFFFFFFFF  }
0xb6: {  	_ =	strace $0x90000048  }
0xb7: {  	_ =	sfence  }
0xb8: {  	s30 =	sld [smem:$0x0];
	_ =	sdelay $0x2  }
0xb9: {  	s31 =	sshll.u32 s1, $0xD;
	s1 =	sshrl.u32 s1, $0x2  }
0xba: {  	s3 =	sand.u32 $0x4000, s31;
	s1 =	sadd.s32 s1, s30  }
0xbb: {  	s0 =	sor.u32 s3, s0;
	s1 =	sshll.u32 s1, $0x11  }
0xbc: {  	s0 =	sor.u32 s1, s0  }
0xbd: {  	s0 =	sadd.s32 $0x8F2B, s0  }
0xbe: {  	[sflag:s0] =	ssyncadd.remote.s32 $0x1  }
0xbf: {  	_ =	sfence.sel $0xFFFF  }
0xc0: {  	[dreg:$0x0] =	wrdreg $0xFFFFFFFF;
	(pc) =	sbr.abs _section_cstart, $3  }
0xc1: {  	[dreg:$0x1] =	wrdreg $0xFFFFFFFF  }
0xc2: {  	_ =	task.clear_ibuf [dreg:s7], $0x2FFFF;
	_ =	strace $0x9FFFFFFF  }
0xc3: {  	(tm) =	ssettm $0x7FFFFFFF  }
tec
execute0_lowered:
.L_overlay_start_1:
0x0: {  	(tag) =	ssettag $0x1  }
0x1: {  	s0 =	rddreg [dreg:$0x0]  }
0x2: {  	s1 =	srdreg.scid;
	s15 =	rddreg [dreg:$0x1]  }
0x3: {  	s2 =	rddreg [dreg:$0x2];
	s7 =	stileid.u32  }
0x4: {  	s3 =	simm.s32 $0x0;
	s17 =	simm.s32 $0x2;
	s18 =	simm.s32 $0x1C00  }
0x5: {  	s19 =	simm.s32 $0x80;
	s20 =	simm.s32 $0x1400;
	s28 =	simm.s32 $0x1000  }
0x6: {  	s29 =	simm.s32 $0x1080;
	s30 =	simm.s32 $0x1100;
	s31 =	simm.s32 $0x1180  }
0x7: {  	s21 =	simm.s32 $0x1300;
	s22 =	simm.s32 $0x1380;
	s23 =	simm.s32 $0x1  }
0x8: {  	s24 =	simm.s32 $0x0;
	s1 =	sand.u32 $0x1, s1;
	s6 =	smul.u32 $0x9D80, s7  }
0x9: {  	[smem:$0x7FF] =	sst s3;
	s11 =	smul.u32 $0x2760, s7;
	s4 =	sshll.u32 s1, $0x4  }
0xa: {  	s5 =	ssub.s32 $0x2, s1;
	s1 =	smul.u32 $0x27600, s1;
	s4 =	sor.u32 s7, s4  }
0xb: {  	_ =	strace $0x80000047;
	s25 =	sshrl.u32 s5, $0x1;
	s4 =	smul.u32 $0x280, s4  }
0xc: {  	s26 =	sshrl.u32 s6, $0x2;
	s16 =	ssub.s32 s5, s25;
	s1 =	sadd.s32 s11, s1  }
0xd: {  	s5 =	sadd.s32 s11, s2;
	s1 =	sshrl.u32 s1, $0x3;
	s0 =	sadd.s32 s4, s0  }
0xe: {  	s16 =	smax.u32 s16, $0x1;
	s4 =	sadd.s32 $0x1400, s0;
	s0 =	sadd.s32 s26, s2  }
0xf: {  	s15 =	sadd.s32 s15, s1;
	s1 =	simm.s32 $0x1280;
	s6 =	sadd.s32 $0x3F0, s0  }
0x10: {  	s7 =	sadd.s32 $0x7E0, s0;
	s8 =	sadd.s32 $0xBD0, s0;
	s9 =	sadd.s32 $0xFC0, s0  }
0x11: {  	s10 =	sadd.s32 $0x13B0, s0;
	s11 =	sadd.s32 $0x17A0, s0;
	s12 =	sadd.s32 $0x1B90, s0  }
0x12: {  	v0 =	vimm.f32 $0.0e+00;
	v1 =	vimm.f32 $1.000000000e+00;
	s13 =	sadd.s32 $0x1F80, s0;
	s14 =	sadd.s32 $0x2370, s0;
	s0 =	simm.s32 $0x1200  }
.LBB2_1:
0x13: {  	[tilespmem:s3], [sflag:$0x2] =	stream.linear.gather [hbm4b:s4+s3], $0x1400, $0x38;
	[tilespmem:$0x4750] =	vst v63  }
0x14: {  	_ =	swait.ge [sflag:s17], $0x1400  }
0x15: {  	[sflag:s17] =	ssyncset.done $0x0  }
0x16: {  	s25 =	simm.s32 $0x0;
	[sflag:s17] =	ssyncadd.s32 $0xFFFFEC00  }
.LBB2_2:
0x17: {  	p0 =	sne.s32 s25, $0xF80  }
.Ltmp0:
0x18: {  	_ = 	snop;
	(pc) =	sbr.rel @p0 .LBB2_2-.Ltmp0, $3  }
0x19: {  	_ =	sdelay $0x1  }
0x1a: {  	s26 =	sshra.s32 s25, $0x2  }
0x1b: {  	s25 =	sadd.s32 $0x40, s25;
	[tilespmem:s26+$0x1C00] =	vst v0  }
0x1c: {  	s25 =	simm.s32 $0x40;
	s26 =	simm.s32 $0x0  }
.LBB2_4:
0x1d: {  	p0 =	sne.s32 s25, $0x1FC0;
	[tilespmem:s26+$0x1400] =	vst v1;
	s26 =	smov.u32 s25;
	s25 =	sadd.s32 $0x40, s25  }
.Ltmp1:
0x1e: {  	(pc) =	sbr.rel @p0 .LBB2_4-.Ltmp1, $2  }
0x1f: {  	_ =	sdelay $0x2  }
0x20: {  	s26 =	sshra.s32 s26, $0x2  }
0x21: {  	[tilespmem:s26+$0x1400] =	vst v1  }
0x22: {  	[spmem:s5] =	stream.linear.scatter [tilespmem:s18], [sflag:$0x2], $0x3F0, $0x38;
	[tilespmem:$0x4750] =	vst v63  }
0x23: {  	_ =	swait.ge [sflag:s17], $0x3F0  }
0x24: {  	[sflag:s17] =	ssyncset.done $0x0  }
0x25: {  	[sflag:s17] =	ssyncadd.s32 $0xFFFFFC10  }
0x26: {  	[spmem:s6] =	stream.linear.scatter [tilespmem:s18], [sflag:$0x2], $0x3F0, $0x38;
	[tilespmem:$0x4750] =	vst v63  }
0x27: {  	_ =	swait.ge [sflag:s17], $0x3F0  }
0x28: {  	[sflag:s17] =	ssyncset.done $0x0  }
0x29: {  	[sflag:s17] =	ssyncadd.s32 $0xFFFFFC10  }
0x2a: {  	[spmem:s7] =	stream.linear.scatter [tilespmem:s18], [sflag:$0x2], $0x3F0, $0x38;
	[tilespmem:$0x4750] =	vst v63  }
0x2b: {  	_ =	swait.ge [sflag:s17], $0x3F0  }
0x2c: {  	[sflag:s17] =	ssyncset.done $0x0  }
0x2d: {  	[sflag:s17] =	ssyncadd.s32 $0xFFFFFC10  }
0x2e: {  	[spmem:s8] =	stream.linear.scatter [tilespmem:s18], [sflag:$0x2], $0x3F0, $0x38;
	[tilespmem:$0x4750] =	vst v63  }
0x2f: {  	_ =	swait.ge [sflag:s17], $0x3F0  }
0x30: {  	[sflag:s17] =	ssyncset.done $0x0  }
0x31: {  	[sflag:s17] =	ssyncadd.s32 $0xFFFFFC10  }
0x32: {  	[spmem:s9] =	stream.linear.scatter [tilespmem:s18], [sflag:$0x2], $0x3F0, $0x38;
	[tilespmem:$0x4750] =	vst v63  }
0x33: {  	_ =	swait.ge [sflag:s17], $0x3F0  }
0x34: {  	[sflag:s17] =	ssyncset.done $0x0  }
0x35: {  	[sflag:s17] =	ssyncadd.s32 $0xFFFFFC10  }
0x36: {  	[spmem:s10] =	stream.linear.scatter [tilespmem:s18], [sflag:$0x2], $0x3F0, $0x38;
	[tilespmem:$0x4750] =	vst v63  }
0x37: {  	_ =	swait.ge [sflag:s17], $0x3F0  }
0x38: {  	[sflag:s17] =	ssyncset.done $0x0  }
0x39: {  	[sflag:s17] =	ssyncadd.s32 $0xFFFFFC10  }
0x3a: {  	[spmem:s11] =	stream.linear.scatter [tilespmem:s18], [sflag:$0x2], $0x3F0, $0x38;
	[tilespmem:$0x4750] =	vst v63  }
0x3b: {  	_ =	swait.ge [sflag:s17], $0x3F0  }
0x3c: {  	[sflag:s17] =	ssyncset.done $0x0  }
0x3d: {  	[sflag:s17] =	ssyncadd.s32 $0xFFFFFC10  }
0x3e: {  	[spmem:s12] =	stream.linear.scatter [tilespmem:s18], [sflag:$0x2], $0x3F0, $0x38;
	[tilespmem:$0x4750] =	vst v63  }
0x3f: {  	_ =	swait.ge [sflag:s17], $0x3F0  }
0x40: {  	[sflag:s17] =	ssyncset.done $0x0  }
0x41: {  	[sflag:s17] =	ssyncadd.s32 $0xFFFFFC10  }
0x42: {  	[spmem:s13] =	stream.linear.scatter [tilespmem:s18], [sflag:$0x2], $0x3F0, $0x38;
	[tilespmem:$0x4750] =	vst v63  }
0x43: {  	_ =	swait.ge [sflag:s17], $0x3F0  }
0x44: {  	[sflag:s17] =	ssyncset.done $0x0  }
0x45: {  	[sflag:s17] =	ssyncadd.s32 $0xFFFFFC10  }
0x46: {  	[spmem:s14] =	stream.linear.scatter [tilespmem:s18], [sflag:$0x2], $0x3F0, $0x38;
	[tilespmem:$0x4750] =	vst v63  }
0x47: {  	_ =	swait.ge [sflag:s17], $0x3F0  }
0x48: {  	[sflag:s17] =	ssyncset.done $0x0  }
0x49: {  	[sflag:s17] =	ssyncadd.s32 $0xFFFFFC10  }
0x4a: {  	[bflag:$0x0] =	sbarrier.arrive $0xFFFF  }
0x4b: {  	[spmem:s2] =	stream.indirect.scatter.add.f32 [tilespmem:s20], [sflag:$0x1], $0x10, s3, s19, $0xb8;
	[tilespmem:$0x4750] =	vst v63  }
0x4c: {  	_ = 	snop  }
0x4d: {  	[spmem:s2] =	stream.indirect.scatter.add.f32 [tilespmem:s20], [sflag:$0x1], $0x10, s19, s19, $0xb8;
	[tilespmem:$0x4750] =	vst v63  }
0x4e: {  	s25 =	simm.s32 $0x100  }
0x4f: {  	[spmem:s2] =	stream.indirect.scatter.add.f32 [tilespmem:s20], [sflag:$0x1], $0x10, s25, s19, $0xb8;
	[tilespmem:$0x4750] =	vst v63  }
0x50: {  	s26 =	simm.s32 $0x180  }
0x51: {  	[spmem:s2] =	stream.indirect.scatter.add.f32 [tilespmem:s20], [sflag:$0x1], $0x10, s26, s19, $0xb8;
	[tilespmem:$0x4750] =	vst v63  }
0x52: {  	s26 =	simm.s32 $0x200  }
0x53: {  	[spmem:s2] =	stream.indirect.scatter.add.f32 [tilespmem:s20], [sflag:$0x1], $0x10, s26, s19, $0xb8;
	[tilespmem:$0x4750] =	vst v63  }
0x54: {  	s26 =	simm.s32 $0x280  }
0x55: {  	[spmem:s2] =	stream.indirect.scatter.add.f32 [tilespmem:s20], [sflag:$0x1], $0x10, s26, s19, $0xb8;
	[tilespmem:$0x4750] =	vst v63  }
0x56: {  	s26 =	simm.s32 $0x300  }
0x57: {  	[spmem:s2] =	stream.indirect.scatter.add.f32 [tilespmem:s20], [sflag:$0x1], $0x10, s26, s19, $0xb8;
	[tilespmem:$0x4750] =	vst v63  }
0x58: {  	s26 =	simm.s32 $0x380  }
0x59: {  	[spmem:s2] =	stream.indirect.scatter.add.f32 [tilespmem:s20], [sflag:$0x1], $0x10, s26, s19, $0xb8;
	[tilespmem:$0x4750] =	vst v63  }
0x5a: {  	s26 =	simm.s32 $0x400  }
0x5b: {  	[spmem:s2] =	stream.indirect.scatter.add.f32 [tilespmem:s20], [sflag:$0x1], $0x10, s26, s19, $0xb8;
	[tilespmem:$0x4750] =	vst v63  }
0x5c: {  	s26 =	simm.s32 $0x480  }
0x5d: {  	[spmem:s2] =	stream.indirect.scatter.add.f32 [tilespmem:s20], [sflag:$0x1], $0x10, s26, s19, $0xb8;
	[tilespmem:$0x4750] =	vst v63  }
0x5e: {  	s26 =	simm.s32 $0x500  }
0x5f: {  	[spmem:s2] =	stream.indirect.scatter.add.f32 [tilespmem:s20], [sflag:$0x1], $0x10, s26, s19, $0xb8;
	[tilespmem:$0x4750] =	vst v63  }
0x60: {  	s26 =	simm.s32 $0x580  }
0x61: {  	[spmem:s2] =	stream.indirect.scatter.add.f32 [tilespmem:s20], [sflag:$0x1], $0x10, s26, s19, $0xb8;
	[tilespmem:$0x4750] =	vst v63  }
0x62: {  	s26 =	simm.s32 $0x600  }
0x63: {  	[spmem:s2] =	stream.indirect.scatter.add.f32 [tilespmem:s20], [sflag:$0x1], $0x10, s26, s19, $0xb8;
	[tilespmem:$0x4750] =	vst v63  }
0x64: {  	s26 =	simm.s32 $0x680  }
0x65: {  	[spmem:s2] =	stream.indirect.scatter.add.f32 [tilespmem:s20], [sflag:$0x1], $0x10, s26, s19, $0xb8;
	[tilespmem:$0x4750] =	vst v63  }
0x66: {  	s26 =	simm.s32 $0x700  }
0x67: {  	[spmem:s2] =	stream.indirect.scatter.add.f32 [tilespmem:s20], [sflag:$0x1], $0x10, s26, s19, $0xb8;
	[tilespmem:$0x4750] =	vst v63  }
0x68: {  	s26 =	simm.s32 $0x780  }
0x69: {  	[spmem:s2] =	stream.indirect.scatter.add.f32 [tilespmem:s20], [sflag:$0x1], $0x10, s26, s19, $0xb8;
	[tilespmem:$0x4750] =	vst v63  }
0x6a: {  	s26 =	simm.s32 $0x800  }
0x6b: {  	[spmem:s2] =	stream.indirect.scatter.add.f32 [tilespmem:s20], [sflag:$0x1], $0x10, s26, s19, $0xb8;
	[tilespmem:$0x4750] =	vst v63  }
0x6c: {  	s26 =	simm.s32 $0x880  }
0x6d: {  	[spmem:s2] =	stream.indirect.scatter.add.f32 [tilespmem:s20], [sflag:$0x1], $0x10, s26, s19, $0xb8;
	[tilespmem:$0x4750] =	vst v63  }
0x6e: {  	s26 =	simm.s32 $0x900  }
0x6f: {  	[spmem:s2] =	stream.indirect.scatter.add.f32 [tilespmem:s20], [sflag:$0x1], $0x10, s26, s19, $0xb8;
	[tilespmem:$0x4750] =	vst v63  }
0x70: {  	s26 =	simm.s32 $0x980  }
0x71: {  	[spmem:s2] =	stream.indirect.scatter.add.f32 [tilespmem:s20], [sflag:$0x1], $0x10, s26, s19, $0xb8;
	[tilespmem:$0x4750] =	vst v63  }
0x72: {  	s26 =	simm.s32 $0xA00  }
0x73: {  	[spmem:s2] =	stream.indirect.scatter.add.f32 [tilespmem:s20], [sflag:$0x1], $0x10, s26, s19, $0xb8;
	[tilespmem:$0x4750] =	vst v63  }
0x74: {  	s26 =	simm.s32 $0xA80  }
0x75: {  	[spmem:s2] =	stream.indirect.scatter.add.f32 [tilespmem:s20], [sflag:$0x1], $0x10, s26, s19, $0xb8;
	[tilespmem:$0x4750] =	vst v63  }
0x76: {  	s26 =	simm.s32 $0xB00  }
0x77: {  	[spmem:s2] =	stream.indirect.scatter.add.f32 [tilespmem:s20], [sflag:$0x1], $0x10, s26, s19, $0xb8;
	[tilespmem:$0x4750] =	vst v63  }
0x78: {  	s26 =	simm.s32 $0xB80  }
0x79: {  	[spmem:s2] =	stream.indirect.scatter.add.f32 [tilespmem:s20], [sflag:$0x1], $0x10, s26, s19, $0xb8;
	[tilespmem:$0x4750] =	vst v63  }
0x7a: {  	s26 =	simm.s32 $0xC00  }
0x7b: {  	[spmem:s2] =	stream.indirect.scatter.add.f32 [tilespmem:s20], [sflag:$0x1], $0x10, s26, s19, $0xb8;
	[tilespmem:$0x4750] =	vst v63  }
0x7c: {  	s26 =	simm.s32 $0xC80  }
0x7d: {  	[spmem:s2] =	stream.indirect.scatter.add.f32 [tilespmem:s20], [sflag:$0x1], $0x10, s26, s19, $0xb8;
	[tilespmem:$0x4750] =	vst v63  }
0x7e: {  	s26 =	simm.s32 $0xD00  }
0x7f: {  	[spmem:s2] =	stream.indirect.scatter.add.f32 [tilespmem:s20], [sflag:$0x1], $0x10, s26, s19, $0xb8;
	[tilespmem:$0x4750] =	vst v63  }
0x80: {  	s26 =	simm.s32 $0xD80  }
0x81: {  	[spmem:s2] =	stream.indirect.scatter.add.f32 [tilespmem:s20], [sflag:$0x1], $0x10, s26, s19, $0xb8;
	[tilespmem:$0x4750] =	vst v63  }
0x82: {  	s26 =	simm.s32 $0xE00  }
0x83: {  	[spmem:s2] =	stream.indirect.scatter.add.f32 [tilespmem:s20], [sflag:$0x1], $0x10, s26, s19, $0xb8;
	[tilespmem:$0x4750] =	vst v63  }
0x84: {  	s26 =	simm.s32 $0xE80  }
0x85: {  	[spmem:s2] =	stream.indirect.scatter.add.f32 [tilespmem:s20], [sflag:$0x1], $0x10, s26, s19, $0xb8;
	[tilespmem:$0x4750] =	vst v63  }
0x86: {  	s26 =	simm.s32 $0xF00  }
0x87: {  	[spmem:s2] =	stream.indirect.scatter.add.f32 [tilespmem:s20], [sflag:$0x1], $0x10, s26, s19, $0xb8;
	[tilespmem:$0x4750] =	vst v63  }
0x88: {  	s26 =	simm.s32 $0xF80  }
0x89: {  	[spmem:s2] =	stream.indirect.scatter.add.f32 [tilespmem:s20], [sflag:$0x1], $0x10, s26, s19, $0xb8;
	[tilespmem:$0x4750] =	vst v63  }
0x8a: {  	_ = 	snop  }
0x8b: {  	[spmem:s2] =	stream.indirect.scatter.add.f32 [tilespmem:s20], [sflag:$0x1], $0x10, s28, s19, $0xb8;
	[tilespmem:$0x4750] =	vst v63  }
0x8c: {  	_ = 	snop  }
0x8d: {  	[spmem:s2] =	stream.indirect.scatter.add.f32 [tilespmem:s20], [sflag:$0x1], $0x10, s29, s19, $0xb8;
	[tilespmem:$0x4750] =	vst v63  }
0x8e: {  	_ = 	snop  }
0x8f: {  	[spmem:s2] =	stream.indirect.scatter.add.f32 [tilespmem:s20], [sflag:$0x1], $0x10, s30, s19, $0xb8;
	[tilespmem:$0x4750] =	vst v63  }
0x90: {  	_ = 	snop  }
0x91: {  	[spmem:s2] =	stream.indirect.scatter.add.f32 [tilespmem:s20], [sflag:$0x1], $0x10, s31, s19, $0xb8;
	[tilespmem:$0x4750] =	vst v63  }
0x92: {  	_ = 	snop  }
0x93: {  	[spmem:s2] =	stream.indirect.scatter.add.f32 [tilespmem:s20], [sflag:$0x1], $0x10, s0, s19, $0xb8;
	[tilespmem:$0x4750] =	vst v63  }
0x94: {  	_ = 	snop  }
0x95: {  	[spmem:s2] =	stream.indirect.scatter.add.f32 [tilespmem:s20], [sflag:$0x1], $0x10, s1, s19, $0xb8;
	[tilespmem:$0x4750] =	vst v63  }
0x96: {  	_ = 	snop  }
0x97: {  	[spmem:s2] =	stream.indirect.scatter.add.f32 [tilespmem:s20], [sflag:$0x1], $0x10, s21, s19, $0xb8;
	[tilespmem:$0x4750] =	vst v63  }
0x98: {  	_ = 	snop  }
0x99: {  	[spmem:s2] =	stream.indirect.scatter.add.f32 [tilespmem:s20], [sflag:$0x1], $0x10, s22, s19, $0xb8;
	[tilespmem:$0x4750] =	vst v63  }
0x9a: {  	_ =	swait.ge [sflag:s23], $0x800  }
0x9b: {  	s25 =	simm.s32 $0x27;
	[sflag:s23] =	ssyncset.done $0x0  }
.LBB2_6:
0x9c: {  	p0 =	sne.s32 s25, $0x1;
	s25 =	sadd.s32 $0xFFFFFFFF, s25;
	[sflag:s23] =	ssyncadd.s32 $0xFFFFF800  }
.Ltmp2:
0x9d: {  	(pc) =	sbr.rel @p0 .LBB2_6-.Ltmp2, $3  }
0x9e: {  	_ =	sdelay $0x1  }
0x9f: {  	_ =	swait.ge [sflag:s23], $0x800  }
0xa0: {  	[sflag:s23] =	ssyncset.done $0x0  }
0xa1: {  	[sflag:s23] =	ssyncadd.s32 $0xFFFFF800;
	s25 =	stileid.u32;
	s24 =	sadd.s32 $0x1, s24  }
0xa2: {  	s26 =	sshrl.u32 s5, $0x3;
	s25 =	sshll.u32 s25, $0x6;
	p0 =	sne.s32 s24, s16  }
.Ltmp3:
0xa3: {  	[bflag:$0x0] =	sbarrier.arrive $0xFFFF;
	s25 =	sor.u32 $0x1C02, s25;
	(pc) =	sbr.rel @p0 .LBB2_1-.Ltmp3, $4  }
0xa4: {  	[hbm:s15], [sflag:s25] =	dma.local [spmem:s26], $0x4EC  }
0xa5: {  	_ =	swait.ge [sflag:s17], $0x4EC  }
0xa6: {  	[sflag:s17] =	ssyncset.done $0x0  }
0xa7: {  	[sflag:s17] =	ssyncadd.s32 $0xFFFFFB14  }
0xa8: {  	_ =	sfence.sel $0x180000  }
0xa9: {  	[bflag:$0x0] =	sbarrier.arrive $0xFFFF  }
0xaa: {  	_ =	strace $0x90000047  }
0xab: {  	s0 =	stileid.u32;
	[bflag:$0x2] =	sbarrier.arrive $0xFFFF  }
0xac: {  	p0 =	sne.s32 s0, $0x0;
	s0 =	rddreg [dreg:$0x3]  }
0xad: {  	s0 =	sadd.s32 @!p0 $0x100000, s0  }
0xae: {  	[sflag:s0] =	ssyncadd.tile.s32 @!p0 $0x1;
	_ =	shalt  }
.Lfunc_end2:
_tile_overlayer_lowered:
.L_overlay_start_2:
0xaf: {  	(tag) =	ssettag $0x2  }
0xb0: {  	s0 =	rddreg [dreg:$0x0];
	s2 =	stileid.u32  }
0xb1: {  	s1 =	rddreg [dreg:$0x1];
	p0 =	sne.s32 s2, $0x0  }
0xb2: {  	s3 =	rddreg [dreg:$0x2];
	[bflag:$0x3] =	sbarrier.arrive $0xFFFF;
	s2 =	simm.s32 @!p0 $0x1C02  }
0xb3: {  	[timem:s3], [sflag:s2] =	dma.local @!p0 [hbm:s0], s1  }
0xb4: {  	s0 =	simm.s32 @!p0 $0x2  }
0xb5: {  	_ =	swait.ge @!p0 [sflag:s0], s1  }
0xb6: {  	s1 =	ssub.s32 @!p0 $0x0, s1;
	[sflag:s0] =	ssyncset.done @!p0 $0x0  }
0xb7: {  	[sflag:s0] =	ssyncadd.s32 @!p0 s1  }
0xb8: {  	[bflag:$0x3] =	sbarrier.arrive $0xFFFF  }
0xb9: {  	_ =	shalt  }

</sc_bundles>
